<compile_context>
chip_gen: v7x
topology: tpu7x:2x2x1
jax: 0.10.2.dev20260603
libtpu: 0.0.44.dev20260713+nightly
codegen_flags: <defaults>
</compile_context>

<pallas_src>
import functools
import numpy as np
import jax
import jax.numpy as jnp
from jax import lax
from jax.experimental import pallas as pl
from jax.experimental.pallas import tpu as pltpu
from jax.experimental.pallas import tpu_sc as plsc

_N0, _E0, _N1, _E1 = 10000, 320000, 1250, 40000
_C, _G, _NET = 128, 32, 7
_NBLK = 2
_PN0, _PN1 = 10240, 1280
_CH = 128
_NC, _NS = 2, 16
_NW = _NC * _NS
_EPS = 1e-5

def _pad_edges(e):
    q = _NW * _CH * 2
    return ((e + q - 1) // q) * q

_PE0, _PE1 = _pad_edges(_E0), _pad_edges(_E1)

_MAVG_NP = np.zeros((_C, _C), np.float32)
for _g in range(_G):
    _MAVG_NP[_g * 4:(_g + 1) * 4, _g * 4:(_g + 1) * 4] = 0.25



def _gn_gelu_mm(t, gamma, beta, mavg, w):
    m = jnp.dot(t, mavg, preferred_element_type=jnp.float32)
    msq = jnp.dot(t * t, mavg, preferred_element_type=jnp.float32)
    var = msq - m * m
    xn = (t - m) * lax.rsqrt(var + _EPS)
    h = jax.nn.gelu(xn * gamma + beta)
    return jnp.dot(h, w, preferred_element_type=jnp.float32)


def _dense_first(x, gamma, beta, wcat, *, bn):
    PN = x.shape[0]
    wout = wcat.shape[1]

    def body(x_ref, g_ref, b_ref, m_ref, w_ref, o_ref):
        o_ref[...] = _gn_gelu_mm(x_ref[...], g_ref[...], b_ref[...],
                                 m_ref[...], w_ref[...])

    return pl.pallas_call(
        body,
        grid=(PN // bn,),
        in_specs=[
            pl.BlockSpec((bn, _C), lambda i: (i, 0)),
            pl.BlockSpec((1, _C), lambda i: (0, 0)),
            pl.BlockSpec((1, _C), lambda i: (0, 0)),
            pl.BlockSpec((_C, _C), lambda i: (0, 0)),
            pl.BlockSpec((_C, wout), lambda i: (0, 0)),
        ],
        out_specs=pl.BlockSpec((bn, wout), lambda i: (i, 0)),
        out_shape=jax.ShapeDtypeStruct((PN, wout), jnp.float32),
    )(x, gamma, beta, jnp.asarray(_MAVG_NP), wcat)


def _dense_mid(p0, p1, bias, gamma, beta, wcat, *, bn):
    PN = p0.shape[0]
    wout = wcat.shape[1]

    def body(p0_ref, p1_ref, bias_ref, g_ref, b_ref, m_ref, w_ref, o_ref):
        t = p0_ref[...] + p1_ref[...] + bias_ref[...]
        o_ref[...] = _gn_gelu_mm(t, g_ref[...], b_ref[...],
                                 m_ref[...], w_ref[...])

    return pl.pallas_call(
        body,
        grid=(PN // bn,),
        in_specs=[
            pl.BlockSpec((bn, _C), lambda i: (i, 0)),
            pl.BlockSpec((bn, _C), lambda i: (i, 0)),
            pl.BlockSpec((1, _C), lambda i: (0, 0)),
            pl.BlockSpec((1, _C), lambda i: (0, 0)),
            pl.BlockSpec((1, _C), lambda i: (0, 0)),
            pl.BlockSpec((_C, _C), lambda i: (0, 0)),
            pl.BlockSpec((_C, wout), lambda i: (0, 0)),
        ],
        out_specs=pl.BlockSpec((bn, wout), lambda i: (i, 0)),
        out_shape=jax.ShapeDtypeStruct((PN, wout), jnp.float32),
    )(p0, p1, bias, gamma, beta, jnp.asarray(_MAVG_NP), wcat)


def _dense_ds(s0, s1, c0, c1, gamma, beta, w, bias_out, *, bn):
    PN = s0.shape[0]

    def body(s0_ref, s1_ref, c0_ref, c1_ref, g_ref, b_ref, m_ref, w_ref,
             bo_ref, o_ref):
        cnt = jnp.maximum(c0_ref[...] + c1_ref[...], 1.0)
        t = (s0_ref[...] + s1_ref[...]) / cnt
        o_ref[...] = _gn_gelu_mm(t, g_ref[...], b_ref[...], m_ref[...],
                                 w_ref[...]) + bo_ref[...]

    return pl.pallas_call(
        body,
        grid=(PN // bn,),
        in_specs=[
            pl.BlockSpec((bn, _C), lambda i: (i, 0)),
            pl.BlockSpec((bn, _C), lambda i: (i, 0)),
            pl.BlockSpec((bn, _C), lambda i: (i, 0)),
            pl.BlockSpec((bn, _C), lambda i: (i, 0)),
            pl.BlockSpec((1, _C), lambda i: (0, 0)),
            pl.BlockSpec((1, _C), lambda i: (0, 0)),
            pl.BlockSpec((_C, _C), lambda i: (0, 0)),
            pl.BlockSpec((_C, _C), lambda i: (0, 0)),
            pl.BlockSpec((1, _C), lambda i: (0, 0)),
        ],
        out_specs=pl.BlockSpec((bn, _C), lambda i: (i, 0)),
        out_shape=jax.ShapeDtypeStruct((PN, _C), jnp.float32),
    )(s0, s1, c0, c1, gamma, beta, jnp.asarray(_MAVG_NP), w, bias_out)


def _resadd(x, p0, p1, bias, *, bn):
    PN = x.shape[0]

    def body(x_ref, p0_ref, p1_ref, b_ref, o_ref):
        o_ref[...] = x_ref[...] + p0_ref[...] + p1_ref[...] + b_ref[...]

    return pl.pallas_call(
        body,
        grid=(PN // bn,),
        in_specs=[
            pl.BlockSpec((bn, _C), lambda i: (i, 0)),
            pl.BlockSpec((bn, _C), lambda i: (i, 0)),
            pl.BlockSpec((bn, _C), lambda i: (i, 0)),
            pl.BlockSpec((1, _C), lambda i: (0, 0)),
        ],
        out_specs=pl.BlockSpec((bn, _C), lambda i: (i, 0)),
        out_shape=jax.ShapeDtypeStruct((PN, _C), jnp.float32),
    )(x, p0, p1, bias)



def _make_agg(PN, PE, NBUF):
    EPT = PE // _NW
    NCHUNKS = EPT // _CH
    assert NCHUNKS % NBUF == 0
    ZR = PN // _NS
    mesh = plsc.VectorSubcoreMesh(core_axis_name="c", subcore_axis_name="s",
                                  num_cores=_NC, num_subcores=_NS)

    del NBUF

    @functools.partial(
        pl.kernel,
        out_type=jax.ShapeDtypeStruct((_NC, PN, _C), jnp.float32),
        mesh=mesh,
        scratch_types=[
            pltpu.VMEM_SHARED((PN, _C), jnp.float32),
            pltpu.VMEM((2 * _CH,), jnp.int32),
            pltpu.VMEM((2 * _CH,), jnp.int32),
            pltpu.VMEM((_CH, _C), jnp.float32),
            pltpu.VMEM((_CH, _C), jnp.float32),
            pltpu.SemaphoreType.DMA,
            pltpu.SemaphoreType.DMA,
        ],
    )
    def agg(y_hbm, idx_hbm, zeros_hbm, out_hbm, accum,
            ibuf0, ibuf1, rbuf0, rbuf1, gsem0, gsem1):
        cid = lax.axis_index("c")
        sid = lax.axis_index("s")
        wid = sid * _NC + cid
        pltpu.sync_copy(zeros_hbm.at[pl.ds(sid * ZR, ZR)],
                        accum.at[pl.ds(sid * ZR, ZR)])
        plsc.subcore_barrier()
        ebase = wid * EPT * 2

        @pl.loop(0, NCHUNKS, step=2)
        def _chunk(j):
            off = ebase + j * 2 * _CH
            pltpu.sync_copy(idx_hbm.at[pl.ds(off, 2 * _CH)], ibuf0)
            cp0 = pltpu.async_copy(y_hbm.at[ibuf0.at[pl.ds(0, _CH)]],
                                   rbuf0, gsem0)
            pltpu.sync_copy(idx_hbm.at[pl.ds(off + 2 * _CH, 2 * _CH)],
                            ibuf1)
            cp1 = pltpu.async_copy(y_hbm.at[ibuf1.at[pl.ds(0, _CH)]],
                                   rbuf1, gsem1)
            cp0.wait()
            pltpu.sync_copy(rbuf0, accum.at[ibuf0.at[pl.ds(_CH, _CH)]],
                            add=True)
            cp1.wait()
            pltpu.sync_copy(rbuf1, accum.at[ibuf1.at[pl.ds(_CH, _CH)]],
                            add=True)

        plsc.subcore_barrier()
        pltpu.sync_copy(accum.at[pl.ds(sid * ZR, ZR)],
                        out_hbm.at[cid, pl.ds(sid * ZR, ZR)])

    return agg


def _make_pool(PNSRC, PNDST):
    RPT = PNSRC // _NW
    PCH = 64
    NCHUNKS = RPT // PCH
    ZR = PNDST // _NS
    mesh = plsc.VectorSubcoreMesh(core_axis_name="c", subcore_axis_name="s",
                                  num_cores=_NC, num_subcores=_NS)

    @functools.partial(
        pl.kernel,
        out_type=(jax.ShapeDtypeStruct((_NC, PNDST, _C), jnp.float32),
                  jax.ShapeDtypeStruct((_NC, PNDST, _C), jnp.float32)),
        mesh=mesh,
        scratch_types=[
            pltpu.VMEM_SHARED((PNDST, _C), jnp.float32),
            pltpu.VMEM_SHARED((PNDST, _C), jnp.float32),
            pltpu.VMEM((1, PCH), jnp.int32),
            pltpu.VMEM((PCH, _C), jnp.float32),
            pltpu.VMEM((PCH, _C), jnp.float32),
        ],
    )
    def pool(x_hbm, parent_hbm, zeros_hbm, ones_hbm, sum_hbm, cnt_hbm,
             saccum, caccum, pidx, rbuf, obuf):
        cid = lax.axis_index("c")
        sid = lax.axis_index("s")
        wid = sid * _NC + cid
        pltpu.sync_copy(zeros_hbm.at[pl.ds(sid * ZR, ZR)],
                        saccum.at[pl.ds(sid * ZR, ZR)])
        pltpu.sync_copy(zeros_hbm.at[pl.ds(sid * ZR, ZR)],
                        caccum.at[pl.ds(sid * ZR, ZR)])
        pltpu.sync_copy(ones_hbm, obuf)
        plsc.subcore_barrier()
        rbase = wid * RPT

        @pl.loop(0, NCHUNKS)
        def _chunk(j):
            off = rbase + j * PCH
            pltpu.sync_copy(parent_hbm.at[pl.ds(off, PCH)], pidx.at[0])
            pltpu.sync_copy(x_hbm.at[pl.ds(off, PCH)], rbuf)
            pltpu.sync_copy(rbuf, saccum.at[pidx.at[0]], add=True)
            pltpu.sync_copy(obuf, caccum.at[pidx.at[0]], add=True)

        plsc.subcore_barrier()
        pltpu.sync_copy(saccum.at[pl.ds(sid * ZR, ZR)],
                        sum_hbm.at[cid, pl.ds(sid * ZR, ZR)])
        pltpu.sync_copy(caccum.at[pl.ds(sid * ZR, ZR)],
                        cnt_hbm.at[cid, pl.ds(sid * ZR, ZR)])

    return pool


_agg0 = _make_agg(_PN0, _PE0, 2)
_agg1 = _make_agg(_PN1, _PE1, 2)
_pool = _make_pool(_PN0, _PN1)



def _stage(x, idx, zeros, agg, gn_gamma, gn_beta, wcats, bc, *, bn):
    for blk in range(_NBLK):
        y = _dense_first(x, gn_gamma[blk, 0:1, :], gn_beta[blk, 0:1, :],
                         wcats[blk][0], bn=bn)
        p = agg(y.reshape(-1, _C), idx, zeros)
        y = _dense_mid(p[0], p[1], bc[blk, 0:1, :],
                       gn_gamma[blk, 1:2, :], gn_beta[blk, 1:2, :],
                       wcats[blk][1], bn=bn)
        p = agg(y.reshape(-1, _C), idx, zeros)
        x = _resadd(x, p[0], p[1], bc[blk, 1:2, :], bn=bn)
    return x


def kernel(data, edge_index0, edge_type0, parent_idx, edge_index1, edge_type1,
           depth, gn_gamma, gn_beta, Wc, bc, ds_gamma, ds_beta, W_ds, b_ds):
    del depth
    f32 = jnp.float32

    rows0 = edge_index0[0] * _NET + edge_type0
    rows0 = jnp.concatenate([rows0, jnp.zeros((_PE0 - _E0,), jnp.int32)])
    dst0 = jnp.concatenate([edge_index0[1],
                            jnp.full((_PE0 - _E0,), _N0, jnp.int32)])
    idx0 = jnp.stack([rows0.reshape(-1, _CH), dst0.reshape(-1, _CH)],
                     axis=1).reshape(-1)
    rows1 = edge_index1[0] * _NET + edge_type1
    rows1 = jnp.concatenate([rows1, jnp.zeros((_PE1 - _E1,), jnp.int32)])
    dst1 = jnp.concatenate([edge_index1[1],
                            jnp.full((_PE1 - _E1,), _N1, jnp.int32)])
    idx1 = jnp.stack([rows1.reshape(-1, _CH), dst1.reshape(-1, _CH)],
                     axis=1).reshape(-1)
    parent = jnp.concatenate([parent_idx,
                              jnp.full((_PN0 - _N0,), _PN1 - 1, jnp.int32)])
    xp = jnp.concatenate([data, jnp.zeros((_PN0 - _N0, _C), f32)])
    zeros0 = jnp.zeros((_PN0, _C), f32)
    zeros1 = jnp.zeros((_PN1, _C), f32)
    ones64 = jnp.ones((64, _C), f32)

    wcats = [[[jnp.transpose(Wc[s, blk, i], (1, 0, 2)).reshape(_C, _NET * _C)
               for i in range(2)] for blk in range(_NBLK)]
             for s in range(2)]

    out_d = _stage(xp, idx0, zeros0, _agg0,
                   gn_gamma[0], gn_beta[0], wcats[0], bc[0], bn=512)

    sums, cnts = _pool(out_d, parent, zeros1, ones64)
    x1 = _dense_ds(sums[0], sums[1], cnts[0], cnts[1],
                   ds_gamma.reshape(1, _C), ds_beta.reshape(1, _C),
                   W_ds, b_ds.reshape(1, _C), bn=256)

    out_dm1 = _stage(x1, idx1, zeros1, _agg1,
                     gn_gamma[1], gn_beta[1], wcats[1], bc[1], bn=256)

    return (out_d[:_N0], out_dm1[:_N1])

# --- scband reference (transcript-rebuilt; emitter-appended) ---
"""Pipeline reference for scband-tiny-encoder-80942953660800 (READ-ONLY COPY).

The authoritative reference and input builder live on the scoring server;
editing this copy changes nothing except your own understanding.
"""

import jax, jax.numpy as jnp
import numpy as np

N0 = 10000
E0 = 320000
N1 = 1250
E1 = 40000
C = 128
G = 32
NET = 7
NBLK = 2
NST = 2


def group_norm(x, gamma, beta, groups=G, eps=1e-5):
    n, ch = x.shape
    xg = x.reshape(n, groups, ch // groups)
    mean = jnp.mean(xg, axis=-1, keepdims=True)
    var = jnp.var(xg, axis=-1, keepdims=True)
    xn = (xg - mean) / jnp.sqrt(var + eps)
    return xn.reshape(n, ch) * gamma + beta


def graph_conv(x, src, dst, etype, W, b, n_nodes):
    # edge-type-conditioned graph convolution: aggregate-then-transform
    gathered = x[src]
    out = jnp.zeros((n_nodes, W.shape[-1]), x.dtype)
    for t in range(NET):
        mask = (etype == t)[:, None]
        agg = jax.ops.segment_sum(jnp.where(mask, gathered, jnp.zeros_like(gathered)), dst, num_segments=n_nodes)
        out = out + agg @ W[t]
    return out + b


def setup_inputs(seed: int = 0) -> dict:
    key = jax.random.key(seed)
    ks = [jax.random.fold_in(key, i) for i in range(16)]
    data = jax.random.normal(ks[0], (N0, C), dtype=jnp.float32)
    edge_index0 = jax.random.randint(ks[1], (2, E0), 0, N0, dtype=jnp.int32)
    edge_type0 = jax.random.randint(ks[2], (E0,), 0, NET, dtype=jnp.int32)
    parent_idx = jnp.sort(jax.random.randint(ks[3], (N0,), 0, N1, dtype=jnp.int32))
    edge_index1 = jax.random.randint(ks[4], (2, E1), 0, N1, dtype=jnp.int32)
    edge_type1 = jax.random.randint(ks[5], (E1,), 0, NET, dtype=jnp.int32)
    gn_gamma = jnp.ones((NST, NBLK, 2, C), dtype=jnp.float32)
    gn_beta = jnp.zeros((NST, NBLK, 2, C), dtype=jnp.float32)
    Wc = jax.random.normal(ks[6], (NST, NBLK, 2, NET, C, C), dtype=jnp.float32) * 0.05
    bc = jnp.zeros((NST, NBLK, 2, C), dtype=jnp.float32)
    ds_gamma = jnp.ones((C,), dtype=jnp.float32)
    ds_beta = jnp.zeros((C,), dtype=jnp.float32)
    W_ds = jax.random.normal(ks[7], (C, C), dtype=jnp.float32) * 0.05
    b_ds = jnp.zeros((C,), dtype=jnp.float32)
    return {"data": data, "edge_index0": edge_index0, "edge_type0": edge_type0,
            "parent_idx": parent_idx, "edge_index1": edge_index1, "edge_type1": edge_type1,
            "depth": 6, "gn_gamma": gn_gamma, "gn_beta": gn_beta, "Wc": Wc, "bc": bc,
            "ds_gamma": ds_gamma, "ds_beta": ds_beta, "W_ds": W_ds, "b_ds": b_ds}


def reference(data, edge_index0, edge_type0, parent_idx, edge_index1, edge_type1, depth,
              gn_gamma, gn_beta, Wc, bc, ds_gamma, ds_beta, W_ds, b_ds):
    def stage(x, ei, et, s, n_nodes):
        for blk in range(NBLK):
            h = jax.nn.gelu(group_norm(x, gn_gamma[s, blk, 0], gn_beta[s, blk, 0]))
            h = graph_conv(h, ei[0], ei[1], et, Wc[s, blk, 0], bc[s, blk, 0], n_nodes)
            h = jax.nn.gelu(group_norm(h, gn_gamma[s, blk, 1], gn_beta[s, blk, 1]))
            h = graph_conv(h, ei[0], ei[1], et, Wc[s, blk, 1], bc[s, blk, 1], n_nodes)
            x = x + h
        return x

    # stage 0 at depth d
    out_d = stage(data, edge_index0, edge_type0, 0, N0)
    # GraphDownsample: mean-pool octree children -> parent, norm, act, linear
    summed = jax.ops.segment_sum(out_d, parent_idx, num_segments=N1)
    cnt = jax.ops.segment_sum(jnp.ones((N0,), out_d.dtype), parent_idx, num_segments=N1)
    pooled = summed / jnp.maximum(cnt, 1.0)[:, None]
    y = jax.nn.gelu(group_norm(pooled, ds_gamma, ds_beta))
    x1 = y @ W_ds + b_ds
    # stage 1 at depth d-1
    out_dm1 = stage(x1, edge_index1, edge_type1, 1, N1)
    return (out_d, out_dm1)

if __name__ == "__main__":
    import jax
    _d = setup_inputs()
    print(jax.jit(kernel)(*tuple(_d.values())))

</pallas_src>

<mosaic_0001>
#map = affine_map<(d0, d1) -> (0, 0)>
#map1 = affine_map<(d0, d1) -> (0)>
#map2 = affine_map<(d0, d1) -> (0, 0, 0)>
module attributes {stable_mosaic.version = 14 : i64} {
  func.func @agg(%arg0: i32, %arg1: i32, %arg2: memref<71680x128xf32, #tpu.memory_space<hbm>>, %arg3: memref<655360xi32, #tpu.memory_space<hbm>>, %arg4: memref<10240x128xf32, #tpu.memory_space<hbm>>, %arg5: memref<2x10240x128xf32, #tpu.memory_space<hbm>>, %arg6: memref<10240x128xf32, #tpu.memory_space<vmem_shared>>, %arg7: memref<256xi32, #tpu.memory_space<vmem>>, %arg8: memref<256xi32, #tpu.memory_space<vmem>>, %arg9: memref<128x128xf32, #tpu.memory_space<vmem>>, %arg10: memref<128x128xf32, #tpu.memory_space<vmem>>, %arg11: memref<!tpu.dma_semaphore, #tpu.memory_space<semaphore_mem>>, %arg12: memref<!tpu.dma_semaphore, #tpu.memory_space<semaphore_mem>>) attributes {dimension_semantics = [#tpu.dimension_semantics<core_parallel>, #tpu.dimension_semantics<subcore_parallel>], iteration_bounds = array<i64: 2, 16>, scalar_prefetch = 0 : i64, scratch_operands = 7 : i64, tpu.core_type = #tpu.core_type<sc_vector_subcore>, window_params = [{transform_indices = #map}, {transform_indices = #map1}, {transform_indices = #map}, {transform_indices = #map2}]} {
    %mul3A = arith.constant 2 : i32
    %mul3A_0 = arith.muli %arg1, %mul3A : i32
    %add3A = arith.addi %mul3A_0, %arg0 : i32
    %mul3A_1 = arith.constant 640 : i32
    %mul3A_2 = arith.muli %arg1, %mul3A_1 : i32
    %mul3A_3 = arith.constant 640 : i32
    %mul3A_4 = arith.muli %arg1, %mul3A_3 : i32
    "tpu.region"() ({
      %run_scoped3A = tpu.sem_alloc : memref<!tpu.dma_semaphore, #tpu.memory_space<semaphore_mem>>
      %dma_start3A = arith.constant 0 : i32
      %dma_start3A_18 = tpu.memref_slice %arg6[%mul3A_4, %dma_start3A] : memref<10240x128xf32, #tpu.memory_space<vmem_shared>> -> memref<640x128xf32, #tpu.memory_space<vmem_shared>>
      %dma_start3A_19 = arith.constant 0 : i32
      %dma_start3A_20 = tpu.memref_slice %arg4[%mul3A_2, %dma_start3A_19] : memref<10240x128xf32, #tpu.memory_space<hbm>> -> memref<640x128xf32, #tpu.memory_space<hbm>>
      tpu.enqueue_dma source(%dma_start3A_20 : memref<640x128xf32, #tpu.memory_space<hbm>>) target(%dma_start3A_18 : memref<640x128xf32, #tpu.memory_space<vmem_shared>>) target_semaphore(%run_scoped3A : memref<!tpu.dma_semaphore, #tpu.memory_space<semaphore_mem>>)
      %dma_wait3A = arith.constant 0 : i32
      %dma_wait3A_21 = tpu.memref_slice %arg6[%mul3A_4, %dma_wait3A] : memref<10240x128xf32, #tpu.memory_space<vmem_shared>> -> memref<640x128xf32, #tpu.memory_space<vmem_shared>>
      %dma_wait3A_22 = arith.constant 0 : i32
      %dma_wait3A_23 = tpu.memref_slice %arg4[%mul3A_2, %dma_wait3A_22] : memref<10240x128xf32, #tpu.memory_space<hbm>> -> memref<640x128xf32, #tpu.memory_space<hbm>>
      tpu.wait_dma2 semaphore(%run_scoped3A : memref<!tpu.dma_semaphore, #tpu.memory_space<semaphore_mem>>) src(%dma_wait3A_23 : memref<640x128xf32, #tpu.memory_space<hbm>>) dst(%dma_wait3A_21 : memref<640x128xf32, #tpu.memory_space<vmem_shared>>)
      tpu.yield
    }) : () -> ()
    %barrier3A = arith.constant 0 : index
    tpu.barrier barrier_id(%barrier3A)
    %mul3A_5 = arith.constant 10240 : i32
    %mul3A_6 = arith.muli %add3A, %mul3A_5 : i32
    %mul3A_7 = arith.constant 2 : i32
    %mul3A_8 = arith.muli %mul3A_6, %mul3A_7 : i32
    %scan3A = arith.constant 0 : i32
    %scan3A_9 = arith.constant 40 : i32
    %scan3A_10 = arith.addi %scan3A, %scan3A_9 : i32
    %scan3A_11 = arith.constant 1 : i32
    scf.for %scan3A_18 = %scan3A to %scan3A_10 step %scan3A_11  : i32 {
      %mul3A_19 = arith.constant 2 : i32
      %mul3A_20 = arith.muli %scan3A_18, %mul3A_19 : i32
      %add3A_21 = arith.constant 0 : i32
      %add3A_22 = arith.addi %add3A_21, %mul3A_20 : i32
      %mul3A_23 = arith.constant 2 : i32
      %mul3A_24 = arith.muli %add3A_22, %mul3A_23 : i32
      %mul3A_25 = arith.constant 128 : i32
      %mul3A_26 = arith.muli %mul3A_24, %mul3A_25 : i32
      %add3A_27 = arith.addi %mul3A_8, %mul3A_26 : i32
      "tpu.region"() ({
        %run_scoped3A = tpu.sem_alloc : memref<!tpu.dma_semaphore, #tpu.memory_space<semaphore_mem>>
        %dma_start3A_48 = tpu.memref_slice %arg3[%add3A_27] : memref<655360xi32, #tpu.memory_space<hbm>> -> memref<256xi32, #tpu.memory_space<hbm>>
        %dma_start3A_49 = tpu.memref_slice %arg3[%add3A_27] : memref<655360xi32, #tpu.memory_space<hbm>> -> memref<256xi32, #tpu.memory_space<hbm>>
        tpu.enqueue_dma source(%dma_start3A_49 : memref<256xi32, #tpu.memory_space<hbm>>) target(%arg7 : memref<256xi32, #tpu.memory_space<vmem>>) target_semaphore(%run_scoped3A : memref<!tpu.dma_semaphore, #tpu.memory_space<semaphore_mem>>)
        %dma_wait3A_50 = tpu.memref_slice %arg3[%add3A_27] : memref<655360xi32, #tpu.memory_space<hbm>> -> memref<256xi32, #tpu.memory_space<hbm>>
        %dma_wait3A_51 = tpu.memref_slice %arg3[%add3A_27] : memref<655360xi32, #tpu.memory_space<hbm>> -> memref<256xi32, #tpu.memory_space<hbm>>
        tpu.wait_dma2 semaphore(%run_scoped3A : memref<!tpu.dma_semaphore, #tpu.memory_space<semaphore_mem>>) src(%dma_wait3A_51 : memref<256xi32, #tpu.memory_space<hbm>>) dst(%arg7 : memref<256xi32, #tpu.memory_space<vmem>>)
        tpu.yield
      }) : () -> ()
      %dma_start3A = arith.constant 0 : i32
      %dma_start3A_28 = tpu.memref_slice %arg7[%dma_start3A] : memref<256xi32, #tpu.memory_space<vmem>> -> memref<128xi32, #tpu.memory_space<vmem>>
      %dma_start3A_29 = arith.constant 0 : i32
      %dma_start3A_30 = arith.constant 0 : i32
      %dma_start3A_31 = tpu.memref_slice %arg2[%dma_start3A_29, %dma_start3A_30] : memref<71680x128xf32, #tpu.memory_space<hbm>> -> memref<71680x128xf32, #tpu.memory_space<hbm>>
      tpu.enqueue_indirect_dma source(%dma_start3A_31 : memref<71680x128xf32, #tpu.memory_space<hbm>>) target(%arg9 : memref<128x128xf32, #tpu.memory_space<vmem>>) offsets(%dma_start3A_28 : memref<128xi32, #tpu.memory_space<vmem>>) semaphore(%arg11 : memref<!tpu.dma_semaphore, #tpu.memory_space<semaphore_mem>>)
      %add3A_32 = arith.constant 256 : i32
      %add3A_33 = arith.addi %add3A_27, %add3A_32 : i32
      "tpu.region"() ({
        %run_scoped3A = tpu.sem_alloc : memref<!tpu.dma_semaphore, #tpu.memory_space<semaphore_mem>>
        %dma_start3A_48 = tpu.memref_slice %arg3[%add3A_33] : memref<655360xi32, #tpu.memory_space<hbm>> -> memref<256xi32, #tpu.memory_space<hbm>>
        %dma_start3A_49 = tpu.memref_slice %arg3[%add3A_33] : memref<655360xi32, #tpu.memory_space<hbm>> -> memref<256xi32, #tpu.memory_space<hbm>>
        tpu.enqueue_dma source(%dma_start3A_49 : memref<256xi32, #tpu.memory_space<hbm>>) target(%arg8 : memref<256xi32, #tpu.memory_space<vmem>>) target_semaphore(%run_scoped3A : memref<!tpu.dma_semaphore, #tpu.memory_space<semaphore_mem>>)
        %dma_wait3A_50 = tpu.memref_slice %arg3[%add3A_33] : memref<655360xi32, #tpu.memory_space<hbm>> -> memref<256xi32, #tpu.memory_space<hbm>>
        %dma_wait3A_51 = tpu.memref_slice %arg3[%add3A_33] : memref<655360xi32, #tpu.memory_space<hbm>> -> memref<256xi32, #tpu.memory_space<hbm>>
        tpu.wait_dma2 semaphore(%run_scoped3A : memref<!tpu.dma_semaphore, #tpu.memory_space<semaphore_mem>>) src(%dma_wait3A_51 : memref<256xi32, #tpu.memory_space<hbm>>) dst(%arg8 : memref<256xi32, #tpu.memory_space<vmem>>)
        tpu.yield
      }) : () -> ()
      %dma_start3A_34 = arith.constant 0 : i32
      %dma_start3A_35 = tpu.memref_slice %arg8[%dma_start3A_34] : memref<256xi32, #tpu.memory_space<vmem>> -> memref<128xi32, #tpu.memory_space<vmem>>
      %dma_start3A_36 = arith.constant 0 : i32
      %dma_start3A_37 = arith.constant 0 : i32
      %dma_start3A_38 = tpu.memref_slice %arg2[%dma_start3A_36, %dma_start3A_37] : memref<71680x128xf32, #tpu.memory_space<hbm>> -> memref<71680x128xf32, #tpu.memory_space<hbm>>
      tpu.enqueue_indirect_dma source(%dma_start3A_38 : memref<71680x128xf32, #tpu.memory_space<hbm>>) target(%arg10 : memref<128x128xf32, #tpu.memory_space<vmem>>) offsets(%dma_start3A_35 : memref<128xi32, #tpu.memory_space<vmem>>) semaphore(%arg12 : memref<!tpu.dma_semaphore, #tpu.memory_space<semaphore_mem>>)
      %dma_wait3A = arith.constant 0 : i32
      %dma_wait3A_39 = tpu.memref_slice %arg7[%dma_wait3A] : memref<256xi32, #tpu.memory_space<vmem>> -> memref<128xi32, #tpu.memory_space<vmem>>
      %dma_wait3A_40 = arith.constant 0 : i32
      %dma_wait3A_41 = arith.constant 0 : i32
      %dma_wait3A_42 = tpu.memref_slice %arg2[%dma_wait3A_40, %dma_wait3A_41] : memref<71680x128xf32, #tpu.memory_space<hbm>> -> memref<71680x128xf32, #tpu.memory_space<hbm>>
      tpu.wait_indirect_dma semaphore(%arg11 : memref<!tpu.dma_semaphore, #tpu.memory_space<semaphore_mem>>) src(%dma_wait3A_42 : memref<71680x128xf32, #tpu.memory_space<hbm>>) dst(%arg9 : memref<128x128xf32, #tpu.memory_space<vmem>>)
      "tpu.region"() ({
        %run_scoped3A = tpu.sem_alloc : memref<!tpu.dma_semaphore, #tpu.memory_space<semaphore_mem>>
        %dma_start3A_48 = arith.constant 128 : i32
        %dma_start3A_49 = tpu.memref_slice %arg7[%dma_start3A_48] : memref<256xi32, #tpu.memory_space<vmem>> -> memref<128xi32, #tpu.memory_space<vmem>>
        %dma_start3A_50 = arith.constant 0 : i32
        %dma_start3A_51 = arith.constant 0 : i32
        %dma_start3A_52 = tpu.memref_slice %arg6[%dma_start3A_50, %dma_start3A_51] : memref<10240x128xf32, #tpu.memory_space<vmem_shared>> -> memref<10240x128xf32, #tpu.memory_space<vmem_shared>>
        tpu.enqueue_indirect_dma source(%arg9 : memref<128x128xf32, #tpu.memory_space<vmem>>) target(%dma_start3A_52 : memref<10240x128xf32, #tpu.memory_space<vmem_shared>>) offsets(%dma_start3A_49 : memref<128xi32, #tpu.memory_space<vmem>>) semaphore(%run_scoped3A : memref<!tpu.dma_semaphore, #tpu.memory_space<semaphore_mem>>) {add = true}
        %dma_wait3A_53 = arith.constant 128 : i32
        %dma_wait3A_54 = tpu.memref_slice %arg7[%dma_wait3A_53] : memref<256xi32, #tpu.memory_space<vmem>> -> memref<128xi32, #tpu.memory_space<vmem>>
        %dma_wait3A_55 = arith.constant 0 : i32
        %dma_wait3A_56 = arith.constant 0 : i32
        %dma_wait3A_57 = tpu.memref_slice %arg6[%dma_wait3A_55, %dma_wait3A_56] : memref<10240x128xf32, #tpu.memory_space<vmem_shared>> -> memref<10240x128xf32, #tpu.memory_space<vmem_shared>>
        tpu.wait_indirect_dma semaphore(%run_scoped3A : memref<!tpu.dma_semaphore, #tpu.memory_space<semaphore_mem>>) src(%arg9 : memref<128x128xf32, #tpu.memory_space<vmem>>) dst(%dma_wait3A_57 : memref<10240x128xf32, #tpu.memory_space<vmem_shared>>)
        tpu.yield
      }) : () -> ()
      %dma_wait3A_43 = arith.constant 0 : i32
      %dma_wait3A_44 = tpu.memref_slice %arg8[%dma_wait3A_43] : memref<256xi32, #tpu.memory_space<vmem>> -> memref<128xi32, #tpu.memory_space<vmem>>
      %dma_wait3A_45 = arith.constant 0 : i32
      %dma_wait3A_46 = arith.constant 0 : i32
      %dma_wait3A_47 = tpu.memref_slice %arg2[%dma_wait3A_45, %dma_wait3A_46] : memref<71680x128xf32, #tpu.memory_space<hbm>> -> memref<71680x128xf32, #tpu.memory_space<hbm>>
      tpu.wait_indirect_dma semaphore(%arg12 : memref<!tpu.dma_semaphore, #tpu.memory_space<semaphore_mem>>) src(%dma_wait3A_47 : memref<71680x128xf32, #tpu.memory_space<hbm>>) dst(%arg10 : memref<128x128xf32, #tpu.memory_space<vmem>>)
      "tpu.region"() ({
        %run_scoped3A = tpu.sem_alloc : memref<!tpu.dma_semaphore, #tpu.memory_space<semaphore_mem>>
        %dma_start3A_48 = arith.constant 128 : i32
        %dma_start3A_49 = tpu.memref_slice %arg8[%dma_start3A_48] : memref<256xi32, #tpu.memory_space<vmem>> -> memref<128xi32, #tpu.memory_space<vmem>>
        %dma_start3A_50 = arith.constant 0 : i32
        %dma_start3A_51 = arith.constant 0 : i32
        %dma_start3A_52 = tpu.memref_slice %arg6[%dma_start3A_50, %dma_start3A_51] : memref<10240x128xf32, #tpu.memory_space<vmem_shared>> -> memref<10240x128xf32, #tpu.memory_space<vmem_shared>>
        tpu.enqueue_indirect_dma source(%arg10 : memref<128x128xf32, #tpu.memory_space<vmem>>) target(%dma_start3A_52 : memref<10240x128xf32, #tpu.memory_space<vmem_shared>>) offsets(%dma_start3A_49 : memref<128xi32, #tpu.memory_space<vmem>>) semaphore(%run_scoped3A : memref<!tpu.dma_semaphore, #tpu.memory_space<semaphore_mem>>) {add = true}
        %dma_wait3A_53 = arith.constant 128 : i32
        %dma_wait3A_54 = tpu.memref_slice %arg8[%dma_wait3A_53] : memref<256xi32, #tpu.memory_space<vmem>> -> memref<128xi32, #tpu.memory_space<vmem>>
        %dma_wait3A_55 = arith.constant 0 : i32
        %dma_wait3A_56 = arith.constant 0 : i32
        %dma_wait3A_57 = tpu.memref_slice %arg6[%dma_wait3A_55, %dma_wait3A_56] : memref<10240x128xf32, #tpu.memory_space<vmem_shared>> -> memref<10240x128xf32, #tpu.memory_space<vmem_shared>>
        tpu.wait_indirect_dma semaphore(%run_scoped3A : memref<!tpu.dma_semaphore, #tpu.memory_space<semaphore_mem>>) src(%arg10 : memref<128x128xf32, #tpu.memory_space<vmem>>) dst(%dma_wait3A_57 : memref<10240x128xf32, #tpu.memory_space<vmem_shared>>)
        tpu.yield
      }) : () -> ()
    }
    %scan3A_12 = arith.constant 40 : i32
    %barrier3A_13 = arith.constant 0 : index
    tpu.barrier barrier_id(%barrier3A_13)
    %mul3A_14 = arith.constant 640 : i32
    %mul3A_15 = arith.muli %arg1, %mul3A_14 : i32
    %mul3A_16 = arith.constant 640 : i32
    %mul3A_17 = arith.muli %arg1, %mul3A_16 : i32
    "tpu.region"() ({
      %run_scoped3A = tpu.sem_alloc : memref<!tpu.dma_semaphore, #tpu.memory_space<semaphore_mem>>
      %dma_start3A = arith.constant 0 : i32
      %dma_start3A_18 = tpu.memref_slice %arg5[%arg0, %mul3A_17, %dma_start3A] : memref<2x10240x128xf32, #tpu.memory_space<hbm>> -> memref<1x640x128xf32, #tpu.memory_space<hbm>>
      %dma_start3A_19 = tpu.memref_squeeze %dma_start3A_18 : memref<1x640x128xf32, #tpu.memory_space<hbm>> -> memref<640x128xf32, #tpu.memory_space<hbm>>
      %dma_start3A_20 = arith.constant 0 : i32
      %dma_start3A_21 = tpu.memref_slice %arg6[%mul3A_15, %dma_start3A_20] : memref<10240x128xf32, #tpu.memory_space<vmem_shared>> -> memref<640x128xf32, #tpu.memory_space<vmem_shared>>
      tpu.enqueue_dma source(%dma_start3A_21 : memref<640x128xf32, #tpu.memory_space<vmem_shared>>) target(%dma_start3A_19 : memref<640x128xf32, #tpu.memory_space<hbm>>) target_semaphore(%run_scoped3A : memref<!tpu.dma_semaphore, #tpu.memory_space<semaphore_mem>>)
      %dma_wait3A = arith.constant 0 : i32
      %dma_wait3A_22 = tpu.memref_slice %arg5[%arg0, %mul3A_17, %dma_wait3A] : memref<2x10240x128xf32, #tpu.memory_space<hbm>> -> memref<1x640x128xf32, #tpu.memory_space<hbm>>
      %dma_wait3A_23 = tpu.memref_squeeze %dma_wait3A_22 : memref<1x640x128xf32, #tpu.memory_space<hbm>> -> memref<640x128xf32, #tpu.memory_space<hbm>>
      %dma_wait3A_24 = arith.constant 0 : i32
      %dma_wait3A_25 = tpu.memref_slice %arg6[%mul3A_15, %dma_wait3A_24] : memref<10240x128xf32, #tpu.memory_space<vmem_shared>> -> memref<640x128xf32, #tpu.memory_space<vmem_shared>>
      tpu.wait_dma2 semaphore(%run_scoped3A : memref<!tpu.dma_semaphore, #tpu.memory_space<semaphore_mem>>) src(%dma_wait3A_25 : memref<640x128xf32, #tpu.memory_space<vmem_shared>>) dst(%dma_wait3A_23 : memref<640x128xf32, #tpu.memory_space<hbm>>)
      tpu.yield
    }) : () -> ()
    return
  }
}

#map = affine_map<(d0, d1) -> (0, 0)>
#map1 = affine_map<(d0, d1) -> (0)>
#map2 = affine_map<(d0, d1) -> (0, 0, 0)>
module attributes {stable_mosaic.version = 14 : i64} {
  func.func @agg(%arg0: i32, %arg1: i32, %arg2: memref<71680x128xf32, #tpu.memory_space<hbm>>, %arg3: memref<655360xi32, #tpu.memory_space<hbm>>, %arg4: memref<10240x128xf32, #tpu.memory_space<hbm>>, %arg5: memref<2x10240x128xf32, #tpu.memory_space<hbm>>, %arg6: memref<10240x128xf32, #tpu.memory_space<vmem_shared>>, %arg7: memref<256xi32, #tpu.memory_space<vmem>>, %arg8: memref<256xi32, #tpu.memory_space<vmem>>, %arg9: memref<128x128xf32, #tpu.memory_space<vmem>>, %arg10: memref<128x128xf32, #tpu.memory_space<vmem>>, %arg11: memref<!tpu.dma_semaphore, #tpu.memory_space<semaphore_mem>>, %arg12: memref<!tpu.dma_semaphore, #tpu.memory_space<semaphore_mem>>) attributes {dimension_semantics = [#tpu.dimension_semantics<core_parallel>, #tpu.dimension_semantics<subcore_parallel>], iteration_bounds = array<i64: 2, 16>, scalar_prefetch = 0 : i64, scratch_operands = 7 : i64, tpu.core_type = #tpu.core_type<sc_vector_subcore>, window_params = [{transform_indices = #map}, {transform_indices = #map1}, {transform_indices = #map}, {transform_indices = #map2}]} {
    %mul3A = arith.constant 2 : i32
    %mul3A_0 = arith.muli %arg1, %mul3A : i32
    %add3A = arith.addi %mul3A_0, %arg0 : i32
    %mul3A_1 = arith.constant 640 : i32
    %mul3A_2 = arith.muli %arg1, %mul3A_1 : i32
    %mul3A_3 = arith.constant 640 : i32
    %mul3A_4 = arith.muli %arg1, %mul3A_3 : i32
    "tpu.region"() ({
      %run_scoped3A = tpu.sem_alloc : memref<!tpu.dma_semaphore, #tpu.memory_space<semaphore_mem>>
      %dma_start3A = arith.constant 0 : i32
      %dma_start3A_18 = tpu.memref_slice %arg6[%mul3A_4, %dma_start3A] : memref<10240x128xf32, #tpu.memory_space<vmem_shared>> -> memref<640x128xf32, #tpu.memory_space<vmem_shared>>
      %dma_start3A_19 = arith.constant 0 : i32
      %dma_start3A_20 = tpu.memref_slice %arg4[%mul3A_2, %dma_start3A_19] : memref<10240x128xf32, #tpu.memory_space<hbm>> -> memref<640x128xf32, #tpu.memory_space<hbm>>
      tpu.enqueue_dma source(%dma_start3A_20 : memref<640x128xf32, #tpu.memory_space<hbm>>) target(%dma_start3A_18 : memref<640x128xf32, #tpu.memory_space<vmem_shared>>) target_semaphore(%run_scoped3A : memref<!tpu.dma_semaphore, #tpu.memory_space<semaphore_mem>>)
      %dma_wait3A = arith.constant 0 : i32
      %dma_wait3A_21 = tpu.memref_slice %arg6[%mul3A_4, %dma_wait3A] : memref<10240x128xf32, #tpu.memory_space<vmem_shared>> -> memref<640x128xf32, #tpu.memory_space<vmem_shared>>
      %dma_wait3A_22 = arith.constant 0 : i32
      %dma_wait3A_23 = tpu.memref_slice %arg4[%mul3A_2, %dma_wait3A_22] : memref<10240x128xf32, #tpu.memory_space<hbm>> -> memref<640x128xf32, #tpu.memory_space<hbm>>
      tpu.wait_dma2 semaphore(%run_scoped3A : memref<!tpu.dma_semaphore, #tpu.memory_space<semaphore_mem>>) src(%dma_wait3A_23 : memref<640x128xf32, #tpu.memory_space<hbm>>) dst(%dma_wait3A_21 : memref<640x128xf32, #tpu.memory_space<vmem_shared>>)
      tpu.yield
    }) : () -> ()
    %barrier3A = arith.constant 0 : index
    tpu.barrier barrier_id(%barrier3A)
    %mul3A_5 = arith.constant 10240 : i32
    %mul3A_6 = arith.muli %add3A, %mul3A_5 : i32
    %mul3A_7 = arith.constant 2 : i32
    %mul3A_8 = arith.muli %mul3A_6, %mul3A_7 : i32
    %scan3A = arith.constant 0 : i32
    %scan3A_9 = arith.constant 40 : i32
    %scan3A_10 = arith.addi %scan3A, %scan3A_9 : i32
    %scan3A_11 = arith.constant 1 : i32
    scf.for %scan3A_18 = %scan3A to %scan3A_10 step %scan3A_11  : i32 {
      %mul3A_19 = arith.constant 2 : i32
      %mul3A_20 = arith.muli %scan3A_18, %mul3A_19 : i32
      %add3A_21 = arith.constant 0 : i32
      %add3A_22 = arith.addi %add3A_21, %mul3A_20 : i32
      %mul3A_23 = arith.constant 2 : i32
      %mul3A_24 = arith.muli %add3A_22, %mul3A_23 : i32
      %mul3A_25 = arith.constant 128 : i32
      %mul3A_26 = arith.muli %mul3A_24, %mul3A_25 : i32
      %add3A_27 = arith.addi %mul3A_8, %mul3A_26 : i32
      "tpu.region"() ({
        %run_scoped3A = tpu.sem_alloc : memref<!tpu.dma_semaphore, #tpu.memory_space<semaphore_mem>>
        %dma_start3A_48 = tpu.memref_slice %arg3[%add3A_27] : memref<655360xi32, #tpu.memory_space<hbm>> -> memref<256xi32, #tpu.memory_space<hbm>>
        %dma_start3A_49 = tpu.memref_slice %arg3[%add3A_27] : memref<655360xi32, #tpu.memory_space<hbm>> -> memref<256xi32, #tpu.memory_space<hbm>>
        tpu.enqueue_dma source(%dma_start3A_49 : memref<256xi32, #tpu.memory_space<hbm>>) target(%arg7 : memref<256xi32, #tpu.memory_space<vmem>>) target_semaphore(%run_scoped3A : memref<!tpu.dma_semaphore, #tpu.memory_space<semaphore_mem>>)
        %dma_wait3A_50 = tpu.memref_slice %arg3[%add3A_27] : memref<655360xi32, #tpu.memory_space<hbm>> -> memref<256xi32, #tpu.memory_space<hbm>>
        %dma_wait3A_51 = tpu.memref_slice %arg3[%add3A_27] : memref<655360xi32, #tpu.memory_space<hbm>> -> memref<256xi32, #tpu.memory_space<hbm>>
        tpu.wait_dma2 semaphore(%run_scoped3A : memref<!tpu.dma_semaphore, #tpu.memory_space<semaphore_mem>>) src(%dma_wait3A_51 : memref<256xi32, #tpu.memory_space<hbm>>) dst(%arg7 : memref<256xi32, #tpu.memory_space<vmem>>)
        tpu.yield
      }) : () -> ()
      %dma_start3A = arith.constant 0 : i32
      %dma_start3A_28 = tpu.memref_slice %arg7[%dma_start3A] : memref<256xi32, #tpu.memory_space<vmem>> -> memref<128xi32, #tpu.memory_space<vmem>>
      %dma_start3A_29 = arith.constant 0 : i32
      %dma_start3A_30 = arith.constant 0 : i32
      %dma_start3A_31 = tpu.memref_slice %arg2[%dma_start3A_29, %dma_start3A_30] : memref<71680x128xf32, #tpu.memory_space<hbm>> -> memref<71680x128xf32, #tpu.memory_space<hbm>>
      tpu.enqueue_indirect_dma source(%dma_start3A_31 : memref<71680x128xf32, #tpu.memory_space<hbm>>) target(%arg9 : memref<128x128xf32, #tpu.memory_space<vmem>>) offsets(%dma_start3A_28 : memref<128xi32, #tpu.memory_space<vmem>>) semaphore(%arg11 : memref<!tpu.dma_semaphore, #tpu.memory_space<semaphore_mem>>)
      %add3A_32 = arith.constant 256 : i32
      %add3A_33 = arith.addi %add3A_27, %add3A_32 : i32
      "tpu.region"() ({
        %run_scoped3A = tpu.sem_alloc : memref<!tpu.dma_semaphore, #tpu.memory_space<semaphore_mem>>
        %dma_start3A_48 = tpu.memref_slice %arg3[%add3A_33] : memref<655360xi32, #tpu.memory_space<hbm>> -> memref<256xi32, #tpu.memory_space<hbm>>
        %dma_start3A_49 = tpu.memref_slice %arg3[%add3A_33] : memref<655360xi32, #tpu.memory_space<hbm>> -> memref<256xi32, #tpu.memory_space<hbm>>
        tpu.enqueue_dma source(%dma_start3A_49 : memref<256xi32, #tpu.memory_space<hbm>>) target(%arg8 : memref<256xi32, #tpu.memory_space<vmem>>) target_semaphore(%run_scoped3A : memref<!tpu.dma_semaphore, #tpu.memory_space<semaphore_mem>>)
        %dma_wait3A_50 = tpu.memref_slice %arg3[%add3A_33] : memref<655360xi32, #tpu.memory_space<hbm>> -> memref<256xi32, #tpu.memory_space<hbm>>
        %dma_wait3A_51 = tpu.memref_slice %arg3[%add3A_33] : memref<655360xi32, #tpu.memory_space<hbm>> -> memref<256xi32, #tpu.memory_space<hbm>>
        tpu.wait_dma2 semaphore(%run_scoped3A : memref<!tpu.dma_semaphore, #tpu.memory_space<semaphore_mem>>) src(%dma_wait3A_51 : memref<256xi32, #tpu.memory_space<hbm>>) dst(%arg8 : memref<256xi32, #tpu.memory_space<vmem>>)
        tpu.yield
      }) : () -> ()
      %dma_start3A_34 = arith.constant 0 : i32
      %dma_start3A_35 = tpu.memref_slice %arg8[%dma_start3A_34] : memref<256xi32, #tpu.memory_space<vmem>> -> memref<128xi32, #tpu.memory_space<vmem>>
      %dma_start3A_36 = arith.constant 0 : i32
      %dma_start3A_37 = arith.constant 0 : i32
      %dma_start3A_38 = tpu.memref_slice %arg2[%dma_start3A_36, %dma_start3A_37] : memref<71680x128xf32, #tpu.memory_space<hbm>> -> memref<71680x128xf32, #tpu.memory_space<hbm>>
      tpu.enqueue_indirect_dma source(%dma_start3A_38 : memref<71680x128xf32, #tpu.memory_space<hbm>>) target(%arg10 : memref<128x128xf32, #tpu.memory_space<vmem>>) offsets(%dma_start3A_35 : memref<128xi32, #tpu.memory_space<vmem>>) semaphore(%arg12 : memref<!tpu.dma_semaphore, #tpu.memory_space<semaphore_mem>>)
      %dma_wait3A = arith.constant 0 : i32
      %dma_wait3A_39 = tpu.memref_slice %arg7[%dma_wait3A] : memref<256xi32, #tpu.memory_space<vmem>> -> memref<128xi32, #tpu.memory_space<vmem>>
      %dma_wait3A_40 = arith.constant 0 : i32
      %dma_wait3A_41 = arith.constant 0 : i32
      %dma_wait3A_42 = tpu.memref_slice %arg2[%dma_wait3A_40, %dma_wait3A_41] : memref<71680x128xf32, #tpu.memory_space<hbm>> -> memref<71680x128xf32, #tpu.memory_space<hbm>>
      tpu.wait_indirect_dma semaphore(%arg11 : memref<!tpu.dma_semaphore, #tpu.memory_space<semaphore_mem>>) src(%dma_wait3A_42 : memref<71680x128xf32, #tpu.memory_space<hbm>>) dst(%arg9 : memref<128x128xf32, #tpu.memory_space<vmem>>)
      "tpu.region"() ({
        %run_scoped3A = tpu.sem_alloc : memref<!tpu.dma_semaphore, #tpu.memory_space<semaphore_mem>>
        %dma_start3A_48 = arith.constant 128 : i32
        %dma_start3A_49 = tpu.memref_slice %arg7[%dma_start3A_48] : memref<256xi32, #tpu.memory_space<vmem>> -> memref<128xi32, #tpu.memory_space<vmem>>
        %dma_start3A_50 = arith.constant 0 : i32
        %dma_start3A_51 = arith.constant 0 : i32
        %dma_start3A_52 = tpu.memref_slice %arg6[%dma_start3A_50, %dma_start3A_51] : memref<10240x128xf32, #tpu.memory_space<vmem_shared>> -> memref<10240x128xf32, #tpu.memory_space<vmem_shared>>
        tpu.enqueue_indirect_dma source(%arg9 : memref<128x128xf32, #tpu.memory_space<vmem>>) target(%dma_start3A_52 : memref<10240x128xf32, #tpu.memory_space<vmem_shared>>) offsets(%dma_start3A_49 : memref<128xi32, #tpu.memory_space<vmem>>) semaphore(%run_scoped3A : memref<!tpu.dma_semaphore, #tpu.memory_space<semaphore_mem>>) {add = true}
        %dma_wait3A_53 = arith.constant 128 : i32
        %dma_wait3A_54 = tpu.memref_slice %arg7[%dma_wait3A_53] : memref<256xi32, #tpu.memory_space<vmem>> -> memref<128xi32, #tpu.memory_space<vmem>>
        %dma_wait3A_55 = arith.constant 0 : i32
        %dma_wait3A_56 = arith.constant 0 : i32
        %dma_wait3A_57 = tpu.memref_slice %arg6[%dma_wait3A_55, %dma_wait3A_56] : memref<10240x128xf32, #tpu.memory_space<vmem_shared>> -> memref<10240x128xf32, #tpu.memory_space<vmem_shared>>
        tpu.wait_indirect_dma semaphore(%run_scoped3A : memref<!tpu.dma_semaphore, #tpu.memory_space<semaphore_mem>>) src(%arg9 : memref<128x128xf32, #tpu.memory_space<vmem>>) dst(%dma_wait3A_57 : memref<10240x128xf32, #tpu.memory_space<vmem_shared>>)
        tpu.yield
      }) : () -> ()
      %dma_wait3A_43 = arith.constant 0 : i32
      %dma_wait3A_44 = tpu.memref_slice %arg8[%dma_wait3A_43] : memref<256xi32, #tpu.memory_space<vmem>> -> memref<128xi32, #tpu.memory_space<vmem>>
      %dma_wait3A_45 = arith.constant 0 : i32
      %dma_wait3A_46 = arith.constant 0 : i32
      %dma_wait3A_47 = tpu.memref_slice %arg2[%dma_wait3A_45, %dma_wait3A_46] : memref<71680x128xf32, #tpu.memory_space<hbm>> -> memref<71680x128xf32, #tpu.memory_space<hbm>>
      tpu.wait_indirect_dma semaphore(%arg12 : memref<!tpu.dma_semaphore, #tpu.memory_space<semaphore_mem>>) src(%dma_wait3A_47 : memref<71680x128xf32, #tpu.memory_space<hbm>>) dst(%arg10 : memref<128x128xf32, #tpu.memory_space<vmem>>)
      "tpu.region"() ({
        %run_scoped3A = tpu.sem_alloc : memref<!tpu.dma_semaphore, #tpu.memory_space<semaphore_mem>>
        %dma_start3A_48 = arith.constant 128 : i32
        %dma_start3A_49 = tpu.memref_slice %arg8[%dma_start3A_48] : memref<256xi32, #tpu.memory_space<vmem>> -> memref<128xi32, #tpu.memory_space<vmem>>
        %dma_start3A_50 = arith.constant 0 : i32
        %dma_start3A_51 = arith.constant 0 : i32
        %dma_start3A_52 = tpu.memref_slice %arg6[%dma_start3A_50, %dma_start3A_51] : memref<10240x128xf32, #tpu.memory_space<vmem_shared>> -> memref<10240x128xf32, #tpu.memory_space<vmem_shared>>
        tpu.enqueue_indirect_dma source(%arg10 : memref<128x128xf32, #tpu.memory_space<vmem>>) target(%dma_start3A_52 : memref<10240x128xf32, #tpu.memory_space<vmem_shared>>) offsets(%dma_start3A_49 : memref<128xi32, #tpu.memory_space<vmem>>) semaphore(%run_scoped3A : memref<!tpu.dma_semaphore, #tpu.memory_space<semaphore_mem>>) {add = true}
        %dma_wait3A_53 = arith.constant 128 : i32
        %dma_wait3A_54 = tpu.memref_slice %arg8[%dma_wait3A_53] : memref<256xi32, #tpu.memory_space<vmem>> -> memref<128xi32, #tpu.memory_space<vmem>>
        %dma_wait3A_55 = arith.constant 0 : i32
        %dma_wait3A_56 = arith.constant 0 : i32
        %dma_wait3A_57 = tpu.memref_slice %arg6[%dma_wait3A_55, %dma_wait3A_56] : memref<10240x128xf32, #tpu.memory_space<vmem_shared>> -> memref<10240x128xf32, #tpu.memory_space<vmem_shared>>
        tpu.wait_indirect_dma semaphore(%run_scoped3A : memref<!tpu.dma_semaphore, #tpu.memory_space<semaphore_mem>>) src(%arg10 : memref<128x128xf32, #tpu.memory_space<vmem>>) dst(%dma_wait3A_57 : memref<10240x128xf32, #tpu.memory_space<vmem_shared>>)
        tpu.yield
      }) : () -> ()
    }
    %scan3A_12 = arith.constant 40 : i32
    %barrier3A_13 = arith.constant 0 : index
    tpu.barrier barrier_id(%barrier3A_13)
    %mul3A_14 = arith.constant 640 : i32
    %mul3A_15 = arith.muli %arg1, %mul3A_14 : i32
    %mul3A_16 = arith.constant 640 : i32
    %mul3A_17 = arith.muli %arg1, %mul3A_16 : i32
    "tpu.region"() ({
      %run_scoped3A = tpu.sem_alloc : memref<!tpu.dma_semaphore, #tpu.memory_space<semaphore_mem>>
      %dma_start3A = arith.constant 0 : i32
      %dma_start3A_18 = tpu.memref_slice %arg5[%arg0, %mul3A_17, %dma_start3A] : memref<2x10240x128xf32, #tpu.memory_space<hbm>> -> memref<1x640x128xf32, #tpu.memory_space<hbm>>
      %dma_start3A_19 = tpu.memref_squeeze %dma_start3A_18 : memref<1x640x128xf32, #tpu.memory_space<hbm>> -> memref<640x128xf32, #tpu.memory_space<hbm>>
      %dma_start3A_20 = arith.constant 0 : i32
      %dma_start3A_21 = tpu.memref_slice %arg6[%mul3A_15, %dma_start3A_20] : memref<10240x128xf32, #tpu.memory_space<vmem_shared>> -> memref<640x128xf32, #tpu.memory_space<vmem_shared>>
      tpu.enqueue_dma source(%dma_start3A_21 : memref<640x128xf32, #tpu.memory_space<vmem_shared>>) target(%dma_start3A_19 : memref<640x128xf32, #tpu.memory_space<hbm>>) target_semaphore(%run_scoped3A : memref<!tpu.dma_semaphore, #tpu.memory_space<semaphore_mem>>)
      %dma_wait3A = arith.constant 0 : i32
      %dma_wait3A_22 = tpu.memref_slice %arg5[%arg0, %mul3A_17, %dma_wait3A] : memref<2x10240x128xf32, #tpu.memory_space<hbm>> -> memref<1x640x128xf32, #tpu.memory_space<hbm>>
      %dma_wait3A_23 = tpu.memref_squeeze %dma_wait3A_22 : memref<1x640x128xf32, #tpu.memory_space<hbm>> -> memref<640x128xf32, #tpu.memory_space<hbm>>
      %dma_wait3A_24 = arith.constant 0 : i32
      %dma_wait3A_25 = tpu.memref_slice %arg6[%mul3A_15, %dma_wait3A_24] : memref<10240x128xf32, #tpu.memory_space<vmem_shared>> -> memref<640x128xf32, #tpu.memory_space<vmem_shared>>
      tpu.wait_dma2 semaphore(%run_scoped3A : memref<!tpu.dma_semaphore, #tpu.memory_space<semaphore_mem>>) src(%dma_wait3A_25 : memref<640x128xf32, #tpu.memory_space<vmem_shared>>) dst(%dma_wait3A_23 : memref<640x128xf32, #tpu.memory_space<hbm>>)
      tpu.yield
    }) : () -> ()
    return
  }
}

#map = affine_map<(d0, d1) -> (0, 0)>
#map1 = affine_map<(d0, d1) -> (0)>
#map2 = affine_map<(d0, d1) -> (0, 0, 0)>
module attributes {stable_mosaic.version = 14 : i64} {
  func.func @agg(%arg0: i32, %arg1: i32, %arg2: memref<71680x128xf32, #tpu.memory_space<hbm>>, %arg3: memref<655360xi32, #tpu.memory_space<hbm>>, %arg4: memref<10240x128xf32, #tpu.memory_space<hbm>>, %arg5: memref<2x10240x128xf32, #tpu.memory_space<hbm>>, %arg6: memref<10240x128xf32, #tpu.memory_space<vmem_shared>>, %arg7: memref<256xi32, #tpu.memory_space<vmem>>, %arg8: memref<256xi32, #tpu.memory_space<vmem>>, %arg9: memref<128x128xf32, #tpu.memory_space<vmem>>, %arg10: memref<128x128xf32, #tpu.memory_space<vmem>>, %arg11: memref<!tpu.dma_semaphore, #tpu.memory_space<semaphore_mem>>, %arg12: memref<!tpu.dma_semaphore, #tpu.memory_space<semaphore_mem>>) attributes {dimension_semantics = [#tpu.dimension_semantics<core_parallel>, #tpu.dimension_semantics<subcore_parallel>], iteration_bounds = array<i64: 2, 16>, scalar_prefetch = 0 : i64, scratch_operands = 7 : i64, tpu.core_type = #tpu.core_type<sc_vector_subcore>, window_params = [{transform_indices = #map}, {transform_indices = #map1}, {transform_indices = #map}, {transform_indices = #map2}]} {
    %mul3A = arith.constant 2 : i32
    %mul3A_0 = arith.muli %arg1, %mul3A : i32
    %add3A = arith.addi %mul3A_0, %arg0 : i32
    %mul3A_1 = arith.constant 640 : i32
    %mul3A_2 = arith.muli %arg1, %mul3A_1 : i32
    %mul3A_3 = arith.constant 640 : i32
    %mul3A_4 = arith.muli %arg1, %mul3A_3 : i32
    "tpu.region"() ({
      %run_scoped3A = tpu.sem_alloc : memref<!tpu.dma_semaphore, #tpu.memory_space<semaphore_mem>>
      %dma_start3A = arith.constant 0 : i32
      %dma_start3A_18 = tpu.memref_slice %arg6[%mul3A_4, %dma_start3A] : memref<10240x128xf32, #tpu.memory_space<vmem_shared>> -> memref<640x128xf32, #tpu.memory_space<vmem_shared>>
      %dma_start3A_19 = arith.constant 0 : i32
      %dma_start3A_20 = tpu.memref_slice %arg4[%mul3A_2, %dma_start3A_19] : memref<10240x128xf32, #tpu.memory_space<hbm>> -> memref<640x128xf32, #tpu.memory_space<hbm>>
      tpu.enqueue_dma source(%dma_start3A_20 : memref<640x128xf32, #tpu.memory_space<hbm>>) target(%dma_start3A_18 : memref<640x128xf32, #tpu.memory_space<vmem_shared>>) target_semaphore(%run_scoped3A : memref<!tpu.dma_semaphore, #tpu.memory_space<semaphore_mem>>)
      %dma_wait3A = arith.constant 0 : i32
      %dma_wait3A_21 = tpu.memref_slice %arg6[%mul3A_4, %dma_wait3A] : memref<10240x128xf32, #tpu.memory_space<vmem_shared>> -> memref<640x128xf32, #tpu.memory_space<vmem_shared>>
      %dma_wait3A_22 = arith.constant 0 : i32
      %dma_wait3A_23 = tpu.memref_slice %arg4[%mul3A_2, %dma_wait3A_22] : memref<10240x128xf32, #tpu.memory_space<hbm>> -> memref<640x128xf32, #tpu.memory_space<hbm>>
      tpu.wait_dma2 semaphore(%run_scoped3A : memref<!tpu.dma_semaphore, #tpu.memory_space<semaphore_mem>>) src(%dma_wait3A_23 : memref<640x128xf32, #tpu.memory_space<hbm>>) dst(%dma_wait3A_21 : memref<640x128xf32, #tpu.memory_space<vmem_shared>>)
      tpu.yield
    }) : () -> ()
    %barrier3A = arith.constant 0 : index
    tpu.barrier barrier_id(%barrier3A)
    %mul3A_5 = arith.constant 10240 : i32
    %mul3A_6 = arith.muli %add3A, %mul3A_5 : i32
    %mul3A_7 = arith.constant 2 : i32
    %mul3A_8 = arith.muli %mul3A_6, %mul3A_7 : i32
    %scan3A = arith.constant 0 : i32
    %scan3A_9 = arith.constant 40 : i32
    %scan3A_10 = arith.addi %scan3A, %scan3A_9 : i32
    %scan3A_11 = arith.constant 1 : i32
    scf.for %scan3A_18 = %scan3A to %scan3A_10 step %scan3A_11  : i32 {
      %mul3A_19 = arith.constant 2 : i32
      %mul3A_20 = arith.muli %scan3A_18, %mul3A_19 : i32
      %add3A_21 = arith.constant 0 : i32
      %add3A_22 = arith.addi %add3A_21, %mul3A_20 : i32
      %mul3A_23 = arith.constant 2 : i32
      %mul3A_24 = arith.muli %add3A_22, %mul3A_23 : i32
      %mul3A_25 = arith.constant 128 : i32
      %mul3A_26 = arith.muli %mul3A_24, %mul3A_25 : i32
      %add3A_27 = arith.addi %mul3A_8, %mul3A_26 : i32
      "tpu.region"() ({
        %run_scoped3A = tpu.sem_alloc : memref<!tpu.dma_semaphore, #tpu.memory_space<semaphore_mem>>
        %dma_start3A_48 = tpu.memref_slice %arg3[%add3A_27] : memref<655360xi32, #tpu.memory_space<hbm>> -> memref<256xi32, #tpu.memory_space<hbm>>
        %dma_start3A_49 = tpu.memref_slice %arg3[%add3A_27] : memref<655360xi32, #tpu.memory_space<hbm>> -> memref<256xi32, #tpu.memory_space<hbm>>
        tpu.enqueue_dma source(%dma_start3A_49 : memref<256xi32, #tpu.memory_space<hbm>>) target(%arg7 : memref<256xi32, #tpu.memory_space<vmem>>) target_semaphore(%run_scoped3A : memref<!tpu.dma_semaphore, #tpu.memory_space<semaphore_mem>>)
        %dma_wait3A_50 = tpu.memref_slice %arg3[%add3A_27] : memref<655360xi32, #tpu.memory_space<hbm>> -> memref<256xi32, #tpu.memory_space<hbm>>
        %dma_wait3A_51 = tpu.memref_slice %arg3[%add3A_27] : memref<655360xi32, #tpu.memory_space<hbm>> -> memref<256xi32, #tpu.memory_space<hbm>>
        tpu.wait_dma2 semaphore(%run_scoped3A : memref<!tpu.dma_semaphore, #tpu.memory_space<semaphore_mem>>) src(%dma_wait3A_51 : memref<256xi32, #tpu.memory_space<hbm>>) dst(%arg7 : memref<256xi32, #tpu.memory_space<vmem>>)
        tpu.yield
      }) : () -> ()
      %dma_start3A = arith.constant 0 : i32
      %dma_start3A_28 = tpu.memref_slice %arg7[%dma_start3A] : memref<256xi32, #tpu.memory_space<vmem>> -> memref<128xi32, #tpu.memory_space<vmem>>
      %dma_start3A_29 = arith.constant 0 : i32
      %dma_start3A_30 = arith.constant 0 : i32
      %dma_start3A_31 = tpu.memref_slice %arg2[%dma_start3A_29, %dma_start3A_30] : memref<71680x128xf32, #tpu.memory_space<hbm>> -> memref<71680x128xf32, #tpu.memory_space<hbm>>
      tpu.enqueue_indirect_dma source(%dma_start3A_31 : memref<71680x128xf32, #tpu.memory_space<hbm>>) target(%arg9 : memref<128x128xf32, #tpu.memory_space<vmem>>) offsets(%dma_start3A_28 : memref<128xi32, #tpu.memory_space<vmem>>) semaphore(%arg11 : memref<!tpu.dma_semaphore, #tpu.memory_space<semaphore_mem>>)
      %add3A_32 = arith.constant 256 : i32
      %add3A_33 = arith.addi %add3A_27, %add3A_32 : i32
      "tpu.region"() ({
        %run_scoped3A = tpu.sem_alloc : memref<!tpu.dma_semaphore, #tpu.memory_space<semaphore_mem>>
        %dma_start3A_48 = tpu.memref_slice %arg3[%add3A_33] : memref<655360xi32, #tpu.memory_space<hbm>> -> memref<256xi32, #tpu.memory_space<hbm>>
        %dma_start3A_49 = tpu.memref_slice %arg3[%add3A_33] : memref<655360xi32, #tpu.memory_space<hbm>> -> memref<256xi32, #tpu.memory_space<hbm>>
        tpu.enqueue_dma source(%dma_start3A_49 : memref<256xi32, #tpu.memory_space<hbm>>) target(%arg8 : memref<256xi32, #tpu.memory_space<vmem>>) target_semaphore(%run_scoped3A : memref<!tpu.dma_semaphore, #tpu.memory_space<semaphore_mem>>)
        %dma_wait3A_50 = tpu.memref_slice %arg3[%add3A_33] : memref<655360xi32, #tpu.memory_space<hbm>> -> memref<256xi32, #tpu.memory_space<hbm>>
        %dma_wait3A_51 = tpu.memref_slice %arg3[%add3A_33] : memref<655360xi32, #tpu.memory_space<hbm>> -> memref<256xi32, #tpu.memory_space<hbm>>
        tpu.wait_dma2 semaphore(%run_scoped3A : memref<!tpu.dma_semaphore, #tpu.memory_space<semaphore_mem>>) src(%dma_wait3A_51 : memref<256xi32, #tpu.memory_space<hbm>>) dst(%arg8 : memref<256xi32, #tpu.memory_space<vmem>>)
        tpu.yield
      }) : () -> ()
      %dma_start3A_34 = arith.constant 0 : i32
      %dma_start3A_35 = tpu.memref_slice %arg8[%dma_start3A_34] : memref<256xi32, #tpu.memory_space<vmem>> -> memref<128xi32, #tpu.memory_space<vmem>>
      %dma_start3A_36 = arith.constant 0 : i32
      %dma_start3A_37 = arith.constant 0 : i32
      %dma_start3A_38 = tpu.memref_slice %arg2[%dma_start3A_36, %dma_start3A_37] : memref<71680x128xf32, #tpu.memory_space<hbm>> -> memref<71680x128xf32, #tpu.memory_space<hbm>>
      tpu.enqueue_indirect_dma source(%dma_start3A_38 : memref<71680x128xf32, #tpu.memory_space<hbm>>) target(%arg10 : memref<128x128xf32, #tpu.memory_space<vmem>>) offsets(%dma_start3A_35 : memref<128xi32, #tpu.memory_space<vmem>>) semaphore(%arg12 : memref<!tpu.dma_semaphore, #tpu.memory_space<semaphore_mem>>)
      %dma_wait3A = arith.constant 0 : i32
      %dma_wait3A_39 = tpu.memref_slice %arg7[%dma_wait3A] : memref<256xi32, #tpu.memory_space<vmem>> -> memref<128xi32, #tpu.memory_space<vmem>>
      %dma_wait3A_40 = arith.constant 0 : i32
      %dma_wait3A_41 = arith.constant 0 : i32
      %dma_wait3A_42 = tpu.memref_slice %arg2[%dma_wait3A_40, %dma_wait3A_41] : memref<71680x128xf32, #tpu.memory_space<hbm>> -> memref<71680x128xf32, #tpu.memory_space<hbm>>
      tpu.wait_indirect_dma semaphore(%arg11 : memref<!tpu.dma_semaphore, #tpu.memory_space<semaphore_mem>>) src(%dma_wait3A_42 : memref<71680x128xf32, #tpu.memory_space<hbm>>) dst(%arg9 : memref<128x128xf32, #tpu.memory_space<vmem>>)
      "tpu.region"() ({
        %run_scoped3A = tpu.sem_alloc : memref<!tpu.dma_semaphore, #tpu.memory_space<semaphore_mem>>
        %dma_start3A_48 = arith.constant 128 : i32
        %dma_start3A_49 = tpu.memref_slice %arg7[%dma_start3A_48] : memref<256xi32, #tpu.memory_space<vmem>> -> memref<128xi32, #tpu.memory_space<vmem>>
        %dma_start3A_50 = arith.constant 0 : i32
        %dma_start3A_51 = arith.constant 0 : i32
        %dma_start3A_52 = tpu.memref_slice %arg6[%dma_start3A_50, %dma_start3A_51] : memref<10240x128xf32, #tpu.memory_space<vmem_shared>> -> memref<10240x128xf32, #tpu.memory_space<vmem_shared>>
        tpu.enqueue_indirect_dma source(%arg9 : memref<128x128xf32, #tpu.memory_space<vmem>>) target(%dma_start3A_52 : memref<10240x128xf32, #tpu.memory_space<vmem_shared>>) offsets(%dma_start3A_49 : memref<128xi32, #tpu.memory_space<vmem>>) semaphore(%run_scoped3A : memref<!tpu.dma_semaphore, #tpu.memory_space<semaphore_mem>>) {add = true}
        %dma_wait3A_53 = arith.constant 128 : i32
        %dma_wait3A_54 = tpu.memref_slice %arg7[%dma_wait3A_53] : memref<256xi32, #tpu.memory_space<vmem>> -> memref<128xi32, #tpu.memory_space<vmem>>
        %dma_wait3A_55 = arith.constant 0 : i32
        %dma_wait3A_56 = arith.constant 0 : i32
        %dma_wait3A_57 = tpu.memref_slice %arg6[%dma_wait3A_55, %dma_wait3A_56] : memref<10240x128xf32, #tpu.memory_space<vmem_shared>> -> memref<10240x128xf32, #tpu.memory_space<vmem_shared>>
        tpu.wait_indirect_dma semaphore(%run_scoped3A : memref<!tpu.dma_semaphore, #tpu.memory_space<semaphore_mem>>) src(%arg9 : memref<128x128xf32, #tpu.memory_space<vmem>>) dst(%dma_wait3A_57 : memref<10240x128xf32, #tpu.memory_space<vmem_shared>>)
        tpu.yield
      }) : () -> ()
      %dma_wait3A_43 = arith.constant 0 : i32
      %dma_wait3A_44 = tpu.memref_slice %arg8[%dma_wait3A_43] : memref<256xi32, #tpu.memory_space<vmem>> -> memref<128xi32, #tpu.memory_space<vmem>>
      %dma_wait3A_45 = arith.constant 0 : i32
      %dma_wait3A_46 = arith.constant 0 : i32
      %dma_wait3A_47 = tpu.memref_slice %arg2[%dma_wait3A_45, %dma_wait3A_46] : memref<71680x128xf32, #tpu.memory_space<hbm>> -> memref<71680x128xf32, #tpu.memory_space<hbm>>
      tpu.wait_indirect_dma semaphore(%arg12 : memref<!tpu.dma_semaphore, #tpu.memory_space<semaphore_mem>>) src(%dma_wait3A_47 : memref<71680x128xf32, #tpu.memory_space<hbm>>) dst(%arg10 : memref<128x128xf32, #tpu.memory_space<vmem>>)
      "tpu.region"() ({
        %run_scoped3A = tpu.sem_alloc : memref<!tpu.dma_semaphore, #tpu.memory_space<semaphore_mem>>
        %dma_start3A_48 = arith.constant 128 : i32
        %dma_start3A_49 = tpu.memref_slice %arg8[%dma_start3A_48] : memref<256xi32, #tpu.memory_space<vmem>> -> memref<128xi32, #tpu.memory_space<vmem>>
        %dma_start3A_50 = arith.constant 0 : i32
        %dma_start3A_51 = arith.constant 0 : i32
        %dma_start3A_52 = tpu.memref_slice %arg6[%dma_start3A_50, %dma_start3A_51] : memref<10240x128xf32, #tpu.memory_space<vmem_shared>> -> memref<10240x128xf32, #tpu.memory_space<vmem_shared>>
        tpu.enqueue_indirect_dma source(%arg10 : memref<128x128xf32, #tpu.memory_space<vmem>>) target(%dma_start3A_52 : memref<10240x128xf32, #tpu.memory_space<vmem_shared>>) offsets(%dma_start3A_49 : memref<128xi32, #tpu.memory_space<vmem>>) semaphore(%run_scoped3A : memref<!tpu.dma_semaphore, #tpu.memory_space<semaphore_mem>>) {add = true}
        %dma_wait3A_53 = arith.constant 128 : i32
        %dma_wait3A_54 = tpu.memref_slice %arg8[%dma_wait3A_53] : memref<256xi32, #tpu.memory_space<vmem>> -> memref<128xi32, #tpu.memory_space<vmem>>
        %dma_wait3A_55 = arith.constant 0 : i32
        %dma_wait3A_56 = arith.constant 0 : i32
        %dma_wait3A_57 = tpu.memref_slice %arg6[%dma_wait3A_55, %dma_wait3A_56] : memref<10240x128xf32, #tpu.memory_space<vmem_shared>> -> memref<10240x128xf32, #tpu.memory_space<vmem_shared>>
        tpu.wait_indirect_dma semaphore(%run_scoped3A : memref<!tpu.dma_semaphore, #tpu.memory_space<semaphore_mem>>) src(%arg10 : memref<128x128xf32, #tpu.memory_space<vmem>>) dst(%dma_wait3A_57 : memref<10240x128xf32, #tpu.memory_space<vmem_shared>>)
        tpu.yield
      }) : () -> ()
    }
    %scan3A_12 = arith.constant 40 : i32
    %barrier3A_13 = arith.constant 0 : index
    tpu.barrier barrier_id(%barrier3A_13)
    %mul3A_14 = arith.constant 640 : i32
    %mul3A_15 = arith.muli %arg1, %mul3A_14 : i32
    %mul3A_16 = arith.constant 640 : i32
    %mul3A_17 = arith.muli %arg1, %mul3A_16 : i32
    "tpu.region"() ({
      %run_scoped3A = tpu.sem_alloc : memref<!tpu.dma_semaphore, #tpu.memory_space<semaphore_mem>>
      %dma_start3A = arith.constant 0 : i32
      %dma_start3A_18 = tpu.memref_slice %arg5[%arg0, %mul3A_17, %dma_start3A] : memref<2x10240x128xf32, #tpu.memory_space<hbm>> -> memref<1x640x128xf32, #tpu.memory_space<hbm>>
      %dma_start3A_19 = tpu.memref_squeeze %dma_start3A_18 : memref<1x640x128xf32, #tpu.memory_space<hbm>> -> memref<640x128xf32, #tpu.memory_space<hbm>>
      %dma_start3A_20 = arith.constant 0 : i32
      %dma_start3A_21 = tpu.memref_slice %arg6[%mul3A_15, %dma_start3A_20] : memref<10240x128xf32, #tpu.memory_space<vmem_shared>> -> memref<640x128xf32, #tpu.memory_space<vmem_shared>>
      tpu.enqueue_dma source(%dma_start3A_21 : memref<640x128xf32, #tpu.memory_space<vmem_shared>>) target(%dma_start3A_19 : memref<640x128xf32, #tpu.memory_space<hbm>>) target_semaphore(%run_scoped3A : memref<!tpu.dma_semaphore, #tpu.memory_space<semaphore_mem>>)
      %dma_wait3A = arith.constant 0 : i32
      %dma_wait3A_22 = tpu.memref_slice %arg5[%arg0, %mul3A_17, %dma_wait3A] : memref<2x10240x128xf32, #tpu.memory_space<hbm>> -> memref<1x640x128xf32, #tpu.memory_space<hbm>>
      %dma_wait3A_23 = tpu.memref_squeeze %dma_wait3A_22 : memref<1x640x128xf32, #tpu.memory_space<hbm>> -> memref<640x128xf32, #tpu.memory_space<hbm>>
      %dma_wait3A_24 = arith.constant 0 : i32
      %dma_wait3A_25 = tpu.memref_slice %arg6[%mul3A_15, %dma_wait3A_24] : memref<10240x128xf32, #tpu.memory_space<vmem_shared>> -> memref<640x128xf32, #tpu.memory_space<vmem_shared>>
      tpu.wait_dma2 semaphore(%run_scoped3A : memref<!tpu.dma_semaphore, #tpu.memory_space<semaphore_mem>>) src(%dma_wait3A_25 : memref<640x128xf32, #tpu.memory_space<vmem_shared>>) dst(%dma_wait3A_23 : memref<640x128xf32, #tpu.memory_space<hbm>>)
      tpu.yield
    }) : () -> ()
    return
  }
}

#map = affine_map<(d0, d1) -> (0, 0)>
#map1 = affine_map<(d0, d1) -> (0)>
#map2 = affine_map<(d0, d1) -> (0, 0, 0)>
module attributes {stable_mosaic.version = 14 : i64} {
  func.func @agg(%arg0: i32, %arg1: i32, %arg2: memref<71680x128xf32, #tpu.memory_space<hbm>>, %arg3: memref<655360xi32, #tpu.memory_space<hbm>>, %arg4: memref<10240x128xf32, #tpu.memory_space<hbm>>, %arg5: memref<2x10240x128xf32, #tpu.memory_space<hbm>>, %arg6: memref<10240x128xf32, #tpu.memory_space<vmem_shared>>, %arg7: memref<256xi32, #tpu.memory_space<vmem>>, %arg8: memref<256xi32, #tpu.memory_space<vmem>>, %arg9: memref<128x128xf32, #tpu.memory_space<vmem>>, %arg10: memref<128x128xf32, #tpu.memory_space<vmem>>, %arg11: memref<!tpu.dma_semaphore, #tpu.memory_space<semaphore_mem>>, %arg12: memref<!tpu.dma_semaphore, #tpu.memory_space<semaphore_mem>>) attributes {dimension_semantics = [#tpu.dimension_semantics<core_parallel>, #tpu.dimension_semantics<subcore_parallel>], iteration_bounds = array<i64: 2, 16>, scalar_prefetch = 0 : i64, scratch_operands = 7 : i64, tpu.core_type = #tpu.core_type<sc_vector_subcore>, window_params = [{transform_indices = #map}, {transform_indices = #map1}, {transform_indices = #map}, {transform_indices = #map2}]} {
    %mul3A = arith.constant 2 : i32
    %mul3A_0 = arith.muli %arg1, %mul3A : i32
    %add3A = arith.addi %mul3A_0, %arg0 : i32
    %mul3A_1 = arith.constant 640 : i32
    %mul3A_2 = arith.muli %arg1, %mul3A_1 : i32
    %mul3A_3 = arith.constant 640 : i32
    %mul3A_4 = arith.muli %arg1, %mul3A_3 : i32
    "tpu.region"() ({
      %run_scoped3A = tpu.sem_alloc : memref<!tpu.dma_semaphore, #tpu.memory_space<semaphore_mem>>
      %dma_start3A = arith.constant 0 : i32
      %dma_start3A_18 = tpu.memref_slice %arg6[%mul3A_4, %dma_start3A] : memref<10240x128xf32, #tpu.memory_space<vmem_shared>> -> memref<640x128xf32, #tpu.memory_space<vmem_shared>>
      %dma_start3A_19 = arith.constant 0 : i32
      %dma_start3A_20 = tpu.memref_slice %arg4[%mul3A_2, %dma_start3A_19] : memref<10240x128xf32, #tpu.memory_space<hbm>> -> memref<640x128xf32, #tpu.memory_space<hbm>>
      tpu.enqueue_dma source(%dma_start3A_20 : memref<640x128xf32, #tpu.memory_space<hbm>>) target(%dma_start3A_18 : memref<640x128xf32, #tpu.memory_space<vmem_shared>>) target_semaphore(%run_scoped3A : memref<!tpu.dma_semaphore, #tpu.memory_space<semaphore_mem>>)
      %dma_wait3A = arith.constant 0 : i32
      %dma_wait3A_21 = tpu.memref_slice %arg6[%mul3A_4, %dma_wait3A] : memref<10240x128xf32, #tpu.memory_space<vmem_shared>> -> memref<640x128xf32, #tpu.memory_space<vmem_shared>>
      %dma_wait3A_22 = arith.constant 0 : i32
      %dma_wait3A_23 = tpu.memref_slice %arg4[%mul3A_2, %dma_wait3A_22] : memref<10240x128xf32, #tpu.memory_space<hbm>> -> memref<640x128xf32, #tpu.memory_space<hbm>>
      tpu.wait_dma2 semaphore(%run_scoped3A : memref<!tpu.dma_semaphore, #tpu.memory_space<semaphore_mem>>) src(%dma_wait3A_23 : memref<640x128xf32, #tpu.memory_space<hbm>>) dst(%dma_wait3A_21 : memref<640x128xf32, #tpu.memory_space<vmem_shared>>)
      tpu.yield
    }) : () -> ()
    %barrier3A = arith.constant 0 : index
    tpu.barrier barrier_id(%barrier3A)
    %mul3A_5 = arith.constant 10240 : i32
    %mul3A_6 = arith.muli %add3A, %mul3A_5 : i32
    %mul3A_7 = arith.constant 2 : i32
    %mul3A_8 = arith.muli %mul3A_6, %mul3A_7 : i32
    %scan3A = arith.constant 0 : i32
    %scan3A_9 = arith.constant 40 : i32
    %scan3A_10 = arith.addi %scan3A, %scan3A_9 : i32
    %scan3A_11 = arith.constant 1 : i32
    scf.for %scan3A_18 = %scan3A to %scan3A_10 step %scan3A_11  : i32 {
      %mul3A_19 = arith.constant 2 : i32
      %mul3A_20 = arith.muli %scan3A_18, %mul3A_19 : i32
      %add3A_21 = arith.constant 0 : i32
      %add3A_22 = arith.addi %add3A_21, %mul3A_20 : i32
      %mul3A_23 = arith.constant 2 : i32
      %mul3A_24 = arith.muli %add3A_22, %mul3A_23 : i32
      %mul3A_25 = arith.constant 128 : i32
      %mul3A_26 = arith.muli %mul3A_24, %mul3A_25 : i32
      %add3A_27 = arith.addi %mul3A_8, %mul3A_26 : i32
      "tpu.region"() ({
        %run_scoped3A = tpu.sem_alloc : memref<!tpu.dma_semaphore, #tpu.memory_space<semaphore_mem>>
        %dma_start3A_48 = tpu.memref_slice %arg3[%add3A_27] : memref<655360xi32, #tpu.memory_space<hbm>> -> memref<256xi32, #tpu.memory_space<hbm>>
        %dma_start3A_49 = tpu.memref_slice %arg3[%add3A_27] : memref<655360xi32, #tpu.memory_space<hbm>> -> memref<256xi32, #tpu.memory_space<hbm>>
        tpu.enqueue_dma source(%dma_start3A_49 : memref<256xi32, #tpu.memory_space<hbm>>) target(%arg7 : memref<256xi32, #tpu.memory_space<vmem>>) target_semaphore(%run_scoped3A : memref<!tpu.dma_semaphore, #tpu.memory_space<semaphore_mem>>)
        %dma_wait3A_50 = tpu.memref_slice %arg3[%add3A_27] : memref<655360xi32, #tpu.memory_space<hbm>> -> memref<256xi32, #tpu.memory_space<hbm>>
        %dma_wait3A_51 = tpu.memref_slice %arg3[%add3A_27] : memref<655360xi32, #tpu.memory_space<hbm>> -> memref<256xi32, #tpu.memory_space<hbm>>
        tpu.wait_dma2 semaphore(%run_scoped3A : memref<!tpu.dma_semaphore, #tpu.memory_space<semaphore_mem>>) src(%dma_wait3A_51 : memref<256xi32, #tpu.memory_space<hbm>>) dst(%arg7 : memref<256xi32, #tpu.memory_space<vmem>>)
        tpu.yield
      }) : () -> ()
      %dma_start3A = arith.constant 0 : i32
      %dma_start3A_28 = tpu.memref_slice %arg7[%dma_start3A] : memref<256xi32, #tpu.memory_space<vmem>> -> memref<128xi32, #tpu.memory_space<vmem>>
      %dma_start3A_29 = arith.constant 0 : i32
      %dma_start3A_30 = arith.constant 0 : i32
      %dma_start3A_31 = tpu.memref_slice %arg2[%dma_start3A_29, %dma_start3A_30] : memref<71680x128xf32, #tpu.memory_space<hbm>> -> memref<71680x128xf32, #tpu.memory_space<hbm>>
      tpu.enqueue_indirect_dma source(%dma_start3A_31 : memref<71680x128xf32, #tpu.memory_space<hbm>>) target(%arg9 : memref<128x128xf32, #tpu.memory_space<vmem>>) offsets(%dma_start3A_28 : memref<128xi32, #tpu.memory_space<vmem>>) semaphore(%arg11 : memref<!tpu.dma_semaphore, #tpu.memory_space<semaphore_mem>>)
      %add3A_32 = arith.constant 256 : i32
      %add3A_33 = arith.addi %add3A_27, %add3A_32 : i32
      "tpu.region"() ({
        %run_scoped3A = tpu.sem_alloc : memref<!tpu.dma_semaphore, #tpu.memory_space<semaphore_mem>>
        %dma_start3A_48 = tpu.memref_slice %arg3[%add3A_33] : memref<655360xi32, #tpu.memory_space<hbm>> -> memref<256xi32, #tpu.memory_space<hbm>>
        %dma_start3A_49 = tpu.memref_slice %arg3[%add3A_33] : memref<655360xi32, #tpu.memory_space<hbm>> -> memref<256xi32, #tpu.memory_space<hbm>>
        tpu.enqueue_dma source(%dma_start3A_49 : memref<256xi32, #tpu.memory_space<hbm>>) target(%arg8 : memref<256xi32, #tpu.memory_space<vmem>>) target_semaphore(%run_scoped3A : memref<!tpu.dma_semaphore, #tpu.memory_space<semaphore_mem>>)
        %dma_wait3A_50 = tpu.memref_slice %arg3[%add3A_33] : memref<655360xi32, #tpu.memory_space<hbm>> -> memref<256xi32, #tpu.memory_space<hbm>>
        %dma_wait3A_51 = tpu.memref_slice %arg3[%add3A_33] : memref<655360xi32, #tpu.memory_space<hbm>> -> memref<256xi32, #tpu.memory_space<hbm>>
        tpu.wait_dma2 semaphore(%run_scoped3A : memref<!tpu.dma_semaphore, #tpu.memory_space<semaphore_mem>>) src(%dma_wait3A_51 : memref<256xi32, #tpu.memory_space<hbm>>) dst(%arg8 : memref<256xi32, #tpu.memory_space<vmem>>)
        tpu.yield
      }) : () -> ()
      %dma_start3A_34 = arith.constant 0 : i32
      %dma_start3A_35 = tpu.memref_slice %arg8[%dma_start3A_34] : memref<256xi32, #tpu.memory_space<vmem>> -> memref<128xi32, #tpu.memory_space<vmem>>
      %dma_start3A_36 = arith.constant 0 : i32
      %dma_start3A_37 = arith.constant 0 : i32
      %dma_start3A_38 = tpu.memref_slice %arg2[%dma_start3A_36, %dma_start3A_37] : memref<71680x128xf32, #tpu.memory_space<hbm>> -> memref<71680x128xf32, #tpu.memory_space<hbm>>
      tpu.enqueue_indirect_dma source(%dma_start3A_38 : memref<71680x128xf32, #tpu.memory_space<hbm>>) target(%arg10 : memref<128x128xf32, #tpu.memory_space<vmem>>) offsets(%dma_start3A_35 : memref<128xi32, #tpu.memory_space<vmem>>) semaphore(%arg12 : memref<!tpu.dma_semaphore, #tpu.memory_space<semaphore_mem>>)
      %dma_wait3A = arith.constant 0 : i32
      %dma_wait3A_39 = tpu.memref_slice %arg7[%dma_wait3A] : memref<256xi32, #tpu.memory_space<vmem>> -> memref<128xi32, #tpu.memory_space<vmem>>
      %dma_wait3A_40 = arith.constant 0 : i32
      %dma_wait3A_41 = arith.constant 0 : i32
      %dma_wait3A_42 = tpu.memref_slice %arg2[%dma_wait3A_40, %dma_wait3A_41] : memref<71680x128xf32, #tpu.memory_space<hbm>> -> memref<71680x128xf32, #tpu.memory_space<hbm>>
      tpu.wait_indirect_dma semaphore(%arg11 : memref<!tpu.dma_semaphore, #tpu.memory_space<semaphore_mem>>) src(%dma_wait3A_42 : memref<71680x128xf32, #tpu.memory_space<hbm>>) dst(%arg9 : memref<128x128xf32, #tpu.memory_space<vmem>>)
      "tpu.region"() ({
        %run_scoped3A = tpu.sem_alloc : memref<!tpu.dma_semaphore, #tpu.memory_space<semaphore_mem>>
        %dma_start3A_48 = arith.constant 128 : i32
        %dma_start3A_49 = tpu.memref_slice %arg7[%dma_start3A_48] : memref<256xi32, #tpu.memory_space<vmem>> -> memref<128xi32, #tpu.memory_space<vmem>>
        %dma_start3A_50 = arith.constant 0 : i32
        %dma_start3A_51 = arith.constant 0 : i32
        %dma_start3A_52 = tpu.memref_slice %arg6[%dma_start3A_50, %dma_start3A_51] : memref<10240x128xf32, #tpu.memory_space<vmem_shared>> -> memref<10240x128xf32, #tpu.memory_space<vmem_shared>>
        tpu.enqueue_indirect_dma source(%arg9 : memref<128x128xf32, #tpu.memory_space<vmem>>) target(%dma_start3A_52 : memref<10240x128xf32, #tpu.memory_space<vmem_shared>>) offsets(%dma_start3A_49 : memref<128xi32, #tpu.memory_space<vmem>>) semaphore(%run_scoped3A : memref<!tpu.dma_semaphore, #tpu.memory_space<semaphore_mem>>) {add = true}
        %dma_wait3A_53 = arith.constant 128 : i32
        %dma_wait3A_54 = tpu.memref_slice %arg7[%dma_wait3A_53] : memref<256xi32, #tpu.memory_space<vmem>> -> memref<128xi32, #tpu.memory_space<vmem>>
        %dma_wait3A_55 = arith.constant 0 : i32
        %dma_wait3A_56 = arith.constant 0 : i32
        %dma_wait3A_57 = tpu.memref_slice %arg6[%dma_wait3A_55, %dma_wait3A_56] : memref<10240x128xf32, #tpu.memory_space<vmem_shared>> -> memref<10240x128xf32, #tpu.memory_space<vmem_shared>>
        tpu.wait_indirect_dma semaphore(%run_scoped3A : memref<!tpu.dma_semaphore, #tpu.memory_space<semaphore_mem>>) src(%arg9 : memref<128x128xf32, #tpu.memory_space<vmem>>) dst(%dma_wait3A_57 : memref<10240x128xf32, #tpu.memory_space<vmem_shared>>)
        tpu.yield
      }) : () -> ()
      %dma_wait3A_43 = arith.constant 0 : i32
      %dma_wait3A_44 = tpu.memref_slice %arg8[%dma_wait3A_43] : memref<256xi32, #tpu.memory_space<vmem>> -> memref<128xi32, #tpu.memory_space<vmem>>
      %dma_wait3A_45 = arith.constant 0 : i32
      %dma_wait3A_46 = arith.constant 0 : i32
      %dma_wait3A_47 = tpu.memref_slice %arg2[%dma_wait3A_45, %dma_wait3A_46] : memref<71680x128xf32, #tpu.memory_space<hbm>> -> memref<71680x128xf32, #tpu.memory_space<hbm>>
      tpu.wait_indirect_dma semaphore(%arg12 : memref<!tpu.dma_semaphore, #tpu.memory_space<semaphore_mem>>) src(%dma_wait3A_47 : memref<71680x128xf32, #tpu.memory_space<hbm>>) dst(%arg10 : memref<128x128xf32, #tpu.memory_space<vmem>>)
      "tpu.region"() ({
        %run_scoped3A = tpu.sem_alloc : memref<!tpu.dma_semaphore, #tpu.memory_space<semaphore_mem>>
        %dma_start3A_48 = arith.constant 128 : i32
        %dma_start3A_49 = tpu.memref_slice %arg8[%dma_start3A_48] : memref<256xi32, #tpu.memory_space<vmem>> -> memref<128xi32, #tpu.memory_space<vmem>>
        %dma_start3A_50 = arith.constant 0 : i32
        %dma_start3A_51 = arith.constant 0 : i32
        %dma_start3A_52 = tpu.memref_slice %arg6[%dma_start3A_50, %dma_start3A_51] : memref<10240x128xf32, #tpu.memory_space<vmem_shared>> -> memref<10240x128xf32, #tpu.memory_space<vmem_shared>>
        tpu.enqueue_indirect_dma source(%arg10 : memref<128x128xf32, #tpu.memory_space<vmem>>) target(%dma_start3A_52 : memref<10240x128xf32, #tpu.memory_space<vmem_shared>>) offsets(%dma_start3A_49 : memref<128xi32, #tpu.memory_space<vmem>>) semaphore(%run_scoped3A : memref<!tpu.dma_semaphore, #tpu.memory_space<semaphore_mem>>) {add = true}
        %dma_wait3A_53 = arith.constant 128 : i32
        %dma_wait3A_54 = tpu.memref_slice %arg8[%dma_wait3A_53] : memref<256xi32, #tpu.memory_space<vmem>> -> memref<128xi32, #tpu.memory_space<vmem>>
        %dma_wait3A_55 = arith.constant 0 : i32
        %dma_wait3A_56 = arith.constant 0 : i32
        %dma_wait3A_57 = tpu.memref_slice %arg6[%dma_wait3A_55, %dma_wait3A_56] : memref<10240x128xf32, #tpu.memory_space<vmem_shared>> -> memref<10240x128xf32, #tpu.memory_space<vmem_shared>>
        tpu.wait_indirect_dma semaphore(%run_scoped3A : memref<!tpu.dma_semaphore, #tpu.memory_space<semaphore_mem>>) src(%arg10 : memref<128x128xf32, #tpu.memory_space<vmem>>) dst(%dma_wait3A_57 : memref<10240x128xf32, #tpu.memory_space<vmem_shared>>)
        tpu.yield
      }) : () -> ()
    }
    %scan3A_12 = arith.constant 40 : i32
    %barrier3A_13 = arith.constant 0 : index
    tpu.barrier barrier_id(%barrier3A_13)
    %mul3A_14 = arith.constant 640 : i32
    %mul3A_15 = arith.muli %arg1, %mul3A_14 : i32
    %mul3A_16 = arith.constant 640 : i32
    %mul3A_17 = arith.muli %arg1, %mul3A_16 : i32
    "tpu.region"() ({
      %run_scoped3A = tpu.sem_alloc : memref<!tpu.dma_semaphore, #tpu.memory_space<semaphore_mem>>
      %dma_start3A = arith.constant 0 : i32
      %dma_start3A_18 = tpu.memref_slice %arg5[%arg0, %mul3A_17, %dma_start3A] : memref<2x10240x128xf32, #tpu.memory_space<hbm>> -> memref<1x640x128xf32, #tpu.memory_space<hbm>>
      %dma_start3A_19 = tpu.memref_squeeze %dma_start3A_18 : memref<1x640x128xf32, #tpu.memory_space<hbm>> -> memref<640x128xf32, #tpu.memory_space<hbm>>
      %dma_start3A_20 = arith.constant 0 : i32
      %dma_start3A_21 = tpu.memref_slice %arg6[%mul3A_15, %dma_start3A_20] : memref<10240x128xf32, #tpu.memory_space<vmem_shared>> -> memref<640x128xf32, #tpu.memory_space<vmem_shared>>
      tpu.enqueue_dma source(%dma_start3A_21 : memref<640x128xf32, #tpu.memory_space<vmem_shared>>) target(%dma_start3A_19 : memref<640x128xf32, #tpu.memory_space<hbm>>) target_semaphore(%run_scoped3A : memref<!tpu.dma_semaphore, #tpu.memory_space<semaphore_mem>>)
      %dma_wait3A = arith.constant 0 : i32
      %dma_wait3A_22 = tpu.memref_slice %arg5[%arg0, %mul3A_17, %dma_wait3A] : memref<2x10240x128xf32, #tpu.memory_space<hbm>> -> memref<1x640x128xf32, #tpu.memory_space<hbm>>
      %dma_wait3A_23 = tpu.memref_squeeze %dma_wait3A_22 : memref<1x640x128xf32, #tpu.memory_space<hbm>> -> memref<640x128xf32, #tpu.memory_space<hbm>>
      %dma_wait3A_24 = arith.constant 0 : i32
      %dma_wait3A_25 = tpu.memref_slice %arg6[%mul3A_15, %dma_wait3A_24] : memref<10240x128xf32, #tpu.memory_space<vmem_shared>> -> memref<640x128xf32, #tpu.memory_space<vmem_shared>>
      tpu.wait_dma2 semaphore(%run_scoped3A : memref<!tpu.dma_semaphore, #tpu.memory_space<semaphore_mem>>) src(%dma_wait3A_25 : memref<640x128xf32, #tpu.memory_space<vmem_shared>>) dst(%dma_wait3A_23 : memref<640x128xf32, #tpu.memory_space<hbm>>)
      tpu.yield
    }) : () -> ()
    return
  }
}

#map = affine_map<(d0, d1) -> (0, 0)>
#map1 = affine_map<(d0, d1) -> (0)>
#map2 = affine_map<(d0, d1) -> (0, 0, 0)>
module attributes {stable_mosaic.version = 14 : i64} {
  func.func @pool(%arg0: i32, %arg1: i32, %arg2: memref<10240x128xf32, #tpu.memory_space<hbm>>, %arg3: memref<10240xi32, #tpu.memory_space<hbm>>, %arg4: memref<1280x128xf32, #tpu.memory_space<hbm>>, %arg5: memref<64x128xf32, #tpu.memory_space<hbm>>, %arg6: memref<2x1280x128xf32, #tpu.memory_space<hbm>>, %arg7: memref<2x1280x128xf32, #tpu.memory_space<hbm>>, %arg8: memref<1280x128xf32, #tpu.memory_space<vmem_shared>>, %arg9: memref<1280x128xf32, #tpu.memory_space<vmem_shared>>, %arg10: memref<1x64xi32, #tpu.memory_space<vmem>>, %arg11: memref<64x128xf32, #tpu.memory_space<vmem>>, %arg12: memref<64x128xf32, #tpu.memory_space<vmem>>) attributes {dimension_semantics = [#tpu.dimension_semantics<core_parallel>, #tpu.dimension_semantics<subcore_parallel>], iteration_bounds = array<i64: 2, 16>, scalar_prefetch = 0 : i64, scratch_operands = 5 : i64, tpu.core_type = #tpu.core_type<sc_vector_subcore>, window_params = [{transform_indices = #map}, {transform_indices = #map1}, {transform_indices = #map}, {transform_indices = #map}, {transform_indices = #map2}, {transform_indices = #map2}]} {
    %mul3A = arith.constant 2 : i32
    %mul3A_0 = arith.muli %arg1, %mul3A : i32
    %add3A = arith.addi %mul3A_0, %arg0 : i32
    %mul3A_1 = arith.constant 80 : i32
    %mul3A_2 = arith.muli %arg1, %mul3A_1 : i32
    %mul3A_3 = arith.constant 80 : i32
    %mul3A_4 = arith.muli %arg1, %mul3A_3 : i32
    "tpu.region"() ({
      %run_scoped3A = tpu.sem_alloc : memref<!tpu.dma_semaphore, #tpu.memory_space<semaphore_mem>>
      %dma_start3A = arith.constant 0 : i32
      %dma_start3A_24 = tpu.memref_slice %arg8[%mul3A_4, %dma_start3A] : memref<1280x128xf32, #tpu.memory_space<vmem_shared>> -> memref<80x128xf32, #tpu.memory_space<vmem_shared>>
      %dma_start3A_25 = arith.constant 0 : i32
      %dma_start3A_26 = tpu.memref_slice %arg4[%mul3A_2, %dma_start3A_25] : memref<1280x128xf32, #tpu.memory_space<hbm>> -> memref<80x128xf32, #tpu.memory_space<hbm>>
      tpu.enqueue_dma source(%dma_start3A_26 : memref<80x128xf32, #tpu.memory_space<hbm>>) target(%dma_start3A_24 : memref<80x128xf32, #tpu.memory_space<vmem_shared>>) target_semaphore(%run_scoped3A : memref<!tpu.dma_semaphore, #tpu.memory_space<semaphore_mem>>)
      %dma_wait3A = arith.constant 0 : i32
      %dma_wait3A_27 = tpu.memref_slice %arg8[%mul3A_4, %dma_wait3A] : memref<1280x128xf32, #tpu.memory_space<vmem_shared>> -> memref<80x128xf32, #tpu.memory_space<vmem_shared>>
      %dma_wait3A_28 = arith.constant 0 : i32
      %dma_wait3A_29 = tpu.memref_slice %arg4[%mul3A_2, %dma_wait3A_28] : memref<1280x128xf32, #tpu.memory_space<hbm>> -> memref<80x128xf32, #tpu.memory_space<hbm>>
      tpu.wait_dma2 semaphore(%run_scoped3A : memref<!tpu.dma_semaphore, #tpu.memory_space<semaphore_mem>>) src(%dma_wait3A_29 : memref<80x128xf32, #tpu.memory_space<hbm>>) dst(%dma_wait3A_27 : memref<80x128xf32, #tpu.memory_space<vmem_shared>>)
      tpu.yield
    }) : () -> ()
    %mul3A_5 = arith.constant 80 : i32
    %mul3A_6 = arith.muli %arg1, %mul3A_5 : i32
    %mul3A_7 = arith.constant 80 : i32
    %mul3A_8 = arith.muli %arg1, %mul3A_7 : i32
    "tpu.region"() ({
      %run_scoped3A = tpu.sem_alloc : memref<!tpu.dma_semaphore, #tpu.memory_space<semaphore_mem>>
      %dma_start3A = arith.constant 0 : i32
      %dma_start3A_24 = tpu.memref_slice %arg9[%mul3A_8, %dma_start3A] : memref<1280x128xf32, #tpu.memory_space<vmem_shared>> -> memref<80x128xf32, #tpu.memory_space<vmem_shared>>
      %dma_start3A_25 = arith.constant 0 : i32
      %dma_start3A_26 = tpu.memref_slice %arg4[%mul3A_6, %dma_start3A_25] : memref<1280x128xf32, #tpu.memory_space<hbm>> -> memref<80x128xf32, #tpu.memory_space<hbm>>
      tpu.enqueue_dma source(%dma_start3A_26 : memref<80x128xf32, #tpu.memory_space<hbm>>) target(%dma_start3A_24 : memref<80x128xf32, #tpu.memory_space<vmem_shared>>) target_semaphore(%run_scoped3A : memref<!tpu.dma_semaphore, #tpu.memory_space<semaphore_mem>>)
      %dma_wait3A = arith.constant 0 : i32
      %dma_wait3A_27 = tpu.memref_slice %arg9[%mul3A_8, %dma_wait3A] : memref<1280x128xf32, #tpu.memory_space<vmem_shared>> -> memref<80x128xf32, #tpu.memory_space<vmem_shared>>
      %dma_wait3A_28 = arith.constant 0 : i32
      %dma_wait3A_29 = tpu.memref_slice %arg4[%mul3A_6, %dma_wait3A_28] : memref<1280x128xf32, #tpu.memory_space<hbm>> -> memref<80x128xf32, #tpu.memory_space<hbm>>
      tpu.wait_dma2 semaphore(%run_scoped3A : memref<!tpu.dma_semaphore, #tpu.memory_space<semaphore_mem>>) src(%dma_wait3A_29 : memref<80x128xf32, #tpu.memory_space<hbm>>) dst(%dma_wait3A_27 : memref<80x128xf32, #tpu.memory_space<vmem_shared>>)
      tpu.yield
    }) : () -> ()
    "tpu.region"() ({
      %run_scoped3A = tpu.sem_alloc : memref<!tpu.dma_semaphore, #tpu.memory_space<semaphore_mem>>
      tpu.enqueue_dma source(%arg5 : memref<64x128xf32, #tpu.memory_space<hbm>>) target(%arg12 : memref<64x128xf32, #tpu.memory_space<vmem>>) target_semaphore(%run_scoped3A : memref<!tpu.dma_semaphore, #tpu.memory_space<semaphore_mem>>)
      tpu.wait_dma2 semaphore(%run_scoped3A : memref<!tpu.dma_semaphore, #tpu.memory_space<semaphore_mem>>) src(%arg5 : memref<64x128xf32, #tpu.memory_space<hbm>>) dst(%arg12 : memref<64x128xf32, #tpu.memory_space<vmem>>)
      tpu.yield
    }) : () -> ()
    %barrier3A = arith.constant 0 : index
    tpu.barrier barrier_id(%barrier3A)
    %mul3A_9 = arith.constant 320 : i32
    %mul3A_10 = arith.muli %add3A, %mul3A_9 : i32
    %scan3A = arith.constant 0 : i32
    %scan3A_11 = arith.constant 5 : i32
    %scan3A_12 = arith.addi %scan3A, %scan3A_11 : i32
    %scan3A_13 = arith.constant 1 : i32
    scf.for %scan3A_24 = %scan3A to %scan3A_12 step %scan3A_13  : i32 {
      %mul3A_25 = arith.constant 1 : i32
      %mul3A_26 = arith.muli %scan3A_24, %mul3A_25 : i32
      %add3A_27 = arith.constant 0 : i32
      %add3A_28 = arith.addi %add3A_27, %mul3A_26 : i32
      %mul3A_29 = arith.constant 64 : i32
      %mul3A_30 = arith.muli %add3A_28, %mul3A_29 : i32
      %add3A_31 = arith.addi %mul3A_10, %mul3A_30 : i32
      %run_scoped3A = arith.constant 0 : i32
      "tpu.region"() ({
        %run_scoped3A_34 = tpu.sem_alloc : memref<!tpu.dma_semaphore, #tpu.memory_space<semaphore_mem>>
        %dma_start3A = arith.constant 0 : i32
        %dma_start3A_35 = tpu.memref_slice %arg10[%run_scoped3A, %dma_start3A] : memref<1x64xi32, #tpu.memory_space<vmem>> -> memref<1x64xi32, #tpu.memory_space<vmem>>
        %dma_start3A_36 = tpu.memref_squeeze %dma_start3A_35 : memref<1x64xi32, #tpu.memory_space<vmem>> -> memref<64xi32, #tpu.memory_space<vmem>>
        %dma_start3A_37 = tpu.memref_slice %arg3[%add3A_31] : memref<10240xi32, #tpu.memory_space<hbm>> -> memref<64xi32, #tpu.memory_space<hbm>>
        %dma_start3A_38 = arith.constant 0 : i32
        %dma_start3A_39 = tpu.memref_slice %arg10[%run_scoped3A, %dma_start3A_38] : memref<1x64xi32, #tpu.memory_space<vmem>> -> memref<1x64xi32, #tpu.memory_space<vmem>>
        %dma_start3A_40 = tpu.memref_squeeze %dma_start3A_39 : memref<1x64xi32, #tpu.memory_space<vmem>> -> memref<64xi32, #tpu.memory_space<vmem>>
        %dma_start3A_41 = tpu.memref_slice %arg3[%add3A_31] : memref<10240xi32, #tpu.memory_space<hbm>> -> memref<64xi32, #tpu.memory_space<hbm>>
        tpu.enqueue_dma source(%dma_start3A_41 : memref<64xi32, #tpu.memory_space<hbm>>) target(%dma_start3A_40 : memref<64xi32, #tpu.memory_space<vmem>>) target_semaphore(%run_scoped3A_34 : memref<!tpu.dma_semaphore, #tpu.memory_space<semaphore_mem>>)
        %dma_wait3A = arith.constant 0 : i32
        %dma_wait3A_42 = tpu.memref_slice %arg10[%run_scoped3A, %dma_wait3A] : memref<1x64xi32, #tpu.memory_space<vmem>> -> memref<1x64xi32, #tpu.memory_space<vmem>>
        %dma_wait3A_43 = tpu.memref_squeeze %dma_wait3A_42 : memref<1x64xi32, #tpu.memory_space<vmem>> -> memref<64xi32, #tpu.memory_space<vmem>>
        %dma_wait3A_44 = tpu.memref_slice %arg3[%add3A_31] : memref<10240xi32, #tpu.memory_space<hbm>> -> memref<64xi32, #tpu.memory_space<hbm>>
        %dma_wait3A_45 = arith.constant 0 : i32
        %dma_wait3A_46 = tpu.memref_slice %arg10[%run_scoped3A, %dma_wait3A_45] : memref<1x64xi32, #tpu.memory_space<vmem>> -> memref<1x64xi32, #tpu.memory_space<vmem>>
        %dma_wait3A_47 = tpu.memref_squeeze %dma_wait3A_46 : memref<1x64xi32, #tpu.memory_space<vmem>> -> memref<64xi32, #tpu.memory_space<vmem>>
        %dma_wait3A_48 = tpu.memref_slice %arg3[%add3A_31] : memref<10240xi32, #tpu.memory_space<hbm>> -> memref<64xi32, #tpu.memory_space<hbm>>
        tpu.wait_dma2 semaphore(%run_scoped3A_34 : memref<!tpu.dma_semaphore, #tpu.memory_space<semaphore_mem>>) src(%dma_wait3A_48 : memref<64xi32, #tpu.memory_space<hbm>>) dst(%dma_wait3A_47 : memref<64xi32, #tpu.memory_space<vmem>>)
        tpu.yield
      }) : () -> ()
      "tpu.region"() ({
        %run_scoped3A_34 = tpu.sem_alloc : memref<!tpu.dma_semaphore, #tpu.memory_space<semaphore_mem>>
        %dma_start3A = arith.constant 0 : i32
        %dma_start3A_35 = tpu.memref_slice %arg2[%add3A_31, %dma_start3A] : memref<10240x128xf32, #tpu.memory_space<hbm>> -> memref<64x128xf32, #tpu.memory_space<hbm>>
        %dma_start3A_36 = arith.constant 0 : i32
        %dma_start3A_37 = tpu.memref_slice %arg2[%add3A_31, %dma_start3A_36] : memref<10240x128xf32, #tpu.memory_space<hbm>> -> memref<64x128xf32, #tpu.memory_space<hbm>>
        tpu.enqueue_dma source(%dma_start3A_37 : memref<64x128xf32, #tpu.memory_space<hbm>>) target(%arg11 : memref<64x128xf32, #tpu.memory_space<vmem>>) target_semaphore(%run_scoped3A_34 : memref<!tpu.dma_semaphore, #tpu.memory_space<semaphore_mem>>)
        %dma_wait3A = arith.constant 0 : i32
        %dma_wait3A_38 = tpu.memref_slice %arg2[%add3A_31, %dma_wait3A] : memref<10240x128xf32, #tpu.memory_space<hbm>> -> memref<64x128xf32, #tpu.memory_space<hbm>>
        %dma_wait3A_39 = arith.constant 0 : i32
        %dma_wait3A_40 = tpu.memref_slice %arg2[%add3A_31, %dma_wait3A_39] : memref<10240x128xf32, #tpu.memory_space<hbm>> -> memref<64x128xf32, #tpu.memory_space<hbm>>
        tpu.wait_dma2 semaphore(%run_scoped3A_34 : memref<!tpu.dma_semaphore, #tpu.memory_space<semaphore_mem>>) src(%dma_wait3A_40 : memref<64x128xf32, #tpu.memory_space<hbm>>) dst(%arg11 : memref<64x128xf32, #tpu.memory_space<vmem>>)
        tpu.yield
      }) : () -> ()
      %run_scoped3A_32 = arith.constant 0 : i32
      "tpu.region"() ({
        %run_scoped3A_34 = tpu.sem_alloc : memref<!tpu.dma_semaphore, #tpu.memory_space<semaphore_mem>>
        %dma_start3A = arith.constant 0 : i32
        %dma_start3A_35 = tpu.memref_slice %arg10[%run_scoped3A_32, %dma_start3A] : memref<1x64xi32, #tpu.memory_space<vmem>> -> memref<1x64xi32, #tpu.memory_space<vmem>>
        %dma_start3A_36 = tpu.memref_squeeze %dma_start3A_35 : memref<1x64xi32, #tpu.memory_space<vmem>> -> memref<64xi32, #tpu.memory_space<vmem>>
        %dma_start3A_37 = arith.constant 0 : i32
        %dma_start3A_38 = arith.constant 0 : i32
        %dma_start3A_39 = tpu.memref_slice %arg8[%dma_start3A_37, %dma_start3A_38] : memref<1280x128xf32, #tpu.memory_space<vmem_shared>> -> memref<1280x128xf32, #tpu.memory_space<vmem_shared>>
        tpu.enqueue_indirect_dma source(%arg11 : memref<64x128xf32, #tpu.memory_space<vmem>>) target(%dma_start3A_39 : memref<1280x128xf32, #tpu.memory_space<vmem_shared>>) offsets(%dma_start3A_36 : memref<64xi32, #tpu.memory_space<vmem>>) semaphore(%run_scoped3A_34 : memref<!tpu.dma_semaphore, #tpu.memory_space<semaphore_mem>>) {add = true}
        %dma_wait3A = arith.constant 0 : i32
        %dma_wait3A_40 = tpu.memref_slice %arg10[%run_scoped3A_32, %dma_wait3A] : memref<1x64xi32, #tpu.memory_space<vmem>> -> memref<1x64xi32, #tpu.memory_space<vmem>>
        %dma_wait3A_41 = tpu.memref_squeeze %dma_wait3A_40 : memref<1x64xi32, #tpu.memory_space<vmem>> -> memref<64xi32, #tpu.memory_space<vmem>>
        %dma_wait3A_42 = arith.constant 0 : i32
        %dma_wait3A_43 = arith.constant 0 : i32
        %dma_wait3A_44 = tpu.memref_slice %arg8[%dma_wait3A_42, %dma_wait3A_43] : memref<1280x128xf32, #tpu.memory_space<vmem_shared>> -> memref<1280x128xf32, #tpu.memory_space<vmem_shared>>
        tpu.wait_indirect_dma semaphore(%run_scoped3A_34 : memref<!tpu.dma_semaphore, #tpu.memory_space<semaphore_mem>>) src(%arg11 : memref<64x128xf32, #tpu.memory_space<vmem>>) dst(%dma_wait3A_44 : memref<1280x128xf32, #tpu.memory_space<vmem_shared>>)
        tpu.yield
      }) : () -> ()
      %run_scoped3A_33 = arith.constant 0 : i32
      "tpu.region"() ({
        %run_scoped3A_34 = tpu.sem_alloc : memref<!tpu.dma_semaphore, #tpu.memory_space<semaphore_mem>>
        %dma_start3A = arith.constant 0 : i32
        %dma_start3A_35 = tpu.memref_slice %arg10[%run_scoped3A_33, %dma_start3A] : memref<1x64xi32, #tpu.memory_space<vmem>> -> memref<1x64xi32, #tpu.memory_space<vmem>>
        %dma_start3A_36 = tpu.memref_squeeze %dma_start3A_35 : memref<1x64xi32, #tpu.memory_space<vmem>> -> memref<64xi32, #tpu.memory_space<vmem>>
        %dma_start3A_37 = arith.constant 0 : i32
        %dma_start3A_38 = arith.constant 0 : i32
        %dma_start3A_39 = tpu.memref_slice %arg9[%dma_start3A_37, %dma_start3A_38] : memref<1280x128xf32, #tpu.memory_space<vmem_shared>> -> memref<1280x128xf32, #tpu.memory_space<vmem_shared>>
        tpu.enqueue_indirect_dma source(%arg12 : memref<64x128xf32, #tpu.memory_space<vmem>>) target(%dma_start3A_39 : memref<1280x128xf32, #tpu.memory_space<vmem_shared>>) offsets(%dma_start3A_36 : memref<64xi32, #tpu.memory_space<vmem>>) semaphore(%run_scoped3A_34 : memref<!tpu.dma_semaphore, #tpu.memory_space<semaphore_mem>>) {add = true}
        %dma_wait3A = arith.constant 0 : i32
        %dma_wait3A_40 = tpu.memref_slice %arg10[%run_scoped3A_33, %dma_wait3A] : memref<1x64xi32, #tpu.memory_space<vmem>> -> memref<1x64xi32, #tpu.memory_space<vmem>>
        %dma_wait3A_41 = tpu.memref_squeeze %dma_wait3A_40 : memref<1x64xi32, #tpu.memory_space<vmem>> -> memref<64xi32, #tpu.memory_space<vmem>>
        %dma_wait3A_42 = arith.constant 0 : i32
        %dma_wait3A_43 = arith.constant 0 : i32
        %dma_wait3A_44 = tpu.memref_slice %arg9[%dma_wait3A_42, %dma_wait3A_43] : memref<1280x128xf32, #tpu.memory_space<vmem_shared>> -> memref<1280x128xf32, #tpu.memory_space<vmem_shared>>
        tpu.wait_indirect_dma semaphore(%run_scoped3A_34 : memref<!tpu.dma_semaphore, #tpu.memory_space<semaphore_mem>>) src(%arg12 : memref<64x128xf32, #tpu.memory_space<vmem>>) dst(%dma_wait3A_44 : memref<1280x128xf32, #tpu.memory_space<vmem_shared>>)
        tpu.yield
      }) : () -> ()
    }
    %scan3A_14 = arith.constant 5 : i32
    %barrier3A_15 = arith.constant 0 : index
    tpu.barrier barrier_id(%barrier3A_15)
    %mul3A_16 = arith.constant 80 : i32
    %mul3A_17 = arith.muli %arg1, %mul3A_16 : i32
    %mul3A_18 = arith.constant 80 : i32
    %mul3A_19 = arith.muli %arg1, %mul3A_18 : i32
    "tpu.region"() ({
      %run_scoped3A = tpu.sem_alloc : memref<!tpu.dma_semaphore, #tpu.memory_space<semaphore_mem>>
      %dma_start3A = arith.constant 0 : i32
      %dma_start3A_24 = tpu.memref_slice %arg6[%arg0, %mul3A_19, %dma_start3A] : memref<2x1280x128xf32, #tpu.memory_space<hbm>> -> memref<1x80x128xf32, #tpu.memory_space<hbm>>
      %dma_start3A_25 = tpu.memref_squeeze %dma_start3A_24 : memref<1x80x128xf32, #tpu.memory_space<hbm>> -> memref<80x128xf32, #tpu.memory_space<hbm>>
      %dma_start3A_26 = arith.constant 0 : i32
      %dma_start3A_27 = tpu.memref_slice %arg8[%mul3A_17, %dma_start3A_26] : memref<1280x128xf32, #tpu.memory_space<vmem_shared>> -> memref<80x128xf32, #tpu.memory_space<vmem_shared>>
      tpu.enqueue_dma source(%dma_start3A_27 : memref<80x128xf32, #tpu.memory_space<vmem_shared>>) target(%dma_start3A_25 : memref<80x128xf32, #tpu.memory_space<hbm>>) target_semaphore(%run_scoped3A : memref<!tpu.dma_semaphore, #tpu.memory_space<semaphore_mem>>)
      %dma_wait3A = arith.constant 0 : i32
      %dma_wait3A_28 = tpu.memref_slice %arg6[%arg0, %mul3A_19, %dma_wait3A] : memref<2x1280x128xf32, #tpu.memory_space<hbm>> -> memref<1x80x128xf32, #tpu.memory_space<hbm>>
      %dma_wait3A_29 = tpu.memref_squeeze %dma_wait3A_28 : memref<1x80x128xf32, #tpu.memory_space<hbm>> -> memref<80x128xf32, #tpu.memory_space<hbm>>
      %dma_wait3A_30 = arith.constant 0 : i32
      %dma_wait3A_31 = tpu.memref_slice %arg8[%mul3A_17, %dma_wait3A_30] : memref<1280x128xf32, #tpu.memory_space<vmem_shared>> -> memref<80x128xf32, #tpu.memory_space<vmem_shared>>
      tpu.wait_dma2 semaphore(%run_scoped3A : memref<!tpu.dma_semaphore, #tpu.memory_space<semaphore_mem>>) src(%dma_wait3A_31 : memref<80x128xf32, #tpu.memory_space<vmem_shared>>) dst(%dma_wait3A_29 : memref<80x128xf32, #tpu.memory_space<hbm>>)
      tpu.yield
    }) : () -> ()
    %mul3A_20 = arith.constant 80 : i32
    %mul3A_21 = arith.muli %arg1, %mul3A_20 : i32
    %mul3A_22 = arith.constant 80 : i32
    %mul3A_23 = arith.muli %arg1, %mul3A_22 : i32
    "tpu.region"() ({
      %run_scoped3A = tpu.sem_alloc : memref<!tpu.dma_semaphore, #tpu.memory_space<semaphore_mem>>
      %dma_start3A = arith.constant 0 : i32
      %dma_start3A_24 = tpu.memref_slice %arg7[%arg0, %mul3A_23, %dma_start3A] : memref<2x1280x128xf32, #tpu.memory_space<hbm>> -> memref<1x80x128xf32, #tpu.memory_space<hbm>>
      %dma_start3A_25 = tpu.memref_squeeze %dma_start3A_24 : memref<1x80x128xf32, #tpu.memory_space<hbm>> -> memref<80x128xf32, #tpu.memory_space<hbm>>
      %dma_start3A_26 = arith.constant 0 : i32
      %dma_start3A_27 = tpu.memref_slice %arg9[%mul3A_21, %dma_start3A_26] : memref<1280x128xf32, #tpu.memory_space<vmem_shared>> -> memref<80x128xf32, #tpu.memory_space<vmem_shared>>
      tpu.enqueue_dma source(%dma_start3A_27 : memref<80x128xf32, #tpu.memory_space<vmem_shared>>) target(%dma_start3A_25 : memref<80x128xf32, #tpu.memory_space<hbm>>) target_semaphore(%run_scoped3A : memref<!tpu.dma_semaphore, #tpu.memory_space<semaphore_mem>>)
      %dma_wait3A = arith.constant 0 : i32
      %dma_wait3A_28 = tpu.memref_slice %arg7[%arg0, %mul3A_23, %dma_wait3A] : memref<2x1280x128xf32, #tpu.memory_space<hbm>> -> memref<1x80x128xf32, #tpu.memory_space<hbm>>
      %dma_wait3A_29 = tpu.memref_squeeze %dma_wait3A_28 : memref<1x80x128xf32, #tpu.memory_space<hbm>> -> memref<80x128xf32, #tpu.memory_space<hbm>>
      %dma_wait3A_30 = arith.constant 0 : i32
      %dma_wait3A_31 = tpu.memref_slice %arg9[%mul3A_21, %dma_wait3A_30] : memref<1280x128xf32, #tpu.memory_space<vmem_shared>> -> memref<80x128xf32, #tpu.memory_space<vmem_shared>>
      tpu.wait_dma2 semaphore(%run_scoped3A : memref<!tpu.dma_semaphore, #tpu.memory_space<semaphore_mem>>) src(%dma_wait3A_31 : memref<80x128xf32, #tpu.memory_space<vmem_shared>>) dst(%dma_wait3A_29 : memref<80x128xf32, #tpu.memory_space<hbm>>)
      tpu.yield
    }) : () -> ()
    return
  }
}

#map = affine_map<(d0, d1) -> (0, 0)>
#map1 = affine_map<(d0, d1) -> (0)>
#map2 = affine_map<(d0, d1) -> (0, 0, 0)>
module attributes {stable_mosaic.version = 14 : i64} {
  func.func @agg(%arg0: i32, %arg1: i32, %arg2: memref<8960x128xf32, #tpu.memory_space<hbm>>, %arg3: memref<81920xi32, #tpu.memory_space<hbm>>, %arg4: memref<1280x128xf32, #tpu.memory_space<hbm>>, %arg5: memref<2x1280x128xf32, #tpu.memory_space<hbm>>, %arg6: memref<1280x128xf32, #tpu.memory_space<vmem_shared>>, %arg7: memref<256xi32, #tpu.memory_space<vmem>>, %arg8: memref<256xi32, #tpu.memory_space<vmem>>, %arg9: memref<128x128xf32, #tpu.memory_space<vmem>>, %arg10: memref<128x128xf32, #tpu.memory_space<vmem>>, %arg11: memref<!tpu.dma_semaphore, #tpu.memory_space<semaphore_mem>>, %arg12: memref<!tpu.dma_semaphore, #tpu.memory_space<semaphore_mem>>) attributes {dimension_semantics = [#tpu.dimension_semantics<core_parallel>, #tpu.dimension_semantics<subcore_parallel>], iteration_bounds = array<i64: 2, 16>, scalar_prefetch = 0 : i64, scratch_operands = 7 : i64, tpu.core_type = #tpu.core_type<sc_vector_subcore>, window_params = [{transform_indices = #map}, {transform_indices = #map1}, {transform_indices = #map}, {transform_indices = #map2}]} {
    %mul3A = arith.constant 2 : i32
    %mul3A_0 = arith.muli %arg1, %mul3A : i32
    %add3A = arith.addi %mul3A_0, %arg0 : i32
    %mul3A_1 = arith.constant 80 : i32
    %mul3A_2 = arith.muli %arg1, %mul3A_1 : i32
    %mul3A_3 = arith.constant 80 : i32
    %mul3A_4 = arith.muli %arg1, %mul3A_3 : i32
    "tpu.region"() ({
      %run_scoped3A = tpu.sem_alloc : memref<!tpu.dma_semaphore, #tpu.memory_space<semaphore_mem>>
      %dma_start3A = arith.constant 0 : i32
      %dma_start3A_18 = tpu.memref_slice %arg6[%mul3A_4, %dma_start3A] : memref<1280x128xf32, #tpu.memory_space<vmem_shared>> -> memref<80x128xf32, #tpu.memory_space<vmem_shared>>
      %dma_start3A_19 = arith.constant 0 : i32
      %dma_start3A_20 = tpu.memref_slice %arg4[%mul3A_2, %dma_start3A_19] : memref<1280x128xf32, #tpu.memory_space<hbm>> -> memref<80x128xf32, #tpu.memory_space<hbm>>
      tpu.enqueue_dma source(%dma_start3A_20 : memref<80x128xf32, #tpu.memory_space<hbm>>) target(%dma_start3A_18 : memref<80x128xf32, #tpu.memory_space<vmem_shared>>) target_semaphore(%run_scoped3A : memref<!tpu.dma_semaphore, #tpu.memory_space<semaphore_mem>>)
      %dma_wait3A = arith.constant 0 : i32
      %dma_wait3A_21 = tpu.memref_slice %arg6[%mul3A_4, %dma_wait3A] : memref<1280x128xf32, #tpu.memory_space<vmem_shared>> -> memref<80x128xf32, #tpu.memory_space<vmem_shared>>
      %dma_wait3A_22 = arith.constant 0 : i32
      %dma_wait3A_23 = tpu.memref_slice %arg4[%mul3A_2, %dma_wait3A_22] : memref<1280x128xf32, #tpu.memory_space<hbm>> -> memref<80x128xf32, #tpu.memory_space<hbm>>
      tpu.wait_dma2 semaphore(%run_scoped3A : memref<!tpu.dma_semaphore, #tpu.memory_space<semaphore_mem>>) src(%dma_wait3A_23 : memref<80x128xf32, #tpu.memory_space<hbm>>) dst(%dma_wait3A_21 : memref<80x128xf32, #tpu.memory_space<vmem_shared>>)
      tpu.yield
    }) : () -> ()
    %barrier3A = arith.constant 0 : index
    tpu.barrier barrier_id(%barrier3A)
    %mul3A_5 = arith.constant 1280 : i32
    %mul3A_6 = arith.muli %add3A, %mul3A_5 : i32
    %mul3A_7 = arith.constant 2 : i32
    %mul3A_8 = arith.muli %mul3A_6, %mul3A_7 : i32
    %scan3A = arith.constant 0 : i32
    %scan3A_9 = arith.constant 5 : i32
    %scan3A_10 = arith.addi %scan3A, %scan3A_9 : i32
    %scan3A_11 = arith.constant 1 : i32
    scf.for %scan3A_18 = %scan3A to %scan3A_10 step %scan3A_11  : i32 {
      %mul3A_19 = arith.constant 2 : i32
      %mul3A_20 = arith.muli %scan3A_18, %mul3A_19 : i32
      %add3A_21 = arith.constant 0 : i32
      %add3A_22 = arith.addi %add3A_21, %mul3A_20 : i32
      %mul3A_23 = arith.constant 2 : i32
      %mul3A_24 = arith.muli %add3A_22, %mul3A_23 : i32
      %mul3A_25 = arith.constant 128 : i32
      %mul3A_26 = arith.muli %mul3A_24, %mul3A_25 : i32
      %add3A_27 = arith.addi %mul3A_8, %mul3A_26 : i32
      "tpu.region"() ({
        %run_scoped3A = tpu.sem_alloc : memref<!tpu.dma_semaphore, #tpu.memory_space<semaphore_mem>>
        %dma_start3A_48 = tpu.memref_slice %arg3[%add3A_27] : memref<81920xi32, #tpu.memory_space<hbm>> -> memref<256xi32, #tpu.memory_space<hbm>>
        %dma_start3A_49 = tpu.memref_slice %arg3[%add3A_27] : memref<81920xi32, #tpu.memory_space<hbm>> -> memref<256xi32, #tpu.memory_space<hbm>>
        tpu.enqueue_dma source(%dma_start3A_49 : memref<256xi32, #tpu.memory_space<hbm>>) target(%arg7 : memref<256xi32, #tpu.memory_space<vmem>>) target_semaphore(%run_scoped3A : memref<!tpu.dma_semaphore, #tpu.memory_space<semaphore_mem>>)
        %dma_wait3A_50 = tpu.memref_slice %arg3[%add3A_27] : memref<81920xi32, #tpu.memory_space<hbm>> -> memref<256xi32, #tpu.memory_space<hbm>>
        %dma_wait3A_51 = tpu.memref_slice %arg3[%add3A_27] : memref<81920xi32, #tpu.memory_space<hbm>> -> memref<256xi32, #tpu.memory_space<hbm>>
        tpu.wait_dma2 semaphore(%run_scoped3A : memref<!tpu.dma_semaphore, #tpu.memory_space<semaphore_mem>>) src(%dma_wait3A_51 : memref<256xi32, #tpu.memory_space<hbm>>) dst(%arg7 : memref<256xi32, #tpu.memory_space<vmem>>)
        tpu.yield
      }) : () -> ()
      %dma_start3A = arith.constant 0 : i32
      %dma_start3A_28 = tpu.memref_slice %arg7[%dma_start3A] : memref<256xi32, #tpu.memory_space<vmem>> -> memref<128xi32, #tpu.memory_space<vmem>>
      %dma_start3A_29 = arith.constant 0 : i32
      %dma_start3A_30 = arith.constant 0 : i32
      %dma_start3A_31 = tpu.memref_slice %arg2[%dma_start3A_29, %dma_start3A_30] : memref<8960x128xf32, #tpu.memory_space<hbm>> -> memref<8960x128xf32, #tpu.memory_space<hbm>>
      tpu.enqueue_indirect_dma source(%dma_start3A_31 : memref<8960x128xf32, #tpu.memory_space<hbm>>) target(%arg9 : memref<128x128xf32, #tpu.memory_space<vmem>>) offsets(%dma_start3A_28 : memref<128xi32, #tpu.memory_space<vmem>>) semaphore(%arg11 : memref<!tpu.dma_semaphore, #tpu.memory_space<semaphore_mem>>)
      %add3A_32 = arith.constant 256 : i32
      %add3A_33 = arith.addi %add3A_27, %add3A_32 : i32
      "tpu.region"() ({
        %run_scoped3A = tpu.sem_alloc : memref<!tpu.dma_semaphore, #tpu.memory_space<semaphore_mem>>
        %dma_start3A_48 = tpu.memref_slice %arg3[%add3A_33] : memref<81920xi32, #tpu.memory_space<hbm>> -> memref<256xi32, #tpu.memory_space<hbm>>
        %dma_start3A_49 = tpu.memref_slice %arg3[%add3A_33] : memref<81920xi32, #tpu.memory_space<hbm>> -> memref<256xi32, #tpu.memory_space<hbm>>
        tpu.enqueue_dma source(%dma_start3A_49 : memref<256xi32, #tpu.memory_space<hbm>>) target(%arg8 : memref<256xi32, #tpu.memory_space<vmem>>) target_semaphore(%run_scoped3A : memref<!tpu.dma_semaphore, #tpu.memory_space<semaphore_mem>>)
        %dma_wait3A_50 = tpu.memref_slice %arg3[%add3A_33] : memref<81920xi32, #tpu.memory_space<hbm>> -> memref<256xi32, #tpu.memory_space<hbm>>
        %dma_wait3A_51 = tpu.memref_slice %arg3[%add3A_33] : memref<81920xi32, #tpu.memory_space<hbm>> -> memref<256xi32, #tpu.memory_space<hbm>>
        tpu.wait_dma2 semaphore(%run_scoped3A : memref<!tpu.dma_semaphore, #tpu.memory_space<semaphore_mem>>) src(%dma_wait3A_51 : memref<256xi32, #tpu.memory_space<hbm>>) dst(%arg8 : memref<256xi32, #tpu.memory_space<vmem>>)
        tpu.yield
      }) : () -> ()
      %dma_start3A_34 = arith.constant 0 : i32
      %dma_start3A_35 = tpu.memref_slice %arg8[%dma_start3A_34] : memref<256xi32, #tpu.memory_space<vmem>> -> memref<128xi32, #tpu.memory_space<vmem>>
      %dma_start3A_36 = arith.constant 0 : i32
      %dma_start3A_37 = arith.constant 0 : i32
      %dma_start3A_38 = tpu.memref_slice %arg2[%dma_start3A_36, %dma_start3A_37] : memref<8960x128xf32, #tpu.memory_space<hbm>> -> memref<8960x128xf32, #tpu.memory_space<hbm>>
      tpu.enqueue_indirect_dma source(%dma_start3A_38 : memref<8960x128xf32, #tpu.memory_space<hbm>>) target(%arg10 : memref<128x128xf32, #tpu.memory_space<vmem>>) offsets(%dma_start3A_35 : memref<128xi32, #tpu.memory_space<vmem>>) semaphore(%arg12 : memref<!tpu.dma_semaphore, #tpu.memory_space<semaphore_mem>>)
      %dma_wait3A = arith.constant 0 : i32
      %dma_wait3A_39 = tpu.memref_slice %arg7[%dma_wait3A] : memref<256xi32, #tpu.memory_space<vmem>> -> memref<128xi32, #tpu.memory_space<vmem>>
      %dma_wait3A_40 = arith.constant 0 : i32
      %dma_wait3A_41 = arith.constant 0 : i32
      %dma_wait3A_42 = tpu.memref_slice %arg2[%dma_wait3A_40, %dma_wait3A_41] : memref<8960x128xf32, #tpu.memory_space<hbm>> -> memref<8960x128xf32, #tpu.memory_space<hbm>>
      tpu.wait_indirect_dma semaphore(%arg11 : memref<!tpu.dma_semaphore, #tpu.memory_space<semaphore_mem>>) src(%dma_wait3A_42 : memref<8960x128xf32, #tpu.memory_space<hbm>>) dst(%arg9 : memref<128x128xf32, #tpu.memory_space<vmem>>)
      "tpu.region"() ({
        %run_scoped3A = tpu.sem_alloc : memref<!tpu.dma_semaphore, #tpu.memory_space<semaphore_mem>>
        %dma_start3A_48 = arith.constant 128 : i32
        %dma_start3A_49 = tpu.memref_slice %arg7[%dma_start3A_48] : memref<256xi32, #tpu.memory_space<vmem>> -> memref<128xi32, #tpu.memory_space<vmem>>
        %dma_start3A_50 = arith.constant 0 : i32
        %dma_start3A_51 = arith.constant 0 : i32
        %dma_start3A_52 = tpu.memref_slice %arg6[%dma_start3A_50, %dma_start3A_51] : memref<1280x128xf32, #tpu.memory_space<vmem_shared>> -> memref<1280x128xf32, #tpu.memory_space<vmem_shared>>
        tpu.enqueue_indirect_dma source(%arg9 : memref<128x128xf32, #tpu.memory_space<vmem>>) target(%dma_start3A_52 : memref<1280x128xf32, #tpu.memory_space<vmem_shared>>) offsets(%dma_start3A_49 : memref<128xi32, #tpu.memory_space<vmem>>) semaphore(%run_scoped3A : memref<!tpu.dma_semaphore, #tpu.memory_space<semaphore_mem>>) {add = true}
        %dma_wait3A_53 = arith.constant 128 : i32
        %dma_wait3A_54 = tpu.memref_slice %arg7[%dma_wait3A_53] : memref<256xi32, #tpu.memory_space<vmem>> -> memref<128xi32, #tpu.memory_space<vmem>>
        %dma_wait3A_55 = arith.constant 0 : i32
        %dma_wait3A_56 = arith.constant 0 : i32
        %dma_wait3A_57 = tpu.memref_slice %arg6[%dma_wait3A_55, %dma_wait3A_56] : memref<1280x128xf32, #tpu.memory_space<vmem_shared>> -> memref<1280x128xf32, #tpu.memory_space<vmem_shared>>
        tpu.wait_indirect_dma semaphore(%run_scoped3A : memref<!tpu.dma_semaphore, #tpu.memory_space<semaphore_mem>>) src(%arg9 : memref<128x128xf32, #tpu.memory_space<vmem>>) dst(%dma_wait3A_57 : memref<1280x128xf32, #tpu.memory_space<vmem_shared>>)
        tpu.yield
      }) : () -> ()
      %dma_wait3A_43 = arith.constant 0 : i32
      %dma_wait3A_44 = tpu.memref_slice %arg8[%dma_wait3A_43] : memref<256xi32, #tpu.memory_space<vmem>> -> memref<128xi32, #tpu.memory_space<vmem>>
      %dma_wait3A_45 = arith.constant 0 : i32
      %dma_wait3A_46 = arith.constant 0 : i32
      %dma_wait3A_47 = tpu.memref_slice %arg2[%dma_wait3A_45, %dma_wait3A_46] : memref<8960x128xf32, #tpu.memory_space<hbm>> -> memref<8960x128xf32, #tpu.memory_space<hbm>>
      tpu.wait_indirect_dma semaphore(%arg12 : memref<!tpu.dma_semaphore, #tpu.memory_space<semaphore_mem>>) src(%dma_wait3A_47 : memref<8960x128xf32, #tpu.memory_space<hbm>>) dst(%arg10 : memref<128x128xf32, #tpu.memory_space<vmem>>)
      "tpu.region"() ({
        %run_scoped3A = tpu.sem_alloc : memref<!tpu.dma_semaphore, #tpu.memory_space<semaphore_mem>>
        %dma_start3A_48 = arith.constant 128 : i32
        %dma_start3A_49 = tpu.memref_slice %arg8[%dma_start3A_48] : memref<256xi32, #tpu.memory_space<vmem>> -> memref<128xi32, #tpu.memory_space<vmem>>
        %dma_start3A_50 = arith.constant 0 : i32
        %dma_start3A_51 = arith.constant 0 : i32
        %dma_start3A_52 = tpu.memref_slice %arg6[%dma_start3A_50, %dma_start3A_51] : memref<1280x128xf32, #tpu.memory_space<vmem_shared>> -> memref<1280x128xf32, #tpu.memory_space<vmem_shared>>
        tpu.enqueue_indirect_dma source(%arg10 : memref<128x128xf32, #tpu.memory_space<vmem>>) target(%dma_start3A_52 : memref<1280x128xf32, #tpu.memory_space<vmem_shared>>) offsets(%dma_start3A_49 : memref<128xi32, #tpu.memory_space<vmem>>) semaphore(%run_scoped3A : memref<!tpu.dma_semaphore, #tpu.memory_space<semaphore_mem>>) {add = true}
        %dma_wait3A_53 = arith.constant 128 : i32
        %dma_wait3A_54 = tpu.memref_slice %arg8[%dma_wait3A_53] : memref<256xi32, #tpu.memory_space<vmem>> -> memref<128xi32, #tpu.memory_space<vmem>>
        %dma_wait3A_55 = arith.constant 0 : i32
        %dma_wait3A_56 = arith.constant 0 : i32
        %dma_wait3A_57 = tpu.memref_slice %arg6[%dma_wait3A_55, %dma_wait3A_56] : memref<1280x128xf32, #tpu.memory_space<vmem_shared>> -> memref<1280x128xf32, #tpu.memory_space<vmem_shared>>
        tpu.wait_indirect_dma semaphore(%run_scoped3A : memref<!tpu.dma_semaphore, #tpu.memory_space<semaphore_mem>>) src(%arg10 : memref<128x128xf32, #tpu.memory_space<vmem>>) dst(%dma_wait3A_57 : memref<1280x128xf32, #tpu.memory_space<vmem_shared>>)
        tpu.yield
      }) : () -> ()
    }
    %scan3A_12 = arith.constant 5 : i32
    %barrier3A_13 = arith.constant 0 : index
    tpu.barrier barrier_id(%barrier3A_13)
    %mul3A_14 = arith.constant 80 : i32
    %mul3A_15 = arith.muli %arg1, %mul3A_14 : i32
    %mul3A_16 = arith.constant 80 : i32
    %mul3A_17 = arith.muli %arg1, %mul3A_16 : i32
    "tpu.region"() ({
      %run_scoped3A = tpu.sem_alloc : memref<!tpu.dma_semaphore, #tpu.memory_space<semaphore_mem>>
      %dma_start3A = arith.constant 0 : i32
      %dma_start3A_18 = tpu.memref_slice %arg5[%arg0, %mul3A_17, %dma_start3A] : memref<2x1280x128xf32, #tpu.memory_space<hbm>> -> memref<1x80x128xf32, #tpu.memory_space<hbm>>
      %dma_start3A_19 = tpu.memref_squeeze %dma_start3A_18 : memref<1x80x128xf32, #tpu.memory_space<hbm>> -> memref<80x128xf32, #tpu.memory_space<hbm>>
      %dma_start3A_20 = arith.constant 0 : i32
      %dma_start3A_21 = tpu.memref_slice %arg6[%mul3A_15, %dma_start3A_20] : memref<1280x128xf32, #tpu.memory_space<vmem_shared>> -> memref<80x128xf32, #tpu.memory_space<vmem_shared>>
      tpu.enqueue_dma source(%dma_start3A_21 : memref<80x128xf32, #tpu.memory_space<vmem_shared>>) target(%dma_start3A_19 : memref<80x128xf32, #tpu.memory_space<hbm>>) target_semaphore(%run_scoped3A : memref<!tpu.dma_semaphore, #tpu.memory_space<semaphore_mem>>)
      %dma_wait3A = arith.constant 0 : i32
      %dma_wait3A_22 = tpu.memref_slice %arg5[%arg0, %mul3A_17, %dma_wait3A] : memref<2x1280x128xf32, #tpu.memory_space<hbm>> -> memref<1x80x128xf32, #tpu.memory_space<hbm>>
      %dma_wait3A_23 = tpu.memref_squeeze %dma_wait3A_22 : memref<1x80x128xf32, #tpu.memory_space<hbm>> -> memref<80x128xf32, #tpu.memory_space<hbm>>
      %dma_wait3A_24 = arith.constant 0 : i32
      %dma_wait3A_25 = tpu.memref_slice %arg6[%mul3A_15, %dma_wait3A_24] : memref<1280x128xf32, #tpu.memory_space<vmem_shared>> -> memref<80x128xf32, #tpu.memory_space<vmem_shared>>
      tpu.wait_dma2 semaphore(%run_scoped3A : memref<!tpu.dma_semaphore, #tpu.memory_space<semaphore_mem>>) src(%dma_wait3A_25 : memref<80x128xf32, #tpu.memory_space<vmem_shared>>) dst(%dma_wait3A_23 : memref<80x128xf32, #tpu.memory_space<hbm>>)
      tpu.yield
    }) : () -> ()
    return
  }
}

#map = affine_map<(d0, d1) -> (0, 0)>
#map1 = affine_map<(d0, d1) -> (0)>
#map2 = affine_map<(d0, d1) -> (0, 0, 0)>
module attributes {stable_mosaic.version = 14 : i64} {
  func.func @agg(%arg0: i32, %arg1: i32, %arg2: memref<8960x128xf32, #tpu.memory_space<hbm>>, %arg3: memref<81920xi32, #tpu.memory_space<hbm>>, %arg4: memref<1280x128xf32, #tpu.memory_space<hbm>>, %arg5: memref<2x1280x128xf32, #tpu.memory_space<hbm>>, %arg6: memref<1280x128xf32, #tpu.memory_space<vmem_shared>>, %arg7: memref<256xi32, #tpu.memory_space<vmem>>, %arg8: memref<256xi32, #tpu.memory_space<vmem>>, %arg9: memref<128x128xf32, #tpu.memory_space<vmem>>, %arg10: memref<128x128xf32, #tpu.memory_space<vmem>>, %arg11: memref<!tpu.dma_semaphore, #tpu.memory_space<semaphore_mem>>, %arg12: memref<!tpu.dma_semaphore, #tpu.memory_space<semaphore_mem>>) attributes {dimension_semantics = [#tpu.dimension_semantics<core_parallel>, #tpu.dimension_semantics<subcore_parallel>], iteration_bounds = array<i64: 2, 16>, scalar_prefetch = 0 : i64, scratch_operands = 7 : i64, tpu.core_type = #tpu.core_type<sc_vector_subcore>, window_params = [{transform_indices = #map}, {transform_indices = #map1}, {transform_indices = #map}, {transform_indices = #map2}]} {
    %mul3A = arith.constant 2 : i32
    %mul3A_0 = arith.muli %arg1, %mul3A : i32
    %add3A = arith.addi %mul3A_0, %arg0 : i32
    %mul3A_1 = arith.constant 80 : i32
    %mul3A_2 = arith.muli %arg1, %mul3A_1 : i32
    %mul3A_3 = arith.constant 80 : i32
    %mul3A_4 = arith.muli %arg1, %mul3A_3 : i32
    "tpu.region"() ({
      %run_scoped3A = tpu.sem_alloc : memref<!tpu.dma_semaphore, #tpu.memory_space<semaphore_mem>>
      %dma_start3A = arith.constant 0 : i32
      %dma_start3A_18 = tpu.memref_slice %arg6[%mul3A_4, %dma_start3A] : memref<1280x128xf32, #tpu.memory_space<vmem_shared>> -> memref<80x128xf32, #tpu.memory_space<vmem_shared>>
      %dma_start3A_19 = arith.constant 0 : i32
      %dma_start3A_20 = tpu.memref_slice %arg4[%mul3A_2, %dma_start3A_19] : memref<1280x128xf32, #tpu.memory_space<hbm>> -> memref<80x128xf32, #tpu.memory_space<hbm>>
      tpu.enqueue_dma source(%dma_start3A_20 : memref<80x128xf32, #tpu.memory_space<hbm>>) target(%dma_start3A_18 : memref<80x128xf32, #tpu.memory_space<vmem_shared>>) target_semaphore(%run_scoped3A : memref<!tpu.dma_semaphore, #tpu.memory_space<semaphore_mem>>)
      %dma_wait3A = arith.constant 0 : i32
      %dma_wait3A_21 = tpu.memref_slice %arg6[%mul3A_4, %dma_wait3A] : memref<1280x128xf32, #tpu.memory_space<vmem_shared>> -> memref<80x128xf32, #tpu.memory_space<vmem_shared>>
      %dma_wait3A_22 = arith.constant 0 : i32
      %dma_wait3A_23 = tpu.memref_slice %arg4[%mul3A_2, %dma_wait3A_22] : memref<1280x128xf32, #tpu.memory_space<hbm>> -> memref<80x128xf32, #tpu.memory_space<hbm>>
      tpu.wait_dma2 semaphore(%run_scoped3A : memref<!tpu.dma_semaphore, #tpu.memory_space<semaphore_mem>>) src(%dma_wait3A_23 : memref<80x128xf32, #tpu.memory_space<hbm>>) dst(%dma_wait3A_21 : memref<80x128xf32, #tpu.memory_space<vmem_shared>>)
      tpu.yield
    }) : () -> ()
    %barrier3A = arith.constant 0 : index
    tpu.barrier barrier_id(%barrier3A)
    %mul3A_5 = arith.constant 1280 : i32
    %mul3A_6 = arith.muli %add3A, %mul3A_5 : i32
    %mul3A_7 = arith.constant 2 : i32
    %mul3A_8 = arith.muli %mul3A_6, %mul3A_7 : i32
    %scan3A = arith.constant 0 : i32
    %scan3A_9 = arith.constant 5 : i32
    %scan3A_10 = arith.addi %scan3A, %scan3A_9 : i32
    %scan3A_11 = arith.constant 1 : i32
    scf.for %scan3A_18 = %scan3A to %scan3A_10 step %scan3A_11  : i32 {
      %mul3A_19 = arith.constant 2 : i32
      %mul3A_20 = arith.muli %scan3A_18, %mul3A_19 : i32
      %add3A_21 = arith.constant 0 : i32
      %add3A_22 = arith.addi %add3A_21, %mul3A_20 : i32
      %mul3A_23 = arith.constant 2 : i32
      %mul3A_24 = arith.muli %add3A_22, %mul3A_23 : i32
      %mul3A_25 = arith.constant 128 : i32
      %mul3A_26 = arith.muli %mul3A_24, %mul3A_25 : i32
      %add3A_27 = arith.addi %mul3A_8, %mul3A_26 : i32
      "tpu.region"() ({
        %run_scoped3A = tpu.sem_alloc : memref<!tpu.dma_semaphore, #tpu.memory_space<semaphore_mem>>
        %dma_start3A_48 = tpu.memref_slice %arg3[%add3A_27] : memref<81920xi32, #tpu.memory_space<hbm>> -> memref<256xi32, #tpu.memory_space<hbm>>
        %dma_start3A_49 = tpu.memref_slice %arg3[%add3A_27] : memref<81920xi32, #tpu.memory_space<hbm>> -> memref<256xi32, #tpu.memory_space<hbm>>
        tpu.enqueue_dma source(%dma_start3A_49 : memref<256xi32, #tpu.memory_space<hbm>>) target(%arg7 : memref<256xi32, #tpu.memory_space<vmem>>) target_semaphore(%run_scoped3A : memref<!tpu.dma_semaphore, #tpu.memory_space<semaphore_mem>>)
        %dma_wait3A_50 = tpu.memref_slice %arg3[%add3A_27] : memref<81920xi32, #tpu.memory_space<hbm>> -> memref<256xi32, #tpu.memory_space<hbm>>
        %dma_wait3A_51 = tpu.memref_slice %arg3[%add3A_27] : memref<81920xi32, #tpu.memory_space<hbm>> -> memref<256xi32, #tpu.memory_space<hbm>>
        tpu.wait_dma2 semaphore(%run_scoped3A : memref<!tpu.dma_semaphore, #tpu.memory_space<semaphore_mem>>) src(%dma_wait3A_51 : memref<256xi32, #tpu.memory_space<hbm>>) dst(%arg7 : memref<256xi32, #tpu.memory_space<vmem>>)
        tpu.yield
      }) : () -> ()
      %dma_start3A = arith.constant 0 : i32
      %dma_start3A_28 = tpu.memref_slice %arg7[%dma_start3A] : memref<256xi32, #tpu.memory_space<vmem>> -> memref<128xi32, #tpu.memory_space<vmem>>
      %dma_start3A_29 = arith.constant 0 : i32
      %dma_start3A_30 = arith.constant 0 : i32
      %dma_start3A_31 = tpu.memref_slice %arg2[%dma_start3A_29, %dma_start3A_30] : memref<8960x128xf32, #tpu.memory_space<hbm>> -> memref<8960x128xf32, #tpu.memory_space<hbm>>
      tpu.enqueue_indirect_dma source(%dma_start3A_31 : memref<8960x128xf32, #tpu.memory_space<hbm>>) target(%arg9 : memref<128x128xf32, #tpu.memory_space<vmem>>) offsets(%dma_start3A_28 : memref<128xi32, #tpu.memory_space<vmem>>) semaphore(%arg11 : memref<!tpu.dma_semaphore, #tpu.memory_space<semaphore_mem>>)
      %add3A_32 = arith.constant 256 : i32
      %add3A_33 = arith.addi %add3A_27, %add3A_32 : i32
      "tpu.region"() ({
        %run_scoped3A = tpu.sem_alloc : memref<!tpu.dma_semaphore, #tpu.memory_space<semaphore_mem>>
        %dma_start3A_48 = tpu.memref_slice %arg3[%add3A_33] : memref<81920xi32, #tpu.memory_space<hbm>> -> memref<256xi32, #tpu.memory_space<hbm>>
        %dma_start3A_49 = tpu.memref_slice %arg3[%add3A_33] : memref<81920xi32, #tpu.memory_space<hbm>> -> memref<256xi32, #tpu.memory_space<hbm>>
        tpu.enqueue_dma source(%dma_start3A_49 : memref<256xi32, #tpu.memory_space<hbm>>) target(%arg8 : memref<256xi32, #tpu.memory_space<vmem>>) target_semaphore(%run_scoped3A : memref<!tpu.dma_semaphore, #tpu.memory_space<semaphore_mem>>)
        %dma_wait3A_50 = tpu.memref_slice %arg3[%add3A_33] : memref<81920xi32, #tpu.memory_space<hbm>> -> memref<256xi32, #tpu.memory_space<hbm>>
        %dma_wait3A_51 = tpu.memref_slice %arg3[%add3A_33] : memref<81920xi32, #tpu.memory_space<hbm>> -> memref<256xi32, #tpu.memory_space<hbm>>
        tpu.wait_dma2 semaphore(%run_scoped3A : memref<!tpu.dma_semaphore, #tpu.memory_space<semaphore_mem>>) src(%dma_wait3A_51 : memref<256xi32, #tpu.memory_space<hbm>>) dst(%arg8 : memref<256xi32, #tpu.memory_space<vmem>>)
        tpu.yield
      }) : () -> ()
      %dma_start3A_34 = arith.constant 0 : i32
      %dma_start3A_35 = tpu.memref_slice %arg8[%dma_start3A_34] : memref<256xi32, #tpu.memory_space<vmem>> -> memref<128xi32, #tpu.memory_space<vmem>>
      %dma_start3A_36 = arith.constant 0 : i32
      %dma_start3A_37 = arith.constant 0 : i32
      %dma_start3A_38 = tpu.memref_slice %arg2[%dma_start3A_36, %dma_start3A_37] : memref<8960x128xf32, #tpu.memory_space<hbm>> -> memref<8960x128xf32, #tpu.memory_space<hbm>>
      tpu.enqueue_indirect_dma source(%dma_start3A_38 : memref<8960x128xf32, #tpu.memory_space<hbm>>) target(%arg10 : memref<128x128xf32, #tpu.memory_space<vmem>>) offsets(%dma_start3A_35 : memref<128xi32, #tpu.memory_space<vmem>>) semaphore(%arg12 : memref<!tpu.dma_semaphore, #tpu.memory_space<semaphore_mem>>)
      %dma_wait3A = arith.constant 0 : i32
      %dma_wait3A_39 = tpu.memref_slice %arg7[%dma_wait3A] : memref<256xi32, #tpu.memory_space<vmem>> -> memref<128xi32, #tpu.memory_space<vmem>>
      %dma_wait3A_40 = arith.constant 0 : i32
      %dma_wait3A_41 = arith.constant 0 : i32
      %dma_wait3A_42 = tpu.memref_slice %arg2[%dma_wait3A_40, %dma_wait3A_41] : memref<8960x128xf32, #tpu.memory_space<hbm>> -> memref<8960x128xf32, #tpu.memory_space<hbm>>
      tpu.wait_indirect_dma semaphore(%arg11 : memref<!tpu.dma_semaphore, #tpu.memory_space<semaphore_mem>>) src(%dma_wait3A_42 : memref<8960x128xf32, #tpu.memory_space<hbm>>) dst(%arg9 : memref<128x128xf32, #tpu.memory_space<vmem>>)
      "tpu.region"() ({
        %run_scoped3A = tpu.sem_alloc : memref<!tpu.dma_semaphore, #tpu.memory_space<semaphore_mem>>
        %dma_start3A_48 = arith.constant 128 : i32
        %dma_start3A_49 = tpu.memref_slice %arg7[%dma_start3A_48] : memref<256xi32, #tpu.memory_space<vmem>> -> memref<128xi32, #tpu.memory_space<vmem>>
        %dma_start3A_50 = arith.constant 0 : i32
        %dma_start3A_51 = arith.constant 0 : i32
        %dma_start3A_52 = tpu.memref_slice %arg6[%dma_start3A_50, %dma_start3A_51] : memref<1280x128xf32, #tpu.memory_space<vmem_shared>> -> memref<1280x128xf32, #tpu.memory_space<vmem_shared>>
        tpu.enqueue_indirect_dma source(%arg9 : memref<128x128xf32, #tpu.memory_space<vmem>>) target(%dma_start3A_52 : memref<1280x128xf32, #tpu.memory_space<vmem_shared>>) offsets(%dma_start3A_49 : memref<128xi32, #tpu.memory_space<vmem>>) semaphore(%run_scoped3A : memref<!tpu.dma_semaphore, #tpu.memory_space<semaphore_mem>>) {add = true}
        %dma_wait3A_53 = arith.constant 128 : i32
        %dma_wait3A_54 = tpu.memref_slice %arg7[%dma_wait3A_53] : memref<256xi32, #tpu.memory_space<vmem>> -> memref<128xi32, #tpu.memory_space<vmem>>
        %dma_wait3A_55 = arith.constant 0 : i32
        %dma_wait3A_56 = arith.constant 0 : i32
        %dma_wait3A_57 = tpu.memref_slice %arg6[%dma_wait3A_55, %dma_wait3A_56] : memref<1280x128xf32, #tpu.memory_space<vmem_shared>> -> memref<1280x128xf32, #tpu.memory_space<vmem_shared>>
        tpu.wait_indirect_dma semaphore(%run_scoped3A : memref<!tpu.dma_semaphore, #tpu.memory_space<semaphore_mem>>) src(%arg9 : memref<128x128xf32, #tpu.memory_space<vmem>>) dst(%dma_wait3A_57 : memref<1280x128xf32, #tpu.memory_space<vmem_shared>>)
        tpu.yield
      }) : () -> ()
      %dma_wait3A_43 = arith.constant 0 : i32
      %dma_wait3A_44 = tpu.memref_slice %arg8[%dma_wait3A_43] : memref<256xi32, #tpu.memory_space<vmem>> -> memref<128xi32, #tpu.memory_space<vmem>>
      %dma_wait3A_45 = arith.constant 0 : i32
      %dma_wait3A_46 = arith.constant 0 : i32
      %dma_wait3A_47 = tpu.memref_slice %arg2[%dma_wait3A_45, %dma_wait3A_46] : memref<8960x128xf32, #tpu.memory_space<hbm>> -> memref<8960x128xf32, #tpu.memory_space<hbm>>
      tpu.wait_indirect_dma semaphore(%arg12 : memref<!tpu.dma_semaphore, #tpu.memory_space<semaphore_mem>>) src(%dma_wait3A_47 : memref<8960x128xf32, #tpu.memory_space<hbm>>) dst(%arg10 : memref<128x128xf32, #tpu.memory_space<vmem>>)
      "tpu.region"() ({
        %run_scoped3A = tpu.sem_alloc : memref<!tpu.dma_semaphore, #tpu.memory_space<semaphore_mem>>
        %dma_start3A_48 = arith.constant 128 : i32
        %dma_start3A_49 = tpu.memref_slice %arg8[%dma_start3A_48] : memref<256xi32, #tpu.memory_space<vmem>> -> memref<128xi32, #tpu.memory_space<vmem>>
        %dma_start3A_50 = arith.constant 0 : i32
        %dma_start3A_51 = arith.constant 0 : i32
        %dma_start3A_52 = tpu.memref_slice %arg6[%dma_start3A_50, %dma_start3A_51] : memref<1280x128xf32, #tpu.memory_space<vmem_shared>> -> memref<1280x128xf32, #tpu.memory_space<vmem_shared>>
        tpu.enqueue_indirect_dma source(%arg10 : memref<128x128xf32, #tpu.memory_space<vmem>>) target(%dma_start3A_52 : memref<1280x128xf32, #tpu.memory_space<vmem_shared>>) offsets(%dma_start3A_49 : memref<128xi32, #tpu.memory_space<vmem>>) semaphore(%run_scoped3A : memref<!tpu.dma_semaphore, #tpu.memory_space<semaphore_mem>>) {add = true}
        %dma_wait3A_53 = arith.constant 128 : i32
        %dma_wait3A_54 = tpu.memref_slice %arg8[%dma_wait3A_53] : memref<256xi32, #tpu.memory_space<vmem>> -> memref<128xi32, #tpu.memory_space<vmem>>
        %dma_wait3A_55 = arith.constant 0 : i32
        %dma_wait3A_56 = arith.constant 0 : i32
        %dma_wait3A_57 = tpu.memref_slice %arg6[%dma_wait3A_55, %dma_wait3A_56] : memref<1280x128xf32, #tpu.memory_space<vmem_shared>> -> memref<1280x128xf32, #tpu.memory_space<vmem_shared>>
        tpu.wait_indirect_dma semaphore(%run_scoped3A : memref<!tpu.dma_semaphore, #tpu.memory_space<semaphore_mem>>) src(%arg10 : memref<128x128xf32, #tpu.memory_space<vmem>>) dst(%dma_wait3A_57 : memref<1280x128xf32, #tpu.memory_space<vmem_shared>>)
        tpu.yield
      }) : () -> ()
    }
    %scan3A_12 = arith.constant 5 : i32
    %barrier3A_13 = arith.constant 0 : index
    tpu.barrier barrier_id(%barrier3A_13)
    %mul3A_14 = arith.constant 80 : i32
    %mul3A_15 = arith.muli %arg1, %mul3A_14 : i32
    %mul3A_16 = arith.constant 80 : i32
    %mul3A_17 = arith.muli %arg1, %mul3A_16 : i32
    "tpu.region"() ({
      %run_scoped3A = tpu.sem_alloc : memref<!tpu.dma_semaphore, #tpu.memory_space<semaphore_mem>>
      %dma_start3A = arith.constant 0 : i32
      %dma_start3A_18 = tpu.memref_slice %arg5[%arg0, %mul3A_17, %dma_start3A] : memref<2x1280x128xf32, #tpu.memory_space<hbm>> -> memref<1x80x128xf32, #tpu.memory_space<hbm>>
      %dma_start3A_19 = tpu.memref_squeeze %dma_start3A_18 : memref<1x80x128xf32, #tpu.memory_space<hbm>> -> memref<80x128xf32, #tpu.memory_space<hbm>>
      %dma_start3A_20 = arith.constant 0 : i32
      %dma_start3A_21 = tpu.memref_slice %arg6[%mul3A_15, %dma_start3A_20] : memref<1280x128xf32, #tpu.memory_space<vmem_shared>> -> memref<80x128xf32, #tpu.memory_space<vmem_shared>>
      tpu.enqueue_dma source(%dma_start3A_21 : memref<80x128xf32, #tpu.memory_space<vmem_shared>>) target(%dma_start3A_19 : memref<80x128xf32, #tpu.memory_space<hbm>>) target_semaphore(%run_scoped3A : memref<!tpu.dma_semaphore, #tpu.memory_space<semaphore_mem>>)
      %dma_wait3A = arith.constant 0 : i32
      %dma_wait3A_22 = tpu.memref_slice %arg5[%arg0, %mul3A_17, %dma_wait3A] : memref<2x1280x128xf32, #tpu.memory_space<hbm>> -> memref<1x80x128xf32, #tpu.memory_space<hbm>>
      %dma_wait3A_23 = tpu.memref_squeeze %dma_wait3A_22 : memref<1x80x128xf32, #tpu.memory_space<hbm>> -> memref<80x128xf32, #tpu.memory_space<hbm>>
      %dma_wait3A_24 = arith.constant 0 : i32
      %dma_wait3A_25 = tpu.memref_slice %arg6[%mul3A_15, %dma_wait3A_24] : memref<1280x128xf32, #tpu.memory_space<vmem_shared>> -> memref<80x128xf32, #tpu.memory_space<vmem_shared>>
      tpu.wait_dma2 semaphore(%run_scoped3A : memref<!tpu.dma_semaphore, #tpu.memory_space<semaphore_mem>>) src(%dma_wait3A_25 : memref<80x128xf32, #tpu.memory_space<vmem_shared>>) dst(%dma_wait3A_23 : memref<80x128xf32, #tpu.memory_space<hbm>>)
      tpu.yield
    }) : () -> ()
    return
  }
}

#map = affine_map<(d0, d1) -> (0, 0)>
#map1 = affine_map<(d0, d1) -> (0)>
#map2 = affine_map<(d0, d1) -> (0, 0, 0)>
module attributes {stable_mosaic.version = 14 : i64} {
  func.func @agg(%arg0: i32, %arg1: i32, %arg2: memref<8960x128xf32, #tpu.memory_space<hbm>>, %arg3: memref<81920xi32, #tpu.memory_space<hbm>>, %arg4: memref<1280x128xf32, #tpu.memory_space<hbm>>, %arg5: memref<2x1280x128xf32, #tpu.memory_space<hbm>>, %arg6: memref<1280x128xf32, #tpu.memory_space<vmem_shared>>, %arg7: memref<256xi32, #tpu.memory_space<vmem>>, %arg8: memref<256xi32, #tpu.memory_space<vmem>>, %arg9: memref<128x128xf32, #tpu.memory_space<vmem>>, %arg10: memref<128x128xf32, #tpu.memory_space<vmem>>, %arg11: memref<!tpu.dma_semaphore, #tpu.memory_space<semaphore_mem>>, %arg12: memref<!tpu.dma_semaphore, #tpu.memory_space<semaphore_mem>>) attributes {dimension_semantics = [#tpu.dimension_semantics<core_parallel>, #tpu.dimension_semantics<subcore_parallel>], iteration_bounds = array<i64: 2, 16>, scalar_prefetch = 0 : i64, scratch_operands = 7 : i64, tpu.core_type = #tpu.core_type<sc_vector_subcore>, window_params = [{transform_indices = #map}, {transform_indices = #map1}, {transform_indices = #map}, {transform_indices = #map2}]} {
    %mul3A = arith.constant 2 : i32
    %mul3A_0 = arith.muli %arg1, %mul3A : i32
    %add3A = arith.addi %mul3A_0, %arg0 : i32
    %mul3A_1 = arith.constant 80 : i32
    %mul3A_2 = arith.muli %arg1, %mul3A_1 : i32
    %mul3A_3 = arith.constant 80 : i32
    %mul3A_4 = arith.muli %arg1, %mul3A_3 : i32
    "tpu.region"() ({
      %run_scoped3A = tpu.sem_alloc : memref<!tpu.dma_semaphore, #tpu.memory_space<semaphore_mem>>
      %dma_start3A = arith.constant 0 : i32
      %dma_start3A_18 = tpu.memref_slice %arg6[%mul3A_4, %dma_start3A] : memref<1280x128xf32, #tpu.memory_space<vmem_shared>> -> memref<80x128xf32, #tpu.memory_space<vmem_shared>>
      %dma_start3A_19 = arith.constant 0 : i32
      %dma_start3A_20 = tpu.memref_slice %arg4[%mul3A_2, %dma_start3A_19] : memref<1280x128xf32, #tpu.memory_space<hbm>> -> memref<80x128xf32, #tpu.memory_space<hbm>>
      tpu.enqueue_dma source(%dma_start3A_20 : memref<80x128xf32, #tpu.memory_space<hbm>>) target(%dma_start3A_18 : memref<80x128xf32, #tpu.memory_space<vmem_shared>>) target_semaphore(%run_scoped3A : memref<!tpu.dma_semaphore, #tpu.memory_space<semaphore_mem>>)
      %dma_wait3A = arith.constant 0 : i32
      %dma_wait3A_21 = tpu.memref_slice %arg6[%mul3A_4, %dma_wait3A] : memref<1280x128xf32, #tpu.memory_space<vmem_shared>> -> memref<80x128xf32, #tpu.memory_space<vmem_shared>>
      %dma_wait3A_22 = arith.constant 0 : i32
      %dma_wait3A_23 = tpu.memref_slice %arg4[%mul3A_2, %dma_wait3A_22] : memref<1280x128xf32, #tpu.memory_space<hbm>> -> memref<80x128xf32, #tpu.memory_space<hbm>>
      tpu.wait_dma2 semaphore(%run_scoped3A : memref<!tpu.dma_semaphore, #tpu.memory_space<semaphore_mem>>) src(%dma_wait3A_23 : memref<80x128xf32, #tpu.memory_space<hbm>>) dst(%dma_wait3A_21 : memref<80x128xf32, #tpu.memory_space<vmem_shared>>)
      tpu.yield
    }) : () -> ()
    %barrier3A = arith.constant 0 : index
    tpu.barrier barrier_id(%barrier3A)
    %mul3A_5 = arith.constant 1280 : i32
    %mul3A_6 = arith.muli %add3A, %mul3A_5 : i32
    %mul3A_7 = arith.constant 2 : i32
    %mul3A_8 = arith.muli %mul3A_6, %mul3A_7 : i32
    %scan3A = arith.constant 0 : i32
    %scan3A_9 = arith.constant 5 : i32
    %scan3A_10 = arith.addi %scan3A, %scan3A_9 : i32
    %scan3A_11 = arith.constant 1 : i32
    scf.for %scan3A_18 = %scan3A to %scan3A_10 step %scan3A_11  : i32 {
      %mul3A_19 = arith.constant 2 : i32
      %mul3A_20 = arith.muli %scan3A_18, %mul3A_19 : i32
      %add3A_21 = arith.constant 0 : i32
      %add3A_22 = arith.addi %add3A_21, %mul3A_20 : i32
      %mul3A_23 = arith.constant 2 : i32
      %mul3A_24 = arith.muli %add3A_22, %mul3A_23 : i32
      %mul3A_25 = arith.constant 128 : i32
      %mul3A_26 = arith.muli %mul3A_24, %mul3A_25 : i32
      %add3A_27 = arith.addi %mul3A_8, %mul3A_26 : i32
      "tpu.region"() ({
        %run_scoped3A = tpu.sem_alloc : memref<!tpu.dma_semaphore, #tpu.memory_space<semaphore_mem>>
        %dma_start3A_48 = tpu.memref_slice %arg3[%add3A_27] : memref<81920xi32, #tpu.memory_space<hbm>> -> memref<256xi32, #tpu.memory_space<hbm>>
        %dma_start3A_49 = tpu.memref_slice %arg3[%add3A_27] : memref<81920xi32, #tpu.memory_space<hbm>> -> memref<256xi32, #tpu.memory_space<hbm>>
        tpu.enqueue_dma source(%dma_start3A_49 : memref<256xi32, #tpu.memory_space<hbm>>) target(%arg7 : memref<256xi32, #tpu.memory_space<vmem>>) target_semaphore(%run_scoped3A : memref<!tpu.dma_semaphore, #tpu.memory_space<semaphore_mem>>)
        %dma_wait3A_50 = tpu.memref_slice %arg3[%add3A_27] : memref<81920xi32, #tpu.memory_space<hbm>> -> memref<256xi32, #tpu.memory_space<hbm>>
        %dma_wait3A_51 = tpu.memref_slice %arg3[%add3A_27] : memref<81920xi32, #tpu.memory_space<hbm>> -> memref<256xi32, #tpu.memory_space<hbm>>
        tpu.wait_dma2 semaphore(%run_scoped3A : memref<!tpu.dma_semaphore, #tpu.memory_space<semaphore_mem>>) src(%dma_wait3A_51 : memref<256xi32, #tpu.memory_space<hbm>>) dst(%arg7 : memref<256xi32, #tpu.memory_space<vmem>>)
        tpu.yield
      }) : () -> ()
      %dma_start3A = arith.constant 0 : i32
      %dma_start3A_28 = tpu.memref_slice %arg7[%dma_start3A] : memref<256xi32, #tpu.memory_space<vmem>> -> memref<128xi32, #tpu.memory_space<vmem>>
      %dma_start3A_29 = arith.constant 0 : i32
      %dma_start3A_30 = arith.constant 0 : i32
      %dma_start3A_31 = tpu.memref_slice %arg2[%dma_start3A_29, %dma_start3A_30] : memref<8960x128xf32, #tpu.memory_space<hbm>> -> memref<8960x128xf32, #tpu.memory_space<hbm>>
      tpu.enqueue_indirect_dma source(%dma_start3A_31 : memref<8960x128xf32, #tpu.memory_space<hbm>>) target(%arg9 : memref<128x128xf32, #tpu.memory_space<vmem>>) offsets(%dma_start3A_28 : memref<128xi32, #tpu.memory_space<vmem>>) semaphore(%arg11 : memref<!tpu.dma_semaphore, #tpu.memory_space<semaphore_mem>>)
      %add3A_32 = arith.constant 256 : i32
      %add3A_33 = arith.addi %add3A_27, %add3A_32 : i32
      "tpu.region"() ({
        %run_scoped3A = tpu.sem_alloc : memref<!tpu.dma_semaphore, #tpu.memory_space<semaphore_mem>>
        %dma_start3A_48 = tpu.memref_slice %arg3[%add3A_33] : memref<81920xi32, #tpu.memory_space<hbm>> -> memref<256xi32, #tpu.memory_space<hbm>>
        %dma_start3A_49 = tpu.memref_slice %arg3[%add3A_33] : memref<81920xi32, #tpu.memory_space<hbm>> -> memref<256xi32, #tpu.memory_space<hbm>>
        tpu.enqueue_dma source(%dma_start3A_49 : memref<256xi32, #tpu.memory_space<hbm>>) target(%arg8 : memref<256xi32, #tpu.memory_space<vmem>>) target_semaphore(%run_scoped3A : memref<!tpu.dma_semaphore, #tpu.memory_space<semaphore_mem>>)
        %dma_wait3A_50 = tpu.memref_slice %arg3[%add3A_33] : memref<81920xi32, #tpu.memory_space<hbm>> -> memref<256xi32, #tpu.memory_space<hbm>>
        %dma_wait3A_51 = tpu.memref_slice %arg3[%add3A_33] : memref<81920xi32, #tpu.memory_space<hbm>> -> memref<256xi32, #tpu.memory_space<hbm>>
        tpu.wait_dma2 semaphore(%run_scoped3A : memref<!tpu.dma_semaphore, #tpu.memory_space<semaphore_mem>>) src(%dma_wait3A_51 : memref<256xi32, #tpu.memory_space<hbm>>) dst(%arg8 : memref<256xi32, #tpu.memory_space<vmem>>)
        tpu.yield
      }) : () -> ()
      %dma_start3A_34 = arith.constant 0 : i32
      %dma_start3A_35 = tpu.memref_slice %arg8[%dma_start3A_34] : memref<256xi32, #tpu.memory_space<vmem>> -> memref<128xi32, #tpu.memory_space<vmem>>
      %dma_start3A_36 = arith.constant 0 : i32
      %dma_start3A_37 = arith.constant 0 : i32
      %dma_start3A_38 = tpu.memref_slice %arg2[%dma_start3A_36, %dma_start3A_37] : memref<8960x128xf32, #tpu.memory_space<hbm>> -> memref<8960x128xf32, #tpu.memory_space<hbm>>
      tpu.enqueue_indirect_dma source(%dma_start3A_38 : memref<8960x128xf32, #tpu.memory_space<hbm>>) target(%arg10 : memref<128x128xf32, #tpu.memory_space<vmem>>) offsets(%dma_start3A_35 : memref<128xi32, #tpu.memory_space<vmem>>) semaphore(%arg12 : memref<!tpu.dma_semaphore, #tpu.memory_space<semaphore_mem>>)
      %dma_wait3A = arith.constant 0 : i32
      %dma_wait3A_39 = tpu.memref_slice %arg7[%dma_wait3A] : memref<256xi32, #tpu.memory_space<vmem>> -> memref<128xi32, #tpu.memory_space<vmem>>
      %dma_wait3A_40 = arith.constant 0 : i32
      %dma_wait3A_41 = arith.constant 0 : i32
      %dma_wait3A_42 = tpu.memref_slice %arg2[%dma_wait3A_40, %dma_wait3A_41] : memref<8960x128xf32, #tpu.memory_space<hbm>> -> memref<8960x128xf32, #tpu.memory_space<hbm>>
      tpu.wait_indirect_dma semaphore(%arg11 : memref<!tpu.dma_semaphore, #tpu.memory_space<semaphore_mem>>) src(%dma_wait3A_42 : memref<8960x128xf32, #tpu.memory_space<hbm>>) dst(%arg9 : memref<128x128xf32, #tpu.memory_space<vmem>>)
      "tpu.region"() ({
        %run_scoped3A = tpu.sem_alloc : memref<!tpu.dma_semaphore, #tpu.memory_space<semaphore_mem>>
        %dma_start3A_48 = arith.constant 128 : i32
        %dma_start3A_49 = tpu.memref_slice %arg7[%dma_start3A_48] : memref<256xi32, #tpu.memory_space<vmem>> -> memref<128xi32, #tpu.memory_space<vmem>>
        %dma_start3A_50 = arith.constant 0 : i32
        %dma_start3A_51 = arith.constant 0 : i32
        %dma_start3A_52 = tpu.memref_slice %arg6[%dma_start3A_50, %dma_start3A_51] : memref<1280x128xf32, #tpu.memory_space<vmem_shared>> -> memref<1280x128xf32, #tpu.memory_space<vmem_shared>>
        tpu.enqueue_indirect_dma source(%arg9 : memref<128x128xf32, #tpu.memory_space<vmem>>) target(%dma_start3A_52 : memref<1280x128xf32, #tpu.memory_space<vmem_shared>>) offsets(%dma_start3A_49 : memref<128xi32, #tpu.memory_space<vmem>>) semaphore(%run_scoped3A : memref<!tpu.dma_semaphore, #tpu.memory_space<semaphore_mem>>) {add = true}
        %dma_wait3A_53 = arith.constant 128 : i32
        %dma_wait3A_54 = tpu.memref_slice %arg7[%dma_wait3A_53] : memref<256xi32, #tpu.memory_space<vmem>> -> memref<128xi32, #tpu.memory_space<vmem>>
        %dma_wait3A_55 = arith.constant 0 : i32
        %dma_wait3A_56 = arith.constant 0 : i32
        %dma_wait3A_57 = tpu.memref_slice %arg6[%dma_wait3A_55, %dma_wait3A_56] : memref<1280x128xf32, #tpu.memory_space<vmem_shared>> -> memref<1280x128xf32, #tpu.memory_space<vmem_shared>>
        tpu.wait_indirect_dma semaphore(%run_scoped3A : memref<!tpu.dma_semaphore, #tpu.memory_space<semaphore_mem>>) src(%arg9 : memref<128x128xf32, #tpu.memory_space<vmem>>) dst(%dma_wait3A_57 : memref<1280x128xf32, #tpu.memory_space<vmem_shared>>)
        tpu.yield
      }) : () -> ()
      %dma_wait3A_43 = arith.constant 0 : i32
      %dma_wait3A_44 = tpu.memref_slice %arg8[%dma_wait3A_43] : memref<256xi32, #tpu.memory_space<vmem>> -> memref<128xi32, #tpu.memory_space<vmem>>
      %dma_wait3A_45 = arith.constant 0 : i32
      %dma_wait3A_46 = arith.constant 0 : i32
      %dma_wait3A_47 = tpu.memref_slice %arg2[%dma_wait3A_45, %dma_wait3A_46] : memref<8960x128xf32, #tpu.memory_space<hbm>> -> memref<8960x128xf32, #tpu.memory_space<hbm>>
      tpu.wait_indirect_dma semaphore(%arg12 : memref<!tpu.dma_semaphore, #tpu.memory_space<semaphore_mem>>) src(%dma_wait3A_47 : memref<8960x128xf32, #tpu.memory_space<hbm>>) dst(%arg10 : memref<128x128xf32, #tpu.memory_space<vmem>>)
      "tpu.region"() ({
        %run_scoped3A = tpu.sem_alloc : memref<!tpu.dma_semaphore, #tpu.memory_space<semaphore_mem>>
        %dma_start3A_48 = arith.constant 128 : i32
        %dma_start3A_49 = tpu.memref_slice %arg8[%dma_start3A_48] : memref<256xi32, #tpu.memory_space<vmem>> -> memref<128xi32, #tpu.memory_space<vmem>>
        %dma_start3A_50 = arith.constant 0 : i32
        %dma_start3A_51 = arith.constant 0 : i32
        %dma_start3A_52 = tpu.memref_slice %arg6[%dma_start3A_50, %dma_start3A_51] : memref<1280x128xf32, #tpu.memory_space<vmem_shared>> -> memref<1280x128xf32, #tpu.memory_space<vmem_shared>>
        tpu.enqueue_indirect_dma source(%arg10 : memref<128x128xf32, #tpu.memory_space<vmem>>) target(%dma_start3A_52 : memref<1280x128xf32, #tpu.memory_space<vmem_shared>>) offsets(%dma_start3A_49 : memref<128xi32, #tpu.memory_space<vmem>>) semaphore(%run_scoped3A : memref<!tpu.dma_semaphore, #tpu.memory_space<semaphore_mem>>) {add = true}
        %dma_wait3A_53 = arith.constant 128 : i32
        %dma_wait3A_54 = tpu.memref_slice %arg8[%dma_wait3A_53] : memref<256xi32, #tpu.memory_space<vmem>> -> memref<128xi32, #tpu.memory_space<vmem>>
        %dma_wait3A_55 = arith.constant 0 : i32
        %dma_wait3A_56 = arith.constant 0 : i32
        %dma_wait3A_57 = tpu.memref_slice %arg6[%dma_wait3A_55, %dma_wait3A_56] : memref<1280x128xf32, #tpu.memory_space<vmem_shared>> -> memref<1280x128xf32, #tpu.memory_space<vmem_shared>>
        tpu.wait_indirect_dma semaphore(%run_scoped3A : memref<!tpu.dma_semaphore, #tpu.memory_space<semaphore_mem>>) src(%arg10 : memref<128x128xf32, #tpu.memory_space<vmem>>) dst(%dma_wait3A_57 : memref<1280x128xf32, #tpu.memory_space<vmem_shared>>)
        tpu.yield
      }) : () -> ()
    }
    %scan3A_12 = arith.constant 5 : i32
    %barrier3A_13 = arith.constant 0 : index
    tpu.barrier barrier_id(%barrier3A_13)
    %mul3A_14 = arith.constant 80 : i32
    %mul3A_15 = arith.muli %arg1, %mul3A_14 : i32
    %mul3A_16 = arith.constant 80 : i32
    %mul3A_17 = arith.muli %arg1, %mul3A_16 : i32
    "tpu.region"() ({
      %run_scoped3A = tpu.sem_alloc : memref<!tpu.dma_semaphore, #tpu.memory_space<semaphore_mem>>
      %dma_start3A = arith.constant 0 : i32
      %dma_start3A_18 = tpu.memref_slice %arg5[%arg0, %mul3A_17, %dma_start3A] : memref<2x1280x128xf32, #tpu.memory_space<hbm>> -> memref<1x80x128xf32, #tpu.memory_space<hbm>>
      %dma_start3A_19 = tpu.memref_squeeze %dma_start3A_18 : memref<1x80x128xf32, #tpu.memory_space<hbm>> -> memref<80x128xf32, #tpu.memory_space<hbm>>
      %dma_start3A_20 = arith.constant 0 : i32
      %dma_start3A_21 = tpu.memref_slice %arg6[%mul3A_15, %dma_start3A_20] : memref<1280x128xf32, #tpu.memory_space<vmem_shared>> -> memref<80x128xf32, #tpu.memory_space<vmem_shared>>
      tpu.enqueue_dma source(%dma_start3A_21 : memref<80x128xf32, #tpu.memory_space<vmem_shared>>) target(%dma_start3A_19 : memref<80x128xf32, #tpu.memory_space<hbm>>) target_semaphore(%run_scoped3A : memref<!tpu.dma_semaphore, #tpu.memory_space<semaphore_mem>>)
      %dma_wait3A = arith.constant 0 : i32
      %dma_wait3A_22 = tpu.memref_slice %arg5[%arg0, %mul3A_17, %dma_wait3A] : memref<2x1280x128xf32, #tpu.memory_space<hbm>> -> memref<1x80x128xf32, #tpu.memory_space<hbm>>
      %dma_wait3A_23 = tpu.memref_squeeze %dma_wait3A_22 : memref<1x80x128xf32, #tpu.memory_space<hbm>> -> memref<80x128xf32, #tpu.memory_space<hbm>>
      %dma_wait3A_24 = arith.constant 0 : i32
      %dma_wait3A_25 = tpu.memref_slice %arg6[%mul3A_15, %dma_wait3A_24] : memref<1280x128xf32, #tpu.memory_space<vmem_shared>> -> memref<80x128xf32, #tpu.memory_space<vmem_shared>>
      tpu.wait_dma2 semaphore(%run_scoped3A : memref<!tpu.dma_semaphore, #tpu.memory_space<semaphore_mem>>) src(%dma_wait3A_25 : memref<80x128xf32, #tpu.memory_space<vmem_shared>>) dst(%dma_wait3A_23 : memref<80x128xf32, #tpu.memory_space<hbm>>)
      tpu.yield
    }) : () -> ()
    return
  }
}

#map = affine_map<(d0, d1) -> (0, 0)>
#map1 = affine_map<(d0, d1) -> (0)>
#map2 = affine_map<(d0, d1) -> (0, 0, 0)>
module attributes {stable_mosaic.version = 14 : i64} {
  func.func @agg(%arg0: i32, %arg1: i32, %arg2: memref<8960x128xf32, #tpu.memory_space<hbm>>, %arg3: memref<81920xi32, #tpu.memory_space<hbm>>, %arg4: memref<1280x128xf32, #tpu.memory_space<hbm>>, %arg5: memref<2x1280x128xf32, #tpu.memory_space<hbm>>, %arg6: memref<1280x128xf32, #tpu.memory_space<vmem_shared>>, %arg7: memref<256xi32, #tpu.memory_space<vmem>>, %arg8: memref<256xi32, #tpu.memory_space<vmem>>, %arg9: memref<128x128xf32, #tpu.memory_space<vmem>>, %arg10: memref<128x128xf32, #tpu.memory_space<vmem>>, %arg11: memref<!tpu.dma_semaphore, #tpu.memory_space<semaphore_mem>>, %arg12: memref<!tpu.dma_semaphore, #tpu.memory_space<semaphore_mem>>) attributes {dimension_semantics = [#tpu.dimension_semantics<core_parallel>, #tpu.dimension_semantics<subcore_parallel>], iteration_bounds = array<i64: 2, 16>, scalar_prefetch = 0 : i64, scratch_operands = 7 : i64, tpu.core_type = #tpu.core_type<sc_vector_subcore>, window_params = [{transform_indices = #map}, {transform_indices = #map1}, {transform_indices = #map}, {transform_indices = #map2}]} {
    %mul3A = arith.constant 2 : i32
    %mul3A_0 = arith.muli %arg1, %mul3A : i32
    %add3A = arith.addi %mul3A_0, %arg0 : i32
    %mul3A_1 = arith.constant 80 : i32
    %mul3A_2 = arith.muli %arg1, %mul3A_1 : i32
    %mul3A_3 = arith.constant 80 : i32
    %mul3A_4 = arith.muli %arg1, %mul3A_3 : i32
    "tpu.region"() ({
      %run_scoped3A = tpu.sem_alloc : memref<!tpu.dma_semaphore, #tpu.memory_space<semaphore_mem>>
      %dma_start3A = arith.constant 0 : i32
      %dma_start3A_18 = tpu.memref_slice %arg6[%mul3A_4, %dma_start3A] : memref<1280x128xf32, #tpu.memory_space<vmem_shared>> -> memref<80x128xf32, #tpu.memory_space<vmem_shared>>
      %dma_start3A_19 = arith.constant 0 : i32
      %dma_start3A_20 = tpu.memref_slice %arg4[%mul3A_2, %dma_start3A_19] : memref<1280x128xf32, #tpu.memory_space<hbm>> -> memref<80x128xf32, #tpu.memory_space<hbm>>
      tpu.enqueue_dma source(%dma_start3A_20 : memref<80x128xf32, #tpu.memory_space<hbm>>) target(%dma_start3A_18 : memref<80x128xf32, #tpu.memory_space<vmem_shared>>) target_semaphore(%run_scoped3A : memref<!tpu.dma_semaphore, #tpu.memory_space<semaphore_mem>>)
      %dma_wait3A = arith.constant 0 : i32
      %dma_wait3A_21 = tpu.memref_slice %arg6[%mul3A_4, %dma_wait3A] : memref<1280x128xf32, #tpu.memory_space<vmem_shared>> -> memref<80x128xf32, #tpu.memory_space<vmem_shared>>
      %dma_wait3A_22 = arith.constant 0 : i32
      %dma_wait3A_23 = tpu.memref_slice %arg4[%mul3A_2, %dma_wait3A_22] : memref<1280x128xf32, #tpu.memory_space<hbm>> -> memref<80x128xf32, #tpu.memory_space<hbm>>
      tpu.wait_dma2 semaphore(%run_scoped3A : memref<!tpu.dma_semaphore, #tpu.memory_space<semaphore_mem>>) src(%dma_wait3A_23 : memref<80x128xf32, #tpu.memory_space<hbm>>) dst(%dma_wait3A_21 : memref<80x128xf32, #tpu.memory_space<vmem_shared>>)
      tpu.yield
    }) : () -> ()
    %barrier3A = arith.constant 0 : index
    tpu.barrier barrier_id(%barrier3A)
    %mul3A_5 = arith.constant 1280 : i32
    %mul3A_6 = arith.muli %add3A, %mul3A_5 : i32
    %mul3A_7 = arith.constant 2 : i32
    %mul3A_8 = arith.muli %mul3A_6, %mul3A_7 : i32
    %scan3A = arith.constant 0 : i32
    %scan3A_9 = arith.constant 5 : i32
    %scan3A_10 = arith.addi %scan3A, %scan3A_9 : i32
    %scan3A_11 = arith.constant 1 : i32
    scf.for %scan3A_18 = %scan3A to %scan3A_10 step %scan3A_11  : i32 {
      %mul3A_19 = arith.constant 2 : i32
      %mul3A_20 = arith.muli %scan3A_18, %mul3A_19 : i32
      %add3A_21 = arith.constant 0 : i32
      %add3A_22 = arith.addi %add3A_21, %mul3A_20 : i32
      %mul3A_23 = arith.constant 2 : i32
      %mul3A_24 = arith.muli %add3A_22, %mul3A_23 : i32
      %mul3A_25 = arith.constant 128 : i32
      %mul3A_26 = arith.muli %mul3A_24, %mul3A_25 : i32
      %add3A_27 = arith.addi %mul3A_8, %mul3A_26 : i32
      "tpu.region"() ({
        %run_scoped3A = tpu.sem_alloc : memref<!tpu.dma_semaphore, #tpu.memory_space<semaphore_mem>>
        %dma_start3A_48 = tpu.memref_slice %arg3[%add3A_27] : memref<81920xi32, #tpu.memory_space<hbm>> -> memref<256xi32, #tpu.memory_space<hbm>>
        %dma_start3A_49 = tpu.memref_slice %arg3[%add3A_27] : memref<81920xi32, #tpu.memory_space<hbm>> -> memref<256xi32, #tpu.memory_space<hbm>>
        tpu.enqueue_dma source(%dma_start3A_49 : memref<256xi32, #tpu.memory_space<hbm>>) target(%arg7 : memref<256xi32, #tpu.memory_space<vmem>>) target_semaphore(%run_scoped3A : memref<!tpu.dma_semaphore, #tpu.memory_space<semaphore_mem>>)
        %dma_wait3A_50 = tpu.memref_slice %arg3[%add3A_27] : memref<81920xi32, #tpu.memory_space<hbm>> -> memref<256xi32, #tpu.memory_space<hbm>>
        %dma_wait3A_51 = tpu.memref_slice %arg3[%add3A_27] : memref<81920xi32, #tpu.memory_space<hbm>> -> memref<256xi32, #tpu.memory_space<hbm>>
        tpu.wait_dma2 semaphore(%run_scoped3A : memref<!tpu.dma_semaphore, #tpu.memory_space<semaphore_mem>>) src(%dma_wait3A_51 : memref<256xi32, #tpu.memory_space<hbm>>) dst(%arg7 : memref<256xi32, #tpu.memory_space<vmem>>)
        tpu.yield
      }) : () -> ()
      %dma_start3A = arith.constant 0 : i32
      %dma_start3A_28 = tpu.memref_slice %arg7[%dma_start3A] : memref<256xi32, #tpu.memory_space<vmem>> -> memref<128xi32, #tpu.memory_space<vmem>>
      %dma_start3A_29 = arith.constant 0 : i32
      %dma_start3A_30 = arith.constant 0 : i32
      %dma_start3A_31 = tpu.memref_slice %arg2[%dma_start3A_29, %dma_start3A_30] : memref<8960x128xf32, #tpu.memory_space<hbm>> -> memref<8960x128xf32, #tpu.memory_space<hbm>>
      tpu.enqueue_indirect_dma source(%dma_start3A_31 : memref<8960x128xf32, #tpu.memory_space<hbm>>) target(%arg9 : memref<128x128xf32, #tpu.memory_space<vmem>>) offsets(%dma_start3A_28 : memref<128xi32, #tpu.memory_space<vmem>>) semaphore(%arg11 : memref<!tpu.dma_semaphore, #tpu.memory_space<semaphore_mem>>)
      %add3A_32 = arith.constant 256 : i32
      %add3A_33 = arith.addi %add3A_27, %add3A_32 : i32
      "tpu.region"() ({
        %run_scoped3A = tpu.sem_alloc : memref<!tpu.dma_semaphore, #tpu.memory_space<semaphore_mem>>
        %dma_start3A_48 = tpu.memref_slice %arg3[%add3A_33] : memref<81920xi32, #tpu.memory_space<hbm>> -> memref<256xi32, #tpu.memory_space<hbm>>
        %dma_start3A_49 = tpu.memref_slice %arg3[%add3A_33] : memref<81920xi32, #tpu.memory_space<hbm>> -> memref<256xi32, #tpu.memory_space<hbm>>
        tpu.enqueue_dma source(%dma_start3A_49 : memref<256xi32, #tpu.memory_space<hbm>>) target(%arg8 : memref<256xi32, #tpu.memory_space<vmem>>) target_semaphore(%run_scoped3A : memref<!tpu.dma_semaphore, #tpu.memory_space<semaphore_mem>>)
        %dma_wait3A_50 = tpu.memref_slice %arg3[%add3A_33] : memref<81920xi32, #tpu.memory_space<hbm>> -> memref<256xi32, #tpu.memory_space<hbm>>
        %dma_wait3A_51 = tpu.memref_slice %arg3[%add3A_33] : memref<81920xi32, #tpu.memory_space<hbm>> -> memref<256xi32, #tpu.memory_space<hbm>>
        tpu.wait_dma2 semaphore(%run_scoped3A : memref<!tpu.dma_semaphore, #tpu.memory_space<semaphore_mem>>) src(%dma_wait3A_51 : memref<256xi32, #tpu.memory_space<hbm>>) dst(%arg8 : memref<256xi32, #tpu.memory_space<vmem>>)
        tpu.yield
      }) : () -> ()
      %dma_start3A_34 = arith.constant 0 : i32
      %dma_start3A_35 = tpu.memref_slice %arg8[%dma_start3A_34] : memref<256xi32, #tpu.memory_space<vmem>> -> memref<128xi32, #tpu.memory_space<vmem>>
      %dma_start3A_36 = arith.constant 0 : i32
      %dma_start3A_37 = arith.constant 0 : i32
      %dma_start3A_38 = tpu.memref_slice %arg2[%dma_start3A_36, %dma_start3A_37] : memref<8960x128xf32, #tpu.memory_space<hbm>> -> memref<8960x128xf32, #tpu.memory_space<hbm>>
      tpu.enqueue_indirect_dma source(%dma_start3A_38 : memref<8960x128xf32, #tpu.memory_space<hbm>>) target(%arg10 : memref<128x128xf32, #tpu.memory_space<vmem>>) offsets(%dma_start3A_35 : memref<128xi32, #tpu.memory_space<vmem>>) semaphore(%arg12 : memref<!tpu.dma_semaphore, #tpu.memory_space<semaphore_mem>>)
      %dma_wait3A = arith.constant 0 : i32
      %dma_wait3A_39 = tpu.memref_slice %arg7[%dma_wait3A] : memref<256xi32, #tpu.memory_space<vmem>> -> memref<128xi32, #tpu.memory_space<vmem>>
      %dma_wait3A_40 = arith.constant 0 : i32
      %dma_wait3A_41 = arith.constant 0 : i32
      %dma_wait3A_42 = tpu.memref_slice %arg2[%dma_wait3A_40, %dma_wait3A_41] : memref<8960x128xf32, #tpu.memory_space<hbm>> -> memref<8960x128xf32, #tpu.memory_space<hbm>>
      tpu.wait_indirect_dma semaphore(%arg11 : memref<!tpu.dma_semaphore, #tpu.memory_space<semaphore_mem>>) src(%dma_wait3A_42 : memref<8960x128xf32, #tpu.memory_space<hbm>>) dst(%arg9 : memref<128x128xf32, #tpu.memory_space<vmem>>)
      "tpu.region"() ({
        %run_scoped3A = tpu.sem_alloc : memref<!tpu.dma_semaphore, #tpu.memory_space<semaphore_mem>>
        %dma_start3A_48 = arith.constant 128 : i32
        %dma_start3A_49 = tpu.memref_slice %arg7[%dma_start3A_48] : memref<256xi32, #tpu.memory_space<vmem>> -> memref<128xi32, #tpu.memory_space<vmem>>
        %dma_start3A_50 = arith.constant 0 : i32
        %dma_start3A_51 = arith.constant 0 : i32
        %dma_start3A_52 = tpu.memref_slice %arg6[%dma_start3A_50, %dma_start3A_51] : memref<1280x128xf32, #tpu.memory_space<vmem_shared>> -> memref<1280x128xf32, #tpu.memory_space<vmem_shared>>
        tpu.enqueue_indirect_dma source(%arg9 : memref<128x128xf32, #tpu.memory_space<vmem>>) target(%dma_start3A_52 : memref<1280x128xf32, #tpu.memory_space<vmem_shared>>) offsets(%dma_start3A_49 : memref<128xi32, #tpu.memory_space<vmem>>) semaphore(%run_scoped3A : memref<!tpu.dma_semaphore, #tpu.memory_space<semaphore_mem>>) {add = true}
        %dma_wait3A_53 = arith.constant 128 : i32
        %dma_wait3A_54 = tpu.memref_slice %arg7[%dma_wait3A_53] : memref<256xi32, #tpu.memory_space<vmem>> -> memref<128xi32, #tpu.memory_space<vmem>>
        %dma_wait3A_55 = arith.constant 0 : i32
        %dma_wait3A_56 = arith.constant 0 : i32
        %dma_wait3A_57 = tpu.memref_slice %arg6[%dma_wait3A_55, %dma_wait3A_56] : memref<1280x128xf32, #tpu.memory_space<vmem_shared>> -> memref<1280x128xf32, #tpu.memory_space<vmem_shared>>
        tpu.wait_indirect_dma semaphore(%run_scoped3A : memref<!tpu.dma_semaphore, #tpu.memory_space<semaphore_mem>>) src(%arg9 : memref<128x128xf32, #tpu.memory_space<vmem>>) dst(%dma_wait3A_57 : memref<1280x128xf32, #tpu.memory_space<vmem_shared>>)
        tpu.yield
      }) : () -> ()
      %dma_wait3A_43 = arith.constant 0 : i32
      %dma_wait3A_44 = tpu.memref_slice %arg8[%dma_wait3A_43] : memref<256xi32, #tpu.memory_space<vmem>> -> memref<128xi32, #tpu.memory_space<vmem>>
      %dma_wait3A_45 = arith.constant 0 : i32
      %dma_wait3A_46 = arith.constant 0 : i32
      %dma_wait3A_47 = tpu.memref_slice %arg2[%dma_wait3A_45, %dma_wait3A_46] : memref<8960x128xf32, #tpu.memory_space<hbm>> -> memref<8960x128xf32, #tpu.memory_space<hbm>>
      tpu.wait_indirect_dma semaphore(%arg12 : memref<!tpu.dma_semaphore, #tpu.memory_space<semaphore_mem>>) src(%dma_wait3A_47 : memref<8960x128xf32, #tpu.memory_space<hbm>>) dst(%arg10 : memref<128x128xf32, #tpu.memory_space<vmem>>)
      "tpu.region"() ({
        %run_scoped3A = tpu.sem_alloc : memref<!tpu.dma_semaphore, #tpu.memory_space<semaphore_mem>>
        %dma_start3A_48 = arith.constant 128 : i32
        %dma_start3A_49 = tpu.memref_slice %arg8[%dma_start3A_48] : memref<256xi32, #tpu.memory_space<vmem>> -> memref<128xi32, #tpu.memory_space<vmem>>
        %dma_start3A_50 = arith.constant 0 : i32
        %dma_start3A_51 = arith.constant 0 : i32
        %dma_start3A_52 = tpu.memref_slice %arg6[%dma_start3A_50, %dma_start3A_51] : memref<1280x128xf32, #tpu.memory_space<vmem_shared>> -> memref<1280x128xf32, #tpu.memory_space<vmem_shared>>
        tpu.enqueue_indirect_dma source(%arg10 : memref<128x128xf32, #tpu.memory_space<vmem>>) target(%dma_start3A_52 : memref<1280x128xf32, #tpu.memory_space<vmem_shared>>) offsets(%dma_start3A_49 : memref<128xi32, #tpu.memory_space<vmem>>) semaphore(%run_scoped3A : memref<!tpu.dma_semaphore, #tpu.memory_space<semaphore_mem>>) {add = true}
        %dma_wait3A_53 = arith.constant 128 : i32
        %dma_wait3A_54 = tpu.memref_slice %arg8[%dma_wait3A_53] : memref<256xi32, #tpu.memory_space<vmem>> -> memref<128xi32, #tpu.memory_space<vmem>>
        %dma_wait3A_55 = arith.constant 0 : i32
        %dma_wait3A_56 = arith.constant 0 : i32
        %dma_wait3A_57 = tpu.memref_slice %arg6[%dma_wait3A_55, %dma_wait3A_56] : memref<1280x128xf32, #tpu.memory_space<vmem_shared>> -> memref<1280x128xf32, #tpu.memory_space<vmem_shared>>
        tpu.wait_indirect_dma semaphore(%run_scoped3A : memref<!tpu.dma_semaphore, #tpu.memory_space<semaphore_mem>>) src(%arg10 : memref<128x128xf32, #tpu.memory_space<vmem>>) dst(%dma_wait3A_57 : memref<1280x128xf32, #tpu.memory_space<vmem_shared>>)
        tpu.yield
      }) : () -> ()
    }
    %scan3A_12 = arith.constant 5 : i32
    %barrier3A_13 = arith.constant 0 : index
    tpu.barrier barrier_id(%barrier3A_13)
    %mul3A_14 = arith.constant 80 : i32
    %mul3A_15 = arith.muli %arg1, %mul3A_14 : i32
    %mul3A_16 = arith.constant 80 : i32
    %mul3A_17 = arith.muli %arg1, %mul3A_16 : i32
    "tpu.region"() ({
      %run_scoped3A = tpu.sem_alloc : memref<!tpu.dma_semaphore, #tpu.memory_space<semaphore_mem>>
      %dma_start3A = arith.constant 0 : i32
      %dma_start3A_18 = tpu.memref_slice %arg5[%arg0, %mul3A_17, %dma_start3A] : memref<2x1280x128xf32, #tpu.memory_space<hbm>> -> memref<1x80x128xf32, #tpu.memory_space<hbm>>
      %dma_start3A_19 = tpu.memref_squeeze %dma_start3A_18 : memref<1x80x128xf32, #tpu.memory_space<hbm>> -> memref<80x128xf32, #tpu.memory_space<hbm>>
      %dma_start3A_20 = arith.constant 0 : i32
      %dma_start3A_21 = tpu.memref_slice %arg6[%mul3A_15, %dma_start3A_20] : memref<1280x128xf32, #tpu.memory_space<vmem_shared>> -> memref<80x128xf32, #tpu.memory_space<vmem_shared>>
      tpu.enqueue_dma source(%dma_start3A_21 : memref<80x128xf32, #tpu.memory_space<vmem_shared>>) target(%dma_start3A_19 : memref<80x128xf32, #tpu.memory_space<hbm>>) target_semaphore(%run_scoped3A : memref<!tpu.dma_semaphore, #tpu.memory_space<semaphore_mem>>)
      %dma_wait3A = arith.constant 0 : i32
      %dma_wait3A_22 = tpu.memref_slice %arg5[%arg0, %mul3A_17, %dma_wait3A] : memref<2x1280x128xf32, #tpu.memory_space<hbm>> -> memref<1x80x128xf32, #tpu.memory_space<hbm>>
      %dma_wait3A_23 = tpu.memref_squeeze %dma_wait3A_22 : memref<1x80x128xf32, #tpu.memory_space<hbm>> -> memref<80x128xf32, #tpu.memory_space<hbm>>
      %dma_wait3A_24 = arith.constant 0 : i32
      %dma_wait3A_25 = tpu.memref_slice %arg6[%mul3A_15, %dma_wait3A_24] : memref<1280x128xf32, #tpu.memory_space<vmem_shared>> -> memref<80x128xf32, #tpu.memory_space<vmem_shared>>
      tpu.wait_dma2 semaphore(%run_scoped3A : memref<!tpu.dma_semaphore, #tpu.memory_space<semaphore_mem>>) src(%dma_wait3A_25 : memref<80x128xf32, #tpu.memory_space<vmem_shared>>) dst(%dma_wait3A_23 : memref<80x128xf32, #tpu.memory_space<hbm>>)
      tpu.yield
    }) : () -> ()
    return
  }
}

module attributes {stable_mosaic.version = 14 : i64} {
  func.func @body(%arg0: i32, %arg1: memref<512x128xf32, #tpu.memory_space<vmem>>, %arg2: memref<1x128xf32, #tpu.memory_space<vmem>>, %arg3: memref<1x128xf32, #tpu.memory_space<vmem>>, %arg4: memref<128x128xf32, #tpu.memory_space<vmem>>, %arg5: memref<128x896xf32, #tpu.memory_space<vmem>>, %arg6: memref<512x896xf32, #tpu.memory_space<vmem>>) attributes {dimension_semantics = [#tpu.dimension_semantics<arbitrary>], iteration_bounds = array<i64: 20>, scalar_prefetch = 0 : i64, scratch_operands = 0 : i64, tpu.core_type = #tpu.core_type<tc>, window_params = [{transform_indices = @transform_0, window_bounds = array<i64: 512, 128>}, {pipeline_mode = #tpu.pipeline_mode<synchronous>, transform_indices = @transform_1, window_bounds = array<i64: 1, 128>}, {pipeline_mode = #tpu.pipeline_mode<synchronous>, transform_indices = @transform_2, window_bounds = array<i64: 1, 128>}, {pipeline_mode = #tpu.pipeline_mode<synchronous>, transform_indices = @transform_3, window_bounds = array<i64: 128, 128>}, {pipeline_mode = #tpu.pipeline_mode<synchronous>, transform_indices = @transform_4, window_bounds = array<i64: 128, 896>}, {transform_indices = @transform_5, window_bounds = array<i64: 512, 896>}]} {
    %get3A = arith.constant 0 : index
    %get3A_0 = arith.constant 0 : index
    %get3A_1 = vector.load %arg1[%get3A, %get3A_0] : memref<512x128xf32, #tpu.memory_space<vmem>>, vector<512x128xf32>
    %get3A_2 = arith.constant 0 : index
    %get3A_3 = arith.constant 0 : index
    %get3A_4 = vector.load %arg2[%get3A_2, %get3A_3] : memref<1x128xf32, #tpu.memory_space<vmem>>, vector<1x128xf32>
    %get3A_5 = arith.constant 0 : index
    %get3A_6 = arith.constant 0 : index
    %get3A_7 = vector.load %arg3[%get3A_5, %get3A_6] : memref<1x128xf32, #tpu.memory_space<vmem>>, vector<1x128xf32>
    %get3A_8 = arith.constant 0 : index
    %get3A_9 = arith.constant 0 : index
    %get3A_10 = vector.load %arg4[%get3A_8, %get3A_9] : memref<128x128xf32, #tpu.memory_space<vmem>>, vector<128x128xf32>
    %get3A_11 = arith.constant 0 : index
    %get3A_12 = arith.constant 0 : index
    %get3A_13 = vector.load %arg5[%get3A_11, %get3A_12] : memref<128x896xf32, #tpu.memory_space<vmem>>, vector<128x896xf32>
    %dot_general3A = arith.constant dense<0.000000e+00> : vector<512x128xf32>
    %dot_general3A_14 = tpu.matmul %get3A_1, %get3A_10, %dot_general3A {dimension_numbers = #tpu.dot_dimension_numbers<[1], [0], [0], [1], [0, 0, 1, 1], [], []>, transpose_lhs_hint = false} : vector<512x128xf32>, vector<128x128xf32>, vector<512x128xf32> -> vector<512x128xf32>
    %mul3A = arith.mulf %get3A_1, %get3A_1 : vector<512x128xf32>
    %dot_general3A_15 = arith.constant dense<0.000000e+00> : vector<512x128xf32>
    %dot_general3A_16 = tpu.matmul %mul3A, %get3A_10, %dot_general3A_15 {dimension_numbers = #tpu.dot_dimension_numbers<[1], [0], [0], [1], [0, 0, 1, 1], [], []>, transpose_lhs_hint = false} : vector<512x128xf32>, vector<128x128xf32>, vector<512x128xf32> -> vector<512x128xf32>
    %mul3A_17 = arith.mulf %dot_general3A_14, %dot_general3A_14 : vector<512x128xf32>
    %sub3A = arith.subf %dot_general3A_16, %mul3A_17 : vector<512x128xf32>
    %sub3A_18 = arith.subf %get3A_1, %dot_general3A_14 : vector<512x128xf32>
    %add3A = arith.constant 9.99999974E-6 : f32
    %add3A_19 = vector.broadcast %add3A : f32 to vector<512x128xf32>
    %add3A_20 = arith.addf %sub3A, %add3A_19 : vector<512x128xf32>
    %rsqrt3A = math.rsqrt %add3A_20 : vector<512x128xf32>
    %mul3A_21 = arith.mulf %sub3A_18, %rsqrt3A : vector<512x128xf32>
    %mul3A_22 = vector.broadcast %get3A_4 : vector<1x128xf32> to vector<512x128xf32>
    %mul3A_23 = arith.mulf %mul3A_21, %mul3A_22 : vector<512x128xf32>
    %add3A_24 = vector.broadcast %get3A_7 : vector<1x128xf32> to vector<512x128xf32>
    %add3A_25 = arith.addf %mul3A_23, %add3A_24 : vector<512x128xf32>
    %integer_pow3A = arith.mulf %add3A_25, %add3A_25 : vector<512x128xf32>
    %integer_pow3A_26 = arith.mulf %add3A_25, %integer_pow3A : vector<512x128xf32>
    %mul3A_27 = arith.constant 4.471500e-02 : f32
    %mul3A_28 = vector.broadcast %mul3A_27 : f32 to vector<512x128xf32>
    %mul3A_29 = arith.mulf %mul3A_28, %integer_pow3A_26 : vector<512x128xf32>
    %add3A_30 = arith.addf %add3A_25, %mul3A_29 : vector<512x128xf32>
    %mul3A_31 = arith.constant 0.797884583 : f32
    %mul3A_32 = vector.broadcast %mul3A_31 : f32 to vector<512x128xf32>
    %mul3A_33 = arith.mulf %mul3A_32, %add3A_30 : vector<512x128xf32>
    %tanh3A = math.tanh %mul3A_33 : vector<512x128xf32>
    %add3A_34 = arith.constant 1.000000e+00 : f32
    %add3A_35 = vector.broadcast %add3A_34 : f32 to vector<512x128xf32>
    %add3A_36 = arith.addf %add3A_35, %tanh3A : vector<512x128xf32>
    %mul3A_37 = arith.constant 5.000000e-01 : f32
    %mul3A_38 = vector.broadcast %mul3A_37 : f32 to vector<512x128xf32>
    %mul3A_39 = arith.mulf %mul3A_38, %add3A_36 : vector<512x128xf32>
    %mul3A_40 = arith.mulf %add3A_25, %mul3A_39 : vector<512x128xf32>
    %dot_general3A_41 = arith.constant dense<0.000000e+00> : vector<512x896xf32>
    %dot_general3A_42 = tpu.matmul %mul3A_40, %get3A_13, %dot_general3A_41 {dimension_numbers = #tpu.dot_dimension_numbers<[1], [0], [0], [1], [0, 0, 1, 1], [], []>, transpose_lhs_hint = false} : vector<512x128xf32>, vector<128x896xf32>, vector<512x896xf32> -> vector<512x896xf32>
    %swap3A = arith.constant 0 : index
    %swap3A_43 = arith.constant 0 : index
    %swap3A_44 = vector.load %arg6[%swap3A, %swap3A_43] : memref<512x896xf32, #tpu.memory_space<vmem>>, vector<512x896xf32>
    tpu.vector_store %arg6[%swap3A, %swap3A_43], %dot_general3A_42 {strides = array<i32>} : memref<512x896xf32, #tpu.memory_space<vmem>>, vector<512x896xf32>,
    return
  }
  func.func @transform_0(%arg0: i32) -> (i32, i32) {
    %c0_i32 = arith.constant 0 : i32
    %c0_i32_0 = arith.constant 0 : i32
    return %arg0, %c0_i32 : i32, i32
  }
  func.func @transform_1(%arg0: i32) -> (i32, i32) {
    %c0_i32 = arith.constant 0 : i32
    %c0_i32_0 = arith.constant 0 : i32
    %c0_i32_1 = arith.constant 0 : i32
    return %c0_i32, %c0_i32_0 : i32, i32
  }
  func.func @transform_2(%arg0: i32) -> (i32, i32) {
    %c0_i32 = arith.constant 0 : i32
    %c0_i32_0 = arith.constant 0 : i32
    %c0_i32_1 = arith.constant 0 : i32
    return %c0_i32, %c0_i32_0 : i32, i32
  }
  func.func @transform_3(%arg0: i32) -> (i32, i32) {
    %c0_i32 = arith.constant 0 : i32
    %c0_i32_0 = arith.constant 0 : i32
    %c0_i32_1 = arith.constant 0 : i32
    return %c0_i32, %c0_i32_0 : i32, i32
  }
  func.func @transform_4(%arg0: i32) -> (i32, i32) {
    %c0_i32 = arith.constant 0 : i32
    %c0_i32_0 = arith.constant 0 : i32
    %c0_i32_1 = arith.constant 0 : i32
    return %c0_i32, %c0_i32_0 : i32, i32
  }
  func.func @transform_5(%arg0: i32) -> (i32, i32) {
    %c0_i32 = arith.constant 0 : i32
    %c0_i32_0 = arith.constant 0 : i32
    return %arg0, %c0_i32 : i32, i32
  }
}

module attributes {stable_mosaic.version = 14 : i64} {
  func.func @body(%arg0: i32, %arg1: memref<512x128xf32, #tpu.memory_space<vmem>>, %arg2: memref<512x128xf32, #tpu.memory_space<vmem>>, %arg3: memref<1x128xf32, #tpu.memory_space<vmem>>, %arg4: memref<1x128xf32, #tpu.memory_space<vmem>>, %arg5: memref<1x128xf32, #tpu.memory_space<vmem>>, %arg6: memref<128x128xf32, #tpu.memory_space<vmem>>, %arg7: memref<128x896xf32, #tpu.memory_space<vmem>>, %arg8: memref<512x896xf32, #tpu.memory_space<vmem>>) attributes {dimension_semantics = [#tpu.dimension_semantics<arbitrary>], iteration_bounds = array<i64: 20>, scalar_prefetch = 0 : i64, scratch_operands = 0 : i64, tpu.core_type = #tpu.core_type<tc>, window_params = [{transform_indices = @transform_0, window_bounds = array<i64: 512, 128>}, {transform_indices = @transform_1, window_bounds = array<i64: 512, 128>}, {pipeline_mode = #tpu.pipeline_mode<synchronous>, transform_indices = @transform_2, window_bounds = array<i64: 1, 128>}, {pipeline_mode = #tpu.pipeline_mode<synchronous>, transform_indices = @transform_3, window_bounds = array<i64: 1, 128>}, {pipeline_mode = #tpu.pipeline_mode<synchronous>, transform_indices = @transform_4, window_bounds = array<i64: 1, 128>}, {pipeline_mode = #tpu.pipeline_mode<synchronous>, transform_indices = @transform_5, window_bounds = array<i64: 128, 128>}, {pipeline_mode = #tpu.pipeline_mode<synchronous>, transform_indices = @transform_6, window_bounds = array<i64: 128, 896>}, {transform_indices = @transform_7, window_bounds = array<i64: 512, 896>}]} {
    %get3A = arith.constant 0 : index
    %get3A_0 = arith.constant 0 : index
    %get3A_1 = vector.load %arg1[%get3A, %get3A_0] : memref<512x128xf32, #tpu.memory_space<vmem>>, vector<512x128xf32>
    %get3A_2 = arith.constant 0 : index
    %get3A_3 = arith.constant 0 : index
    %get3A_4 = vector.load %arg2[%get3A_2, %get3A_3] : memref<512x128xf32, #tpu.memory_space<vmem>>, vector<512x128xf32>
    %add3A = arith.addf %get3A_1, %get3A_4 : vector<512x128xf32>
    %get3A_5 = arith.constant 0 : index
    %get3A_6 = arith.constant 0 : index
    %get3A_7 = vector.load %arg3[%get3A_5, %get3A_6] : memref<1x128xf32, #tpu.memory_space<vmem>>, vector<1x128xf32>
    %add3A_8 = vector.broadcast %get3A_7 : vector<1x128xf32> to vector<512x128xf32>
    %add3A_9 = arith.addf %add3A, %add3A_8 : vector<512x128xf32>
    %get3A_10 = arith.constant 0 : index
    %get3A_11 = arith.constant 0 : index
    %get3A_12 = vector.load %arg4[%get3A_10, %get3A_11] : memref<1x128xf32, #tpu.memory_space<vmem>>, vector<1x128xf32>
    %get3A_13 = arith.constant 0 : index
    %get3A_14 = arith.constant 0 : index
    %get3A_15 = vector.load %arg5[%get3A_13, %get3A_14] : memref<1x128xf32, #tpu.memory_space<vmem>>, vector<1x128xf32>
    %get3A_16 = arith.constant 0 : index
    %get3A_17 = arith.constant 0 : index
    %get3A_18 = vector.load %arg6[%get3A_16, %get3A_17] : memref<128x128xf32, #tpu.memory_space<vmem>>, vector<128x128xf32>
    %get3A_19 = arith.constant 0 : index
    %get3A_20 = arith.constant 0 : index
    %get3A_21 = vector.load %arg7[%get3A_19, %get3A_20] : memref<128x896xf32, #tpu.memory_space<vmem>>, vector<128x896xf32>
    %dot_general3A = arith.constant dense<0.000000e+00> : vector<512x128xf32>
    %dot_general3A_22 = tpu.matmul %add3A_9, %get3A_18, %dot_general3A {dimension_numbers = #tpu.dot_dimension_numbers<[1], [0], [0], [1], [0, 0, 1, 1], [], []>, transpose_lhs_hint = false} : vector<512x128xf32>, vector<128x128xf32>, vector<512x128xf32> -> vector<512x128xf32>
    %mul3A = arith.mulf %add3A_9, %add3A_9 : vector<512x128xf32>
    %dot_general3A_23 = arith.constant dense<0.000000e+00> : vector<512x128xf32>
    %dot_general3A_24 = tpu.matmul %mul3A, %get3A_18, %dot_general3A_23 {dimension_numbers = #tpu.dot_dimension_numbers<[1], [0], [0], [1], [0, 0, 1, 1], [], []>, transpose_lhs_hint = false} : vector<512x128xf32>, vector<128x128xf32>, vector<512x128xf32> -> vector<512x128xf32>
    %mul3A_25 = arith.mulf %dot_general3A_22, %dot_general3A_22 : vector<512x128xf32>
    %sub3A = arith.subf %dot_general3A_24, %mul3A_25 : vector<512x128xf32>
    %sub3A_26 = arith.subf %add3A_9, %dot_general3A_22 : vector<512x128xf32>
    %add3A_27 = arith.constant 9.99999974E-6 : f32
    %add3A_28 = vector.broadcast %add3A_27 : f32 to vector<512x128xf32>
    %add3A_29 = arith.addf %sub3A, %add3A_28 : vector<512x128xf32>
    %rsqrt3A = math.rsqrt %add3A_29 : vector<512x128xf32>
    %mul3A_30 = arith.mulf %sub3A_26, %rsqrt3A : vector<512x128xf32>
    %mul3A_31 = vector.broadcast %get3A_12 : vector<1x128xf32> to vector<512x128xf32>
    %mul3A_32 = arith.mulf %mul3A_30, %mul3A_31 : vector<512x128xf32>
    %add3A_33 = vector.broadcast %get3A_15 : vector<1x128xf32> to vector<512x128xf32>
    %add3A_34 = arith.addf %mul3A_32, %add3A_33 : vector<512x128xf32>
    %integer_pow3A = arith.mulf %add3A_34, %add3A_34 : vector<512x128xf32>
    %integer_pow3A_35 = arith.mulf %add3A_34, %integer_pow3A : vector<512x128xf32>
    %mul3A_36 = arith.constant 4.471500e-02 : f32
    %mul3A_37 = vector.broadcast %mul3A_36 : f32 to vector<512x128xf32>
    %mul3A_38 = arith.mulf %mul3A_37, %integer_pow3A_35 : vector<512x128xf32>
    %add3A_39 = arith.addf %add3A_34, %mul3A_38 : vector<512x128xf32>
    %mul3A_40 = arith.constant 0.797884583 : f32
    %mul3A_41 = vector.broadcast %mul3A_40 : f32 to vector<512x128xf32>
    %mul3A_42 = arith.mulf %mul3A_41, %add3A_39 : vector<512x128xf32>
    %tanh3A = math.tanh %mul3A_42 : vector<512x128xf32>
    %add3A_43 = arith.constant 1.000000e+00 : f32
    %add3A_44 = vector.broadcast %add3A_43 : f32 to vector<512x128xf32>
    %add3A_45 = arith.addf %add3A_44, %tanh3A : vector<512x128xf32>
    %mul3A_46 = arith.constant 5.000000e-01 : f32
    %mul3A_47 = vector.broadcast %mul3A_46 : f32 to vector<512x128xf32>
    %mul3A_48 = arith.mulf %mul3A_47, %add3A_45 : vector<512x128xf32>
    %mul3A_49 = arith.mulf %add3A_34, %mul3A_48 : vector<512x128xf32>
    %dot_general3A_50 = arith.constant dense<0.000000e+00> : vector<512x896xf32>
    %dot_general3A_51 = tpu.matmul %mul3A_49, %get3A_21, %dot_general3A_50 {dimension_numbers = #tpu.dot_dimension_numbers<[1], [0], [0], [1], [0, 0, 1, 1], [], []>, transpose_lhs_hint = false} : vector<512x128xf32>, vector<128x896xf32>, vector<512x896xf32> -> vector<512x896xf32>
    %swap3A = arith.constant 0 : index
    %swap3A_52 = arith.constant 0 : index
    %swap3A_53 = vector.load %arg8[%swap3A, %swap3A_52] : memref<512x896xf32, #tpu.memory_space<vmem>>, vector<512x896xf32>
    tpu.vector_store %arg8[%swap3A, %swap3A_52], %dot_general3A_51 {strides = array<i32>} : memref<512x896xf32, #tpu.memory_space<vmem>>, vector<512x896xf32>,
    return
  }
  func.func @transform_0(%arg0: i32) -> (i32, i32) {
    %c0_i32 = arith.constant 0 : i32
    %c0_i32_0 = arith.constant 0 : i32
    return %arg0, %c0_i32 : i32, i32
  }
  func.func @transform_1(%arg0: i32) -> (i32, i32) {
    %c0_i32 = arith.constant 0 : i32
    %c0_i32_0 = arith.constant 0 : i32
    return %arg0, %c0_i32 : i32, i32
  }
  func.func @transform_2(%arg0: i32) -> (i32, i32) {
    %c0_i32 = arith.constant 0 : i32
    %c0_i32_0 = arith.constant 0 : i32
    %c0_i32_1 = arith.constant 0 : i32
    return %c0_i32, %c0_i32_0 : i32, i32
  }
  func.func @transform_3(%arg0: i32) -> (i32, i32) {
    %c0_i32 = arith.constant 0 : i32
    %c0_i32_0 = arith.constant 0 : i32
    %c0_i32_1 = arith.constant 0 : i32
    return %c0_i32, %c0_i32_0 : i32, i32
  }
  func.func @transform_4(%arg0: i32) -> (i32, i32) {
    %c0_i32 = arith.constant 0 : i32
    %c0_i32_0 = arith.constant 0 : i32
    %c0_i32_1 = arith.constant 0 : i32
    return %c0_i32, %c0_i32_0 : i32, i32
  }
  func.func @transform_5(%arg0: i32) -> (i32, i32) {
    %c0_i32 = arith.constant 0 : i32
    %c0_i32_0 = arith.constant 0 : i32
    %c0_i32_1 = arith.constant 0 : i32
    return %c0_i32, %c0_i32_0 : i32, i32
  }
  func.func @transform_6(%arg0: i32) -> (i32, i32) {
    %c0_i32 = arith.constant 0 : i32
    %c0_i32_0 = arith.constant 0 : i32
    %c0_i32_1 = arith.constant 0 : i32
    return %c0_i32, %c0_i32_0 : i32, i32
  }
  func.func @transform_7(%arg0: i32) -> (i32, i32) {
    %c0_i32 = arith.constant 0 : i32
    %c0_i32_0 = arith.constant 0 : i32
    return %arg0, %c0_i32 : i32, i32
  }
}

module attributes {stable_mosaic.version = 14 : i64} {
  func.func @body(%arg0: i32, %arg1: memref<512x128xf32, #tpu.memory_space<vmem>>, %arg2: memref<512x128xf32, #tpu.memory_space<vmem>>, %arg3: memref<512x128xf32, #tpu.memory_space<vmem>>, %arg4: memref<1x128xf32, #tpu.memory_space<vmem>>, %arg5: memref<512x128xf32, #tpu.memory_space<vmem>>) attributes {dimension_semantics = [#tpu.dimension_semantics<arbitrary>], iteration_bounds = array<i64: 20>, scalar_prefetch = 0 : i64, scratch_operands = 0 : i64, tpu.core_type = #tpu.core_type<tc>, window_params = [{transform_indices = @transform_0, window_bounds = array<i64: 512, 128>}, {transform_indices = @transform_1, window_bounds = array<i64: 512, 128>}, {transform_indices = @transform_2, window_bounds = array<i64: 512, 128>}, {pipeline_mode = #tpu.pipeline_mode<synchronous>, transform_indices = @transform_3, window_bounds = array<i64: 1, 128>}, {transform_indices = @transform_4, window_bounds = array<i64: 512, 128>}]} {
    %get3A = arith.constant 0 : index
    %get3A_0 = arith.constant 0 : index
    %get3A_1 = vector.load %arg1[%get3A, %get3A_0] : memref<512x128xf32, #tpu.memory_space<vmem>>, vector<512x128xf32>
    %get3A_2 = arith.constant 0 : index
    %get3A_3 = arith.constant 0 : index
    %get3A_4 = vector.load %arg2[%get3A_2, %get3A_3] : memref<512x128xf32, #tpu.memory_space<vmem>>, vector<512x128xf32>
    %add3A = arith.addf %get3A_1, %get3A_4 : vector<512x128xf32>
    %get3A_5 = arith.constant 0 : index
    %get3A_6 = arith.constant 0 : index
    %get3A_7 = vector.load %arg3[%get3A_5, %get3A_6] : memref<512x128xf32, #tpu.memory_space<vmem>>, vector<512x128xf32>
    %add3A_8 = arith.addf %add3A, %get3A_7 : vector<512x128xf32>
    %get3A_9 = arith.constant 0 : index
    %get3A_10 = arith.constant 0 : index
    %get3A_11 = vector.load %arg4[%get3A_9, %get3A_10] : memref<1x128xf32, #tpu.memory_space<vmem>>, vector<1x128xf32>
    %add3A_12 = vector.broadcast %get3A_11 : vector<1x128xf32> to vector<512x128xf32>
    %add3A_13 = arith.addf %add3A_8, %add3A_12 : vector<512x128xf32>
    %swap3A = arith.constant 0 : index
    %swap3A_14 = arith.constant 0 : index
    %swap3A_15 = vector.load %arg5[%swap3A, %swap3A_14] : memref<512x128xf32, #tpu.memory_space<vmem>>, vector<512x128xf32>
    tpu.vector_store %arg5[%swap3A, %swap3A_14], %add3A_13 {strides = array<i32>} : memref<512x128xf32, #tpu.memory_space<vmem>>, vector<512x128xf32>,
    return
  }
  func.func @transform_0(%arg0: i32) -> (i32, i32) {
    %c0_i32 = arith.constant 0 : i32
    %c0_i32_0 = arith.constant 0 : i32
    return %arg0, %c0_i32 : i32, i32
  }
  func.func @transform_1(%arg0: i32) -> (i32, i32) {
    %c0_i32 = arith.constant 0 : i32
    %c0_i32_0 = arith.constant 0 : i32
    return %arg0, %c0_i32 : i32, i32
  }
  func.func @transform_2(%arg0: i32) -> (i32, i32) {
    %c0_i32 = arith.constant 0 : i32
    %c0_i32_0 = arith.constant 0 : i32
    return %arg0, %c0_i32 : i32, i32
  }
  func.func @transform_3(%arg0: i32) -> (i32, i32) {
    %c0_i32 = arith.constant 0 : i32
    %c0_i32_0 = arith.constant 0 : i32
    %c0_i32_1 = arith.constant 0 : i32
    return %c0_i32, %c0_i32_0 : i32, i32
  }
  func.func @transform_4(%arg0: i32) -> (i32, i32) {
    %c0_i32 = arith.constant 0 : i32
    %c0_i32_0 = arith.constant 0 : i32
    return %arg0, %c0_i32 : i32, i32
  }
}

module attributes {stable_mosaic.version = 14 : i64} {
  func.func @body(%arg0: i32, %arg1: memref<256x128xf32, #tpu.memory_space<vmem>>, %arg2: memref<256x128xf32, #tpu.memory_space<vmem>>, %arg3: memref<256x128xf32, #tpu.memory_space<vmem>>, %arg4: memref<256x128xf32, #tpu.memory_space<vmem>>, %arg5: memref<1x128xf32, #tpu.memory_space<vmem>>, %arg6: memref<1x128xf32, #tpu.memory_space<vmem>>, %arg7: memref<128x128xf32, #tpu.memory_space<vmem>>, %arg8: memref<128x128xf32, #tpu.memory_space<vmem>>, %arg9: memref<1x128xf32, #tpu.memory_space<vmem>>, %arg10: memref<256x128xf32, #tpu.memory_space<vmem>>) attributes {dimension_semantics = [#tpu.dimension_semantics<arbitrary>], iteration_bounds = array<i64: 5>, scalar_prefetch = 0 : i64, scratch_operands = 0 : i64, tpu.core_type = #tpu.core_type<tc>, window_params = [{transform_indices = @transform_0, window_bounds = array<i64: 256, 128>}, {transform_indices = @transform_1, window_bounds = array<i64: 256, 128>}, {transform_indices = @transform_2, window_bounds = array<i64: 256, 128>}, {transform_indices = @transform_3, window_bounds = array<i64: 256, 128>}, {pipeline_mode = #tpu.pipeline_mode<synchronous>, transform_indices = @transform_4, window_bounds = array<i64: 1, 128>}, {pipeline_mode = #tpu.pipeline_mode<synchronous>, transform_indices = @transform_5, window_bounds = array<i64: 1, 128>}, {pipeline_mode = #tpu.pipeline_mode<synchronous>, transform_indices = @transform_6, window_bounds = array<i64: 128, 128>}, {pipeline_mode = #tpu.pipeline_mode<synchronous>, transform_indices = @transform_7, window_bounds = array<i64: 128, 128>}, {pipeline_mode = #tpu.pipeline_mode<synchronous>, transform_indices = @transform_8, window_bounds = array<i64: 1, 128>}, {transform_indices = @transform_9, window_bounds = array<i64: 256, 128>}]} {
    %get3A = arith.constant 0 : index
    %get3A_0 = arith.constant 0 : index
    %get3A_1 = vector.load %arg3[%get3A, %get3A_0] : memref<256x128xf32, #tpu.memory_space<vmem>>, vector<256x128xf32>
    %get3A_2 = arith.constant 0 : index
    %get3A_3 = arith.constant 0 : index
    %get3A_4 = vector.load %arg4[%get3A_2, %get3A_3] : memref<256x128xf32, #tpu.memory_space<vmem>>, vector<256x128xf32>
    %add3A = arith.addf %get3A_1, %get3A_4 : vector<256x128xf32>
    %max3A = arith.constant 1.000000e+00 : f32
    %max3A_5 = vector.broadcast %max3A : f32 to vector<256x128xf32>
    %max3A_6 = arith.maximumf %add3A, %max3A_5 : vector<256x128xf32>
    %get3A_7 = arith.constant 0 : index
    %get3A_8 = arith.constant 0 : index
    %get3A_9 = vector.load %arg1[%get3A_7, %get3A_8] : memref<256x128xf32, #tpu.memory_space<vmem>>, vector<256x128xf32>
    %get3A_10 = arith.constant 0 : index
    %get3A_11 = arith.constant 0 : index
    %get3A_12 = vector.load %arg2[%get3A_10, %get3A_11] : memref<256x128xf32, #tpu.memory_space<vmem>>, vector<256x128xf32>
    %add3A_13 = arith.addf %get3A_9, %get3A_12 : vector<256x128xf32>
    %div3A = arith.divf %add3A_13, %max3A_6 : vector<256x128xf32>
    %get3A_14 = arith.constant 0 : index
    %get3A_15 = arith.constant 0 : index
    %get3A_16 = vector.load %arg5[%get3A_14, %get3A_15] : memref<1x128xf32, #tpu.memory_space<vmem>>, vector<1x128xf32>
    %get3A_17 = arith.constant 0 : index
    %get3A_18 = arith.constant 0 : index
    %get3A_19 = vector.load %arg6[%get3A_17, %get3A_18] : memref<1x128xf32, #tpu.memory_space<vmem>>, vector<1x128xf32>
    %get3A_20 = arith.constant 0 : index
    %get3A_21 = arith.constant 0 : index
    %get3A_22 = vector.load %arg7[%get3A_20, %get3A_21] : memref<128x128xf32, #tpu.memory_space<vmem>>, vector<128x128xf32>
    %get3A_23 = arith.constant 0 : index
    %get3A_24 = arith.constant 0 : index
    %get3A_25 = vector.load %arg8[%get3A_23, %get3A_24] : memref<128x128xf32, #tpu.memory_space<vmem>>, vector<128x128xf32>
    %dot_general3A = arith.constant dense<0.000000e+00> : vector<256x128xf32>
    %dot_general3A_26 = tpu.matmul %div3A, %get3A_22, %dot_general3A {dimension_numbers = #tpu.dot_dimension_numbers<[1], [0], [0], [1], [0, 0, 1, 1], [], []>, transpose_lhs_hint = false} : vector<256x128xf32>, vector<128x128xf32>, vector<256x128xf32> -> vector<256x128xf32>
    %mul3A = arith.mulf %div3A, %div3A : vector<256x128xf32>
    %dot_general3A_27 = arith.constant dense<0.000000e+00> : vector<256x128xf32>
    %dot_general3A_28 = tpu.matmul %mul3A, %get3A_22, %dot_general3A_27 {dimension_numbers = #tpu.dot_dimension_numbers<[1], [0], [0], [1], [0, 0, 1, 1], [], []>, transpose_lhs_hint = false} : vector<256x128xf32>, vector<128x128xf32>, vector<256x128xf32> -> vector<256x128xf32>
    %mul3A_29 = arith.mulf %dot_general3A_26, %dot_general3A_26 : vector<256x128xf32>
    %sub3A = arith.subf %dot_general3A_28, %mul3A_29 : vector<256x128xf32>
    %sub3A_30 = arith.subf %div3A, %dot_general3A_26 : vector<256x128xf32>
    %add3A_31 = arith.constant 9.99999974E-6 : f32
    %add3A_32 = vector.broadcast %add3A_31 : f32 to vector<256x128xf32>
    %add3A_33 = arith.addf %sub3A, %add3A_32 : vector<256x128xf32>
    %rsqrt3A = math.rsqrt %add3A_33 : vector<256x128xf32>
    %mul3A_34 = arith.mulf %sub3A_30, %rsqrt3A : vector<256x128xf32>
    %mul3A_35 = vector.broadcast %get3A_16 : vector<1x128xf32> to vector<256x128xf32>
    %mul3A_36 = arith.mulf %mul3A_34, %mul3A_35 : vector<256x128xf32>
    %add3A_37 = vector.broadcast %get3A_19 : vector<1x128xf32> to vector<256x128xf32>
    %add3A_38 = arith.addf %mul3A_36, %add3A_37 : vector<256x128xf32>
    %integer_pow3A = arith.mulf %add3A_38, %add3A_38 : vector<256x128xf32>
    %integer_pow3A_39 = arith.mulf %add3A_38, %integer_pow3A : vector<256x128xf32>
    %mul3A_40 = arith.constant 4.471500e-02 : f32
    %mul3A_41 = vector.broadcast %mul3A_40 : f32 to vector<256x128xf32>
    %mul3A_42 = arith.mulf %mul3A_41, %integer_pow3A_39 : vector<256x128xf32>
    %add3A_43 = arith.addf %add3A_38, %mul3A_42 : vector<256x128xf32>
    %mul3A_44 = arith.constant 0.797884583 : f32
    %mul3A_45 = vector.broadcast %mul3A_44 : f32 to vector<256x128xf32>
    %mul3A_46 = arith.mulf %mul3A_45, %add3A_43 : vector<256x128xf32>
    %tanh3A = math.tanh %mul3A_46 : vector<256x128xf32>
    %add3A_47 = arith.constant 1.000000e+00 : f32
    %add3A_48 = vector.broadcast %add3A_47 : f32 to vector<256x128xf32>
    %add3A_49 = arith.addf %add3A_48, %tanh3A : vector<256x128xf32>
    %mul3A_50 = arith.constant 5.000000e-01 : f32
    %mul3A_51 = vector.broadcast %mul3A_50 : f32 to vector<256x128xf32>
    %mul3A_52 = arith.mulf %mul3A_51, %add3A_49 : vector<256x128xf32>
    %mul3A_53 = arith.mulf %add3A_38, %mul3A_52 : vector<256x128xf32>
    %dot_general3A_54 = arith.constant dense<0.000000e+00> : vector<256x128xf32>
    %dot_general3A_55 = tpu.matmul %mul3A_53, %get3A_25, %dot_general3A_54 {dimension_numbers = #tpu.dot_dimension_numbers<[1], [0], [0], [1], [0, 0, 1, 1], [], []>, transpose_lhs_hint = false} : vector<256x128xf32>, vector<128x128xf32>, vector<256x128xf32> -> vector<256x128xf32>
    %get3A_56 = arith.constant 0 : index
    %get3A_57 = arith.constant 0 : index
    %get3A_58 = vector.load %arg9[%get3A_56, %get3A_57] : memref<1x128xf32, #tpu.memory_space<vmem>>, vector<1x128xf32>
    %add3A_59 = vector.broadcast %get3A_58 : vector<1x128xf32> to vector<256x128xf32>
    %add3A_60 = arith.addf %dot_general3A_55, %add3A_59 : vector<256x128xf32>
    %swap3A = arith.constant 0 : index
    %swap3A_61 = arith.constant 0 : index
    %swap3A_62 = vector.load %arg10[%swap3A, %swap3A_61] : memref<256x128xf32, #tpu.memory_space<vmem>>, vector<256x128xf32>
    tpu.vector_store %arg10[%swap3A, %swap3A_61], %add3A_60 {strides = array<i32>} : memref<256x128xf32, #tpu.memory_space<vmem>>, vector<256x128xf32>,
    return
  }
  func.func @transform_0(%arg0: i32) -> (i32, i32) {
    %c0_i32 = arith.constant 0 : i32
    %c0_i32_0 = arith.constant 0 : i32
    return %arg0, %c0_i32 : i32, i32
  }
  func.func @transform_1(%arg0: i32) -> (i32, i32) {
    %c0_i32 = arith.constant 0 : i32
    %c0_i32_0 = arith.constant 0 : i32
    return %arg0, %c0_i32 : i32, i32
  }
  func.func @transform_2(%arg0: i32) -> (i32, i32) {
    %c0_i32 = arith.constant 0 : i32
    %c0_i32_0 = arith.constant 0 : i32
    return %arg0, %c0_i32 : i32, i32
  }
  func.func @transform_3(%arg0: i32) -> (i32, i32) {
    %c0_i32 = arith.constant 0 : i32
    %c0_i32_0 = arith.constant 0 : i32
    return %arg0, %c0_i32 : i32, i32
  }
  func.func @transform_4(%arg0: i32) -> (i32, i32) {
    %c0_i32 = arith.constant 0 : i32
    %c0_i32_0 = arith.constant 0 : i32
    %c0_i32_1 = arith.constant 0 : i32
    return %c0_i32, %c0_i32_0 : i32, i32
  }
  func.func @transform_5(%arg0: i32) -> (i32, i32) {
    %c0_i32 = arith.constant 0 : i32
    %c0_i32_0 = arith.constant 0 : i32
    %c0_i32_1 = arith.constant 0 : i32
    return %c0_i32, %c0_i32_0 : i32, i32
  }
  func.func @transform_6(%arg0: i32) -> (i32, i32) {
    %c0_i32 = arith.constant 0 : i32
    %c0_i32_0 = arith.constant 0 : i32
    %c0_i32_1 = arith.constant 0 : i32
    return %c0_i32, %c0_i32_0 : i32, i32
  }
  func.func @transform_7(%arg0: i32) -> (i32, i32) {
    %c0_i32 = arith.constant 0 : i32
    %c0_i32_0 = arith.constant 0 : i32
    %c0_i32_1 = arith.constant 0 : i32
    return %c0_i32, %c0_i32_0 : i32, i32
  }
  func.func @transform_8(%arg0: i32) -> (i32, i32) {
    %c0_i32 = arith.constant 0 : i32
    %c0_i32_0 = arith.constant 0 : i32
    %c0_i32_1 = arith.constant 0 : i32
    return %c0_i32, %c0_i32_0 : i32, i32
  }
  func.func @transform_9(%arg0: i32) -> (i32, i32) {
    %c0_i32 = arith.constant 0 : i32
    %c0_i32_0 = arith.constant 0 : i32
    return %arg0, %c0_i32 : i32, i32
  }
}

module attributes {stable_mosaic.version = 14 : i64} {
  func.func @body(%arg0: i32, %arg1: memref<256x128xf32, #tpu.memory_space<vmem>>, %arg2: memref<1x128xf32, #tpu.memory_space<vmem>>, %arg3: memref<1x128xf32, #tpu.memory_space<vmem>>, %arg4: memref<128x128xf32, #tpu.memory_space<vmem>>, %arg5: memref<128x896xf32, #tpu.memory_space<vmem>>, %arg6: memref<256x896xf32, #tpu.memory_space<vmem>>) attributes {dimension_semantics = [#tpu.dimension_semantics<arbitrary>], iteration_bounds = array<i64: 5>, scalar_prefetch = 0 : i64, scratch_operands = 0 : i64, tpu.core_type = #tpu.core_type<tc>, window_params = [{transform_indices = @transform_0, window_bounds = array<i64: 256, 128>}, {pipeline_mode = #tpu.pipeline_mode<synchronous>, transform_indices = @transform_1, window_bounds = array<i64: 1, 128>}, {pipeline_mode = #tpu.pipeline_mode<synchronous>, transform_indices = @transform_2, window_bounds = array<i64: 1, 128>}, {pipeline_mode = #tpu.pipeline_mode<synchronous>, transform_indices = @transform_3, window_bounds = array<i64: 128, 128>}, {pipeline_mode = #tpu.pipeline_mode<synchronous>, transform_indices = @transform_4, window_bounds = array<i64: 128, 896>}, {transform_indices = @transform_5, window_bounds = array<i64: 256, 896>}]} {
    %get3A = arith.constant 0 : index
    %get3A_0 = arith.constant 0 : index
    %get3A_1 = vector.load %arg1[%get3A, %get3A_0] : memref<256x128xf32, #tpu.memory_space<vmem>>, vector<256x128xf32>
    %get3A_2 = arith.constant 0 : index
    %get3A_3 = arith.constant 0 : index
    %get3A_4 = vector.load %arg2[%get3A_2, %get3A_3] : memref<1x128xf32, #tpu.memory_space<vmem>>, vector<1x128xf32>
    %get3A_5 = arith.constant 0 : index
    %get3A_6 = arith.constant 0 : index
    %get3A_7 = vector.load %arg3[%get3A_5, %get3A_6] : memref<1x128xf32, #tpu.memory_space<vmem>>, vector<1x128xf32>
    %get3A_8 = arith.constant 0 : index
    %get3A_9 = arith.constant 0 : index
    %get3A_10 = vector.load %arg4[%get3A_8, %get3A_9] : memref<128x128xf32, #tpu.memory_space<vmem>>, vector<128x128xf32>
    %get3A_11 = arith.constant 0 : index
    %get3A_12 = arith.constant 0 : index
    %get3A_13 = vector.load %arg5[%get3A_11, %get3A_12] : memref<128x896xf32, #tpu.memory_space<vmem>>, vector<128x896xf32>
    %dot_general3A = arith.constant dense<0.000000e+00> : vector<256x128xf32>
    %dot_general3A_14 = tpu.matmul %get3A_1, %get3A_10, %dot_general3A {dimension_numbers = #tpu.dot_dimension_numbers<[1], [0], [0], [1], [0, 0, 1, 1], [], []>, transpose_lhs_hint = false} : vector<256x128xf32>, vector<128x128xf32>, vector<256x128xf32> -> vector<256x128xf32>
    %mul3A = arith.mulf %get3A_1, %get3A_1 : vector<256x128xf32>
    %dot_general3A_15 = arith.constant dense<0.000000e+00> : vector<256x128xf32>
    %dot_general3A_16 = tpu.matmul %mul3A, %get3A_10, %dot_general3A_15 {dimension_numbers = #tpu.dot_dimension_numbers<[1], [0], [0], [1], [0, 0, 1, 1], [], []>, transpose_lhs_hint = false} : vector<256x128xf32>, vector<128x128xf32>, vector<256x128xf32> -> vector<256x128xf32>
    %mul3A_17 = arith.mulf %dot_general3A_14, %dot_general3A_14 : vector<256x128xf32>
    %sub3A = arith.subf %dot_general3A_16, %mul3A_17 : vector<256x128xf32>
    %sub3A_18 = arith.subf %get3A_1, %dot_general3A_14 : vector<256x128xf32>
    %add3A = arith.constant 9.99999974E-6 : f32
    %add3A_19 = vector.broadcast %add3A : f32 to vector<256x128xf32>
    %add3A_20 = arith.addf %sub3A, %add3A_19 : vector<256x128xf32>
    %rsqrt3A = math.rsqrt %add3A_20 : vector<256x128xf32>
    %mul3A_21 = arith.mulf %sub3A_18, %rsqrt3A : vector<256x128xf32>
    %mul3A_22 = vector.broadcast %get3A_4 : vector<1x128xf32> to vector<256x128xf32>
    %mul3A_23 = arith.mulf %mul3A_21, %mul3A_22 : vector<256x128xf32>
    %add3A_24 = vector.broadcast %get3A_7 : vector<1x128xf32> to vector<256x128xf32>
    %add3A_25 = arith.addf %mul3A_23, %add3A_24 : vector<256x128xf32>
    %integer_pow3A = arith.mulf %add3A_25, %add3A_25 : vector<256x128xf32>
    %integer_pow3A_26 = arith.mulf %add3A_25, %integer_pow3A : vector<256x128xf32>
    %mul3A_27 = arith.constant 4.471500e-02 : f32
    %mul3A_28 = vector.broadcast %mul3A_27 : f32 to vector<256x128xf32>
    %mul3A_29 = arith.mulf %mul3A_28, %integer_pow3A_26 : vector<256x128xf32>
    %add3A_30 = arith.addf %add3A_25, %mul3A_29 : vector<256x128xf32>
    %mul3A_31 = arith.constant 0.797884583 : f32
    %mul3A_32 = vector.broadcast %mul3A_31 : f32 to vector<256x128xf32>
    %mul3A_33 = arith.mulf %mul3A_32, %add3A_30 : vector<256x128xf32>
    %tanh3A = math.tanh %mul3A_33 : vector<256x128xf32>
    %add3A_34 = arith.constant 1.000000e+00 : f32
    %add3A_35 = vector.broadcast %add3A_34 : f32 to vector<256x128xf32>
    %add3A_36 = arith.addf %add3A_35, %tanh3A : vector<256x128xf32>
    %mul3A_37 = arith.constant 5.000000e-01 : f32
    %mul3A_38 = vector.broadcast %mul3A_37 : f32 to vector<256x128xf32>
    %mul3A_39 = arith.mulf %mul3A_38, %add3A_36 : vector<256x128xf32>
    %mul3A_40 = arith.mulf %add3A_25, %mul3A_39 : vector<256x128xf32>
    %dot_general3A_41 = arith.constant dense<0.000000e+00> : vector<256x896xf32>
    %dot_general3A_42 = tpu.matmul %mul3A_40, %get3A_13, %dot_general3A_41 {dimension_numbers = #tpu.dot_dimension_numbers<[1], [0], [0], [1], [0, 0, 1, 1], [], []>, transpose_lhs_hint = false} : vector<256x128xf32>, vector<128x896xf32>, vector<256x896xf32> -> vector<256x896xf32>
    %swap3A = arith.constant 0 : index
    %swap3A_43 = arith.constant 0 : index
    %swap3A_44 = vector.load %arg6[%swap3A, %swap3A_43] : memref<256x896xf32, #tpu.memory_space<vmem>>, vector<256x896xf32>
    tpu.vector_store %arg6[%swap3A, %swap3A_43], %dot_general3A_42 {strides = array<i32>} : memref<256x896xf32, #tpu.memory_space<vmem>>, vector<256x896xf32>,
    return
  }
  func.func @transform_0(%arg0: i32) -> (i32, i32) {
    %c0_i32 = arith.constant 0 : i32
    %c0_i32_0 = arith.constant 0 : i32
    return %arg0, %c0_i32 : i32, i32
  }
  func.func @transform_1(%arg0: i32) -> (i32, i32) {
    %c0_i32 = arith.constant 0 : i32
    %c0_i32_0 = arith.constant 0 : i32
    %c0_i32_1 = arith.constant 0 : i32
    return %c0_i32, %c0_i32_0 : i32, i32
  }
  func.func @transform_2(%arg0: i32) -> (i32, i32) {
    %c0_i32 = arith.constant 0 : i32
    %c0_i32_0 = arith.constant 0 : i32
    %c0_i32_1 = arith.constant 0 : i32
    return %c0_i32, %c0_i32_0 : i32, i32
  }
  func.func @transform_3(%arg0: i32) -> (i32, i32) {
    %c0_i32 = arith.constant 0 : i32
    %c0_i32_0 = arith.constant 0 : i32
    %c0_i32_1 = arith.constant 0 : i32
    return %c0_i32, %c0_i32_0 : i32, i32
  }
  func.func @transform_4(%arg0: i32) -> (i32, i32) {
    %c0_i32 = arith.constant 0 : i32
    %c0_i32_0 = arith.constant 0 : i32
    %c0_i32_1 = arith.constant 0 : i32
    return %c0_i32, %c0_i32_0 : i32, i32
  }
  func.func @transform_5(%arg0: i32) -> (i32, i32) {
    %c0_i32 = arith.constant 0 : i32
    %c0_i32_0 = arith.constant 0 : i32
    return %arg0, %c0_i32 : i32, i32
  }
}

module attributes {stable_mosaic.version = 14 : i64} {
  func.func @body(%arg0: i32, %arg1: memref<256x128xf32, #tpu.memory_space<vmem>>, %arg2: memref<256x128xf32, #tpu.memory_space<vmem>>, %arg3: memref<1x128xf32, #tpu.memory_space<vmem>>, %arg4: memref<1x128xf32, #tpu.memory_space<vmem>>, %arg5: memref<1x128xf32, #tpu.memory_space<vmem>>, %arg6: memref<128x128xf32, #tpu.memory_space<vmem>>, %arg7: memref<128x896xf32, #tpu.memory_space<vmem>>, %arg8: memref<256x896xf32, #tpu.memory_space<vmem>>) attributes {dimension_semantics = [#tpu.dimension_semantics<arbitrary>], iteration_bounds = array<i64: 5>, scalar_prefetch = 0 : i64, scratch_operands = 0 : i64, tpu.core_type = #tpu.core_type<tc>, window_params = [{transform_indices = @transform_0, window_bounds = array<i64: 256, 128>}, {transform_indices = @transform_1, window_bounds = array<i64: 256, 128>}, {pipeline_mode = #tpu.pipeline_mode<synchronous>, transform_indices = @transform_2, window_bounds = array<i64: 1, 128>}, {pipeline_mode = #tpu.pipeline_mode<synchronous>, transform_indices = @transform_3, window_bounds = array<i64: 1, 128>}, {pipeline_mode = #tpu.pipeline_mode<synchronous>, transform_indices = @transform_4, window_bounds = array<i64: 1, 128>}, {pipeline_mode = #tpu.pipeline_mode<synchronous>, transform_indices = @transform_5, window_bounds = array<i64: 128, 128>}, {pipeline_mode = #tpu.pipeline_mode<synchronous>, transform_indices = @transform_6, window_bounds = array<i64: 128, 896>}, {transform_indices = @transform_7, window_bounds = array<i64: 256, 896>}]} {
    %get3A = arith.constant 0 : index
    %get3A_0 = arith.constant 0 : index
    %get3A_1 = vector.load %arg1[%get3A, %get3A_0] : memref<256x128xf32, #tpu.memory_space<vmem>>, vector<256x128xf32>
    %get3A_2 = arith.constant 0 : index
    %get3A_3 = arith.constant 0 : index
    %get3A_4 = vector.load %arg2[%get3A_2, %get3A_3] : memref<256x128xf32, #tpu.memory_space<vmem>>, vector<256x128xf32>
    %add3A = arith.addf %get3A_1, %get3A_4 : vector<256x128xf32>
    %get3A_5 = arith.constant 0 : index
    %get3A_6 = arith.constant 0 : index
    %get3A_7 = vector.load %arg3[%get3A_5, %get3A_6] : memref<1x128xf32, #tpu.memory_space<vmem>>, vector<1x128xf32>
    %add3A_8 = vector.broadcast %get3A_7 : vector<1x128xf32> to vector<256x128xf32>
    %add3A_9 = arith.addf %add3A, %add3A_8 : vector<256x128xf32>
    %get3A_10 = arith.constant 0 : index
    %get3A_11 = arith.constant 0 : index
    %get3A_12 = vector.load %arg4[%get3A_10, %get3A_11] : memref<1x128xf32, #tpu.memory_space<vmem>>, vector<1x128xf32>
    %get3A_13 = arith.constant 0 : index
    %get3A_14 = arith.constant 0 : index
    %get3A_15 = vector.load %arg5[%get3A_13, %get3A_14] : memref<1x128xf32, #tpu.memory_space<vmem>>, vector<1x128xf32>
    %get3A_16 = arith.constant 0 : index
    %get3A_17 = arith.constant 0 : index
    %get3A_18 = vector.load %arg6[%get3A_16, %get3A_17] : memref<128x128xf32, #tpu.memory_space<vmem>>, vector<128x128xf32>
    %get3A_19 = arith.constant 0 : index
    %get3A_20 = arith.constant 0 : index
    %get3A_21 = vector.load %arg7[%get3A_19, %get3A_20] : memref<128x896xf32, #tpu.memory_space<vmem>>, vector<128x896xf32>
    %dot_general3A = arith.constant dense<0.000000e+00> : vector<256x128xf32>
    %dot_general3A_22 = tpu.matmul %add3A_9, %get3A_18, %dot_general3A {dimension_numbers = #tpu.dot_dimension_numbers<[1], [0], [0], [1], [0, 0, 1, 1], [], []>, transpose_lhs_hint = false} : vector<256x128xf32>, vector<128x128xf32>, vector<256x128xf32> -> vector<256x128xf32>
    %mul3A = arith.mulf %add3A_9, %add3A_9 : vector<256x128xf32>
    %dot_general3A_23 = arith.constant dense<0.000000e+00> : vector<256x128xf32>
    %dot_general3A_24 = tpu.matmul %mul3A, %get3A_18, %dot_general3A_23 {dimension_numbers = #tpu.dot_dimension_numbers<[1], [0], [0], [1], [0, 0, 1, 1], [], []>, transpose_lhs_hint = false} : vector<256x128xf32>, vector<128x128xf32>, vector<256x128xf32> -> vector<256x128xf32>
    %mul3A_25 = arith.mulf %dot_general3A_22, %dot_general3A_22 : vector<256x128xf32>
    %sub3A = arith.subf %dot_general3A_24, %mul3A_25 : vector<256x128xf32>
    %sub3A_26 = arith.subf %add3A_9, %dot_general3A_22 : vector<256x128xf32>
    %add3A_27 = arith.constant 9.99999974E-6 : f32
    %add3A_28 = vector.broadcast %add3A_27 : f32 to vector<256x128xf32>
    %add3A_29 = arith.addf %sub3A, %add3A_28 : vector<256x128xf32>
    %rsqrt3A = math.rsqrt %add3A_29 : vector<256x128xf32>
    %mul3A_30 = arith.mulf %sub3A_26, %rsqrt3A : vector<256x128xf32>
    %mul3A_31 = vector.broadcast %get3A_12 : vector<1x128xf32> to vector<256x128xf32>
    %mul3A_32 = arith.mulf %mul3A_30, %mul3A_31 : vector<256x128xf32>
    %add3A_33 = vector.broadcast %get3A_15 : vector<1x128xf32> to vector<256x128xf32>
    %add3A_34 = arith.addf %mul3A_32, %add3A_33 : vector<256x128xf32>
    %integer_pow3A = arith.mulf %add3A_34, %add3A_34 : vector<256x128xf32>
    %integer_pow3A_35 = arith.mulf %add3A_34, %integer_pow3A : vector<256x128xf32>
    %mul3A_36 = arith.constant 4.471500e-02 : f32
    %mul3A_37 = vector.broadcast %mul3A_36 : f32 to vector<256x128xf32>
    %mul3A_38 = arith.mulf %mul3A_37, %integer_pow3A_35 : vector<256x128xf32>
    %add3A_39 = arith.addf %add3A_34, %mul3A_38 : vector<256x128xf32>
    %mul3A_40 = arith.constant 0.797884583 : f32
    %mul3A_41 = vector.broadcast %mul3A_40 : f32 to vector<256x128xf32>
    %mul3A_42 = arith.mulf %mul3A_41, %add3A_39 : vector<256x128xf32>
    %tanh3A = math.tanh %mul3A_42 : vector<256x128xf32>
    %add3A_43 = arith.constant 1.000000e+00 : f32
    %add3A_44 = vector.broadcast %add3A_43 : f32 to vector<256x128xf32>
    %add3A_45 = arith.addf %add3A_44, %tanh3A : vector<256x128xf32>
    %mul3A_46 = arith.constant 5.000000e-01 : f32
    %mul3A_47 = vector.broadcast %mul3A_46 : f32 to vector<256x128xf32>
    %mul3A_48 = arith.mulf %mul3A_47, %add3A_45 : vector<256x128xf32>
    %mul3A_49 = arith.mulf %add3A_34, %mul3A_48 : vector<256x128xf32>
    %dot_general3A_50 = arith.constant dense<0.000000e+00> : vector<256x896xf32>
    %dot_general3A_51 = tpu.matmul %mul3A_49, %get3A_21, %dot_general3A_50 {dimension_numbers = #tpu.dot_dimension_numbers<[1], [0], [0], [1], [0, 0, 1, 1], [], []>, transpose_lhs_hint = false} : vector<256x128xf32>, vector<128x896xf32>, vector<256x896xf32> -> vector<256x896xf32>
    %swap3A = arith.constant 0 : index
    %swap3A_52 = arith.constant 0 : index
    %swap3A_53 = vector.load %arg8[%swap3A, %swap3A_52] : memref<256x896xf32, #tpu.memory_space<vmem>>, vector<256x896xf32>
    tpu.vector_store %arg8[%swap3A, %swap3A_52], %dot_general3A_51 {strides = array<i32>} : memref<256x896xf32, #tpu.memory_space<vmem>>, vector<256x896xf32>,
    return
  }
  func.func @transform_0(%arg0: i32) -> (i32, i32) {
    %c0_i32 = arith.constant 0 : i32
    %c0_i32_0 = arith.constant 0 : i32
    return %arg0, %c0_i32 : i32, i32
  }
  func.func @transform_1(%arg0: i32) -> (i32, i32) {
    %c0_i32 = arith.constant 0 : i32
    %c0_i32_0 = arith.constant 0 : i32
    return %arg0, %c0_i32 : i32, i32
  }
  func.func @transform_2(%arg0: i32) -> (i32, i32) {
    %c0_i32 = arith.constant 0 : i32
    %c0_i32_0 = arith.constant 0 : i32
    %c0_i32_1 = arith.constant 0 : i32
    return %c0_i32, %c0_i32_0 : i32, i32
  }
  func.func @transform_3(%arg0: i32) -> (i32, i32) {
    %c0_i32 = arith.constant 0 : i32
    %c0_i32_0 = arith.constant 0 : i32
    %c0_i32_1 = arith.constant 0 : i32
    return %c0_i32, %c0_i32_0 : i32, i32
  }
  func.func @transform_4(%arg0: i32) -> (i32, i32) {
    %c0_i32 = arith.constant 0 : i32
    %c0_i32_0 = arith.constant 0 : i32
    %c0_i32_1 = arith.constant 0 : i32
    return %c0_i32, %c0_i32_0 : i32, i32
  }
  func.func @transform_5(%arg0: i32) -> (i32, i32) {
    %c0_i32 = arith.constant 0 : i32
    %c0_i32_0 = arith.constant 0 : i32
    %c0_i32_1 = arith.constant 0 : i32
    return %c0_i32, %c0_i32_0 : i32, i32
  }
  func.func @transform_6(%arg0: i32) -> (i32, i32) {
    %c0_i32 = arith.constant 0 : i32
    %c0_i32_0 = arith.constant 0 : i32
    %c0_i32_1 = arith.constant 0 : i32
    return %c0_i32, %c0_i32_0 : i32, i32
  }
  func.func @transform_7(%arg0: i32) -> (i32, i32) {
    %c0_i32 = arith.constant 0 : i32
    %c0_i32_0 = arith.constant 0 : i32
    return %arg0, %c0_i32 : i32, i32
  }
}

module attributes {stable_mosaic.version = 14 : i64} {
  func.func @body(%arg0: i32, %arg1: memref<256x128xf32, #tpu.memory_space<vmem>>, %arg2: memref<256x128xf32, #tpu.memory_space<vmem>>, %arg3: memref<256x128xf32, #tpu.memory_space<vmem>>, %arg4: memref<1x128xf32, #tpu.memory_space<vmem>>, %arg5: memref<256x128xf32, #tpu.memory_space<vmem>>) attributes {dimension_semantics = [#tpu.dimension_semantics<arbitrary>], iteration_bounds = array<i64: 5>, scalar_prefetch = 0 : i64, scratch_operands = 0 : i64, tpu.core_type = #tpu.core_type<tc>, window_params = [{transform_indices = @transform_0, window_bounds = array<i64: 256, 128>}, {transform_indices = @transform_1, window_bounds = array<i64: 256, 128>}, {transform_indices = @transform_2, window_bounds = array<i64: 256, 128>}, {pipeline_mode = #tpu.pipeline_mode<synchronous>, transform_indices = @transform_3, window_bounds = array<i64: 1, 128>}, {transform_indices = @transform_4, window_bounds = array<i64: 256, 128>}]} {
    %get3A = arith.constant 0 : index
    %get3A_0 = arith.constant 0 : index
    %get3A_1 = vector.load %arg1[%get3A, %get3A_0] : memref<256x128xf32, #tpu.memory_space<vmem>>, vector<256x128xf32>
    %get3A_2 = arith.constant 0 : index
    %get3A_3 = arith.constant 0 : index
    %get3A_4 = vector.load %arg2[%get3A_2, %get3A_3] : memref<256x128xf32, #tpu.memory_space<vmem>>, vector<256x128xf32>
    %add3A = arith.addf %get3A_1, %get3A_4 : vector<256x128xf32>
    %get3A_5 = arith.constant 0 : index
    %get3A_6 = arith.constant 0 : index
    %get3A_7 = vector.load %arg3[%get3A_5, %get3A_6] : memref<256x128xf32, #tpu.memory_space<vmem>>, vector<256x128xf32>
    %add3A_8 = arith.addf %add3A, %get3A_7 : vector<256x128xf32>
    %get3A_9 = arith.constant 0 : index
    %get3A_10 = arith.constant 0 : index
    %get3A_11 = vector.load %arg4[%get3A_9, %get3A_10] : memref<1x128xf32, #tpu.memory_space<vmem>>, vector<1x128xf32>
    %add3A_12 = vector.broadcast %get3A_11 : vector<1x128xf32> to vector<256x128xf32>
    %add3A_13 = arith.addf %add3A_8, %add3A_12 : vector<256x128xf32>
    %swap3A = arith.constant 0 : index
    %swap3A_14 = arith.constant 0 : index
    %swap3A_15 = vector.load %arg5[%swap3A, %swap3A_14] : memref<256x128xf32, #tpu.memory_space<vmem>>, vector<256x128xf32>
    tpu.vector_store %arg5[%swap3A, %swap3A_14], %add3A_13 {strides = array<i32>} : memref<256x128xf32, #tpu.memory_space<vmem>>, vector<256x128xf32>,
    return
  }
  func.func @transform_0(%arg0: i32) -> (i32, i32) {
    %c0_i32 = arith.constant 0 : i32
    %c0_i32_0 = arith.constant 0 : i32
    return %arg0, %c0_i32 : i32, i32
  }
  func.func @transform_1(%arg0: i32) -> (i32, i32) {
    %c0_i32 = arith.constant 0 : i32
    %c0_i32_0 = arith.constant 0 : i32
    return %arg0, %c0_i32 : i32, i32
  }
  func.func @transform_2(%arg0: i32) -> (i32, i32) {
    %c0_i32 = arith.constant 0 : i32
    %c0_i32_0 = arith.constant 0 : i32
    return %arg0, %c0_i32 : i32, i32
  }
  func.func @transform_3(%arg0: i32) -> (i32, i32) {
    %c0_i32 = arith.constant 0 : i32
    %c0_i32_0 = arith.constant 0 : i32
    %c0_i32_1 = arith.constant 0 : i32
    return %c0_i32, %c0_i32_0 : i32, i32
  }
  func.func @transform_4(%arg0: i32) -> (i32, i32) {
    %c0_i32 = arith.constant 0 : i32
    %c0_i32_0 = arith.constant 0 : i32
    return %arg0, %c0_i32 : i32, i32
  }
}

</mosaic_0001>

<sc_bundles>
// kernel: kernel.24.cloned.1.call-start
scs
__scs_entry_jumppad:
0x0: {  	(pc) =	sbr.rel $0x88, $3  }
0x1: {  	(tag) =	ssettag $0x0;
	lr =	simm.s32 $0x1  }
0x2: {  	[smem:$0x3F93] =	sst lr;
	_ =	strace $0xD0000000  }
0x3: {  	_ = 	snop  }
0x4: {  	_ = 	snop  }
0x5: {  	_ = 	snop  }
0x6: {  	_ = 	snop  }
0x7: {  	_ = 	snop  }
__scs_overlays_trampoline_lowered:
0x8: {  	[smem:$0x3FA2] =	sst s0  }
0x9: {  	[smem:$0x3FA3] =	sst s1  }
0xa: {  	[smem:$0x3FA4] =	sst s2  }
0xb: {  	[smem:$0x3FA5] =	sst s3  }
0xc: {  	[smem:$0x3FA6] =	sst s4  }
0xd: {  	[smem:$0x3FA7] =	sst s5  }
0xe: {  	[smem:$0x3FA8] =	sst s6  }
0xf: {  	[smem:$0x3FA9] =	sst s7  }
0x10: {  	[smem:$0x3FAA] =	sst s8  }
0x11: {  	[smem:$0x3FAB] =	sst s9;
	s0 =	simm.s32 @!p0 $0x0  }
0x12: {  	s1 =	sld [smem:$0x3F91];
	s0 =	simm.s32 @p0 $0x1  }
0x13: {  	[smem:$0x3FAC] =	sst s0;
	s0 =	simm.s32 @!p1 $0x0  }
0x14: {  	s2 =	sld [smem:$0x3F90];
	s0 =	simm.s32 @p1 $0x1  }
0x15: {  	[smem:$0x3FAD] =	sst s0;
	s0 =	simm.s32 @!p2 $0x0  }
0x16: {  	s3 =	sld [smem:$0x3FDB];
	s0 =	simm.s32 @p2 $0x1  }
0x17: {  	s4 =	simm.s32 $0x1BF5;
	[smem:$0x3FAF] =	sst s0  }
0x18: {  	s0 =	sld [smem:$0x3F92];
	_ =	swait.ge [sflag:s4], $0x0  }
0x19: {  	s7 =	sld [smem:$0x3F93]  }
0x1a: {  	s8 =	sadd.s32 $0xFFFFE003, lr  }
0x1b: {  	s9 =	sadd.s32 $0xFFFFFEF7, lr;
	s5 =	simm.s32 $0xFFFFFFFF;
	p2 =	slt.u32 s8, $0xFFFFF086  }
0x1c: {  	p1 =	slt.u32 s9, $0xF7A;
	s5 =	simm.s32 @!p2 $0x0  }
0x1d: {  	s5 =	simm.s32 @p1 $0x1;
	p0 =	seq.s32 s7, s2  }
0x1e: {  	s7 =	smul.u32 @!p0 $0xF7A, s2;
	p2 =	seq.s32 @!p0 s5, $0x0  }
0x1f: {  	s9 =	smul.u32 $0xF7A, s1;
	s8 =	simm.s32 @!p0 $0x1BF5;
	p2 =	por !p2, p0  }
0x20: {  	[sflag:s8] =	ssyncset.s32 @!p0 $0xFFFFF086;
	s6 =	sadd.s32 @!p0 s3, s7;
	s7 =	simm.s32 @!p0 $0x108  }
0x21: {  	s3 =	sadd.s32 s3, s9;
	s6 =	sadd.s32 @!p0 $0x88, s6;
	s7 =	simm.s32 @p2 $0x1082  }
0x22: {  	[simem:s7], [sflag:s8] =	dma.local @!p0 [hbm:s6], $0xF7A  }
0x23: {  	s9 =	sor.u32 $0xD0000000, s2;
	s6 =	simm.s32 $0x108;
	_ =	swait.ge @!p0 [sflag:s8], $0x0  }
0x24: {  	s3 =	sadd.s32 $0x88, s3;
	s6 =	simm.s32 @!p1 $0x1082;
	[sflag:s4] =	ssyncset.s32 $0xFFFFF086  }
0x25: {  	[simem:s6], [sflag:s4] =	dma.local [hbm:s3], $0xF7A  }
0x26: {  	[smem:$0x3F93] =	sst s1;
	(tag) =	ssettag s2;
	_ =	strace s9  }
0x27: {  	s1 =	sld [smem:$0x3FA3]  }
0x28: {  	s2 =	sld [smem:$0x3FA4]  }
0x29: {  	s4 =	sld [smem:$0x3FA6]  }
0x2a: {  	p0 =	seq.s32 s5, $0x0;
	s5 =	sld [smem:$0x3FA7]  }
0x2b: {  	s6 =	sld [smem:$0x3FA8]  }
0x2c: {  	s7 =	sld [smem:$0x3FA9]  }
0x2d: {  	s3 =	simm.s32 $0x108;
	s8 =	sld [smem:$0x3FAA]  }
0x2e: {  	s3 =	simm.s32 @!p0 $0x1082;
	s9 =	sld [smem:$0x3FAB]  }
0x2f: {  	lr =	sadd.s32 s0, s3;
	s0 =	sld [smem:$0x3FA2]  }
0x30: {  	s3 =	sld [smem:$0x3FA5]  }
0x31: {  	[smem:$0x3FAE] =	sst s10  }
0x32: {  	s10 =	sld [smem:$0x3FAC];
	_ =	sdelay $0x3  }
0x33: {  	p0 =	seq.s32 s10, $0x1;
	s10 =	sld [smem:$0x3FAE];
	_ =	sdelay $0x3  }
0x34: {  	[smem:$0x3FAE] =	sst s10  }
0x35: {  	s10 =	sld [smem:$0x3FAD];
	_ =	sdelay $0x3  }
0x36: {  	p1 =	seq.s32 s10, $0x1;
	s10 =	sld [smem:$0x3FAE];
	_ =	sdelay $0x3  }
0x37: {  	[smem:$0x3FAE] =	sst s10  }
0x38: {  	s10 =	sld [smem:$0x3FAF]  }
0x39: {  	_ = 	snop;
	(pc) =	sbr.ind lr, $3  }
0x3a: {  	_ = 	snop  }
0x3b: {  	_ = 	snop  }
0x3c: {  	p2 =	seq.s32 s10, $0x1;
	s10 =	sld [smem:$0x3FAE]  }
0x3d: {  	_ =	shalt  }
0x3e: {  	_ =	shalt  }
0x3f: {  	_ =	shalt  }
0x40: {  	_ =	shalt  }
0x41: {  	_ =	shalt  }
0x42: {  	_ =	shalt  }
0x43: {  	_ =	shalt  }
0x44: {  	_ =	shalt  }
0x45: {  	_ =	shalt  }
0x46: {  	_ =	shalt  }
0x47: {  	_ =	shalt  }
0x48: {  	_ =	shalt  }
0x49: {  	_ =	shalt  }
0x4a: {  	_ =	shalt  }
0x4b: {  	_ =	shalt  }
0x4c: {  	_ =	shalt  }
0x4d: {  	_ =	shalt  }
0x4e: {  	_ =	shalt  }
0x4f: {  	_ =	shalt  }
0x50: {  	_ =	shalt  }
0x51: {  	_ =	shalt  }
0x52: {  	_ =	shalt  }
0x53: {  	_ =	shalt  }
0x54: {  	_ =	shalt  }
0x55: {  	_ =	shalt  }
0x56: {  	_ =	shalt  }
0x57: {  	_ =	shalt  }
0x58: {  	_ =	shalt  }
0x59: {  	_ =	shalt  }
0x5a: {  	_ =	shalt  }
0x5b: {  	_ =	shalt  }
0x5c: {  	_ =	shalt  }
0x5d: {  	_ =	shalt  }
0x5e: {  	_ =	shalt  }
0x5f: {  	_ =	shalt  }
0x60: {  	_ =	shalt  }
0x61: {  	_ =	shalt  }
0x62: {  	_ =	shalt  }
0x63: {  	_ =	shalt  }
0x64: {  	_ =	shalt  }
0x65: {  	_ =	shalt  }
0x66: {  	_ =	shalt  }
0x67: {  	_ =	shalt  }
0x68: {  	_ =	shalt  }
0x69: {  	_ =	shalt  }
0x6a: {  	_ =	shalt  }
0x6b: {  	_ =	shalt  }
0x6c: {  	_ =	shalt  }
0x6d: {  	_ =	shalt  }
0x6e: {  	_ =	shalt  }
0x6f: {  	_ =	shalt  }
0x70: {  	_ =	shalt  }
0x71: {  	_ =	shalt  }
0x72: {  	_ =	shalt  }
0x73: {  	_ =	shalt  }
0x74: {  	_ =	shalt  }
0x75: {  	_ =	shalt  }
0x76: {  	_ =	shalt  }
0x77: {  	_ =	shalt  }
0x78: {  	_ =	shalt  }
0x79: {  	_ =	shalt  }
0x7a: {  	_ =	shalt  }
0x7b: {  	_ =	shalt  }
0x7c: {  	_ =	shalt  }
0x7d: {  	_ =	shalt  }
0x7e: {  	_ =	shalt  }
0x7f: {  	_ =	shalt  }
0x80: {  	_ =	shalt  }
0x81: {  	_ =	shalt  }
0x82: {  	_ =	shalt  }
0x83: {  	_ =	shalt  }
0x84: {  	_ =	shalt  }
0x85: {  	_ =	shalt  }
0x86: {  	_ =	shalt  }
0x87: {  	_ =	shalt  }
.Lfunc_end0:
.L_simem_size_0:
called_computation_lowered:
.L_overlay_start_0:
0x88: {  	s2 =	sld [smem:$0x3FD9]  }
0x89: {  	s3 =	sld [smem:$0x3FFE];
	_ =	sdelay $0x1  }
0x8a: {  	s1 =	srdreg.scid  }
0x8b: {  	s0 =	sand.u32 $0x1, s1  }
0x8c: {  	s14 =	sshll.u32 s0, $0xA;
	s2 =	sadd.s32 s3, s2  }
0x8d: {  	s2 =	sadd.s32 s2, s14  }
0x8e: {  	[smem:$0x3FBA] =	sst s2  }
0x8f: {  	_ = 	snop  }
0x90: {  	s2 =	sld [smem:$0x3FD0];
	_ =	sdelay $0x2  }
0x91: {  	s15 =	simm.s32 $0xA;
	s4 =	simm.s32 $0x10  }
0x92: {  	[smem:s4], [sflag:s15] =	dma.local [hbm:s2], $0x1  }
0x93: {  	_ =	swait.eq [sflag:s15], $0x1  }
0x94: {  	[sflag:s15] =	ssyncset.done $0x0  }
0x95: {  	[sflag:s15] =	ssyncadd.s32 $0xFFFFFFFF  }
0x96: {  	s16 =	sld [smem:$0x10];
	(tm) =	ssettm $0x1  }
0x97: {  	s17 =	sld [smem:$0x3FFB];
	_ =	sdelay $0x3  }
0x98: {  	_ =	strace s17  }
0x99: {  	s3 =	sld [smem:$0x3FFC];
	_ =	sdelay $0x3  }
0x9a: {  	_ =	strace s3  }
0x9b: {  	s3 =	sld [smem:$0x3FFD];
	_ =	sdelay $0x3  }
0x9c: {  	_ =	strace s3  }
0x9d: {  	_ =	strace $0x8FFFFFFF  }
0x9e: {  	s18 =	sld [smem:$0x3FDB];
	_ =	sdelay $0x1  }
0x9f: {  	s19 =	simm.s32 $_scs_section_size  }
0xa0: {  	s5 =	simm.s32 $_size__tile_overlayer_lowered;
	s6 =	simm.s32 $_tile_overlayer_lowered  }
0xa1: {  	s22 =	simm.s32 $0x1BFF;
	s21 =	sshll.u32 s6, $0x1;
	s3 =	sadd.s32 s19, s18  }
0xa2: {  	s7 =	simm.s32 $0x0;
	s20 =	sshll.u32 s5, $0x1;
	s5 =	sadd.s32 s21, s3  }
0xa3: {  	[timem:s7], [sflag:s22] =	dma.local [hbm:s5], s20  }
0xa4: {  	_ =	swait.ge [sflag:s22], s20  }
0xa5: {  	s4 =	ssub.s32 $0x0, s20;
	[sflag:s22] =	ssyncset.done $0x0  }
0xa6: {  	[sflag:s22] =	ssyncadd.s32 s4;
	_ =	sdelay $0x1  }
0xa7: {  	s23 =	simm.s32 $0x1B8B  }
0xa8: {  	_ =	swait.ge [sflag:s23], $0x1  }
0xa9: {  	[sflag:s23] =	ssyncset.done $0x0  }
0xaa: {  	s25 =	simm.s32 $0x1B8E;
	s24 =	sld [smem:$0x3FFE];
	[sflag:s23] =	ssyncadd.s32 $0xFFFFFFFF  }
0xab: {  	s26 =	simm.s32 $execute0_lowered;
	[smem:$0x3FD2] =	sst s25  }
0xac: {  	s5 =	sshll.u32 s26, $0x1;
	_ =	strace $0x80000046;
	[dreg:$0x1] =	wrdreg $0xFFFFFFFF  }
0xad: {  	s28 =	simm.s32 $_size_execute0_lowered;
	s3 =	sadd.s32 s3, s5;
	[dreg:$0x0] =	wrdreg $0x0  }
0xae: {  	s5 =	sshll.u32 s28, $0x1;
	[dreg:$0x2] =	wrdreg s3  }
0xaf: {  	[dreg:$0x3] =	wrdreg s5  }
0xb0: {  	[dreg:$0x4] =	wrdreg $0xC0  }
0xb1: {  	_ =	task [dreg:s7], $0x5FFFF  }
0xb2: {  	[dreg:$0x1] =	wrdreg $0xFFFFFFFF  }
0xb3: {  	[dreg:$0x0] =	wrdreg $0x60  }
0xb4: {  	[dreg:$0x2] =	wrdreg s24  }
0xb5: {  	[dreg:$0x3] =	wrdreg s16  }
0xb6: {  	[dreg:$0x4] =	wrdreg $0x0  }
0xb7: {  	[dreg:$0x5] =	wrdreg $0x9  }
0xb8: {  	_ =	task.clear_ibuf [dreg:s7], $0x6FFFF;
	_ =	strace $0x90000046  }
0xb9: {  	s29 =	simm.s32 $0x9;
	_ =	strace $0x80000048  }
0xba: {  	_ =	swait.ge [sflag:s29], $0x1  }
0xbb: {  	[sflag:s29] =	ssyncadd.s32 $0xFFFFFFFF  }
0xbc: {  	_ =	strace $0x90000048  }
0xbd: {  	_ =	sfence  }
0xbe: {  	s30 =	sld [smem:$0x0];
	_ =	sdelay $0x2  }
0xbf: {  	s31 =	sshll.u32 s1, $0xD;
	s1 =	sshrl.u32 s1, $0x2  }
0xc0: {  	s3 =	sand.u32 $0x4000, s31;
	s1 =	sadd.s32 s1, s30  }
0xc1: {  	s0 =	sor.u32 s3, s0;
	s1 =	sshll.u32 s1, $0x11  }
0xc2: {  	s0 =	sor.u32 s1, s0  }
0xc3: {  	s0 =	sadd.s32 $0x8F2B, s0  }
0xc4: {  	[sflag:s0] =	ssyncadd.remote.s32 $0x1  }
0xc5: {  	_ =	sfence.sel $0xFFFF  }
0xc6: {  	[dreg:$0x0] =	wrdreg $0xFFFFFFFF;
	(pc) =	sbr.abs _section_cstart, $3  }
0xc7: {  	[dreg:$0x1] =	wrdreg $0xFFFFFFFF  }
0xc8: {  	_ =	task.clear_ibuf [dreg:s7], $0x2FFFF;
	_ =	strace $0x9FFFFFFF  }
0xc9: {  	(tm) =	ssettm $0x7FFFFFFF  }
tec
execute0_lowered:
.L_overlay_start_1:
0x0: {  	(tag) =	ssettag $0x1  }
0x1: {  	s5 =	rddreg [dreg:$0x0]  }
0x2: {  	s9 =	rddreg [dreg:$0x1]  }
0x3: {  	s2 =	rddreg [dreg:$0x2]  }
0x4: {  	s0 =	rddreg [dreg:$0x3]  }
0x5: {  	s1 =	stileid.u32;
	s3 =	simm.s32 $0x0;
	s4 =	srdreg.scid  }
0x6: {  	s15 =	simm.s32 $0x14100;
	s16 =	simm.s32 $0x18200;
	s17 =	simm.s32 $0x1  }
0x7: {  	s18 =	simm.s32 $0x14080;
	s19 =	simm.s32 $0x2;
	s6 =	smul.u32 $0x14000, s1  }
0x8: {  	s20 =	simm.s32 $0x14180;
	s21 =	simm.s32 $0x0;
	s11 =	smul.u32 $0x50000, s1  }
0x9: {  	[smem:$0x7FF] =	sst s3;
	s7 =	sand.u32 $0x1, s4;
	s12 =	smul.u32 $0xA000, s1  }
0xa: {  	s4 =	sadd.s32 $0x15D400, s5;
	s31 =	sshll.u32 s1, $0x6;
	s10 =	smul.u32 $0x140000, s7  }
0xb: {  	_ =	strace $0x80000047;
	s29 =	ssub.s32 $0x2, s7;
	s7 =	smul.u32 $0x5000, s7  }
0xc: {  	s8 =	sshrl.u32 s6, $0x3;
	s13 =	sshrl.u32 s29, $0x1;
	s30 =	sshrl.u32 s11, $0x2  }
0xd: {  	s8 =	sadd.s32 s8, s5;
	s6 =	sadd.s32 s6, s10;
	s10 =	ssub.s32 s29, s13  }
0xe: {  	s11 =	sadd.s32 s30, s2;
	s7 =	sadd.s32 s7, s12;
	s6 =	sshrl.u32 s6, $0x3  }
0xf: {  	s13 =	simm.s32 $0x80;
	s12 =	sshrl.u32 s7, $0x3;
	s14 =	sadd.s32 s6, s5  }
0x10: {  	s5 =	sadd.s32 $0x45400, s8;
	s6 =	sor.u32 $0x1C03, s31;
	s8 =	smax.u32 s10, $0x1  }
0x11: {  	s9 =	sadd.s32 s12, s9;
	s10 =	sshrl.u32 s11, $0x3;
	s11 =	simm.s32 $0x3  }
0x12: {  	s12 =	simm.s32 $0x14000;
	s7 =	sadd.s32 $0x6D400, s14;
	s14 =	simm.s32 $0x14200  }
.LBB2_1:
0x13: {  	[spmem:s10], [sflag:s6] =	dma.local [hbm:s5], $0x2800  }
0x14: {  	_ =	swait.ge [sflag:s11], $0x2800  }
0x15: {  	[sflag:s11] =	ssyncset.done $0x0  }
0x16: {  	[sflag:s11] =	ssyncadd.s32 $0xFFFFD800  }
0x17: {  	s22 =	sadd.s32 $0x0, s9;
	[bflag:$0x0] =	sbarrier.arrive $0xFFFF  }
0x18: {  	[tilespmem:s12], [sflag:$0x3] =	stream.linear.gather [hbm4b:s22+s3], $0x100, $0x38;
	[tilespmem:$0x1C200] =	vst v63  }
0x19: {  	_ =	swait.ge [sflag:s11], $0x100  }
0x1a: {  	[sflag:s11] =	ssyncset.done $0x0  }
0x1b: {  	[sflag:s11] =	ssyncadd.s32 $0xFFFFFF00  }
0x1c: {  	[tilespmem:s14], [sflag:$0x1] =	stream.indirect.gather [hbm4b:s4+s13], $0x80, s12, s13, $0xb8;
	[tilespmem:$0x1C200] =	vst v63  }
0x1d: {  	s22 =	sadd.s32 $0x20, s22  }
0x1e: {  	[tilespmem:s15], [sflag:$0x3] =	stream.linear.gather [hbm4b:s22+s3], $0x100, $0x38;
	[tilespmem:$0x1C200] =	vst v63  }
0x1f: {  	_ =	swait.ge [sflag:s11], $0x100  }
0x20: {  	[sflag:s11] =	ssyncset.done $0x0  }
0x21: {  	[sflag:s11] =	ssyncadd.s32 $0xFFFFFF00  }
0x22: {  	[tilespmem:s16], [sflag:$0x2] =	stream.indirect.gather [hbm4b:s4+s13], $0x80, s15, s13, $0xb8;
	[tilespmem:$0x1C200] =	vst v63  }
0x23: {  	_ =	swait.ge [sflag:s17], $0x4000  }
0x24: {  	[sflag:s17] =	ssyncset.done $0x0  }
0x25: {  	[sflag:s17] =	ssyncadd.s32 $0xFFFFC000  }
0x26: {  	[spmem:s2] =	stream.indirect.scatter.add.f32 [tilespmem:s14], [sflag:$0x3], $0x80, s18, s13, $0xb8;
	[tilespmem:$0x1C200] =	vst v63  }
0x27: {  	_ =	swait.ge [sflag:s11], $0x4000  }
0x28: {  	[sflag:s11] =	ssyncset.done $0x0  }
0x29: {  	[sflag:s11] =	ssyncadd.s32 $0xFFFFC000  }
0x2a: {  	_ =	swait.ge [sflag:s19], $0x4000  }
0x2b: {  	[sflag:s19] =	ssyncset.done $0x0  }
0x2c: {  	[sflag:s19] =	ssyncadd.s32 $0xFFFFC000  }
0x2d: {  	[spmem:s2] =	stream.indirect.scatter.add.f32 [tilespmem:s16], [sflag:$0x3], $0x80, s20, s13, $0xb8;
	[tilespmem:$0x1C200] =	vst v63  }
0x2e: {  	_ =	swait.ge [sflag:s11], $0x4000  }
0x2f: {  	s23 =	simm.s32 $0x80;
	s22 =	simm.s32 $0x40;
	[sflag:s11] =	ssyncset.done $0x0  }
.LBB2_2:
0x30: {  	s24 =	sadd.s32 s22, s9  }
0x31: {  	[sflag:s11] =	ssyncadd.s32 $0xFFFFC000;
	s22 =	smov.u32 s23;
	s25 =	sadd.s32 $0x40, s23  }
0x32: {  	[tilespmem:s12], [sflag:$0x3] =	stream.linear.gather [hbm4b:s24+s3], $0x100, $0x38;
	[tilespmem:$0x1C200] =	vst v63  }
0x33: {  	p0 =	sne.s32 s23, $0x9C0;
	_ =	swait.ge [sflag:s11], $0x100  }
0x34: {  	[sflag:s11] =	ssyncset.done $0x0  }
0x35: {  	[sflag:s11] =	ssyncadd.s32 $0xFFFFFF00  }
0x36: {  	[tilespmem:s14], [sflag:$0x1] =	stream.indirect.gather [hbm4b:s4+s13], $0x80, s12, s13, $0xb8;
	[tilespmem:$0x1C200] =	vst v63  }
0x37: {  	s23 =	sadd.s32 $0x20, s24  }
0x38: {  	[tilespmem:s15], [sflag:$0x3] =	stream.linear.gather [hbm4b:s23+s3], $0x100, $0x38;
	[tilespmem:$0x1C200] =	vst v63  }
0x39: {  	_ =	swait.ge [sflag:s11], $0x100  }
0x3a: {  	[sflag:s11] =	ssyncset.done $0x0  }
0x3b: {  	[sflag:s11] =	ssyncadd.s32 $0xFFFFFF00  }
0x3c: {  	[tilespmem:s16], [sflag:$0x2] =	stream.indirect.gather [hbm4b:s4+s13], $0x80, s15, s13, $0xb8;
	[tilespmem:$0x1C200] =	vst v63  }
0x3d: {  	_ =	swait.ge [sflag:s17], $0x4000  }
0x3e: {  	[sflag:s17] =	ssyncset.done $0x0  }
0x3f: {  	[sflag:s17] =	ssyncadd.s32 $0xFFFFC000  }
0x40: {  	[spmem:s2] =	stream.indirect.scatter.add.f32 [tilespmem:s14], [sflag:$0x3], $0x80, s18, s13, $0xb8;
	[tilespmem:$0x1C200] =	vst v63  }
0x41: {  	_ =	swait.ge [sflag:s11], $0x4000  }
0x42: {  	[sflag:s11] =	ssyncset.done $0x0  }
0x43: {  	[sflag:s11] =	ssyncadd.s32 $0xFFFFC000  }
0x44: {  	_ =	swait.ge [sflag:s19], $0x4000  }
.Ltmp0:
0x45: {  	[sflag:s19] =	ssyncset.done $0x0;
	(pc) =	sbr.rel @p0 .LBB2_2-.Ltmp0, $4  }
0x46: {  	[sflag:s19] =	ssyncadd.s32 $0xFFFFC000  }
0x47: {  	[spmem:s2] =	stream.indirect.scatter.add.f32 [tilespmem:s16], [sflag:$0x3], $0x80, s20, s13, $0xb8;
	[tilespmem:$0x1C200] =	vst v63  }
0x48: {  	_ =	swait.ge [sflag:s11], $0x4000  }
0x49: {  	s23 =	smov.u32 s25;
	[sflag:s11] =	ssyncset.done $0x0  }
0x4a: {  	s22 =	sadd.s32 s22, s9;
	[sflag:s11] =	ssyncadd.s32 $0xFFFFC000  }
0x4b: {  	[tilespmem:s12], [sflag:$0x3] =	stream.linear.gather [hbm4b:s22+s3], $0x100, $0x38;
	[tilespmem:$0x1C200] =	vst v63  }
0x4c: {  	_ =	swait.ge [sflag:s11], $0x100  }
0x4d: {  	[sflag:s11] =	ssyncset.done $0x0  }
0x4e: {  	[sflag:s11] =	ssyncadd.s32 $0xFFFFFF00  }
0x4f: {  	[tilespmem:s14], [sflag:$0x1] =	stream.indirect.gather [hbm4b:s4+s13], $0x80, s12, s13, $0xb8;
	[tilespmem:$0x1C200] =	vst v63  }
0x50: {  	s22 =	sadd.s32 $0x20, s22  }
0x51: {  	[tilespmem:s15], [sflag:$0x3] =	stream.linear.gather [hbm4b:s22+s3], $0x100, $0x38;
	[tilespmem:$0x1C200] =	vst v63  }
0x52: {  	_ =	swait.ge [sflag:s11], $0x100  }
0x53: {  	[sflag:s11] =	ssyncset.done $0x0  }
0x54: {  	[sflag:s11] =	ssyncadd.s32 $0xFFFFFF00  }
0x55: {  	[tilespmem:s16], [sflag:$0x2] =	stream.indirect.gather [hbm4b:s4+s13], $0x80, s15, s13, $0xb8;
	[tilespmem:$0x1C200] =	vst v63  }
0x56: {  	_ =	swait.ge [sflag:s17], $0x4000  }
0x57: {  	[sflag:s17] =	ssyncset.done $0x0  }
0x58: {  	[sflag:s17] =	ssyncadd.s32 $0xFFFFC000  }
0x59: {  	[spmem:s2] =	stream.indirect.scatter.add.f32 [tilespmem:s14], [sflag:$0x3], $0x80, s18, s13, $0xb8;
	[tilespmem:$0x1C200] =	vst v63  }
0x5a: {  	_ =	swait.ge [sflag:s11], $0x4000  }
0x5b: {  	[sflag:s11] =	ssyncset.done $0x0  }
0x5c: {  	[sflag:s11] =	ssyncadd.s32 $0xFFFFC000  }
0x5d: {  	_ =	swait.ge [sflag:s19], $0x4000  }
0x5e: {  	[sflag:s19] =	ssyncset.done $0x0  }
0x5f: {  	[sflag:s19] =	ssyncadd.s32 $0xFFFFC000  }
0x60: {  	[spmem:s2] =	stream.indirect.scatter.add.f32 [tilespmem:s16], [sflag:$0x3], $0x80, s20, s13, $0xb8;
	[tilespmem:$0x1C200] =	vst v63  }
0x61: {  	_ =	swait.ge [sflag:s11], $0x4000  }
0x62: {  	s21 =	sadd.s32 $0x1, s21;
	[sflag:s11] =	ssyncset.done $0x0  }
0x63: {  	p0 =	sne.s32 s21, s8;
	[sflag:s11] =	ssyncadd.s32 $0xFFFFC000  }
.Ltmp1:
0x64: {  	[bflag:$0x0] =	sbarrier.arrive $0xFFFF;
	(pc) =	sbr.rel @p0 .LBB2_1-.Ltmp1, $4  }
0x65: {  	[hbm:s7], [sflag:s6] =	dma.local [spmem:s10], $0x2800  }
0x66: {  	_ =	swait.ge [sflag:s11], $0x2800  }
0x67: {  	[sflag:s11] =	ssyncset.done $0x0  }
0x68: {  	[sflag:s11] =	ssyncadd.s32 $0xFFFFD800  }
0x69: {  	_ =	sfence.sel $0x180000  }
0x6a: {  	[bflag:$0x0] =	sbarrier.arrive $0xFFFF  }
0x6b: {  	p0 =	sne.s32 s1, $0x0;
	_ =	strace $0x90000047  }
0x6c: {  	s0 =	sadd.s32 @!p0 $0x100000, s0;
	[bflag:$0x2] =	sbarrier.arrive $0xFFFF  }
0x6d: {  	[sflag:s0] =	ssyncadd.tile.s32 @!p0 $0x1;
	_ =	shalt  }
.Lfunc_end2:
_tile_overlayer_lowered:
.L_overlay_start_2:
0x6e: {  	(tag) =	ssettag $0x2  }
0x6f: {  	s0 =	rddreg [dreg:$0x0];
	s2 =	stileid.u32  }
0x70: {  	s1 =	rddreg [dreg:$0x1];
	p0 =	sne.s32 s2, $0x0  }
0x71: {  	s3 =	rddreg [dreg:$0x2];
	[bflag:$0x3] =	sbarrier.arrive $0xFFFF;
	s2 =	simm.s32 @!p0 $0x1C03  }
0x72: {  	[timem:s3], [sflag:s2] =	dma.local @!p0 [hbm:s0], s1  }
0x73: {  	s0 =	simm.s32 @!p0 $0x3  }
0x74: {  	_ =	swait.ge @!p0 [sflag:s0], s1  }
0x75: {  	s1 =	ssub.s32 @!p0 $0x0, s1;
	[sflag:s0] =	ssyncset.done @!p0 $0x0  }
0x76: {  	[sflag:s0] =	ssyncadd.s32 @!p0 s1  }
0x77: {  	[bflag:$0x3] =	sbarrier.arrive $0xFFFF  }
0x78: {  	_ =	shalt  }

// kernel: kernel.27.cloned.1.call-start
scs
__scs_entry_jumppad:
0x0: {  	(pc) =	sbr.rel $0x88, $3  }
0x1: {  	(tag) =	ssettag $0x0;
	lr =	simm.s32 $0x1  }
0x2: {  	[smem:$0x3F93] =	sst lr;
	_ =	strace $0xD0000000  }
0x3: {  	_ = 	snop  }
0x4: {  	_ = 	snop  }
0x5: {  	_ = 	snop  }
0x6: {  	_ = 	snop  }
0x7: {  	_ = 	snop  }
__scs_overlays_trampoline_lowered:
0x8: {  	[smem:$0x3FA2] =	sst s0  }
0x9: {  	[smem:$0x3FA3] =	sst s1  }
0xa: {  	[smem:$0x3FA4] =	sst s2  }
0xb: {  	[smem:$0x3FA5] =	sst s3  }
0xc: {  	[smem:$0x3FA6] =	sst s4  }
0xd: {  	[smem:$0x3FA7] =	sst s5  }
0xe: {  	[smem:$0x3FA8] =	sst s6  }
0xf: {  	[smem:$0x3FA9] =	sst s7  }
0x10: {  	[smem:$0x3FAA] =	sst s8  }
0x11: {  	[smem:$0x3FAB] =	sst s9;
	s0 =	simm.s32 @!p0 $0x0  }
0x12: {  	s1 =	sld [smem:$0x3F91];
	s0 =	simm.s32 @p0 $0x1  }
0x13: {  	[smem:$0x3FAC] =	sst s0;
	s0 =	simm.s32 @!p1 $0x0  }
0x14: {  	s2 =	sld [smem:$0x3F90];
	s0 =	simm.s32 @p1 $0x1  }
0x15: {  	[smem:$0x3FAD] =	sst s0;
	s0 =	simm.s32 @!p2 $0x0  }
0x16: {  	s3 =	sld [smem:$0x3FDB];
	s0 =	simm.s32 @p2 $0x1  }
0x17: {  	s4 =	simm.s32 $0x1BF5;
	[smem:$0x3FAF] =	sst s0  }
0x18: {  	s0 =	sld [smem:$0x3F92];
	_ =	swait.ge [sflag:s4], $0x0  }
0x19: {  	s7 =	sld [smem:$0x3F93]  }
0x1a: {  	s8 =	sadd.s32 $0xFFFFE003, lr  }
0x1b: {  	s9 =	sadd.s32 $0xFFFFFEF7, lr;
	s5 =	simm.s32 $0xFFFFFFFF;
	p2 =	slt.u32 s8, $0xFFFFF086  }
0x1c: {  	p1 =	slt.u32 s9, $0xF7A;
	s5 =	simm.s32 @!p2 $0x0  }
0x1d: {  	s5 =	simm.s32 @p1 $0x1;
	p0 =	seq.s32 s7, s2  }
0x1e: {  	s7 =	smul.u32 @!p0 $0xF7A, s2;
	p2 =	seq.s32 @!p0 s5, $0x0  }
0x1f: {  	s9 =	smul.u32 $0xF7A, s1;
	s8 =	simm.s32 @!p0 $0x1BF5;
	p2 =	por !p2, p0  }
0x20: {  	[sflag:s8] =	ssyncset.s32 @!p0 $0xFFFFF086;
	s6 =	sadd.s32 @!p0 s3, s7;
	s7 =	simm.s32 @!p0 $0x108  }
0x21: {  	s3 =	sadd.s32 s3, s9;
	s6 =	sadd.s32 @!p0 $0x88, s6;
	s7 =	simm.s32 @p2 $0x1082  }
0x22: {  	[simem:s7], [sflag:s8] =	dma.local @!p0 [hbm:s6], $0xF7A  }
0x23: {  	s9 =	sor.u32 $0xD0000000, s2;
	s6 =	simm.s32 $0x108;
	_ =	swait.ge @!p0 [sflag:s8], $0x0  }
0x24: {  	s3 =	sadd.s32 $0x88, s3;
	s6 =	simm.s32 @!p1 $0x1082;
	[sflag:s4] =	ssyncset.s32 $0xFFFFF086  }
0x25: {  	[simem:s6], [sflag:s4] =	dma.local [hbm:s3], $0xF7A  }
0x26: {  	[smem:$0x3F93] =	sst s1;
	(tag) =	ssettag s2;
	_ =	strace s9  }
0x27: {  	s1 =	sld [smem:$0x3FA3]  }
0x28: {  	s2 =	sld [smem:$0x3FA4]  }
0x29: {  	s4 =	sld [smem:$0x3FA6]  }
0x2a: {  	p0 =	seq.s32 s5, $0x0;
	s5 =	sld [smem:$0x3FA7]  }
0x2b: {  	s6 =	sld [smem:$0x3FA8]  }
0x2c: {  	s7 =	sld [smem:$0x3FA9]  }
0x2d: {  	s3 =	simm.s32 $0x108;
	s8 =	sld [smem:$0x3FAA]  }
0x2e: {  	s3 =	simm.s32 @!p0 $0x1082;
	s9 =	sld [smem:$0x3FAB]  }
0x2f: {  	lr =	sadd.s32 s0, s3;
	s0 =	sld [smem:$0x3FA2]  }
0x30: {  	s3 =	sld [smem:$0x3FA5]  }
0x31: {  	[smem:$0x3FAE] =	sst s10  }
0x32: {  	s10 =	sld [smem:$0x3FAC];
	_ =	sdelay $0x3  }
0x33: {  	p0 =	seq.s32 s10, $0x1;
	s10 =	sld [smem:$0x3FAE];
	_ =	sdelay $0x3  }
0x34: {  	[smem:$0x3FAE] =	sst s10  }
0x35: {  	s10 =	sld [smem:$0x3FAD];
	_ =	sdelay $0x3  }
0x36: {  	p1 =	seq.s32 s10, $0x1;
	s10 =	sld [smem:$0x3FAE];
	_ =	sdelay $0x3  }
0x37: {  	[smem:$0x3FAE] =	sst s10  }
0x38: {  	s10 =	sld [smem:$0x3FAF]  }
0x39: {  	_ = 	snop;
	(pc) =	sbr.ind lr, $3  }
0x3a: {  	_ = 	snop  }
0x3b: {  	_ = 	snop  }
0x3c: {  	p2 =	seq.s32 s10, $0x1;
	s10 =	sld [smem:$0x3FAE]  }
0x3d: {  	_ =	shalt  }
0x3e: {  	_ =	shalt  }
0x3f: {  	_ =	shalt  }
0x40: {  	_ =	shalt  }
0x41: {  	_ =	shalt  }
0x42: {  	_ =	shalt  }
0x43: {  	_ =	shalt  }
0x44: {  	_ =	shalt  }
0x45: {  	_ =	shalt  }
0x46: {  	_ =	shalt  }
0x47: {  	_ =	shalt  }
0x48: {  	_ =	shalt  }
0x49: {  	_ =	shalt  }
0x4a: {  	_ =	shalt  }
0x4b: {  	_ =	shalt  }
0x4c: {  	_ =	shalt  }
0x4d: {  	_ =	shalt  }
0x4e: {  	_ =	shalt  }
0x4f: {  	_ =	shalt  }
0x50: {  	_ =	shalt  }
0x51: {  	_ =	shalt  }
0x52: {  	_ =	shalt  }
0x53: {  	_ =	shalt  }
0x54: {  	_ =	shalt  }
0x55: {  	_ =	shalt  }
0x56: {  	_ =	shalt  }
0x57: {  	_ =	shalt  }
0x58: {  	_ =	shalt  }
0x59: {  	_ =	shalt  }
0x5a: {  	_ =	shalt  }
0x5b: {  	_ =	shalt  }
0x5c: {  	_ =	shalt  }
0x5d: {  	_ =	shalt  }
0x5e: {  	_ =	shalt  }
0x5f: {  	_ =	shalt  }
0x60: {  	_ =	shalt  }
0x61: {  	_ =	shalt  }
0x62: {  	_ =	shalt  }
0x63: {  	_ =	shalt  }
0x64: {  	_ =	shalt  }
0x65: {  	_ =	shalt  }
0x66: {  	_ =	shalt  }
0x67: {  	_ =	shalt  }
0x68: {  	_ =	shalt  }
0x69: {  	_ =	shalt  }
0x6a: {  	_ =	shalt  }
0x6b: {  	_ =	shalt  }
0x6c: {  	_ =	shalt  }
0x6d: {  	_ =	shalt  }
0x6e: {  	_ =	shalt  }
0x6f: {  	_ =	shalt  }
0x70: {  	_ =	shalt  }
0x71: {  	_ =	shalt  }
0x72: {  	_ =	shalt  }
0x73: {  	_ =	shalt  }
0x74: {  	_ =	shalt  }
0x75: {  	_ =	shalt  }
0x76: {  	_ =	shalt  }
0x77: {  	_ =	shalt  }
0x78: {  	_ =	shalt  }
0x79: {  	_ =	shalt  }
0x7a: {  	_ =	shalt  }
0x7b: {  	_ =	shalt  }
0x7c: {  	_ =	shalt  }
0x7d: {  	_ =	shalt  }
0x7e: {  	_ =	shalt  }
0x7f: {  	_ =	shalt  }
0x80: {  	_ =	shalt  }
0x81: {  	_ =	shalt  }
0x82: {  	_ =	shalt  }
0x83: {  	_ =	shalt  }
0x84: {  	_ =	shalt  }
0x85: {  	_ =	shalt  }
0x86: {  	_ =	shalt  }
0x87: {  	_ =	shalt  }
.Lfunc_end0:
.L_simem_size_0:
called_computation.1_lowered:
.L_overlay_start_0:
0x88: {  	s2 =	sld [smem:$0x3FD9]  }
0x89: {  	s3 =	sld [smem:$0x3FFE];
	_ =	sdelay $0x1  }
0x8a: {  	s1 =	srdreg.scid  }
0x8b: {  	s0 =	sand.u32 $0x1, s1  }
0x8c: {  	s14 =	sshll.u32 s0, $0xA;
	s2 =	sadd.s32 s3, s2  }
0x8d: {  	s2 =	sadd.s32 s2, s14  }
0x8e: {  	[smem:$0x3FBA] =	sst s2  }
0x8f: {  	_ = 	snop  }
0x90: {  	s2 =	sld [smem:$0x3FD0];
	_ =	sdelay $0x2  }
0x91: {  	s15 =	simm.s32 $0xA;
	s4 =	simm.s32 $0x10  }
0x92: {  	[smem:s4], [sflag:s15] =	dma.local [hbm:s2], $0x1  }
0x93: {  	_ =	swait.eq [sflag:s15], $0x1  }
0x94: {  	[sflag:s15] =	ssyncset.done $0x0  }
0x95: {  	[sflag:s15] =	ssyncadd.s32 $0xFFFFFFFF  }
0x96: {  	s16 =	sld [smem:$0x10];
	(tm) =	ssettm $0x1  }
0x97: {  	s17 =	sld [smem:$0x3FFB];
	_ =	sdelay $0x3  }
0x98: {  	_ =	strace s17  }
0x99: {  	s3 =	sld [smem:$0x3FFC];
	_ =	sdelay $0x3  }
0x9a: {  	_ =	strace s3  }
0x9b: {  	s3 =	sld [smem:$0x3FFD];
	_ =	sdelay $0x3  }
0x9c: {  	_ =	strace s3  }
0x9d: {  	_ =	strace $0x8FFFFFFF  }
0x9e: {  	s18 =	sld [smem:$0x3FDB];
	_ =	sdelay $0x1  }
0x9f: {  	s19 =	simm.s32 $_scs_section_size  }
0xa0: {  	s5 =	simm.s32 $_size__tile_overlayer_lowered;
	s6 =	simm.s32 $_tile_overlayer_lowered  }
0xa1: {  	s22 =	simm.s32 $0x1BFF;
	s21 =	sshll.u32 s6, $0x1;
	s3 =	sadd.s32 s19, s18  }
0xa2: {  	s7 =	simm.s32 $0x0;
	s20 =	sshll.u32 s5, $0x1;
	s5 =	sadd.s32 s21, s3  }
0xa3: {  	[timem:s7], [sflag:s22] =	dma.local [hbm:s5], s20  }
0xa4: {  	_ =	swait.ge [sflag:s22], s20  }
0xa5: {  	s4 =	ssub.s32 $0x0, s20;
	[sflag:s22] =	ssyncset.done $0x0  }
0xa6: {  	[sflag:s22] =	ssyncadd.s32 s4;
	_ =	sdelay $0x1  }
0xa7: {  	s23 =	simm.s32 $0x1B8B  }
0xa8: {  	_ =	swait.ge [sflag:s23], $0x1  }
0xa9: {  	[sflag:s23] =	ssyncset.done $0x0  }
0xaa: {  	s25 =	simm.s32 $0x1B8E;
	s24 =	sld [smem:$0x3FFE];
	[sflag:s23] =	ssyncadd.s32 $0xFFFFFFFF  }
0xab: {  	s26 =	simm.s32 $execute0_lowered;
	[smem:$0x3FD2] =	sst s25  }
0xac: {  	s5 =	sshll.u32 s26, $0x1;
	_ =	strace $0x80000049;
	[dreg:$0x1] =	wrdreg $0xFFFFFFFF  }
0xad: {  	s28 =	simm.s32 $_size_execute0_lowered;
	s3 =	sadd.s32 s3, s5;
	[dreg:$0x0] =	wrdreg $0x0  }
0xae: {  	s5 =	sshll.u32 s28, $0x1;
	[dreg:$0x2] =	wrdreg s3  }
0xaf: {  	[dreg:$0x3] =	wrdreg s5  }
0xb0: {  	[dreg:$0x4] =	wrdreg $0xC0  }
0xb1: {  	_ =	task [dreg:s7], $0x5FFFF  }
0xb2: {  	[dreg:$0x1] =	wrdreg $0xFFFFFFFF  }
0xb3: {  	[dreg:$0x0] =	wrdreg $0x60  }
0xb4: {  	[dreg:$0x2] =	wrdreg s24  }
0xb5: {  	[dreg:$0x3] =	wrdreg s16  }
0xb6: {  	[dreg:$0x4] =	wrdreg $0x0  }
0xb7: {  	[dreg:$0x5] =	wrdreg $0x9  }
0xb8: {  	_ =	task.clear_ibuf [dreg:s7], $0x6FFFF;
	_ =	strace $0x90000049  }
0xb9: {  	s29 =	simm.s32 $0x9;
	_ =	strace $0x8000004B  }
0xba: {  	_ =	swait.ge [sflag:s29], $0x1  }
0xbb: {  	[sflag:s29] =	ssyncadd.s32 $0xFFFFFFFF  }
0xbc: {  	_ =	strace $0x9000004B  }
0xbd: {  	_ =	sfence  }
0xbe: {  	s30 =	sld [smem:$0x0];
	_ =	sdelay $0x2  }
0xbf: {  	s31 =	sshll.u32 s1, $0xD;
	s1 =	sshrl.u32 s1, $0x2  }
0xc0: {  	s3 =	sand.u32 $0x4000, s31;
	s1 =	sadd.s32 s1, s30  }
0xc1: {  	s0 =	sor.u32 s3, s0;
	s1 =	sshll.u32 s1, $0x11  }
0xc2: {  	s0 =	sor.u32 s1, s0  }
0xc3: {  	s0 =	sadd.s32 $0x8F2B, s0  }
0xc4: {  	[sflag:s0] =	ssyncadd.remote.s32 $0x1  }
0xc5: {  	_ =	sfence.sel $0xFFFF  }
0xc6: {  	[dreg:$0x0] =	wrdreg $0xFFFFFFFF;
	(pc) =	sbr.abs _section_cstart, $3  }
0xc7: {  	[dreg:$0x1] =	wrdreg $0xFFFFFFFF  }
0xc8: {  	_ =	task.clear_ibuf [dreg:s7], $0x2FFFF;
	_ =	strace $0x9FFFFFFF  }
0xc9: {  	(tm) =	ssettm $0x7FFFFFFF  }
tec
execute0_lowered:
.L_overlay_start_1:
0x0: {  	(tag) =	ssettag $0x1  }
0x1: {  	s5 =	rddreg [dreg:$0x0]  }
0x2: {  	s9 =	rddreg [dreg:$0x1]  }
0x3: {  	s2 =	rddreg [dreg:$0x2]  }
0x4: {  	s0 =	rddreg [dreg:$0x3]  }
0x5: {  	s1 =	stileid.u32;
	s3 =	simm.s32 $0x0;
	s4 =	srdreg.scid  }
0x6: {  	s15 =	simm.s32 $0x14100;
	s16 =	simm.s32 $0x18200;
	s17 =	simm.s32 $0x1  }
0x7: {  	s18 =	simm.s32 $0x14080;
	s19 =	simm.s32 $0x2;
	s6 =	smul.u32 $0x14000, s1  }
0x8: {  	s20 =	simm.s32 $0x14180;
	s21 =	simm.s32 $0x0;
	s11 =	smul.u32 $0x50000, s1  }
0x9: {  	[smem:$0x7FF] =	sst s3;
	s7 =	sand.u32 $0x1, s4;
	s12 =	smul.u32 $0xA000, s1  }
0xa: {  	s4 =	sadd.s32 $0x1D6000, s5;
	s31 =	sshll.u32 s1, $0x6;
	s10 =	smul.u32 $0x140000, s7  }
0xb: {  	_ =	strace $0x8000004A;
	s29 =	ssub.s32 $0x2, s7;
	s7 =	smul.u32 $0x5000, s7  }
0xc: {  	s8 =	sshrl.u32 s6, $0x3;
	s13 =	sshrl.u32 s29, $0x1;
	s30 =	sshrl.u32 s11, $0x2  }
0xd: {  	s8 =	sadd.s32 s8, s5;
	s6 =	sadd.s32 s6, s10;
	s10 =	ssub.s32 s29, s13  }
0xe: {  	s11 =	sadd.s32 s30, s2;
	s7 =	sadd.s32 s7, s12;
	s6 =	sshrl.u32 s6, $0x3  }
0xf: {  	s13 =	simm.s32 $0x80;
	s12 =	sshrl.u32 s7, $0x3;
	s14 =	sadd.s32 s6, s5  }
0x10: {  	s5 =	sadd.s32 $0x45400, s8;
	s6 =	sor.u32 $0x1C03, s31;
	s8 =	smax.u32 s10, $0x1  }
0x11: {  	s9 =	sadd.s32 s12, s9;
	s10 =	sshrl.u32 s11, $0x3;
	s11 =	simm.s32 $0x3  }
0x12: {  	s12 =	simm.s32 $0x14000;
	s7 =	sadd.s32 $0x6D400, s14;
	s14 =	simm.s32 $0x14200  }
.LBB2_1:
0x13: {  	[spmem:s10], [sflag:s6] =	dma.local [hbm:s5], $0x2800  }
0x14: {  	_ =	swait.ge [sflag:s11], $0x2800  }
0x15: {  	[sflag:s11] =	ssyncset.done $0x0  }
0x16: {  	[sflag:s11] =	ssyncadd.s32 $0xFFFFD800  }
0x17: {  	s22 =	sadd.s32 $0x0, s9;
	[bflag:$0x0] =	sbarrier.arrive $0xFFFF  }
0x18: {  	[tilespmem:s12], [sflag:$0x3] =	stream.linear.gather [hbm4b:s22+s3], $0x100, $0x38;
	[tilespmem:$0x1C200] =	vst v63  }
0x19: {  	_ =	swait.ge [sflag:s11], $0x100  }
0x1a: {  	[sflag:s11] =	ssyncset.done $0x0  }
0x1b: {  	[sflag:s11] =	ssyncadd.s32 $0xFFFFFF00  }
0x1c: {  	[tilespmem:s14], [sflag:$0x1] =	stream.indirect.gather [hbm4b:s4+s13], $0x80, s12, s13, $0xb8;
	[tilespmem:$0x1C200] =	vst v63  }
0x1d: {  	s22 =	sadd.s32 $0x20, s22  }
0x1e: {  	[tilespmem:s15], [sflag:$0x3] =	stream.linear.gather [hbm4b:s22+s3], $0x100, $0x38;
	[tilespmem:$0x1C200] =	vst v63  }
0x1f: {  	_ =	swait.ge [sflag:s11], $0x100  }
0x20: {  	[sflag:s11] =	ssyncset.done $0x0  }
0x21: {  	[sflag:s11] =	ssyncadd.s32 $0xFFFFFF00  }
0x22: {  	[tilespmem:s16], [sflag:$0x2] =	stream.indirect.gather [hbm4b:s4+s13], $0x80, s15, s13, $0xb8;
	[tilespmem:$0x1C200] =	vst v63  }
0x23: {  	_ =	swait.ge [sflag:s17], $0x4000  }
0x24: {  	[sflag:s17] =	ssyncset.done $0x0  }
0x25: {  	[sflag:s17] =	ssyncadd.s32 $0xFFFFC000  }
0x26: {  	[spmem:s2] =	stream.indirect.scatter.add.f32 [tilespmem:s14], [sflag:$0x3], $0x80, s18, s13, $0xb8;
	[tilespmem:$0x1C200] =	vst v63  }
0x27: {  	_ =	swait.ge [sflag:s11], $0x4000  }
0x28: {  	[sflag:s11] =	ssyncset.done $0x0  }
0x29: {  	[sflag:s11] =	ssyncadd.s32 $0xFFFFC000  }
0x2a: {  	_ =	swait.ge [sflag:s19], $0x4000  }
0x2b: {  	[sflag:s19] =	ssyncset.done $0x0  }
0x2c: {  	[sflag:s19] =	ssyncadd.s32 $0xFFFFC000  }
0x2d: {  	[spmem:s2] =	stream.indirect.scatter.add.f32 [tilespmem:s16], [sflag:$0x3], $0x80, s20, s13, $0xb8;
	[tilespmem:$0x1C200] =	vst v63  }
0x2e: {  	_ =	swait.ge [sflag:s11], $0x4000  }
0x2f: {  	s23 =	simm.s32 $0x80;
	s22 =	simm.s32 $0x40;
	[sflag:s11] =	ssyncset.done $0x0  }
.LBB2_2:
0x30: {  	s24 =	sadd.s32 s22, s9  }
0x31: {  	[sflag:s11] =	ssyncadd.s32 $0xFFFFC000;
	s22 =	smov.u32 s23;
	s25 =	sadd.s32 $0x40, s23  }
0x32: {  	[tilespmem:s12], [sflag:$0x3] =	stream.linear.gather [hbm4b:s24+s3], $0x100, $0x38;
	[tilespmem:$0x1C200] =	vst v63  }
0x33: {  	p0 =	sne.s32 s23, $0x9C0;
	_ =	swait.ge [sflag:s11], $0x100  }
0x34: {  	[sflag:s11] =	ssyncset.done $0x0  }
0x35: {  	[sflag:s11] =	ssyncadd.s32 $0xFFFFFF00  }
0x36: {  	[tilespmem:s14], [sflag:$0x1] =	stream.indirect.gather [hbm4b:s4+s13], $0x80, s12, s13, $0xb8;
	[tilespmem:$0x1C200] =	vst v63  }
0x37: {  	s23 =	sadd.s32 $0x20, s24  }
0x38: {  	[tilespmem:s15], [sflag:$0x3] =	stream.linear.gather [hbm4b:s23+s3], $0x100, $0x38;
	[tilespmem:$0x1C200] =	vst v63  }
0x39: {  	_ =	swait.ge [sflag:s11], $0x100  }
0x3a: {  	[sflag:s11] =	ssyncset.done $0x0  }
0x3b: {  	[sflag:s11] =	ssyncadd.s32 $0xFFFFFF00  }
0x3c: {  	[tilespmem:s16], [sflag:$0x2] =	stream.indirect.gather [hbm4b:s4+s13], $0x80, s15, s13, $0xb8;
	[tilespmem:$0x1C200] =	vst v63  }
0x3d: {  	_ =	swait.ge [sflag:s17], $0x4000  }
0x3e: {  	[sflag:s17] =	ssyncset.done $0x0  }
0x3f: {  	[sflag:s17] =	ssyncadd.s32 $0xFFFFC000  }
0x40: {  	[spmem:s2] =	stream.indirect.scatter.add.f32 [tilespmem:s14], [sflag:$0x3], $0x80, s18, s13, $0xb8;
	[tilespmem:$0x1C200] =	vst v63  }
0x41: {  	_ =	swait.ge [sflag:s11], $0x4000  }
0x42: {  	[sflag:s11] =	ssyncset.done $0x0  }
0x43: {  	[sflag:s11] =	ssyncadd.s32 $0xFFFFC000  }
0x44: {  	_ =	swait.ge [sflag:s19], $0x4000  }
.Ltmp0:
0x45: {  	[sflag:s19] =	ssyncset.done $0x0;
	(pc) =	sbr.rel @p0 .LBB2_2-.Ltmp0, $4  }
0x46: {  	[sflag:s19] =	ssyncadd.s32 $0xFFFFC000  }
0x47: {  	[spmem:s2] =	stream.indirect.scatter.add.f32 [tilespmem:s16], [sflag:$0x3], $0x80, s20, s13, $0xb8;
	[tilespmem:$0x1C200] =	vst v63  }
0x48: {  	_ =	swait.ge [sflag:s11], $0x4000  }
0x49: {  	s23 =	smov.u32 s25;
	[sflag:s11] =	ssyncset.done $0x0  }
0x4a: {  	s22 =	sadd.s32 s22, s9;
	[sflag:s11] =	ssyncadd.s32 $0xFFFFC000  }
0x4b: {  	[tilespmem:s12], [sflag:$0x3] =	stream.linear.gather [hbm4b:s22+s3], $0x100, $0x38;
	[tilespmem:$0x1C200] =	vst v63  }
0x4c: {  	_ =	swait.ge [sflag:s11], $0x100  }
0x4d: {  	[sflag:s11] =	ssyncset.done $0x0  }
0x4e: {  	[sflag:s11] =	ssyncadd.s32 $0xFFFFFF00  }
0x4f: {  	[tilespmem:s14], [sflag:$0x1] =	stream.indirect.gather [hbm4b:s4+s13], $0x80, s12, s13, $0xb8;
	[tilespmem:$0x1C200] =	vst v63  }
0x50: {  	s22 =	sadd.s32 $0x20, s22  }
0x51: {  	[tilespmem:s15], [sflag:$0x3] =	stream.linear.gather [hbm4b:s22+s3], $0x100, $0x38;
	[tilespmem:$0x1C200] =	vst v63  }
0x52: {  	_ =	swait.ge [sflag:s11], $0x100  }
0x53: {  	[sflag:s11] =	ssyncset.done $0x0  }
0x54: {  	[sflag:s11] =	ssyncadd.s32 $0xFFFFFF00  }
0x55: {  	[tilespmem:s16], [sflag:$0x2] =	stream.indirect.gather [hbm4b:s4+s13], $0x80, s15, s13, $0xb8;
	[tilespmem:$0x1C200] =	vst v63  }
0x56: {  	_ =	swait.ge [sflag:s17], $0x4000  }
0x57: {  	[sflag:s17] =	ssyncset.done $0x0  }
0x58: {  	[sflag:s17] =	ssyncadd.s32 $0xFFFFC000  }
0x59: {  	[spmem:s2] =	stream.indirect.scatter.add.f32 [tilespmem:s14], [sflag:$0x3], $0x80, s18, s13, $0xb8;
	[tilespmem:$0x1C200] =	vst v63  }
0x5a: {  	_ =	swait.ge [sflag:s11], $0x4000  }
0x5b: {  	[sflag:s11] =	ssyncset.done $0x0  }
0x5c: {  	[sflag:s11] =	ssyncadd.s32 $0xFFFFC000  }
0x5d: {  	_ =	swait.ge [sflag:s19], $0x4000  }
0x5e: {  	[sflag:s19] =	ssyncset.done $0x0  }
0x5f: {  	[sflag:s19] =	ssyncadd.s32 $0xFFFFC000  }
0x60: {  	[spmem:s2] =	stream.indirect.scatter.add.f32 [tilespmem:s16], [sflag:$0x3], $0x80, s20, s13, $0xb8;
	[tilespmem:$0x1C200] =	vst v63  }
0x61: {  	_ =	swait.ge [sflag:s11], $0x4000  }
0x62: {  	s21 =	sadd.s32 $0x1, s21;
	[sflag:s11] =	ssyncset.done $0x0  }
0x63: {  	p0 =	sne.s32 s21, s8;
	[sflag:s11] =	ssyncadd.s32 $0xFFFFC000  }
.Ltmp1:
0x64: {  	[bflag:$0x0] =	sbarrier.arrive $0xFFFF;
	(pc) =	sbr.rel @p0 .LBB2_1-.Ltmp1, $4  }
0x65: {  	[hbm:s7], [sflag:s6] =	dma.local [spmem:s10], $0x2800  }
0x66: {  	_ =	swait.ge [sflag:s11], $0x2800  }
0x67: {  	[sflag:s11] =	ssyncset.done $0x0  }
0x68: {  	[sflag:s11] =	ssyncadd.s32 $0xFFFFD800  }
0x69: {  	_ =	sfence.sel $0x180000  }
0x6a: {  	[bflag:$0x0] =	sbarrier.arrive $0xFFFF  }
0x6b: {  	p0 =	sne.s32 s1, $0x0;
	_ =	strace $0x9000004A  }
0x6c: {  	s0 =	sadd.s32 @!p0 $0x100000, s0;
	[bflag:$0x2] =	sbarrier.arrive $0xFFFF  }
0x6d: {  	[sflag:s0] =	ssyncadd.tile.s32 @!p0 $0x1;
	_ =	shalt  }
.Lfunc_end2:
_tile_overlayer_lowered:
.L_overlay_start_2:
0x6e: {  	(tag) =	ssettag $0x2  }
0x6f: {  	s0 =	rddreg [dreg:$0x0];
	s2 =	stileid.u32  }
0x70: {  	s1 =	rddreg [dreg:$0x1];
	p0 =	sne.s32 s2, $0x0  }
0x71: {  	s3 =	rddreg [dreg:$0x2];
	[bflag:$0x3] =	sbarrier.arrive $0xFFFF;
	s2 =	simm.s32 @!p0 $0x1C03  }
0x72: {  	[timem:s3], [sflag:s2] =	dma.local @!p0 [hbm:s0], s1  }
0x73: {  	s0 =	simm.s32 @!p0 $0x3  }
0x74: {  	_ =	swait.ge @!p0 [sflag:s0], s1  }
0x75: {  	s1 =	ssub.s32 @!p0 $0x0, s1;
	[sflag:s0] =	ssyncset.done @!p0 $0x0  }
0x76: {  	[sflag:s0] =	ssyncadd.s32 @!p0 s1  }
0x77: {  	[bflag:$0x3] =	sbarrier.arrive $0xFFFF  }
0x78: {  	_ =	shalt  }

// kernel: kernel.30.cloned.1.call-start
scs
__scs_entry_jumppad:
0x0: {  	(pc) =	sbr.rel $0x88, $3  }
0x1: {  	(tag) =	ssettag $0x0;
	lr =	simm.s32 $0x1  }
0x2: {  	[smem:$0x3F93] =	sst lr;
	_ =	strace $0xD0000000  }
0x3: {  	_ = 	snop  }
0x4: {  	_ = 	snop  }
0x5: {  	_ = 	snop  }
0x6: {  	_ = 	snop  }
0x7: {  	_ = 	snop  }
__scs_overlays_trampoline_lowered:
0x8: {  	[smem:$0x3FA2] =	sst s0  }
0x9: {  	[smem:$0x3FA3] =	sst s1  }
0xa: {  	[smem:$0x3FA4] =	sst s2  }
0xb: {  	[smem:$0x3FA5] =	sst s3  }
0xc: {  	[smem:$0x3FA6] =	sst s4  }
0xd: {  	[smem:$0x3FA7] =	sst s5  }
0xe: {  	[smem:$0x3FA8] =	sst s6  }
0xf: {  	[smem:$0x3FA9] =	sst s7  }
0x10: {  	[smem:$0x3FAA] =	sst s8  }
0x11: {  	[smem:$0x3FAB] =	sst s9;
	s0 =	simm.s32 @!p0 $0x0  }
0x12: {  	s1 =	sld [smem:$0x3F91];
	s0 =	simm.s32 @p0 $0x1  }
0x13: {  	[smem:$0x3FAC] =	sst s0;
	s0 =	simm.s32 @!p1 $0x0  }
0x14: {  	s2 =	sld [smem:$0x3F90];
	s0 =	simm.s32 @p1 $0x1  }
0x15: {  	[smem:$0x3FAD] =	sst s0;
	s0 =	simm.s32 @!p2 $0x0  }
0x16: {  	s3 =	sld [smem:$0x3FDB];
	s0 =	simm.s32 @p2 $0x1  }
0x17: {  	s4 =	simm.s32 $0x1BF5;
	[smem:$0x3FAF] =	sst s0  }
0x18: {  	s0 =	sld [smem:$0x3F92];
	_ =	swait.ge [sflag:s4], $0x0  }
0x19: {  	s7 =	sld [smem:$0x3F93]  }
0x1a: {  	s8 =	sadd.s32 $0xFFFFE003, lr  }
0x1b: {  	s9 =	sadd.s32 $0xFFFFFEF7, lr;
	s5 =	simm.s32 $0xFFFFFFFF;
	p2 =	slt.u32 s8, $0xFFFFF086  }
0x1c: {  	p1 =	slt.u32 s9, $0xF7A;
	s5 =	simm.s32 @!p2 $0x0  }
0x1d: {  	s5 =	simm.s32 @p1 $0x1;
	p0 =	seq.s32 s7, s2  }
0x1e: {  	s7 =	smul.u32 @!p0 $0xF7A, s2;
	p2 =	seq.s32 @!p0 s5, $0x0  }
0x1f: {  	s9 =	smul.u32 $0xF7A, s1;
	s8 =	simm.s32 @!p0 $0x1BF5;
	p2 =	por !p2, p0  }
0x20: {  	[sflag:s8] =	ssyncset.s32 @!p0 $0xFFFFF086;
	s6 =	sadd.s32 @!p0 s3, s7;
	s7 =	simm.s32 @!p0 $0x108  }
0x21: {  	s3 =	sadd.s32 s3, s9;
	s6 =	sadd.s32 @!p0 $0x88, s6;
	s7 =	simm.s32 @p2 $0x1082  }
0x22: {  	[simem:s7], [sflag:s8] =	dma.local @!p0 [hbm:s6], $0xF7A  }
0x23: {  	s9 =	sor.u32 $0xD0000000, s2;
	s6 =	simm.s32 $0x108;
	_ =	swait.ge @!p0 [sflag:s8], $0x0  }
0x24: {  	s3 =	sadd.s32 $0x88, s3;
	s6 =	simm.s32 @!p1 $0x1082;
	[sflag:s4] =	ssyncset.s32 $0xFFFFF086  }
0x25: {  	[simem:s6], [sflag:s4] =	dma.local [hbm:s3], $0xF7A  }
0x26: {  	[smem:$0x3F93] =	sst s1;
	(tag) =	ssettag s2;
	_ =	strace s9  }
0x27: {  	s1 =	sld [smem:$0x3FA3]  }
0x28: {  	s2 =	sld [smem:$0x3FA4]  }
0x29: {  	s4 =	sld [smem:$0x3FA6]  }
0x2a: {  	p0 =	seq.s32 s5, $0x0;
	s5 =	sld [smem:$0x3FA7]  }
0x2b: {  	s6 =	sld [smem:$0x3FA8]  }
0x2c: {  	s7 =	sld [smem:$0x3FA9]  }
0x2d: {  	s3 =	simm.s32 $0x108;
	s8 =	sld [smem:$0x3FAA]  }
0x2e: {  	s3 =	simm.s32 @!p0 $0x1082;
	s9 =	sld [smem:$0x3FAB]  }
0x2f: {  	lr =	sadd.s32 s0, s3;
	s0 =	sld [smem:$0x3FA2]  }
0x30: {  	s3 =	sld [smem:$0x3FA5]  }
0x31: {  	[smem:$0x3FAE] =	sst s10  }
0x32: {  	s10 =	sld [smem:$0x3FAC];
	_ =	sdelay $0x3  }
0x33: {  	p0 =	seq.s32 s10, $0x1;
	s10 =	sld [smem:$0x3FAE];
	_ =	sdelay $0x3  }
0x34: {  	[smem:$0x3FAE] =	sst s10  }
0x35: {  	s10 =	sld [smem:$0x3FAD];
	_ =	sdelay $0x3  }
0x36: {  	p1 =	seq.s32 s10, $0x1;
	s10 =	sld [smem:$0x3FAE];
	_ =	sdelay $0x3  }
0x37: {  	[smem:$0x3FAE] =	sst s10  }
0x38: {  	s10 =	sld [smem:$0x3FAF]  }
0x39: {  	_ = 	snop;
	(pc) =	sbr.ind lr, $3  }
0x3a: {  	_ = 	snop  }
0x3b: {  	_ = 	snop  }
0x3c: {  	p2 =	seq.s32 s10, $0x1;
	s10 =	sld [smem:$0x3FAE]  }
0x3d: {  	_ =	shalt  }
0x3e: {  	_ =	shalt  }
0x3f: {  	_ =	shalt  }
0x40: {  	_ =	shalt  }
0x41: {  	_ =	shalt  }
0x42: {  	_ =	shalt  }
0x43: {  	_ =	shalt  }
0x44: {  	_ =	shalt  }
0x45: {  	_ =	shalt  }
0x46: {  	_ =	shalt  }
0x47: {  	_ =	shalt  }
0x48: {  	_ =	shalt  }
0x49: {  	_ =	shalt  }
0x4a: {  	_ =	shalt  }
0x4b: {  	_ =	shalt  }
0x4c: {  	_ =	shalt  }
0x4d: {  	_ =	shalt  }
0x4e: {  	_ =	shalt  }
0x4f: {  	_ =	shalt  }
0x50: {  	_ =	shalt  }
0x51: {  	_ =	shalt  }
0x52: {  	_ =	shalt  }
0x53: {  	_ =	shalt  }
0x54: {  	_ =	shalt  }
0x55: {  	_ =	shalt  }
0x56: {  	_ =	shalt  }
0x57: {  	_ =	shalt  }
0x58: {  	_ =	shalt  }
0x59: {  	_ =	shalt  }
0x5a: {  	_ =	shalt  }
0x5b: {  	_ =	shalt  }
0x5c: {  	_ =	shalt  }
0x5d: {  	_ =	shalt  }
0x5e: {  	_ =	shalt  }
0x5f: {  	_ =	shalt  }
0x60: {  	_ =	shalt  }
0x61: {  	_ =	shalt  }
0x62: {  	_ =	shalt  }
0x63: {  	_ =	shalt  }
0x64: {  	_ =	shalt  }
0x65: {  	_ =	shalt  }
0x66: {  	_ =	shalt  }
0x67: {  	_ =	shalt  }
0x68: {  	_ =	shalt  }
0x69: {  	_ =	shalt  }
0x6a: {  	_ =	shalt  }
0x6b: {  	_ =	shalt  }
0x6c: {  	_ =	shalt  }
0x6d: {  	_ =	shalt  }
0x6e: {  	_ =	shalt  }
0x6f: {  	_ =	shalt  }
0x70: {  	_ =	shalt  }
0x71: {  	_ =	shalt  }
0x72: {  	_ =	shalt  }
0x73: {  	_ =	shalt  }
0x74: {  	_ =	shalt  }
0x75: {  	_ =	shalt  }
0x76: {  	_ =	shalt  }
0x77: {  	_ =	shalt  }
0x78: {  	_ =	shalt  }
0x79: {  	_ =	shalt  }
0x7a: {  	_ =	shalt  }
0x7b: {  	_ =	shalt  }
0x7c: {  	_ =	shalt  }
0x7d: {  	_ =	shalt  }
0x7e: {  	_ =	shalt  }
0x7f: {  	_ =	shalt  }
0x80: {  	_ =	shalt  }
0x81: {  	_ =	shalt  }
0x82: {  	_ =	shalt  }
0x83: {  	_ =	shalt  }
0x84: {  	_ =	shalt  }
0x85: {  	_ =	shalt  }
0x86: {  	_ =	shalt  }
0x87: {  	_ =	shalt  }
.Lfunc_end0:
.L_simem_size_0:
called_computation.2_lowered:
.L_overlay_start_0:
0x88: {  	s2 =	sld [smem:$0x3FD9]  }
0x89: {  	s3 =	sld [smem:$0x3FFE];
	_ =	sdelay $0x1  }
0x8a: {  	s1 =	srdreg.scid  }
0x8b: {  	s0 =	sand.u32 $0x1, s1  }
0x8c: {  	s14 =	sshll.u32 s0, $0xA;
	s2 =	sadd.s32 s3, s2  }
0x8d: {  	s2 =	sadd.s32 s2, s14  }
0x8e: {  	[smem:$0x3FBA] =	sst s2  }
0x8f: {  	_ = 	snop  }
0x90: {  	s2 =	sld [smem:$0x3FD0];
	_ =	sdelay $0x2  }
0x91: {  	s15 =	simm.s32 $0xA;
	s4 =	simm.s32 $0x10  }
0x92: {  	[smem:s4], [sflag:s15] =	dma.local [hbm:s2], $0x1  }
0x93: {  	_ =	swait.eq [sflag:s15], $0x1  }
0x94: {  	[sflag:s15] =	ssyncset.done $0x0  }
0x95: {  	[sflag:s15] =	ssyncadd.s32 $0xFFFFFFFF  }
0x96: {  	s16 =	sld [smem:$0x10];
	(tm) =	ssettm $0x1  }
0x97: {  	s17 =	sld [smem:$0x3FFB];
	_ =	sdelay $0x3  }
0x98: {  	_ =	strace s17  }
0x99: {  	s3 =	sld [smem:$0x3FFC];
	_ =	sdelay $0x3  }
0x9a: {  	_ =	strace s3  }
0x9b: {  	s3 =	sld [smem:$0x3FFD];
	_ =	sdelay $0x3  }
0x9c: {  	_ =	strace s3  }
0x9d: {  	_ =	strace $0x8FFFFFFF  }
0x9e: {  	s18 =	sld [smem:$0x3FDB];
	_ =	sdelay $0x1  }
0x9f: {  	s19 =	simm.s32 $_scs_section_size  }
0xa0: {  	s5 =	simm.s32 $_size__tile_overlayer_lowered;
	s6 =	simm.s32 $_tile_overlayer_lowered  }
0xa1: {  	s22 =	simm.s32 $0x1BFF;
	s21 =	sshll.u32 s6, $0x1;
	s3 =	sadd.s32 s19, s18  }
0xa2: {  	s7 =	simm.s32 $0x0;
	s20 =	sshll.u32 s5, $0x1;
	s5 =	sadd.s32 s21, s3  }
0xa3: {  	[timem:s7], [sflag:s22] =	dma.local [hbm:s5], s20  }
0xa4: {  	_ =	swait.ge [sflag:s22], s20  }
0xa5: {  	s4 =	ssub.s32 $0x0, s20;
	[sflag:s22] =	ssyncset.done $0x0  }
0xa6: {  	[sflag:s22] =	ssyncadd.s32 s4;
	_ =	sdelay $0x1  }
0xa7: {  	s23 =	simm.s32 $0x1B8B  }
0xa8: {  	_ =	swait.ge [sflag:s23], $0x1  }
0xa9: {  	[sflag:s23] =	ssyncset.done $0x0  }
0xaa: {  	s25 =	simm.s32 $0x1B8E;
	s24 =	sld [smem:$0x3FFE];
	[sflag:s23] =	ssyncadd.s32 $0xFFFFFFFF  }
0xab: {  	s26 =	simm.s32 $execute0_lowered;
	[smem:$0x3FD2] =	sst s25  }
0xac: {  	s5 =	sshll.u32 s26, $0x1;
	_ =	strace $0x8000004C;
	[dreg:$0x1] =	wrdreg $0xFFFFFFFF  }
0xad: {  	s28 =	simm.s32 $_size_execute0_lowered;
	s3 =	sadd.s32 s3, s5;
	[dreg:$0x0] =	wrdreg $0x0  }
0xae: {  	s5 =	sshll.u32 s28, $0x1;
	[dreg:$0x2] =	wrdreg s3  }
0xaf: {  	[dreg:$0x3] =	wrdreg s5  }
0xb0: {  	[dreg:$0x4] =	wrdreg $0xC0  }
0xb1: {  	_ =	task [dreg:s7], $0x5FFFF  }
0xb2: {  	[dreg:$0x1] =	wrdreg $0xFFFFFFFF  }
0xb3: {  	[dreg:$0x0] =	wrdreg $0x60  }
0xb4: {  	[dreg:$0x2] =	wrdreg s24  }
0xb5: {  	[dreg:$0x3] =	wrdreg s16  }
0xb6: {  	[dreg:$0x4] =	wrdreg $0x0  }
0xb7: {  	[dreg:$0x5] =	wrdreg $0x9  }
0xb8: {  	_ =	task.clear_ibuf [dreg:s7], $0x6FFFF;
	_ =	strace $0x9000004C  }
0xb9: {  	s29 =	simm.s32 $0x9;
	_ =	strace $0x8000004E  }
0xba: {  	_ =	swait.ge [sflag:s29], $0x1  }
0xbb: {  	[sflag:s29] =	ssyncadd.s32 $0xFFFFFFFF  }
0xbc: {  	_ =	strace $0x9000004E  }
0xbd: {  	_ =	sfence  }
0xbe: {  	s30 =	sld [smem:$0x0];
	_ =	sdelay $0x2  }
0xbf: {  	s31 =	sshll.u32 s1, $0xD;
	s1 =	sshrl.u32 s1, $0x2  }
0xc0: {  	s3 =	sand.u32 $0x4000, s31;
	s1 =	sadd.s32 s1, s30  }
0xc1: {  	s0 =	sor.u32 s3, s0;
	s1 =	sshll.u32 s1, $0x11  }
0xc2: {  	s0 =	sor.u32 s1, s0  }
0xc3: {  	s0 =	sadd.s32 $0x8F2B, s0  }
0xc4: {  	[sflag:s0] =	ssyncadd.remote.s32 $0x1  }
0xc5: {  	_ =	sfence.sel $0xFFFF  }
0xc6: {  	[dreg:$0x0] =	wrdreg $0xFFFFFFFF;
	(pc) =	sbr.abs _section_cstart, $3  }
0xc7: {  	[dreg:$0x1] =	wrdreg $0xFFFFFFFF  }
0xc8: {  	_ =	task.clear_ibuf [dreg:s7], $0x2FFFF;
	_ =	strace $0x9FFFFFFF  }
0xc9: {  	(tm) =	ssettm $0x7FFFFFFF  }
tec
execute0_lowered:
.L_overlay_start_1:
0x0: {  	(tag) =	ssettag $0x1  }
0x1: {  	s5 =	rddreg [dreg:$0x0]  }
0x2: {  	s9 =	rddreg [dreg:$0x1]  }
0x3: {  	s2 =	rddreg [dreg:$0x2]  }
0x4: {  	s0 =	rddreg [dreg:$0x3]  }
0x5: {  	s1 =	stileid.u32;
	s3 =	simm.s32 $0x0;
	s4 =	srdreg.scid  }
0x6: {  	s15 =	simm.s32 $0x14100;
	s16 =	simm.s32 $0x18200;
	s17 =	simm.s32 $0x1  }
0x7: {  	s18 =	simm.s32 $0x14080;
	s19 =	simm.s32 $0x2;
	s6 =	smul.u32 $0x14000, s1  }
0x8: {  	s20 =	simm.s32 $0x14180;
	s21 =	simm.s32 $0x0;
	s11 =	smul.u32 $0x50000, s1  }
0x9: {  	[smem:$0x7FF] =	sst s3;
	s7 =	sand.u32 $0x1, s4;
	s12 =	smul.u32 $0xA000, s1  }
0xa: {  	s4 =	sadd.s32 $0x1D6000, s5;
	s31 =	sshll.u32 s1, $0x6;
	s10 =	smul.u32 $0x140000, s7  }
0xb: {  	_ =	strace $0x8000004D;
	s29 =	ssub.s32 $0x2, s7;
	s7 =	smul.u32 $0x5000, s7  }
0xc: {  	s8 =	sshrl.u32 s6, $0x3;
	s13 =	sshrl.u32 s29, $0x1;
	s30 =	sshrl.u32 s11, $0x2  }
0xd: {  	s8 =	sadd.s32 s8, s5;
	s6 =	sadd.s32 s6, s10;
	s10 =	ssub.s32 s29, s13  }
0xe: {  	s11 =	sadd.s32 s30, s2;
	s7 =	sadd.s32 s7, s12;
	s6 =	sshrl.u32 s6, $0x3  }
0xf: {  	s13 =	simm.s32 $0x80;
	s12 =	sshrl.u32 s7, $0x3;
	s14 =	sadd.s32 s6, s5  }
0x10: {  	s5 =	sadd.s32 $0x45400, s8;
	s6 =	sor.u32 $0x1C03, s31;
	s8 =	smax.u32 s10, $0x1  }
0x11: {  	s9 =	sadd.s32 s12, s9;
	s10 =	sshrl.u32 s11, $0x3;
	s11 =	simm.s32 $0x3  }
0x12: {  	s12 =	simm.s32 $0x14000;
	s7 =	sadd.s32 $0x6D400, s14;
	s14 =	simm.s32 $0x14200  }
.LBB2_1:
0x13: {  	[spmem:s10], [sflag:s6] =	dma.local [hbm:s5], $0x2800  }
0x14: {  	_ =	swait.ge [sflag:s11], $0x2800  }
0x15: {  	[sflag:s11] =	ssyncset.done $0x0  }
0x16: {  	[sflag:s11] =	ssyncadd.s32 $0xFFFFD800  }
0x17: {  	s22 =	sadd.s32 $0x0, s9;
	[bflag:$0x0] =	sbarrier.arrive $0xFFFF  }
0x18: {  	[tilespmem:s12], [sflag:$0x3] =	stream.linear.gather [hbm4b:s22+s3], $0x100, $0x38;
	[tilespmem:$0x1C200] =	vst v63  }
0x19: {  	_ =	swait.ge [sflag:s11], $0x100  }
0x1a: {  	[sflag:s11] =	ssyncset.done $0x0  }
0x1b: {  	[sflag:s11] =	ssyncadd.s32 $0xFFFFFF00  }
0x1c: {  	[tilespmem:s14], [sflag:$0x1] =	stream.indirect.gather [hbm4b:s4+s13], $0x80, s12, s13, $0xb8;
	[tilespmem:$0x1C200] =	vst v63  }
0x1d: {  	s22 =	sadd.s32 $0x20, s22  }
0x1e: {  	[tilespmem:s15], [sflag:$0x3] =	stream.linear.gather [hbm4b:s22+s3], $0x100, $0x38;
	[tilespmem:$0x1C200] =	vst v63  }
0x1f: {  	_ =	swait.ge [sflag:s11], $0x100  }
0x20: {  	[sflag:s11] =	ssyncset.done $0x0  }
0x21: {  	[sflag:s11] =	ssyncadd.s32 $0xFFFFFF00  }
0x22: {  	[tilespmem:s16], [sflag:$0x2] =	stream.indirect.gather [hbm4b:s4+s13], $0x80, s15, s13, $0xb8;
	[tilespmem:$0x1C200] =	vst v63  }
0x23: {  	_ =	swait.ge [sflag:s17], $0x4000  }
0x24: {  	[sflag:s17] =	ssyncset.done $0x0  }
0x25: {  	[sflag:s17] =	ssyncadd.s32 $0xFFFFC000  }
0x26: {  	[spmem:s2] =	stream.indirect.scatter.add.f32 [tilespmem:s14], [sflag:$0x3], $0x80, s18, s13, $0xb8;
	[tilespmem:$0x1C200] =	vst v63  }
0x27: {  	_ =	swait.ge [sflag:s11], $0x4000  }
0x28: {  	[sflag:s11] =	ssyncset.done $0x0  }
0x29: {  	[sflag:s11] =	ssyncadd.s32 $0xFFFFC000  }
0x2a: {  	_ =	swait.ge [sflag:s19], $0x4000  }
0x2b: {  	[sflag:s19] =	ssyncset.done $0x0  }
0x2c: {  	[sflag:s19] =	ssyncadd.s32 $0xFFFFC000  }
0x2d: {  	[spmem:s2] =	stream.indirect.scatter.add.f32 [tilespmem:s16], [sflag:$0x3], $0x80, s20, s13, $0xb8;
	[tilespmem:$0x1C200] =	vst v63  }
0x2e: {  	_ =	swait.ge [sflag:s11], $0x4000  }
0x2f: {  	s23 =	simm.s32 $0x80;
	s22 =	simm.s32 $0x40;
	[sflag:s11] =	ssyncset.done $0x0  }
.LBB2_2:
0x30: {  	s24 =	sadd.s32 s22, s9  }
0x31: {  	[sflag:s11] =	ssyncadd.s32 $0xFFFFC000;
	s22 =	smov.u32 s23;
	s25 =	sadd.s32 $0x40, s23  }
0x32: {  	[tilespmem:s12], [sflag:$0x3] =	stream.linear.gather [hbm4b:s24+s3], $0x100, $0x38;
	[tilespmem:$0x1C200] =	vst v63  }
0x33: {  	p0 =	sne.s32 s23, $0x9C0;
	_ =	swait.ge [sflag:s11], $0x100  }
0x34: {  	[sflag:s11] =	ssyncset.done $0x0  }
0x35: {  	[sflag:s11] =	ssyncadd.s32 $0xFFFFFF00  }
0x36: {  	[tilespmem:s14], [sflag:$0x1] =	stream.indirect.gather [hbm4b:s4+s13], $0x80, s12, s13, $0xb8;
	[tilespmem:$0x1C200] =	vst v63  }
0x37: {  	s23 =	sadd.s32 $0x20, s24  }
0x38: {  	[tilespmem:s15], [sflag:$0x3] =	stream.linear.gather [hbm4b:s23+s3], $0x100, $0x38;
	[tilespmem:$0x1C200] =	vst v63  }
0x39: {  	_ =	swait.ge [sflag:s11], $0x100  }
0x3a: {  	[sflag:s11] =	ssyncset.done $0x0  }
0x3b: {  	[sflag:s11] =	ssyncadd.s32 $0xFFFFFF00  }
0x3c: {  	[tilespmem:s16], [sflag:$0x2] =	stream.indirect.gather [hbm4b:s4+s13], $0x80, s15, s13, $0xb8;
	[tilespmem:$0x1C200] =	vst v63  }
0x3d: {  	_ =	swait.ge [sflag:s17], $0x4000  }
0x3e: {  	[sflag:s17] =	ssyncset.done $0x0  }
0x3f: {  	[sflag:s17] =	ssyncadd.s32 $0xFFFFC000  }
0x40: {  	[spmem:s2] =	stream.indirect.scatter.add.f32 [tilespmem:s14], [sflag:$0x3], $0x80, s18, s13, $0xb8;
	[tilespmem:$0x1C200] =	vst v63  }
0x41: {  	_ =	swait.ge [sflag:s11], $0x4000  }
0x42: {  	[sflag:s11] =	ssyncset.done $0x0  }
0x43: {  	[sflag:s11] =	ssyncadd.s32 $0xFFFFC000  }
0x44: {  	_ =	swait.ge [sflag:s19], $0x4000  }
.Ltmp0:
0x45: {  	[sflag:s19] =	ssyncset.done $0x0;
	(pc) =	sbr.rel @p0 .LBB2_2-.Ltmp0, $4  }
0x46: {  	[sflag:s19] =	ssyncadd.s32 $0xFFFFC000  }
0x47: {  	[spmem:s2] =	stream.indirect.scatter.add.f32 [tilespmem:s16], [sflag:$0x3], $0x80, s20, s13, $0xb8;
	[tilespmem:$0x1C200] =	vst v63  }
0x48: {  	_ =	swait.ge [sflag:s11], $0x4000  }
0x49: {  	s23 =	smov.u32 s25;
	[sflag:s11] =	ssyncset.done $0x0  }
0x4a: {  	s22 =	sadd.s32 s22, s9;
	[sflag:s11] =	ssyncadd.s32 $0xFFFFC000  }
0x4b: {  	[tilespmem:s12], [sflag:$0x3] =	stream.linear.gather [hbm4b:s22+s3], $0x100, $0x38;
	[tilespmem:$0x1C200] =	vst v63  }
0x4c: {  	_ =	swait.ge [sflag:s11], $0x100  }
0x4d: {  	[sflag:s11] =	ssyncset.done $0x0  }
0x4e: {  	[sflag:s11] =	ssyncadd.s32 $0xFFFFFF00  }
0x4f: {  	[tilespmem:s14], [sflag:$0x1] =	stream.indirect.gather [hbm4b:s4+s13], $0x80, s12, s13, $0xb8;
	[tilespmem:$0x1C200] =	vst v63  }
0x50: {  	s22 =	sadd.s32 $0x20, s22  }
0x51: {  	[tilespmem:s15], [sflag:$0x3] =	stream.linear.gather [hbm4b:s22+s3], $0x100, $0x38;
	[tilespmem:$0x1C200] =	vst v63  }
0x52: {  	_ =	swait.ge [sflag:s11], $0x100  }
0x53: {  	[sflag:s11] =	ssyncset.done $0x0  }
0x54: {  	[sflag:s11] =	ssyncadd.s32 $0xFFFFFF00  }
0x55: {  	[tilespmem:s16], [sflag:$0x2] =	stream.indirect.gather [hbm4b:s4+s13], $0x80, s15, s13, $0xb8;
	[tilespmem:$0x1C200] =	vst v63  }
0x56: {  	_ =	swait.ge [sflag:s17], $0x4000  }
0x57: {  	[sflag:s17] =	ssyncset.done $0x0  }
0x58: {  	[sflag:s17] =	ssyncadd.s32 $0xFFFFC000  }
0x59: {  	[spmem:s2] =	stream.indirect.scatter.add.f32 [tilespmem:s14], [sflag:$0x3], $0x80, s18, s13, $0xb8;
	[tilespmem:$0x1C200] =	vst v63  }
0x5a: {  	_ =	swait.ge [sflag:s11], $0x4000  }
0x5b: {  	[sflag:s11] =	ssyncset.done $0x0  }
0x5c: {  	[sflag:s11] =	ssyncadd.s32 $0xFFFFC000  }
0x5d: {  	_ =	swait.ge [sflag:s19], $0x4000  }
0x5e: {  	[sflag:s19] =	ssyncset.done $0x0  }
0x5f: {  	[sflag:s19] =	ssyncadd.s32 $0xFFFFC000  }
0x60: {  	[spmem:s2] =	stream.indirect.scatter.add.f32 [tilespmem:s16], [sflag:$0x3], $0x80, s20, s13, $0xb8;
	[tilespmem:$0x1C200] =	vst v63  }
0x61: {  	_ =	swait.ge [sflag:s11], $0x4000  }
0x62: {  	s21 =	sadd.s32 $0x1, s21;
	[sflag:s11] =	ssyncset.done $0x0  }
0x63: {  	p0 =	sne.s32 s21, s8;
	[sflag:s11] =	ssyncadd.s32 $0xFFFFC000  }
.Ltmp1:
0x64: {  	[bflag:$0x0] =	sbarrier.arrive $0xFFFF;
	(pc) =	sbr.rel @p0 .LBB2_1-.Ltmp1, $4  }
0x65: {  	[hbm:s7], [sflag:s6] =	dma.local [spmem:s10], $0x2800  }
0x66: {  	_ =	swait.ge [sflag:s11], $0x2800  }
0x67: {  	[sflag:s11] =	ssyncset.done $0x0  }
0x68: {  	[sflag:s11] =	ssyncadd.s32 $0xFFFFD800  }
0x69: {  	_ =	sfence.sel $0x180000  }
0x6a: {  	[bflag:$0x0] =	sbarrier.arrive $0xFFFF  }
0x6b: {  	p0 =	sne.s32 s1, $0x0;
	_ =	strace $0x9000004D  }
0x6c: {  	s0 =	sadd.s32 @!p0 $0x100000, s0;
	[bflag:$0x2] =	sbarrier.arrive $0xFFFF  }
0x6d: {  	[sflag:s0] =	ssyncadd.tile.s32 @!p0 $0x1;
	_ =	shalt  }
.Lfunc_end2:
_tile_overlayer_lowered:
.L_overlay_start_2:
0x6e: {  	(tag) =	ssettag $0x2  }
0x6f: {  	s0 =	rddreg [dreg:$0x0];
	s2 =	stileid.u32  }
0x70: {  	s1 =	rddreg [dreg:$0x1];
	p0 =	sne.s32 s2, $0x0  }
0x71: {  	s3 =	rddreg [dreg:$0x2];
	[bflag:$0x3] =	sbarrier.arrive $0xFFFF;
	s2 =	simm.s32 @!p0 $0x1C03  }
0x72: {  	[timem:s3], [sflag:s2] =	dma.local @!p0 [hbm:s0], s1  }
0x73: {  	s0 =	simm.s32 @!p0 $0x3  }
0x74: {  	_ =	swait.ge @!p0 [sflag:s0], s1  }
0x75: {  	s1 =	ssub.s32 @!p0 $0x0, s1;
	[sflag:s0] =	ssyncset.done @!p0 $0x0  }
0x76: {  	[sflag:s0] =	ssyncadd.s32 @!p0 s1  }
0x77: {  	[bflag:$0x3] =	sbarrier.arrive $0xFFFF  }
0x78: {  	_ =	shalt  }

// kernel: kernel.33.cloned.1.call-start
scs
__scs_entry_jumppad:
0x0: {  	(pc) =	sbr.rel $0x88, $3  }
0x1: {  	(tag) =	ssettag $0x0;
	lr =	simm.s32 $0x1  }
0x2: {  	[smem:$0x3F93] =	sst lr;
	_ =	strace $0xD0000000  }
0x3: {  	_ = 	snop  }
0x4: {  	_ = 	snop  }
0x5: {  	_ = 	snop  }
0x6: {  	_ = 	snop  }
0x7: {  	_ = 	snop  }
__scs_overlays_trampoline_lowered:
0x8: {  	[smem:$0x3FA2] =	sst s0  }
0x9: {  	[smem:$0x3FA3] =	sst s1  }
0xa: {  	[smem:$0x3FA4] =	sst s2  }
0xb: {  	[smem:$0x3FA5] =	sst s3  }
0xc: {  	[smem:$0x3FA6] =	sst s4  }
0xd: {  	[smem:$0x3FA7] =	sst s5  }
0xe: {  	[smem:$0x3FA8] =	sst s6  }
0xf: {  	[smem:$0x3FA9] =	sst s7  }
0x10: {  	[smem:$0x3FAA] =	sst s8  }
0x11: {  	[smem:$0x3FAB] =	sst s9;
	s0 =	simm.s32 @!p0 $0x0  }
0x12: {  	s1 =	sld [smem:$0x3F91];
	s0 =	simm.s32 @p0 $0x1  }
0x13: {  	[smem:$0x3FAC] =	sst s0;
	s0 =	simm.s32 @!p1 $0x0  }
0x14: {  	s2 =	sld [smem:$0x3F90];
	s0 =	simm.s32 @p1 $0x1  }
0x15: {  	[smem:$0x3FAD] =	sst s0;
	s0 =	simm.s32 @!p2 $0x0  }
0x16: {  	s3 =	sld [smem:$0x3FDB];
	s0 =	simm.s32 @p2 $0x1  }
0x17: {  	s4 =	simm.s32 $0x1BF5;
	[smem:$0x3FAF] =	sst s0  }
0x18: {  	s0 =	sld [smem:$0x3F92];
	_ =	swait.ge [sflag:s4], $0x0  }
0x19: {  	s7 =	sld [smem:$0x3F93]  }
0x1a: {  	s8 =	sadd.s32 $0xFFFFE003, lr  }
0x1b: {  	s9 =	sadd.s32 $0xFFFFFEF7, lr;
	s5 =	simm.s32 $0xFFFFFFFF;
	p2 =	slt.u32 s8, $0xFFFFF086  }
0x1c: {  	p1 =	slt.u32 s9, $0xF7A;
	s5 =	simm.s32 @!p2 $0x0  }
0x1d: {  	s5 =	simm.s32 @p1 $0x1;
	p0 =	seq.s32 s7, s2  }
0x1e: {  	s7 =	smul.u32 @!p0 $0xF7A, s2;
	p2 =	seq.s32 @!p0 s5, $0x0  }
0x1f: {  	s9 =	smul.u32 $0xF7A, s1;
	s8 =	simm.s32 @!p0 $0x1BF5;
	p2 =	por !p2, p0  }
0x20: {  	[sflag:s8] =	ssyncset.s32 @!p0 $0xFFFFF086;
	s6 =	sadd.s32 @!p0 s3, s7;
	s7 =	simm.s32 @!p0 $0x108  }
0x21: {  	s3 =	sadd.s32 s3, s9;
	s6 =	sadd.s32 @!p0 $0x88, s6;
	s7 =	simm.s32 @p2 $0x1082  }
0x22: {  	[simem:s7], [sflag:s8] =	dma.local @!p0 [hbm:s6], $0xF7A  }
0x23: {  	s9 =	sor.u32 $0xD0000000, s2;
	s6 =	simm.s32 $0x108;
	_ =	swait.ge @!p0 [sflag:s8], $0x0  }
0x24: {  	s3 =	sadd.s32 $0x88, s3;
	s6 =	simm.s32 @!p1 $0x1082;
	[sflag:s4] =	ssyncset.s32 $0xFFFFF086  }
0x25: {  	[simem:s6], [sflag:s4] =	dma.local [hbm:s3], $0xF7A  }
0x26: {  	[smem:$0x3F93] =	sst s1;
	(tag) =	ssettag s2;
	_ =	strace s9  }
0x27: {  	s1 =	sld [smem:$0x3FA3]  }
0x28: {  	s2 =	sld [smem:$0x3FA4]  }
0x29: {  	s4 =	sld [smem:$0x3FA6]  }
0x2a: {  	p0 =	seq.s32 s5, $0x0;
	s5 =	sld [smem:$0x3FA7]  }
0x2b: {  	s6 =	sld [smem:$0x3FA8]  }
0x2c: {  	s7 =	sld [smem:$0x3FA9]  }
0x2d: {  	s3 =	simm.s32 $0x108;
	s8 =	sld [smem:$0x3FAA]  }
0x2e: {  	s3 =	simm.s32 @!p0 $0x1082;
	s9 =	sld [smem:$0x3FAB]  }
0x2f: {  	lr =	sadd.s32 s0, s3;
	s0 =	sld [smem:$0x3FA2]  }
0x30: {  	s3 =	sld [smem:$0x3FA5]  }
0x31: {  	[smem:$0x3FAE] =	sst s10  }
0x32: {  	s10 =	sld [smem:$0x3FAC];
	_ =	sdelay $0x3  }
0x33: {  	p0 =	seq.s32 s10, $0x1;
	s10 =	sld [smem:$0x3FAE];
	_ =	sdelay $0x3  }
0x34: {  	[smem:$0x3FAE] =	sst s10  }
0x35: {  	s10 =	sld [smem:$0x3FAD];
	_ =	sdelay $0x3  }
0x36: {  	p1 =	seq.s32 s10, $0x1;
	s10 =	sld [smem:$0x3FAE];
	_ =	sdelay $0x3  }
0x37: {  	[smem:$0x3FAE] =	sst s10  }
0x38: {  	s10 =	sld [smem:$0x3FAF]  }
0x39: {  	_ = 	snop;
	(pc) =	sbr.ind lr, $3  }
0x3a: {  	_ = 	snop  }
0x3b: {  	_ = 	snop  }
0x3c: {  	p2 =	seq.s32 s10, $0x1;
	s10 =	sld [smem:$0x3FAE]  }
0x3d: {  	_ =	shalt  }
0x3e: {  	_ =	shalt  }
0x3f: {  	_ =	shalt  }
0x40: {  	_ =	shalt  }
0x41: {  	_ =	shalt  }
0x42: {  	_ =	shalt  }
0x43: {  	_ =	shalt  }
0x44: {  	_ =	shalt  }
0x45: {  	_ =	shalt  }
0x46: {  	_ =	shalt  }
0x47: {  	_ =	shalt  }
0x48: {  	_ =	shalt  }
0x49: {  	_ =	shalt  }
0x4a: {  	_ =	shalt  }
0x4b: {  	_ =	shalt  }
0x4c: {  	_ =	shalt  }
0x4d: {  	_ =	shalt  }
0x4e: {  	_ =	shalt  }
0x4f: {  	_ =	shalt  }
0x50: {  	_ =	shalt  }
0x51: {  	_ =	shalt  }
0x52: {  	_ =	shalt  }
0x53: {  	_ =	shalt  }
0x54: {  	_ =	shalt  }
0x55: {  	_ =	shalt  }
0x56: {  	_ =	shalt  }
0x57: {  	_ =	shalt  }
0x58: {  	_ =	shalt  }
0x59: {  	_ =	shalt  }
0x5a: {  	_ =	shalt  }
0x5b: {  	_ =	shalt  }
0x5c: {  	_ =	shalt  }
0x5d: {  	_ =	shalt  }
0x5e: {  	_ =	shalt  }
0x5f: {  	_ =	shalt  }
0x60: {  	_ =	shalt  }
0x61: {  	_ =	shalt  }
0x62: {  	_ =	shalt  }
0x63: {  	_ =	shalt  }
0x64: {  	_ =	shalt  }
0x65: {  	_ =	shalt  }
0x66: {  	_ =	shalt  }
0x67: {  	_ =	shalt  }
0x68: {  	_ =	shalt  }
0x69: {  	_ =	shalt  }
0x6a: {  	_ =	shalt  }
0x6b: {  	_ =	shalt  }
0x6c: {  	_ =	shalt  }
0x6d: {  	_ =	shalt  }
0x6e: {  	_ =	shalt  }
0x6f: {  	_ =	shalt  }
0x70: {  	_ =	shalt  }
0x71: {  	_ =	shalt  }
0x72: {  	_ =	shalt  }
0x73: {  	_ =	shalt  }
0x74: {  	_ =	shalt  }
0x75: {  	_ =	shalt  }
0x76: {  	_ =	shalt  }
0x77: {  	_ =	shalt  }
0x78: {  	_ =	shalt  }
0x79: {  	_ =	shalt  }
0x7a: {  	_ =	shalt  }
0x7b: {  	_ =	shalt  }
0x7c: {  	_ =	shalt  }
0x7d: {  	_ =	shalt  }
0x7e: {  	_ =	shalt  }
0x7f: {  	_ =	shalt  }
0x80: {  	_ =	shalt  }
0x81: {  	_ =	shalt  }
0x82: {  	_ =	shalt  }
0x83: {  	_ =	shalt  }
0x84: {  	_ =	shalt  }
0x85: {  	_ =	shalt  }
0x86: {  	_ =	shalt  }
0x87: {  	_ =	shalt  }
.Lfunc_end0:
.L_simem_size_0:
called_computation.3_lowered:
.L_overlay_start_0:
0x88: {  	s2 =	sld [smem:$0x3FD9]  }
0x89: {  	s3 =	sld [smem:$0x3FFE];
	_ =	sdelay $0x1  }
0x8a: {  	s1 =	srdreg.scid  }
0x8b: {  	s0 =	sand.u32 $0x1, s1  }
0x8c: {  	s14 =	sshll.u32 s0, $0xA;
	s2 =	sadd.s32 s3, s2  }
0x8d: {  	s2 =	sadd.s32 s2, s14  }
0x8e: {  	[smem:$0x3FBA] =	sst s2  }
0x8f: {  	_ = 	snop  }
0x90: {  	s2 =	sld [smem:$0x3FD0];
	_ =	sdelay $0x2  }
0x91: {  	s15 =	simm.s32 $0xA;
	s4 =	simm.s32 $0x10  }
0x92: {  	[smem:s4], [sflag:s15] =	dma.local [hbm:s2], $0x1  }
0x93: {  	_ =	swait.eq [sflag:s15], $0x1  }
0x94: {  	[sflag:s15] =	ssyncset.done $0x0  }
0x95: {  	[sflag:s15] =	ssyncadd.s32 $0xFFFFFFFF  }
0x96: {  	s16 =	sld [smem:$0x10];
	(tm) =	ssettm $0x1  }
0x97: {  	s17 =	sld [smem:$0x3FFB];
	_ =	sdelay $0x3  }
0x98: {  	_ =	strace s17  }
0x99: {  	s3 =	sld [smem:$0x3FFC];
	_ =	sdelay $0x3  }
0x9a: {  	_ =	strace s3  }
0x9b: {  	s3 =	sld [smem:$0x3FFD];
	_ =	sdelay $0x3  }
0x9c: {  	_ =	strace s3  }
0x9d: {  	_ =	strace $0x8FFFFFFF  }
0x9e: {  	s18 =	sld [smem:$0x3FDB];
	_ =	sdelay $0x1  }
0x9f: {  	s19 =	simm.s32 $_scs_section_size  }
0xa0: {  	s5 =	simm.s32 $_size__tile_overlayer_lowered;
	s6 =	simm.s32 $_tile_overlayer_lowered  }
0xa1: {  	s22 =	simm.s32 $0x1BFF;
	s21 =	sshll.u32 s6, $0x1;
	s3 =	sadd.s32 s19, s18  }
0xa2: {  	s7 =	simm.s32 $0x0;
	s20 =	sshll.u32 s5, $0x1;
	s5 =	sadd.s32 s21, s3  }
0xa3: {  	[timem:s7], [sflag:s22] =	dma.local [hbm:s5], s20  }
0xa4: {  	_ =	swait.ge [sflag:s22], s20  }
0xa5: {  	s4 =	ssub.s32 $0x0, s20;
	[sflag:s22] =	ssyncset.done $0x0  }
0xa6: {  	[sflag:s22] =	ssyncadd.s32 s4;
	_ =	sdelay $0x1  }
0xa7: {  	s23 =	simm.s32 $0x1B8B  }
0xa8: {  	_ =	swait.ge [sflag:s23], $0x1  }
0xa9: {  	[sflag:s23] =	ssyncset.done $0x0  }
0xaa: {  	s25 =	simm.s32 $0x1B8E;
	s24 =	sld [smem:$0x3FFE];
	[sflag:s23] =	ssyncadd.s32 $0xFFFFFFFF  }
0xab: {  	s26 =	simm.s32 $execute0_lowered;
	[smem:$0x3FD2] =	sst s25  }
0xac: {  	s5 =	sshll.u32 s26, $0x1;
	_ =	strace $0x8000004F;
	[dreg:$0x1] =	wrdreg $0xFFFFFFFF  }
0xad: {  	s28 =	simm.s32 $_size_execute0_lowered;
	s3 =	sadd.s32 s3, s5;
	[dreg:$0x0] =	wrdreg $0x0  }
0xae: {  	s5 =	sshll.u32 s28, $0x1;
	[dreg:$0x2] =	wrdreg s3  }
0xaf: {  	[dreg:$0x3] =	wrdreg s5  }
0xb0: {  	[dreg:$0x4] =	wrdreg $0xC0  }
0xb1: {  	_ =	task [dreg:s7], $0x5FFFF  }
0xb2: {  	[dreg:$0x1] =	wrdreg $0xFFFFFFFF  }
0xb3: {  	[dreg:$0x0] =	wrdreg $0x60  }
0xb4: {  	[dreg:$0x2] =	wrdreg s24  }
0xb5: {  	[dreg:$0x3] =	wrdreg s16  }
0xb6: {  	[dreg:$0x4] =	wrdreg $0x0  }
0xb7: {  	[dreg:$0x5] =	wrdreg $0x9  }
0xb8: {  	_ =	task.clear_ibuf [dreg:s7], $0x6FFFF;
	_ =	strace $0x9000004F  }
0xb9: {  	s29 =	simm.s32 $0x9;
	_ =	strace $0x80000051  }
0xba: {  	_ =	swait.ge [sflag:s29], $0x1  }
0xbb: {  	[sflag:s29] =	ssyncadd.s32 $0xFFFFFFFF  }
0xbc: {  	_ =	strace $0x90000051  }
0xbd: {  	_ =	sfence  }
0xbe: {  	s30 =	sld [smem:$0x0];
	_ =	sdelay $0x2  }
0xbf: {  	s31 =	sshll.u32 s1, $0xD;
	s1 =	sshrl.u32 s1, $0x2  }
0xc0: {  	s3 =	sand.u32 $0x4000, s31;
	s1 =	sadd.s32 s1, s30  }
0xc1: {  	s0 =	sor.u32 s3, s0;
	s1 =	sshll.u32 s1, $0x11  }
0xc2: {  	s0 =	sor.u32 s1, s0  }
0xc3: {  	s0 =	sadd.s32 $0x8F2B, s0  }
0xc4: {  	[sflag:s0] =	ssyncadd.remote.s32 $0x1  }
0xc5: {  	_ =	sfence.sel $0xFFFF  }
0xc6: {  	[dreg:$0x0] =	wrdreg $0xFFFFFFFF;
	(pc) =	sbr.abs _section_cstart, $3  }
0xc7: {  	[dreg:$0x1] =	wrdreg $0xFFFFFFFF  }
0xc8: {  	_ =	task.clear_ibuf [dreg:s7], $0x2FFFF;
	_ =	strace $0x9FFFFFFF  }
0xc9: {  	(tm) =	ssettm $0x7FFFFFFF  }
tec
execute0_lowered:
.L_overlay_start_1:
0x0: {  	(tag) =	ssettag $0x1  }
0x1: {  	s5 =	rddreg [dreg:$0x0]  }
0x2: {  	s9 =	rddreg [dreg:$0x1]  }
0x3: {  	s2 =	rddreg [dreg:$0x2]  }
0x4: {  	s0 =	rddreg [dreg:$0x3]  }
0x5: {  	s1 =	stileid.u32;
	s3 =	simm.s32 $0x0;
	s4 =	srdreg.scid  }
0x6: {  	s15 =	simm.s32 $0x14100;
	s16 =	simm.s32 $0x18200;
	s17 =	simm.s32 $0x1  }
0x7: {  	s18 =	simm.s32 $0x14080;
	s19 =	simm.s32 $0x2;
	s6 =	smul.u32 $0x14000, s1  }
0x8: {  	s20 =	simm.s32 $0x14180;
	s21 =	simm.s32 $0x0;
	s11 =	smul.u32 $0x50000, s1  }
0x9: {  	[smem:$0x7FF] =	sst s3;
	s7 =	sand.u32 $0x1, s4;
	s12 =	smul.u32 $0xA000, s1  }
0xa: {  	s4 =	sadd.s32 $0x1D6000, s5;
	s31 =	sshll.u32 s1, $0x6;
	s10 =	smul.u32 $0x140000, s7  }
0xb: {  	_ =	strace $0x80000050;
	s29 =	ssub.s32 $0x2, s7;
	s7 =	smul.u32 $0x5000, s7  }
0xc: {  	s8 =	sshrl.u32 s6, $0x3;
	s13 =	sshrl.u32 s29, $0x1;
	s30 =	sshrl.u32 s11, $0x2  }
0xd: {  	s8 =	sadd.s32 s8, s5;
	s6 =	sadd.s32 s6, s10;
	s10 =	ssub.s32 s29, s13  }
0xe: {  	s11 =	sadd.s32 s30, s2;
	s7 =	sadd.s32 s7, s12;
	s6 =	sshrl.u32 s6, $0x3  }
0xf: {  	s13 =	simm.s32 $0x80;
	s12 =	sshrl.u32 s7, $0x3;
	s14 =	sadd.s32 s6, s5  }
0x10: {  	s5 =	sadd.s32 $0x45400, s8;
	s6 =	sor.u32 $0x1C03, s31;
	s8 =	smax.u32 s10, $0x1  }
0x11: {  	s9 =	sadd.s32 s12, s9;
	s10 =	sshrl.u32 s11, $0x3;
	s11 =	simm.s32 $0x3  }
0x12: {  	s12 =	simm.s32 $0x14000;
	s7 =	sadd.s32 $0x6D400, s14;
	s14 =	simm.s32 $0x14200  }
.LBB2_1:
0x13: {  	[spmem:s10], [sflag:s6] =	dma.local [hbm:s5], $0x2800  }
0x14: {  	_ =	swait.ge [sflag:s11], $0x2800  }
0x15: {  	[sflag:s11] =	ssyncset.done $0x0  }
0x16: {  	[sflag:s11] =	ssyncadd.s32 $0xFFFFD800  }
0x17: {  	s22 =	sadd.s32 $0x0, s9;
	[bflag:$0x0] =	sbarrier.arrive $0xFFFF  }
0x18: {  	[tilespmem:s12], [sflag:$0x3] =	stream.linear.gather [hbm4b:s22+s3], $0x100, $0x38;
	[tilespmem:$0x1C200] =	vst v63  }
0x19: {  	_ =	swait.ge [sflag:s11], $0x100  }
0x1a: {  	[sflag:s11] =	ssyncset.done $0x0  }
0x1b: {  	[sflag:s11] =	ssyncadd.s32 $0xFFFFFF00  }
0x1c: {  	[tilespmem:s14], [sflag:$0x1] =	stream.indirect.gather [hbm4b:s4+s13], $0x80, s12, s13, $0xb8;
	[tilespmem:$0x1C200] =	vst v63  }
0x1d: {  	s22 =	sadd.s32 $0x20, s22  }
0x1e: {  	[tilespmem:s15], [sflag:$0x3] =	stream.linear.gather [hbm4b:s22+s3], $0x100, $0x38;
	[tilespmem:$0x1C200] =	vst v63  }
0x1f: {  	_ =	swait.ge [sflag:s11], $0x100  }
0x20: {  	[sflag:s11] =	ssyncset.done $0x0  }
0x21: {  	[sflag:s11] =	ssyncadd.s32 $0xFFFFFF00  }
0x22: {  	[tilespmem:s16], [sflag:$0x2] =	stream.indirect.gather [hbm4b:s4+s13], $0x80, s15, s13, $0xb8;
	[tilespmem:$0x1C200] =	vst v63  }
0x23: {  	_ =	swait.ge [sflag:s17], $0x4000  }
0x24: {  	[sflag:s17] =	ssyncset.done $0x0  }
0x25: {  	[sflag:s17] =	ssyncadd.s32 $0xFFFFC000  }
0x26: {  	[spmem:s2] =	stream.indirect.scatter.add.f32 [tilespmem:s14], [sflag:$0x3], $0x80, s18, s13, $0xb8;
	[tilespmem:$0x1C200] =	vst v63  }
0x27: {  	_ =	swait.ge [sflag:s11], $0x4000  }
0x28: {  	[sflag:s11] =	ssyncset.done $0x0  }
0x29: {  	[sflag:s11] =	ssyncadd.s32 $0xFFFFC000  }
0x2a: {  	_ =	swait.ge [sflag:s19], $0x4000  }
0x2b: {  	[sflag:s19] =	ssyncset.done $0x0  }
0x2c: {  	[sflag:s19] =	ssyncadd.s32 $0xFFFFC000  }
0x2d: {  	[spmem:s2] =	stream.indirect.scatter.add.f32 [tilespmem:s16], [sflag:$0x3], $0x80, s20, s13, $0xb8;
	[tilespmem:$0x1C200] =	vst v63  }
0x2e: {  	_ =	swait.ge [sflag:s11], $0x4000  }
0x2f: {  	s23 =	simm.s32 $0x80;
	s22 =	simm.s32 $0x40;
	[sflag:s11] =	ssyncset.done $0x0  }
.LBB2_2:
0x30: {  	s24 =	sadd.s32 s22, s9  }
0x31: {  	[sflag:s11] =	ssyncadd.s32 $0xFFFFC000;
	s22 =	smov.u32 s23;
	s25 =	sadd.s32 $0x40, s23  }
0x32: {  	[tilespmem:s12], [sflag:$0x3] =	stream.linear.gather [hbm4b:s24+s3], $0x100, $0x38;
	[tilespmem:$0x1C200] =	vst v63  }
0x33: {  	p0 =	sne.s32 s23, $0x9C0;
	_ =	swait.ge [sflag:s11], $0x100  }
0x34: {  	[sflag:s11] =	ssyncset.done $0x0  }
0x35: {  	[sflag:s11] =	ssyncadd.s32 $0xFFFFFF00  }
0x36: {  	[tilespmem:s14], [sflag:$0x1] =	stream.indirect.gather [hbm4b:s4+s13], $0x80, s12, s13, $0xb8;
	[tilespmem:$0x1C200] =	vst v63  }
0x37: {  	s23 =	sadd.s32 $0x20, s24  }
0x38: {  	[tilespmem:s15], [sflag:$0x3] =	stream.linear.gather [hbm4b:s23+s3], $0x100, $0x38;
	[tilespmem:$0x1C200] =	vst v63  }
0x39: {  	_ =	swait.ge [sflag:s11], $0x100  }
0x3a: {  	[sflag:s11] =	ssyncset.done $0x0  }
0x3b: {  	[sflag:s11] =	ssyncadd.s32 $0xFFFFFF00  }
0x3c: {  	[tilespmem:s16], [sflag:$0x2] =	stream.indirect.gather [hbm4b:s4+s13], $0x80, s15, s13, $0xb8;
	[tilespmem:$0x1C200] =	vst v63  }
0x3d: {  	_ =	swait.ge [sflag:s17], $0x4000  }
0x3e: {  	[sflag:s17] =	ssyncset.done $0x0  }
0x3f: {  	[sflag:s17] =	ssyncadd.s32 $0xFFFFC000  }
0x40: {  	[spmem:s2] =	stream.indirect.scatter.add.f32 [tilespmem:s14], [sflag:$0x3], $0x80, s18, s13, $0xb8;
	[tilespmem:$0x1C200] =	vst v63  }
0x41: {  	_ =	swait.ge [sflag:s11], $0x4000  }
0x42: {  	[sflag:s11] =	ssyncset.done $0x0  }
0x43: {  	[sflag:s11] =	ssyncadd.s32 $0xFFFFC000  }
0x44: {  	_ =	swait.ge [sflag:s19], $0x4000  }
.Ltmp0:
0x45: {  	[sflag:s19] =	ssyncset.done $0x0;
	(pc) =	sbr.rel @p0 .LBB2_2-.Ltmp0, $4  }
0x46: {  	[sflag:s19] =	ssyncadd.s32 $0xFFFFC000  }
0x47: {  	[spmem:s2] =	stream.indirect.scatter.add.f32 [tilespmem:s16], [sflag:$0x3], $0x80, s20, s13, $0xb8;
	[tilespmem:$0x1C200] =	vst v63  }
0x48: {  	_ =	swait.ge [sflag:s11], $0x4000  }
0x49: {  	s23 =	smov.u32 s25;
	[sflag:s11] =	ssyncset.done $0x0  }
0x4a: {  	s22 =	sadd.s32 s22, s9;
	[sflag:s11] =	ssyncadd.s32 $0xFFFFC000  }
0x4b: {  	[tilespmem:s12], [sflag:$0x3] =	stream.linear.gather [hbm4b:s22+s3], $0x100, $0x38;
	[tilespmem:$0x1C200] =	vst v63  }
0x4c: {  	_ =	swait.ge [sflag:s11], $0x100  }
0x4d: {  	[sflag:s11] =	ssyncset.done $0x0  }
0x4e: {  	[sflag:s11] =	ssyncadd.s32 $0xFFFFFF00  }
0x4f: {  	[tilespmem:s14], [sflag:$0x1] =	stream.indirect.gather [hbm4b:s4+s13], $0x80, s12, s13, $0xb8;
	[tilespmem:$0x1C200] =	vst v63  }
0x50: {  	s22 =	sadd.s32 $0x20, s22  }
0x51: {  	[tilespmem:s15], [sflag:$0x3] =	stream.linear.gather [hbm4b:s22+s3], $0x100, $0x38;
	[tilespmem:$0x1C200] =	vst v63  }
0x52: {  	_ =	swait.ge [sflag:s11], $0x100  }
0x53: {  	[sflag:s11] =	ssyncset.done $0x0  }
0x54: {  	[sflag:s11] =	ssyncadd.s32 $0xFFFFFF00  }
0x55: {  	[tilespmem:s16], [sflag:$0x2] =	stream.indirect.gather [hbm4b:s4+s13], $0x80, s15, s13, $0xb8;
	[tilespmem:$0x1C200] =	vst v63  }
0x56: {  	_ =	swait.ge [sflag:s17], $0x4000  }
0x57: {  	[sflag:s17] =	ssyncset.done $0x0  }
0x58: {  	[sflag:s17] =	ssyncadd.s32 $0xFFFFC000  }
0x59: {  	[spmem:s2] =	stream.indirect.scatter.add.f32 [tilespmem:s14], [sflag:$0x3], $0x80, s18, s13, $0xb8;
	[tilespmem:$0x1C200] =	vst v63  }
0x5a: {  	_ =	swait.ge [sflag:s11], $0x4000  }
0x5b: {  	[sflag:s11] =	ssyncset.done $0x0  }
0x5c: {  	[sflag:s11] =	ssyncadd.s32 $0xFFFFC000  }
0x5d: {  	_ =	swait.ge [sflag:s19], $0x4000  }
0x5e: {  	[sflag:s19] =	ssyncset.done $0x0  }
0x5f: {  	[sflag:s19] =	ssyncadd.s32 $0xFFFFC000  }
0x60: {  	[spmem:s2] =	stream.indirect.scatter.add.f32 [tilespmem:s16], [sflag:$0x3], $0x80, s20, s13, $0xb8;
	[tilespmem:$0x1C200] =	vst v63  }
0x61: {  	_ =	swait.ge [sflag:s11], $0x4000  }
0x62: {  	s21 =	sadd.s32 $0x1, s21;
	[sflag:s11] =	ssyncset.done $0x0  }
0x63: {  	p0 =	sne.s32 s21, s8;
	[sflag:s11] =	ssyncadd.s32 $0xFFFFC000  }
.Ltmp1:
0x64: {  	[bflag:$0x0] =	sbarrier.arrive $0xFFFF;
	(pc) =	sbr.rel @p0 .LBB2_1-.Ltmp1, $4  }
0x65: {  	[hbm:s7], [sflag:s6] =	dma.local [spmem:s10], $0x2800  }
0x66: {  	_ =	swait.ge [sflag:s11], $0x2800  }
0x67: {  	[sflag:s11] =	ssyncset.done $0x0  }
0x68: {  	[sflag:s11] =	ssyncadd.s32 $0xFFFFD800  }
0x69: {  	_ =	sfence.sel $0x180000  }
0x6a: {  	[bflag:$0x0] =	sbarrier.arrive $0xFFFF  }
0x6b: {  	p0 =	sne.s32 s1, $0x0;
	_ =	strace $0x90000050  }
0x6c: {  	s0 =	sadd.s32 @!p0 $0x100000, s0;
	[bflag:$0x2] =	sbarrier.arrive $0xFFFF  }
0x6d: {  	[sflag:s0] =	ssyncadd.tile.s32 @!p0 $0x1;
	_ =	shalt  }
.Lfunc_end2:
_tile_overlayer_lowered:
.L_overlay_start_2:
0x6e: {  	(tag) =	ssettag $0x2  }
0x6f: {  	s0 =	rddreg [dreg:$0x0];
	s2 =	stileid.u32  }
0x70: {  	s1 =	rddreg [dreg:$0x1];
	p0 =	sne.s32 s2, $0x0  }
0x71: {  	s3 =	rddreg [dreg:$0x2];
	[bflag:$0x3] =	sbarrier.arrive $0xFFFF;
	s2 =	simm.s32 @!p0 $0x1C03  }
0x72: {  	[timem:s3], [sflag:s2] =	dma.local @!p0 [hbm:s0], s1  }
0x73: {  	s0 =	simm.s32 @!p0 $0x3  }
0x74: {  	_ =	swait.ge @!p0 [sflag:s0], s1  }
0x75: {  	s1 =	ssub.s32 @!p0 $0x0, s1;
	[sflag:s0] =	ssyncset.done @!p0 $0x0  }
0x76: {  	[sflag:s0] =	ssyncadd.s32 @!p0 s1  }
0x77: {  	[bflag:$0x3] =	sbarrier.arrive $0xFFFF  }
0x78: {  	_ =	shalt  }

// kernel: kernel.36.cloned.1.call-start
scs
__scs_entry_jumppad:
0x0: {  	(pc) =	sbr.rel $0x88, $3  }
0x1: {  	(tag) =	ssettag $0x0;
	lr =	simm.s32 $0x1  }
0x2: {  	[smem:$0x3F93] =	sst lr;
	_ =	strace $0xD0000000  }
0x3: {  	_ = 	snop  }
0x4: {  	_ = 	snop  }
0x5: {  	_ = 	snop  }
0x6: {  	_ = 	snop  }
0x7: {  	_ = 	snop  }
__scs_overlays_trampoline_lowered:
0x8: {  	[smem:$0x3FA2] =	sst s0  }
0x9: {  	[smem:$0x3FA3] =	sst s1  }
0xa: {  	[smem:$0x3FA4] =	sst s2  }
0xb: {  	[smem:$0x3FA5] =	sst s3  }
0xc: {  	[smem:$0x3FA6] =	sst s4  }
0xd: {  	[smem:$0x3FA7] =	sst s5  }
0xe: {  	[smem:$0x3FA8] =	sst s6  }
0xf: {  	[smem:$0x3FA9] =	sst s7  }
0x10: {  	[smem:$0x3FAA] =	sst s8  }
0x11: {  	[smem:$0x3FAB] =	sst s9;
	s0 =	simm.s32 @!p0 $0x0  }
0x12: {  	s1 =	sld [smem:$0x3F91];
	s0 =	simm.s32 @p0 $0x1  }
0x13: {  	[smem:$0x3FAC] =	sst s0;
	s0 =	simm.s32 @!p1 $0x0  }
0x14: {  	s2 =	sld [smem:$0x3F90];
	s0 =	simm.s32 @p1 $0x1  }
0x15: {  	[smem:$0x3FAD] =	sst s0;
	s0 =	simm.s32 @!p2 $0x0  }
0x16: {  	s3 =	sld [smem:$0x3FDB];
	s0 =	simm.s32 @p2 $0x1  }
0x17: {  	s4 =	simm.s32 $0x1BF5;
	[smem:$0x3FAF] =	sst s0  }
0x18: {  	s0 =	sld [smem:$0x3F92];
	_ =	swait.ge [sflag:s4], $0x0  }
0x19: {  	s7 =	sld [smem:$0x3F93]  }
0x1a: {  	s8 =	sadd.s32 $0xFFFFE003, lr  }
0x1b: {  	s9 =	sadd.s32 $0xFFFFFEF7, lr;
	s5 =	simm.s32 $0xFFFFFFFF;
	p2 =	slt.u32 s8, $0xFFFFF086  }
0x1c: {  	p1 =	slt.u32 s9, $0xF7A;
	s5 =	simm.s32 @!p2 $0x0  }
0x1d: {  	s5 =	simm.s32 @p1 $0x1;
	p0 =	seq.s32 s7, s2  }
0x1e: {  	s7 =	smul.u32 @!p0 $0xF7A, s2;
	p2 =	seq.s32 @!p0 s5, $0x0  }
0x1f: {  	s9 =	smul.u32 $0xF7A, s1;
	s8 =	simm.s32 @!p0 $0x1BF5;
	p2 =	por !p2, p0  }
0x20: {  	[sflag:s8] =	ssyncset.s32 @!p0 $0xFFFFF086;
	s6 =	sadd.s32 @!p0 s3, s7;
	s7 =	simm.s32 @!p0 $0x108  }
0x21: {  	s3 =	sadd.s32 s3, s9;
	s6 =	sadd.s32 @!p0 $0x88, s6;
	s7 =	simm.s32 @p2 $0x1082  }
0x22: {  	[simem:s7], [sflag:s8] =	dma.local @!p0 [hbm:s6], $0xF7A  }
0x23: {  	s9 =	sor.u32 $0xD0000000, s2;
	s6 =	simm.s32 $0x108;
	_ =	swait.ge @!p0 [sflag:s8], $0x0  }
0x24: {  	s3 =	sadd.s32 $0x88, s3;
	s6 =	simm.s32 @!p1 $0x1082;
	[sflag:s4] =	ssyncset.s32 $0xFFFFF086  }
0x25: {  	[simem:s6], [sflag:s4] =	dma.local [hbm:s3], $0xF7A  }
0x26: {  	[smem:$0x3F93] =	sst s1;
	(tag) =	ssettag s2;
	_ =	strace s9  }
0x27: {  	s1 =	sld [smem:$0x3FA3]  }
0x28: {  	s2 =	sld [smem:$0x3FA4]  }
0x29: {  	s4 =	sld [smem:$0x3FA6]  }
0x2a: {  	p0 =	seq.s32 s5, $0x0;
	s5 =	sld [smem:$0x3FA7]  }
0x2b: {  	s6 =	sld [smem:$0x3FA8]  }
0x2c: {  	s7 =	sld [smem:$0x3FA9]  }
0x2d: {  	s3 =	simm.s32 $0x108;
	s8 =	sld [smem:$0x3FAA]  }
0x2e: {  	s3 =	simm.s32 @!p0 $0x1082;
	s9 =	sld [smem:$0x3FAB]  }
0x2f: {  	lr =	sadd.s32 s0, s3;
	s0 =	sld [smem:$0x3FA2]  }
0x30: {  	s3 =	sld [smem:$0x3FA5]  }
0x31: {  	[smem:$0x3FAE] =	sst s10  }
0x32: {  	s10 =	sld [smem:$0x3FAC];
	_ =	sdelay $0x3  }
0x33: {  	p0 =	seq.s32 s10, $0x1;
	s10 =	sld [smem:$0x3FAE];
	_ =	sdelay $0x3  }
0x34: {  	[smem:$0x3FAE] =	sst s10  }
0x35: {  	s10 =	sld [smem:$0x3FAD];
	_ =	sdelay $0x3  }
0x36: {  	p1 =	seq.s32 s10, $0x1;
	s10 =	sld [smem:$0x3FAE];
	_ =	sdelay $0x3  }
0x37: {  	[smem:$0x3FAE] =	sst s10  }
0x38: {  	s10 =	sld [smem:$0x3FAF]  }
0x39: {  	_ = 	snop;
	(pc) =	sbr.ind lr, $3  }
0x3a: {  	_ = 	snop  }
0x3b: {  	_ = 	snop  }
0x3c: {  	p2 =	seq.s32 s10, $0x1;
	s10 =	sld [smem:$0x3FAE]  }
0x3d: {  	_ =	shalt  }
0x3e: {  	_ =	shalt  }
0x3f: {  	_ =	shalt  }
0x40: {  	_ =	shalt  }
0x41: {  	_ =	shalt  }
0x42: {  	_ =	shalt  }
0x43: {  	_ =	shalt  }
0x44: {  	_ =	shalt  }
0x45: {  	_ =	shalt  }
0x46: {  	_ =	shalt  }
0x47: {  	_ =	shalt  }
0x48: {  	_ =	shalt  }
0x49: {  	_ =	shalt  }
0x4a: {  	_ =	shalt  }
0x4b: {  	_ =	shalt  }
0x4c: {  	_ =	shalt  }
0x4d: {  	_ =	shalt  }
0x4e: {  	_ =	shalt  }
0x4f: {  	_ =	shalt  }
0x50: {  	_ =	shalt  }
0x51: {  	_ =	shalt  }
0x52: {  	_ =	shalt  }
0x53: {  	_ =	shalt  }
0x54: {  	_ =	shalt  }
0x55: {  	_ =	shalt  }
0x56: {  	_ =	shalt  }
0x57: {  	_ =	shalt  }
0x58: {  	_ =	shalt  }
0x59: {  	_ =	shalt  }
0x5a: {  	_ =	shalt  }
0x5b: {  	_ =	shalt  }
0x5c: {  	_ =	shalt  }
0x5d: {  	_ =	shalt  }
0x5e: {  	_ =	shalt  }
0x5f: {  	_ =	shalt  }
0x60: {  	_ =	shalt  }
0x61: {  	_ =	shalt  }
0x62: {  	_ =	shalt  }
0x63: {  	_ =	shalt  }
0x64: {  	_ =	shalt  }
0x65: {  	_ =	shalt  }
0x66: {  	_ =	shalt  }
0x67: {  	_ =	shalt  }
0x68: {  	_ =	shalt  }
0x69: {  	_ =	shalt  }
0x6a: {  	_ =	shalt  }
0x6b: {  	_ =	shalt  }
0x6c: {  	_ =	shalt  }
0x6d: {  	_ =	shalt  }
0x6e: {  	_ =	shalt  }
0x6f: {  	_ =	shalt  }
0x70: {  	_ =	shalt  }
0x71: {  	_ =	shalt  }
0x72: {  	_ =	shalt  }
0x73: {  	_ =	shalt  }
0x74: {  	_ =	shalt  }
0x75: {  	_ =	shalt  }
0x76: {  	_ =	shalt  }
0x77: {  	_ =	shalt  }
0x78: {  	_ =	shalt  }
0x79: {  	_ =	shalt  }
0x7a: {  	_ =	shalt  }
0x7b: {  	_ =	shalt  }
0x7c: {  	_ =	shalt  }
0x7d: {  	_ =	shalt  }
0x7e: {  	_ =	shalt  }
0x7f: {  	_ =	shalt  }
0x80: {  	_ =	shalt  }
0x81: {  	_ =	shalt  }
0x82: {  	_ =	shalt  }
0x83: {  	_ =	shalt  }
0x84: {  	_ =	shalt  }
0x85: {  	_ =	shalt  }
0x86: {  	_ =	shalt  }
0x87: {  	_ =	shalt  }
.Lfunc_end0:
.L_simem_size_0:
called_computation.4_lowered:
.L_overlay_start_0:
0x88: {  	s2 =	sld [smem:$0x3FD9]  }
0x89: {  	s3 =	sld [smem:$0x3FFE];
	_ =	sdelay $0x1  }
0x8a: {  	s1 =	srdreg.scid  }
0x8b: {  	s0 =	sand.u32 $0x1, s1  }
0x8c: {  	s14 =	sshll.u32 s0, $0xA;
	s2 =	sadd.s32 s3, s2  }
0x8d: {  	s2 =	sadd.s32 s2, s14  }
0x8e: {  	[smem:$0x3FBA] =	sst s2  }
0x8f: {  	_ = 	snop  }
0x90: {  	s2 =	sld [smem:$0x3FD0];
	_ =	sdelay $0x2  }
0x91: {  	s15 =	simm.s32 $0xA;
	s4 =	simm.s32 $0x10  }
0x92: {  	[smem:s4], [sflag:s15] =	dma.local [hbm:s2], $0x1  }
0x93: {  	_ =	swait.eq [sflag:s15], $0x1  }
0x94: {  	[sflag:s15] =	ssyncset.done $0x0  }
0x95: {  	[sflag:s15] =	ssyncadd.s32 $0xFFFFFFFF  }
0x96: {  	s16 =	sld [smem:$0x10];
	(tm) =	ssettm $0x1  }
0x97: {  	s17 =	sld [smem:$0x3FFB];
	_ =	sdelay $0x3  }
0x98: {  	_ =	strace s17  }
0x99: {  	s3 =	sld [smem:$0x3FFC];
	_ =	sdelay $0x3  }
0x9a: {  	_ =	strace s3  }
0x9b: {  	s3 =	sld [smem:$0x3FFD];
	_ =	sdelay $0x3  }
0x9c: {  	_ =	strace s3  }
0x9d: {  	_ =	strace $0x8FFFFFFF  }
0x9e: {  	s18 =	sld [smem:$0x3FDB];
	_ =	sdelay $0x1  }
0x9f: {  	s19 =	simm.s32 $_scs_section_size  }
0xa0: {  	s5 =	simm.s32 $_size__tile_overlayer_lowered;
	s6 =	simm.s32 $_tile_overlayer_lowered  }
0xa1: {  	s22 =	simm.s32 $0x1BFF;
	s21 =	sshll.u32 s6, $0x1;
	s3 =	sadd.s32 s19, s18  }
0xa2: {  	s7 =	simm.s32 $0x0;
	s20 =	sshll.u32 s5, $0x1;
	s5 =	sadd.s32 s21, s3  }
0xa3: {  	[timem:s7], [sflag:s22] =	dma.local [hbm:s5], s20  }
0xa4: {  	_ =	swait.ge [sflag:s22], s20  }
0xa5: {  	s4 =	ssub.s32 $0x0, s20;
	[sflag:s22] =	ssyncset.done $0x0  }
0xa6: {  	[sflag:s22] =	ssyncadd.s32 s4;
	_ =	sdelay $0x1  }
0xa7: {  	s23 =	simm.s32 $0x1B8B  }
0xa8: {  	_ =	swait.ge [sflag:s23], $0x1  }
0xa9: {  	[sflag:s23] =	ssyncset.done $0x0  }
0xaa: {  	s25 =	simm.s32 $0x1B8E;
	s24 =	sld [smem:$0x3FFE];
	[sflag:s23] =	ssyncadd.s32 $0xFFFFFFFF  }
0xab: {  	s26 =	simm.s32 $execute0_lowered;
	[smem:$0x3FD2] =	sst s25  }
0xac: {  	s5 =	sshll.u32 s26, $0x1;
	_ =	strace $0x80000052;
	[dreg:$0x1] =	wrdreg $0xFFFFFFFF  }
0xad: {  	s28 =	simm.s32 $_size_execute0_lowered;
	s3 =	sadd.s32 s3, s5;
	[dreg:$0x0] =	wrdreg $0x0  }
0xae: {  	s5 =	sshll.u32 s28, $0x1;
	[dreg:$0x2] =	wrdreg s3  }
0xaf: {  	[dreg:$0x3] =	wrdreg s5  }
0xb0: {  	[dreg:$0x4] =	wrdreg $0xC0  }
0xb1: {  	_ =	task [dreg:s7], $0x5FFFF  }
0xb2: {  	[dreg:$0x1] =	wrdreg $0xFFFFFFFF  }
0xb3: {  	[dreg:$0x0] =	wrdreg $0x60  }
0xb4: {  	[dreg:$0x2] =	wrdreg s24  }
0xb5: {  	[dreg:$0x3] =	wrdreg s16  }
0xb6: {  	[dreg:$0x4] =	wrdreg $0x0  }
0xb7: {  	[dreg:$0x5] =	wrdreg $0x28000  }
0xb8: {  	[dreg:$0x6] =	wrdreg $0x9  }
0xb9: {  	_ =	task.clear_ibuf [dreg:s7], $0x7FFFF;
	_ =	strace $0x90000052  }
0xba: {  	s29 =	simm.s32 $0x9;
	_ =	strace $0x80000054  }
0xbb: {  	_ =	swait.ge [sflag:s29], $0x1  }
0xbc: {  	[sflag:s29] =	ssyncadd.s32 $0xFFFFFFFF  }
0xbd: {  	_ =	strace $0x90000054  }
0xbe: {  	_ =	sfence  }
0xbf: {  	s30 =	sld [smem:$0x0];
	_ =	sdelay $0x2  }
0xc0: {  	s31 =	sshll.u32 s1, $0xD;
	s1 =	sshrl.u32 s1, $0x2  }
0xc1: {  	s3 =	sand.u32 $0x4000, s31;
	s1 =	sadd.s32 s1, s30  }
0xc2: {  	s0 =	sor.u32 s3, s0;
	s1 =	sshll.u32 s1, $0x11  }
0xc3: {  	s0 =	sor.u32 s1, s0  }
0xc4: {  	s0 =	sadd.s32 $0x8F2B, s0  }
0xc5: {  	[sflag:s0] =	ssyncadd.remote.s32 $0x1  }
0xc6: {  	_ =	sfence.sel $0xFFFF  }
0xc7: {  	[dreg:$0x0] =	wrdreg $0xFFFFFFFF;
	(pc) =	sbr.abs _section_cstart, $3  }
0xc8: {  	[dreg:$0x1] =	wrdreg $0xFFFFFFFF  }
0xc9: {  	_ =	task.clear_ibuf [dreg:s7], $0x2FFFF;
	_ =	strace $0x9FFFFFFF  }
0xca: {  	(tm) =	ssettm $0x7FFFFFFF  }
0xcb: {  	_ =	shalt  }
tec
execute0_lowered:
.L_overlay_start_1:
0x0: {  	(tag) =	ssettag $0x1  }
0x1: {  	s26 =	rddreg [dreg:$0x0]  }
0x2: {  	s25 =	rddreg [dreg:$0x1]  }
0x3: {  	s2 =	rddreg [dreg:$0x2]  }
0x4: {  	s0 =	stileid.u32;
	s3 =	rddreg [dreg:$0x3]  }
0x5: {  	s1 =	rddreg [dreg:$0x4];
	s4 =	simm.s32 $0x0;
	s28 =	smul.u32 $0x2800, s0  }
0x6: {  	[smem:$0x7FF] =	sst s4  }
0x7: {  	s6 =	sshll.u32 s0, $0x6;
	_ =	strace $0x80000053;
	s5 =	sshrl.u32 s28, $0x3  }
0x8: {  	s6 =	sor.u32 $0x1C01, s6;
	s7 =	sadd.s32 s28, s2;
	s5 =	sadd.s32 s5, s26  }
0x9: {  	s8 =	sshrl.u32 s7, $0x3;
	s7 =	simm.s32 $0x1;
	s5 =	sadd.s32 $0xAA00, s5  }
0xa: {  	[spmem:s8], [sflag:s6] =	dma.local [hbm:s5], $0x500  }
0xb: {  	_ =	swait.ge [sflag:s7], $0x500  }
0xc: {  	s9 =	sadd.s32 s28, s3;
	[sflag:s7] =	ssyncset.done $0x0  }
0xd: {  	s9 =	sshrl.u32 s9, $0x3;
	[sflag:s7] =	ssyncadd.s32 $0xFFFFFB00  }
0xe: {  	[spmem:s9], [sflag:s6] =	dma.local [hbm:s5], $0x500  }
0xf: {  	s11 =	srdreg.scid;
	s10 =	sadd.s32 $0xFA00, s26;
	_ =	swait.ge [sflag:s7], $0x500  }
0x10: {  	s29 =	sand.u32 $0x1, s11;
	s30 =	sshll.u32 s0, $0x1;
	[sflag:s7] =	ssyncset.done $0x0  }
0x11: {  	s11 =	simm.s32 $0x7080;
	s14 =	sor.u32 s29, s30;
	[sflag:s7] =	ssyncadd.s32 $0xFFFFFB00  }
0x12: {  	[tilespmem:s11], [sflag:$0x1] =	stream.linear.gather [hbm4b:s10+s4], $0x2000, $0x38;
	[tilespmem:$0x9080] =	vst v63  }
0x13: {  	s24 =	smul.u32 $0x140, s14;
	_ =	swait.ge [sflag:s7], $0x2000  }
0x14: {  	[sflag:s7] =	ssyncset.done $0x0  }
0x15: {  	s23 =	sadd.s32 $0xA400, s26;
	s12 =	sshrl.u32 s24, $0x3;
	[sflag:s7] =	ssyncadd.s32 $0xFFFFE000  }
0x16: {  	s13 =	simm.s32 $0x5000;
	s12 =	sadd.s32 s23, s12;
	[bflag:$0x0] =	sbarrier.arrive $0xFFFF  }
0x17: {  	[tilespmem:s13], [sflag:$0x1] =	stream.linear.gather [hbm4b:s12+s4], $0x40, $0x38;
	[tilespmem:$0x9080] =	vst v63  }
0x18: {  	s14 =	smul.u32 $0x1400, s14;
	_ =	swait.ge [sflag:s7], $0x40  }
0x19: {  	s30 =	sadd.s32 $0x1D400, s26;
	[sflag:s7] =	ssyncset.done $0x0  }
0x1a: {  	s15 =	simm.s32 $0x5080;
	s14 =	sadd.s32 s30, s14;
	[sflag:s7] =	ssyncadd.s32 $0xFFFFFFC0  }
0x1b: {  	[tilespmem:s15], [sflag:$0x1] =	stream.linear.gather [hbm4b:s14+s4], $0x2000, $0x38;
	[tilespmem:$0x9080] =	vst v63  }
0x1c: {  	_ =	swait.ge [sflag:s7], $0x2000  }
0x1d: {  	[sflag:s7] =	ssyncset.done $0x0  }
0x1e: {  	s16 =	simm.s32 $0x40;
	[sflag:s7] =	ssyncadd.s32 $0xFFFFE000  }
0x1f: {  	[spmem:s2] =	stream.indirect.scatter.add.f32 [tilespmem:s15], [sflag:$0x1], $0x80, s13, s16, $0xb8;
	[tilespmem:$0x9080] =	vst v63  }
0x20: {  	_ =	swait.ge [sflag:s7], $0x2000  }
0x21: {  	[sflag:s7] =	ssyncset.done $0x0  }
0x22: {  	[sflag:s7] =	ssyncadd.s32 $0xFFFFE000  }
0x23: {  	[spmem:s3] =	stream.indirect.scatter.add.f32 [tilespmem:s11], [sflag:$0x1], $0x80, s13, s16, $0xb8;
	[tilespmem:$0x9080] =	vst v63  }
0x24: {  	s18 =	sadd.s32 $0x40, s24;
	_ =	swait.ge [sflag:s7], $0x2000  }
0x25: {  	s17 =	sshrl.u32 s18, $0x3;
	[sflag:s7] =	ssyncset.done $0x0  }
0x26: {  	s17 =	sadd.s32 s23, s17;
	[sflag:s7] =	ssyncadd.s32 $0xFFFFE000  }
0x27: {  	[tilespmem:s13], [sflag:$0x1] =	stream.linear.gather [hbm4b:s17+s4], $0x40, $0x38;
	[tilespmem:$0x9080] =	vst v63  }
0x28: {  	_ =	swait.ge [sflag:s7], $0x40  }
0x29: {  	s18 =	sshll.u32 s18, $0x4;
	[sflag:s7] =	ssyncset.done $0x0  }
0x2a: {  	s18 =	sadd.s32 s30, s18;
	[sflag:s7] =	ssyncadd.s32 $0xFFFFFFC0  }
0x2b: {  	[tilespmem:s15], [sflag:$0x1] =	stream.linear.gather [hbm4b:s18+s4], $0x2000, $0x38;
	[tilespmem:$0x9080] =	vst v63  }
0x2c: {  	_ =	swait.ge [sflag:s7], $0x2000  }
0x2d: {  	[sflag:s7] =	ssyncset.done $0x0  }
0x2e: {  	[sflag:s7] =	ssyncadd.s32 $0xFFFFE000  }
0x2f: {  	[spmem:s2] =	stream.indirect.scatter.add.f32 [tilespmem:s15], [sflag:$0x1], $0x80, s13, s16, $0xb8;
	[tilespmem:$0x9080] =	vst v63  }
0x30: {  	_ =	swait.ge [sflag:s7], $0x2000  }
0x31: {  	[sflag:s7] =	ssyncset.done $0x0  }
0x32: {  	[sflag:s7] =	ssyncadd.s32 $0xFFFFE000  }
0x33: {  	[spmem:s3] =	stream.indirect.scatter.add.f32 [tilespmem:s11], [sflag:$0x1], $0x80, s13, s16, $0xb8;
	[tilespmem:$0x9080] =	vst v63  }
0x34: {  	s20 =	sadd.s32 $0x80, s24;
	_ =	swait.ge [sflag:s7], $0x2000  }
0x35: {  	s19 =	sshrl.u32 s20, $0x3;
	[sflag:s7] =	ssyncset.done $0x0  }
0x36: {  	s19 =	sadd.s32 s23, s19;
	[sflag:s7] =	ssyncadd.s32 $0xFFFFE000  }
0x37: {  	[tilespmem:s13], [sflag:$0x1] =	stream.linear.gather [hbm4b:s19+s4], $0x40, $0x38;
	[tilespmem:$0x9080] =	vst v63  }
0x38: {  	_ =	swait.ge [sflag:s7], $0x40  }
0x39: {  	s20 =	sshll.u32 s20, $0x4;
	[sflag:s7] =	ssyncset.done $0x0  }
0x3a: {  	s20 =	sadd.s32 s30, s20;
	[sflag:s7] =	ssyncadd.s32 $0xFFFFFFC0  }
0x3b: {  	[tilespmem:s15], [sflag:$0x1] =	stream.linear.gather [hbm4b:s20+s4], $0x2000, $0x38;
	[tilespmem:$0x9080] =	vst v63  }
0x3c: {  	_ =	swait.ge [sflag:s7], $0x2000  }
0x3d: {  	[sflag:s7] =	ssyncset.done $0x0  }
0x3e: {  	[sflag:s7] =	ssyncadd.s32 $0xFFFFE000  }
0x3f: {  	[spmem:s2] =	stream.indirect.scatter.add.f32 [tilespmem:s15], [sflag:$0x1], $0x80, s13, s16, $0xb8;
	[tilespmem:$0x9080] =	vst v63  }
0x40: {  	_ =	swait.ge [sflag:s7], $0x2000  }
0x41: {  	[sflag:s7] =	ssyncset.done $0x0  }
0x42: {  	[sflag:s7] =	ssyncadd.s32 $0xFFFFE000  }
0x43: {  	[spmem:s3] =	stream.indirect.scatter.add.f32 [tilespmem:s11], [sflag:$0x1], $0x80, s13, s16, $0xb8;
	[tilespmem:$0x9080] =	vst v63  }
0x44: {  	s22 =	sadd.s32 $0xC0, s24;
	_ =	swait.ge [sflag:s7], $0x2000  }
0x45: {  	s21 =	sshrl.u32 s22, $0x3;
	[sflag:s7] =	ssyncset.done $0x0  }
0x46: {  	s21 =	sadd.s32 s23, s21;
	[sflag:s7] =	ssyncadd.s32 $0xFFFFE000  }
0x47: {  	[tilespmem:s13], [sflag:$0x1] =	stream.linear.gather [hbm4b:s21+s4], $0x40, $0x38;
	[tilespmem:$0x9080] =	vst v63  }
0x48: {  	_ =	swait.ge [sflag:s7], $0x40  }
0x49: {  	s22 =	sshll.u32 s22, $0x4;
	[sflag:s7] =	ssyncset.done $0x0  }
0x4a: {  	s22 =	sadd.s32 s30, s22;
	[sflag:s7] =	ssyncadd.s32 $0xFFFFFFC0  }
0x4b: {  	[tilespmem:s15], [sflag:$0x1] =	stream.linear.gather [hbm4b:s22+s4], $0x2000, $0x38;
	[tilespmem:$0x9080] =	vst v63  }
0x4c: {  	_ =	swait.ge [sflag:s7], $0x2000  }
0x4d: {  	[sflag:s7] =	ssyncset.done $0x0  }
0x4e: {  	[sflag:s7] =	ssyncadd.s32 $0xFFFFE000  }
0x4f: {  	[spmem:s2] =	stream.indirect.scatter.add.f32 [tilespmem:s15], [sflag:$0x1], $0x80, s13, s16, $0xb8;
	[tilespmem:$0x9080] =	vst v63  }
0x50: {  	_ =	swait.ge [sflag:s7], $0x2000  }
0x51: {  	[sflag:s7] =	ssyncset.done $0x0  }
0x52: {  	[sflag:s7] =	ssyncadd.s32 $0xFFFFE000  }
0x53: {  	[spmem:s3] =	stream.indirect.scatter.add.f32 [tilespmem:s11], [sflag:$0x1], $0x80, s13, s16, $0xb8;
	[tilespmem:$0x9080] =	vst v63  }
0x54: {  	s24 =	sadd.s32 $0x100, s24;
	_ =	swait.ge [sflag:s7], $0x2000  }
0x55: {  	s31 =	sshrl.u32 s24, $0x3;
	[sflag:s7] =	ssyncset.done $0x0  }
0x56: {  	s23 =	sadd.s32 s23, s31;
	[sflag:s7] =	ssyncadd.s32 $0xFFFFE000  }
0x57: {  	[tilespmem:s13], [sflag:$0x1] =	stream.linear.gather [hbm4b:s23+s4], $0x40, $0x38;
	[tilespmem:$0x9080] =	vst v63  }
0x58: {  	_ =	swait.ge [sflag:s7], $0x40  }
0x59: {  	s24 =	sshll.u32 s24, $0x4;
	[sflag:s7] =	ssyncset.done $0x0  }
0x5a: {  	s24 =	sadd.s32 s30, s24;
	[sflag:s7] =	ssyncadd.s32 $0xFFFFFFC0  }
0x5b: {  	[tilespmem:s15], [sflag:$0x1] =	stream.linear.gather [hbm4b:s24+s4], $0x2000, $0x38;
	[tilespmem:$0x9080] =	vst v63  }
0x5c: {  	_ =	swait.ge [sflag:s7], $0x2000  }
0x5d: {  	[sflag:s7] =	ssyncset.done $0x0  }
0x5e: {  	[sflag:s7] =	ssyncadd.s32 $0xFFFFE000  }
0x5f: {  	[spmem:s2] =	stream.indirect.scatter.add.f32 [tilespmem:s15], [sflag:$0x1], $0x80, s13, s16, $0xb8;
	[tilespmem:$0x9080] =	vst v63  }
0x60: {  	s31 =	smul.u32 $0x28000, s29;
	_ =	swait.ge [sflag:s7], $0x2000  }
0x61: {  	[sflag:s7] =	ssyncset.done $0x0  }
0x62: {  	s28 =	sadd.s32 s28, s31;
	[sflag:s7] =	ssyncadd.s32 $0xFFFFE000  }
0x63: {  	[spmem:s3] =	stream.indirect.scatter.add.f32 [tilespmem:s11], [sflag:$0x1], $0x80, s13, s16, $0xb8;
	[tilespmem:$0x9080] =	vst v63  }
0x64: {  	s29 =	ssub.s32 $0x2, s29;
	s28 =	sshrl.u32 s28, $0x3;
	_ =	swait.ge [sflag:s7], $0x2000  }
0x65: {  	s31 =	sshrl.u32 s29, $0x1;
	s25 =	sadd.s32 s25, s28;
	[sflag:s7] =	ssyncset.done $0x0  }
0x66: {  	s26 =	sadd.s32 s28, s26;
	s28 =	ssub.s32 s29, s31;
	[sflag:s7] =	ssyncadd.s32 $0xFFFFE000  }
0x67: {  	s28 =	smax.u32 s28, $0x1;
	[bflag:$0x0] =	sbarrier.arrive $0xFFFF  }
0x68: {  	[hbm:s25], [sflag:s6] =	dma.local [spmem:s8], $0x500  }
0x69: {  	p0 =	sne.s32 s28, $0x1;
	_ =	swait.ge [sflag:s7], $0x500  }
.Ltmp0:
0x6a: {  	[sflag:s7] =	ssyncset.done $0x0;
	(pc) =	sbr.rel @!p0 .LBB2_2-.Ltmp0, $4  }
0x6b: {  	s26 =	sadd.s32 $0x45400, s26;
	[sflag:s7] =	ssyncadd.s32 $0xFFFFFB00  }
0x6c: {  	[hbm:s26], [sflag:s6] =	dma.local [spmem:s9], $0x500  }
0x6d: {  	_ =	swait.ge [sflag:s7], $0x500  }
0x6e: {  	s28 =	sadd.s32 $0xFFFFFFFF, s28;
	[sflag:s7] =	ssyncset.done $0x0  }
.LBB2_1:
0x6f: {  	p0 =	sne.s32 s28, $0x1;
	s28 =	sadd.s32 $0xFFFFFFFF, s28;
	[sflag:s7] =	ssyncadd.s32 $0xFFFFFB00  }
0x70: {  	[spmem:s8], [sflag:s6] =	dma.local [hbm:s5], $0x500  }
0x71: {  	_ =	swait.ge [sflag:s7], $0x500  }
0x72: {  	[sflag:s7] =	ssyncset.done $0x0  }
0x73: {  	[sflag:s7] =	ssyncadd.s32 $0xFFFFFB00  }
0x74: {  	[spmem:s9], [sflag:s6] =	dma.local [hbm:s5], $0x500  }
0x75: {  	_ =	swait.ge [sflag:s7], $0x500  }
0x76: {  	[sflag:s7] =	ssyncset.done $0x0  }
0x77: {  	[sflag:s7] =	ssyncadd.s32 $0xFFFFFB00  }
0x78: {  	[tilespmem:s11], [sflag:$0x1] =	stream.linear.gather [hbm4b:s10+s4], $0x2000, $0x38;
	[tilespmem:$0x9080] =	vst v63  }
0x79: {  	_ =	swait.ge [sflag:s7], $0x2000  }
0x7a: {  	[sflag:s7] =	ssyncset.done $0x0  }
0x7b: {  	[sflag:s7] =	ssyncadd.s32 $0xFFFFE000  }
0x7c: {  	[bflag:$0x0] =	sbarrier.arrive $0xFFFF  }
0x7d: {  	[tilespmem:s13], [sflag:$0x1] =	stream.linear.gather [hbm4b:s12+s4], $0x40, $0x38;
	[tilespmem:$0x9080] =	vst v63  }
0x7e: {  	_ =	swait.ge [sflag:s7], $0x40  }
0x7f: {  	[sflag:s7] =	ssyncset.done $0x0  }
0x80: {  	[sflag:s7] =	ssyncadd.s32 $0xFFFFFFC0  }
0x81: {  	[tilespmem:s15], [sflag:$0x1] =	stream.linear.gather [hbm4b:s14+s4], $0x2000, $0x38;
	[tilespmem:$0x9080] =	vst v63  }
0x82: {  	_ =	swait.ge [sflag:s7], $0x2000  }
0x83: {  	[sflag:s7] =	ssyncset.done $0x0  }
0x84: {  	[sflag:s7] =	ssyncadd.s32 $0xFFFFE000  }
0x85: {  	[spmem:s2] =	stream.indirect.scatter.add.f32 [tilespmem:s15], [sflag:$0x1], $0x80, s13, s16, $0xb8;
	[tilespmem:$0x9080] =	vst v63  }
0x86: {  	_ =	swait.ge [sflag:s7], $0x2000  }
0x87: {  	[sflag:s7] =	ssyncset.done $0x0  }
0x88: {  	[sflag:s7] =	ssyncadd.s32 $0xFFFFE000  }
0x89: {  	[spmem:s3] =	stream.indirect.scatter.add.f32 [tilespmem:s11], [sflag:$0x1], $0x80, s13, s16, $0xb8;
	[tilespmem:$0x9080] =	vst v63  }
0x8a: {  	_ =	swait.ge [sflag:s7], $0x2000  }
0x8b: {  	[sflag:s7] =	ssyncset.done $0x0  }
0x8c: {  	[sflag:s7] =	ssyncadd.s32 $0xFFFFE000  }
0x8d: {  	[tilespmem:s13], [sflag:$0x1] =	stream.linear.gather [hbm4b:s17+s4], $0x40, $0x38;
	[tilespmem:$0x9080] =	vst v63  }
0x8e: {  	_ =	swait.ge [sflag:s7], $0x40  }
0x8f: {  	[sflag:s7] =	ssyncset.done $0x0  }
0x90: {  	[sflag:s7] =	ssyncadd.s32 $0xFFFFFFC0  }
0x91: {  	[tilespmem:s15], [sflag:$0x1] =	stream.linear.gather [hbm4b:s18+s4], $0x2000, $0x38;
	[tilespmem:$0x9080] =	vst v63  }
0x92: {  	_ =	swait.ge [sflag:s7], $0x2000  }
0x93: {  	[sflag:s7] =	ssyncset.done $0x0  }
0x94: {  	[sflag:s7] =	ssyncadd.s32 $0xFFFFE000  }
0x95: {  	[spmem:s2] =	stream.indirect.scatter.add.f32 [tilespmem:s15], [sflag:$0x1], $0x80, s13, s16, $0xb8;
	[tilespmem:$0x9080] =	vst v63  }
0x96: {  	_ =	swait.ge [sflag:s7], $0x2000  }
0x97: {  	[sflag:s7] =	ssyncset.done $0x0  }
0x98: {  	[sflag:s7] =	ssyncadd.s32 $0xFFFFE000  }
0x99: {  	[spmem:s3] =	stream.indirect.scatter.add.f32 [tilespmem:s11], [sflag:$0x1], $0x80, s13, s16, $0xb8;
	[tilespmem:$0x9080] =	vst v63  }
0x9a: {  	_ =	swait.ge [sflag:s7], $0x2000  }
0x9b: {  	[sflag:s7] =	ssyncset.done $0x0  }
0x9c: {  	[sflag:s7] =	ssyncadd.s32 $0xFFFFE000  }
0x9d: {  	[tilespmem:s13], [sflag:$0x1] =	stream.linear.gather [hbm4b:s19+s4], $0x40, $0x38;
	[tilespmem:$0x9080] =	vst v63  }
0x9e: {  	_ =	swait.ge [sflag:s7], $0x40  }
0x9f: {  	[sflag:s7] =	ssyncset.done $0x0  }
0xa0: {  	[sflag:s7] =	ssyncadd.s32 $0xFFFFFFC0  }
0xa1: {  	[tilespmem:s15], [sflag:$0x1] =	stream.linear.gather [hbm4b:s20+s4], $0x2000, $0x38;
	[tilespmem:$0x9080] =	vst v63  }
0xa2: {  	_ =	swait.ge [sflag:s7], $0x2000  }
0xa3: {  	[sflag:s7] =	ssyncset.done $0x0  }
0xa4: {  	[sflag:s7] =	ssyncadd.s32 $0xFFFFE000  }
0xa5: {  	[spmem:s2] =	stream.indirect.scatter.add.f32 [tilespmem:s15], [sflag:$0x1], $0x80, s13, s16, $0xb8;
	[tilespmem:$0x9080] =	vst v63  }
0xa6: {  	_ =	swait.ge [sflag:s7], $0x2000  }
0xa7: {  	[sflag:s7] =	ssyncset.done $0x0  }
0xa8: {  	[sflag:s7] =	ssyncadd.s32 $0xFFFFE000  }
0xa9: {  	[spmem:s3] =	stream.indirect.scatter.add.f32 [tilespmem:s11], [sflag:$0x1], $0x80, s13, s16, $0xb8;
	[tilespmem:$0x9080] =	vst v63  }
0xaa: {  	_ =	swait.ge [sflag:s7], $0x2000  }
0xab: {  	[sflag:s7] =	ssyncset.done $0x0  }
0xac: {  	[sflag:s7] =	ssyncadd.s32 $0xFFFFE000  }
0xad: {  	[tilespmem:s13], [sflag:$0x1] =	stream.linear.gather [hbm4b:s21+s4], $0x40, $0x38;
	[tilespmem:$0x9080] =	vst v63  }
0xae: {  	_ =	swait.ge [sflag:s7], $0x40  }
0xaf: {  	[sflag:s7] =	ssyncset.done $0x0  }
0xb0: {  	[sflag:s7] =	ssyncadd.s32 $0xFFFFFFC0  }
0xb1: {  	[tilespmem:s15], [sflag:$0x1] =	stream.linear.gather [hbm4b:s22+s4], $0x2000, $0x38;
	[tilespmem:$0x9080] =	vst v63  }
0xb2: {  	_ =	swait.ge [sflag:s7], $0x2000  }
0xb3: {  	[sflag:s7] =	ssyncset.done $0x0  }
0xb4: {  	[sflag:s7] =	ssyncadd.s32 $0xFFFFE000  }
0xb5: {  	[spmem:s2] =	stream.indirect.scatter.add.f32 [tilespmem:s15], [sflag:$0x1], $0x80, s13, s16, $0xb8;
	[tilespmem:$0x9080] =	vst v63  }
0xb6: {  	_ =	swait.ge [sflag:s7], $0x2000  }
0xb7: {  	[sflag:s7] =	ssyncset.done $0x0  }
0xb8: {  	[sflag:s7] =	ssyncadd.s32 $0xFFFFE000  }
0xb9: {  	[spmem:s3] =	stream.indirect.scatter.add.f32 [tilespmem:s11], [sflag:$0x1], $0x80, s13, s16, $0xb8;
	[tilespmem:$0x9080] =	vst v63  }
0xba: {  	_ =	swait.ge [sflag:s7], $0x2000  }
0xbb: {  	[sflag:s7] =	ssyncset.done $0x0  }
0xbc: {  	[sflag:s7] =	ssyncadd.s32 $0xFFFFE000  }
0xbd: {  	[tilespmem:s13], [sflag:$0x1] =	stream.linear.gather [hbm4b:s23+s4], $0x40, $0x38;
	[tilespmem:$0x9080] =	vst v63  }
0xbe: {  	_ =	swait.ge [sflag:s7], $0x40  }
0xbf: {  	[sflag:s7] =	ssyncset.done $0x0  }
0xc0: {  	[sflag:s7] =	ssyncadd.s32 $0xFFFFFFC0  }
0xc1: {  	[tilespmem:s15], [sflag:$0x1] =	stream.linear.gather [hbm4b:s24+s4], $0x2000, $0x38;
	[tilespmem:$0x9080] =	vst v63  }
0xc2: {  	_ =	swait.ge [sflag:s7], $0x2000  }
0xc3: {  	[sflag:s7] =	ssyncset.done $0x0  }
0xc4: {  	[sflag:s7] =	ssyncadd.s32 $0xFFFFE000  }
0xc5: {  	[spmem:s2] =	stream.indirect.scatter.add.f32 [tilespmem:s15], [sflag:$0x1], $0x80, s13, s16, $0xb8;
	[tilespmem:$0x9080] =	vst v63  }
0xc6: {  	_ =	swait.ge [sflag:s7], $0x2000  }
0xc7: {  	[sflag:s7] =	ssyncset.done $0x0  }
0xc8: {  	[sflag:s7] =	ssyncadd.s32 $0xFFFFE000  }
0xc9: {  	[spmem:s3] =	stream.indirect.scatter.add.f32 [tilespmem:s11], [sflag:$0x1], $0x80, s13, s16, $0xb8;
	[tilespmem:$0x9080] =	vst v63  }
0xca: {  	_ =	swait.ge [sflag:s7], $0x2000  }
0xcb: {  	[sflag:s7] =	ssyncset.done $0x0  }
0xcc: {  	[sflag:s7] =	ssyncadd.s32 $0xFFFFE000  }
0xcd: {  	[bflag:$0x0] =	sbarrier.arrive $0xFFFF  }
0xce: {  	[hbm:s25], [sflag:s6] =	dma.local [spmem:s8], $0x500  }
0xcf: {  	_ =	swait.ge [sflag:s7], $0x500  }
.Ltmp1:
0xd0: {  	[sflag:s7] =	ssyncset.done $0x0;
	(pc) =	sbr.rel @p0 .LBB2_1-.Ltmp1, $4  }
0xd1: {  	[sflag:s7] =	ssyncadd.s32 $0xFFFFFB00  }
0xd2: {  	[hbm:s26], [sflag:s6] =	dma.local [spmem:s9], $0x500  }
0xd3: {  	_ =	swait.ge [sflag:s7], $0x500  }
0xd4: {  	[sflag:s7] =	ssyncset.done $0x0  }
.LBB2_2:
0xd5: {  	[sflag:s7] =	ssyncadd.s32 $0xFFFFFB00  }
0xd6: {  	_ =	sfence.sel $0x180000  }
0xd7: {  	[bflag:$0x0] =	sbarrier.arrive $0xFFFF  }
0xd8: {  	p0 =	sne.s32 s0, $0x0;
	_ =	strace $0x90000053  }
0xd9: {  	s0 =	sadd.s32 @!p0 $0x100000, s1;
	[bflag:$0x2] =	sbarrier.arrive $0xFFFF  }
0xda: {  	[sflag:s0] =	ssyncadd.tile.s32 @!p0 $0x1;
	_ =	shalt  }
.Lfunc_end2:
_tile_overlayer_lowered:
.L_overlay_start_2:
0xdb: {  	(tag) =	ssettag $0x2  }
0xdc: {  	s0 =	rddreg [dreg:$0x0];
	s2 =	stileid.u32  }
0xdd: {  	s1 =	rddreg [dreg:$0x1];
	p0 =	sne.s32 s2, $0x0  }
0xde: {  	s3 =	rddreg [dreg:$0x2];
	[bflag:$0x3] =	sbarrier.arrive $0xFFFF;
	s2 =	simm.s32 @!p0 $0x1C01  }
0xdf: {  	[timem:s3], [sflag:s2] =	dma.local @!p0 [hbm:s0], s1  }
0xe0: {  	s0 =	simm.s32 @!p0 $0x1  }
0xe1: {  	_ =	swait.ge @!p0 [sflag:s0], s1  }
0xe2: {  	s1 =	ssub.s32 @!p0 $0x0, s1;
	[sflag:s0] =	ssyncset.done @!p0 $0x0  }
0xe3: {  	[sflag:s0] =	ssyncadd.s32 @!p0 s1  }
0xe4: {  	[bflag:$0x3] =	sbarrier.arrive $0xFFFF  }
0xe5: {  	_ =	shalt  }

// kernel: kernel.39.cloned.1.call-start
scs
__scs_entry_jumppad:
0x0: {  	(pc) =	sbr.rel $0x88, $3  }
0x1: {  	(tag) =	ssettag $0x0;
	lr =	simm.s32 $0x1  }
0x2: {  	[smem:$0x3F93] =	sst lr;
	_ =	strace $0xD0000000  }
0x3: {  	_ = 	snop  }
0x4: {  	_ = 	snop  }
0x5: {  	_ = 	snop  }
0x6: {  	_ = 	snop  }
0x7: {  	_ = 	snop  }
__scs_overlays_trampoline_lowered:
0x8: {  	[smem:$0x3FA2] =	sst s0  }
0x9: {  	[smem:$0x3FA3] =	sst s1  }
0xa: {  	[smem:$0x3FA4] =	sst s2  }
0xb: {  	[smem:$0x3FA5] =	sst s3  }
0xc: {  	[smem:$0x3FA6] =	sst s4  }
0xd: {  	[smem:$0x3FA7] =	sst s5  }
0xe: {  	[smem:$0x3FA8] =	sst s6  }
0xf: {  	[smem:$0x3FA9] =	sst s7  }
0x10: {  	[smem:$0x3FAA] =	sst s8  }
0x11: {  	[smem:$0x3FAB] =	sst s9;
	s0 =	simm.s32 @!p0 $0x0  }
0x12: {  	s1 =	sld [smem:$0x3F91];
	s0 =	simm.s32 @p0 $0x1  }
0x13: {  	[smem:$0x3FAC] =	sst s0;
	s0 =	simm.s32 @!p1 $0x0  }
0x14: {  	s2 =	sld [smem:$0x3F90];
	s0 =	simm.s32 @p1 $0x1  }
0x15: {  	[smem:$0x3FAD] =	sst s0;
	s0 =	simm.s32 @!p2 $0x0  }
0x16: {  	s3 =	sld [smem:$0x3FDB];
	s0 =	simm.s32 @p2 $0x1  }
0x17: {  	s4 =	simm.s32 $0x1BF5;
	[smem:$0x3FAF] =	sst s0  }
0x18: {  	s0 =	sld [smem:$0x3F92];
	_ =	swait.ge [sflag:s4], $0x0  }
0x19: {  	s7 =	sld [smem:$0x3F93]  }
0x1a: {  	s8 =	sadd.s32 $0xFFFFE003, lr  }
0x1b: {  	s9 =	sadd.s32 $0xFFFFFEF7, lr;
	s5 =	simm.s32 $0xFFFFFFFF;
	p2 =	slt.u32 s8, $0xFFFFF086  }
0x1c: {  	p1 =	slt.u32 s9, $0xF7A;
	s5 =	simm.s32 @!p2 $0x0  }
0x1d: {  	s5 =	simm.s32 @p1 $0x1;
	p0 =	seq.s32 s7, s2  }
0x1e: {  	s7 =	smul.u32 @!p0 $0xF7A, s2;
	p2 =	seq.s32 @!p0 s5, $0x0  }
0x1f: {  	s9 =	smul.u32 $0xF7A, s1;
	s8 =	simm.s32 @!p0 $0x1BF5;
	p2 =	por !p2, p0  }
0x20: {  	[sflag:s8] =	ssyncset.s32 @!p0 $0xFFFFF086;
	s6 =	sadd.s32 @!p0 s3, s7;
	s7 =	simm.s32 @!p0 $0x108  }
0x21: {  	s3 =	sadd.s32 s3, s9;
	s6 =	sadd.s32 @!p0 $0x88, s6;
	s7 =	simm.s32 @p2 $0x1082  }
0x22: {  	[simem:s7], [sflag:s8] =	dma.local @!p0 [hbm:s6], $0xF7A  }
0x23: {  	s9 =	sor.u32 $0xD0000000, s2;
	s6 =	simm.s32 $0x108;
	_ =	swait.ge @!p0 [sflag:s8], $0x0  }
0x24: {  	s3 =	sadd.s32 $0x88, s3;
	s6 =	simm.s32 @!p1 $0x1082;
	[sflag:s4] =	ssyncset.s32 $0xFFFFF086  }
0x25: {  	[simem:s6], [sflag:s4] =	dma.local [hbm:s3], $0xF7A  }
0x26: {  	[smem:$0x3F93] =	sst s1;
	(tag) =	ssettag s2;
	_ =	strace s9  }
0x27: {  	s1 =	sld [smem:$0x3FA3]  }
0x28: {  	s2 =	sld [smem:$0x3FA4]  }
0x29: {  	s4 =	sld [smem:$0x3FA6]  }
0x2a: {  	p0 =	seq.s32 s5, $0x0;
	s5 =	sld [smem:$0x3FA7]  }
0x2b: {  	s6 =	sld [smem:$0x3FA8]  }
0x2c: {  	s7 =	sld [smem:$0x3FA9]  }
0x2d: {  	s3 =	simm.s32 $0x108;
	s8 =	sld [smem:$0x3FAA]  }
0x2e: {  	s3 =	simm.s32 @!p0 $0x1082;
	s9 =	sld [smem:$0x3FAB]  }
0x2f: {  	lr =	sadd.s32 s0, s3;
	s0 =	sld [smem:$0x3FA2]  }
0x30: {  	s3 =	sld [smem:$0x3FA5]  }
0x31: {  	[smem:$0x3FAE] =	sst s10  }
0x32: {  	s10 =	sld [smem:$0x3FAC];
	_ =	sdelay $0x3  }
0x33: {  	p0 =	seq.s32 s10, $0x1;
	s10 =	sld [smem:$0x3FAE];
	_ =	sdelay $0x3  }
0x34: {  	[smem:$0x3FAE] =	sst s10  }
0x35: {  	s10 =	sld [smem:$0x3FAD];
	_ =	sdelay $0x3  }
0x36: {  	p1 =	seq.s32 s10, $0x1;
	s10 =	sld [smem:$0x3FAE];
	_ =	sdelay $0x3  }
0x37: {  	[smem:$0x3FAE] =	sst s10  }
0x38: {  	s10 =	sld [smem:$0x3FAF]  }
0x39: {  	_ = 	snop;
	(pc) =	sbr.ind lr, $3  }
0x3a: {  	_ = 	snop  }
0x3b: {  	_ = 	snop  }
0x3c: {  	p2 =	seq.s32 s10, $0x1;
	s10 =	sld [smem:$0x3FAE]  }
0x3d: {  	_ =	shalt  }
0x3e: {  	_ =	shalt  }
0x3f: {  	_ =	shalt  }
0x40: {  	_ =	shalt  }
0x41: {  	_ =	shalt  }
0x42: {  	_ =	shalt  }
0x43: {  	_ =	shalt  }
0x44: {  	_ =	shalt  }
0x45: {  	_ =	shalt  }
0x46: {  	_ =	shalt  }
0x47: {  	_ =	shalt  }
0x48: {  	_ =	shalt  }
0x49: {  	_ =	shalt  }
0x4a: {  	_ =	shalt  }
0x4b: {  	_ =	shalt  }
0x4c: {  	_ =	shalt  }
0x4d: {  	_ =	shalt  }
0x4e: {  	_ =	shalt  }
0x4f: {  	_ =	shalt  }
0x50: {  	_ =	shalt  }
0x51: {  	_ =	shalt  }
0x52: {  	_ =	shalt  }
0x53: {  	_ =	shalt  }
0x54: {  	_ =	shalt  }
0x55: {  	_ =	shalt  }
0x56: {  	_ =	shalt  }
0x57: {  	_ =	shalt  }
0x58: {  	_ =	shalt  }
0x59: {  	_ =	shalt  }
0x5a: {  	_ =	shalt  }
0x5b: {  	_ =	shalt  }
0x5c: {  	_ =	shalt  }
0x5d: {  	_ =	shalt  }
0x5e: {  	_ =	shalt  }
0x5f: {  	_ =	shalt  }
0x60: {  	_ =	shalt  }
0x61: {  	_ =	shalt  }
0x62: {  	_ =	shalt  }
0x63: {  	_ =	shalt  }
0x64: {  	_ =	shalt  }
0x65: {  	_ =	shalt  }
0x66: {  	_ =	shalt  }
0x67: {  	_ =	shalt  }
0x68: {  	_ =	shalt  }
0x69: {  	_ =	shalt  }
0x6a: {  	_ =	shalt  }
0x6b: {  	_ =	shalt  }
0x6c: {  	_ =	shalt  }
0x6d: {  	_ =	shalt  }
0x6e: {  	_ =	shalt  }
0x6f: {  	_ =	shalt  }
0x70: {  	_ =	shalt  }
0x71: {  	_ =	shalt  }
0x72: {  	_ =	shalt  }
0x73: {  	_ =	shalt  }
0x74: {  	_ =	shalt  }
0x75: {  	_ =	shalt  }
0x76: {  	_ =	shalt  }
0x77: {  	_ =	shalt  }
0x78: {  	_ =	shalt  }
0x79: {  	_ =	shalt  }
0x7a: {  	_ =	shalt  }
0x7b: {  	_ =	shalt  }
0x7c: {  	_ =	shalt  }
0x7d: {  	_ =	shalt  }
0x7e: {  	_ =	shalt  }
0x7f: {  	_ =	shalt  }
0x80: {  	_ =	shalt  }
0x81: {  	_ =	shalt  }
0x82: {  	_ =	shalt  }
0x83: {  	_ =	shalt  }
0x84: {  	_ =	shalt  }
0x85: {  	_ =	shalt  }
0x86: {  	_ =	shalt  }
0x87: {  	_ =	shalt  }
.Lfunc_end0:
.L_simem_size_0:
called_computation.5_lowered:
.L_overlay_start_0:
0x88: {  	s2 =	sld [smem:$0x3FD9]  }
0x89: {  	s3 =	sld [smem:$0x3FFE];
	_ =	sdelay $0x1  }
0x8a: {  	s1 =	srdreg.scid  }
0x8b: {  	s0 =	sand.u32 $0x1, s1  }
0x8c: {  	s14 =	sshll.u32 s0, $0xA;
	s2 =	sadd.s32 s3, s2  }
0x8d: {  	s2 =	sadd.s32 s2, s14  }
0x8e: {  	[smem:$0x3FBA] =	sst s2  }
0x8f: {  	_ = 	snop  }
0x90: {  	s2 =	sld [smem:$0x3FD0];
	_ =	sdelay $0x2  }
0x91: {  	s15 =	simm.s32 $0xA;
	s4 =	simm.s32 $0x10  }
0x92: {  	[smem:s4], [sflag:s15] =	dma.local [hbm:s2], $0x1  }
0x93: {  	_ =	swait.eq [sflag:s15], $0x1  }
0x94: {  	[sflag:s15] =	ssyncset.done $0x0  }
0x95: {  	[sflag:s15] =	ssyncadd.s32 $0xFFFFFFFF  }
0x96: {  	s16 =	sld [smem:$0x10];
	(tm) =	ssettm $0x1  }
0x97: {  	s17 =	sld [smem:$0x3FFB];
	_ =	sdelay $0x3  }
0x98: {  	_ =	strace s17  }
0x99: {  	s3 =	sld [smem:$0x3FFC];
	_ =	sdelay $0x3  }
0x9a: {  	_ =	strace s3  }
0x9b: {  	s3 =	sld [smem:$0x3FFD];
	_ =	sdelay $0x3  }
0x9c: {  	_ =	strace s3  }
0x9d: {  	_ =	strace $0x8FFFFFFF  }
0x9e: {  	s18 =	sld [smem:$0x3FDB];
	_ =	sdelay $0x1  }
0x9f: {  	s19 =	simm.s32 $_scs_section_size  }
0xa0: {  	s5 =	simm.s32 $_size__tile_overlayer_lowered;
	s6 =	simm.s32 $_tile_overlayer_lowered  }
0xa1: {  	s22 =	simm.s32 $0x1BFF;
	s21 =	sshll.u32 s6, $0x1;
	s3 =	sadd.s32 s19, s18  }
0xa2: {  	s7 =	simm.s32 $0x0;
	s20 =	sshll.u32 s5, $0x1;
	s5 =	sadd.s32 s21, s3  }
0xa3: {  	[timem:s7], [sflag:s22] =	dma.local [hbm:s5], s20  }
0xa4: {  	_ =	swait.ge [sflag:s22], s20  }
0xa5: {  	s4 =	ssub.s32 $0x0, s20;
	[sflag:s22] =	ssyncset.done $0x0  }
0xa6: {  	[sflag:s22] =	ssyncadd.s32 s4;
	_ =	sdelay $0x1  }
0xa7: {  	s23 =	simm.s32 $0x1B8B  }
0xa8: {  	_ =	swait.ge [sflag:s23], $0x1  }
0xa9: {  	[sflag:s23] =	ssyncset.done $0x0  }
0xaa: {  	s25 =	simm.s32 $0x1B8E;
	s24 =	sld [smem:$0x3FFE];
	[sflag:s23] =	ssyncadd.s32 $0xFFFFFFFF  }
0xab: {  	s26 =	simm.s32 $execute0_lowered;
	[smem:$0x3FD2] =	sst s25  }
0xac: {  	s5 =	sshll.u32 s26, $0x1;
	_ =	strace $0x80000055;
	[dreg:$0x1] =	wrdreg $0xFFFFFFFF  }
0xad: {  	s28 =	simm.s32 $_size_execute0_lowered;
	s3 =	sadd.s32 s3, s5;
	[dreg:$0x0] =	wrdreg $0x0  }
0xae: {  	s5 =	sshll.u32 s28, $0x1;
	[dreg:$0x2] =	wrdreg s3  }
0xaf: {  	[dreg:$0x3] =	wrdreg s5  }
0xb0: {  	[dreg:$0x4] =	wrdreg $0xC0  }
0xb1: {  	_ =	task [dreg:s7], $0x5FFFF  }
0xb2: {  	[dreg:$0x1] =	wrdreg $0xFFFFFFFF  }
0xb3: {  	[dreg:$0x0] =	wrdreg $0x60  }
0xb4: {  	[dreg:$0x2] =	wrdreg s16  }
0xb5: {  	[dreg:$0x3] =	wrdreg s24  }
0xb6: {  	[dreg:$0x4] =	wrdreg $0x0  }
0xb7: {  	[dreg:$0x5] =	wrdreg $0x9  }
0xb8: {  	_ =	task.clear_ibuf [dreg:s7], $0x6FFFF;
	_ =	strace $0x90000055  }
0xb9: {  	s29 =	simm.s32 $0x9;
	_ =	strace $0x80000057  }
0xba: {  	_ =	swait.ge [sflag:s29], $0x1  }
0xbb: {  	[sflag:s29] =	ssyncadd.s32 $0xFFFFFFFF  }
0xbc: {  	_ =	strace $0x90000057  }
0xbd: {  	_ =	sfence  }
0xbe: {  	s30 =	sld [smem:$0x0];
	_ =	sdelay $0x2  }
0xbf: {  	s31 =	sshll.u32 s1, $0xD;
	s1 =	sshrl.u32 s1, $0x2  }
0xc0: {  	s3 =	sand.u32 $0x4000, s31;
	s1 =	sadd.s32 s1, s30  }
0xc1: {  	s0 =	sor.u32 s3, s0;
	s1 =	sshll.u32 s1, $0x11  }
0xc2: {  	s0 =	sor.u32 s1, s0  }
0xc3: {  	s0 =	sadd.s32 $0x8F2B, s0  }
0xc4: {  	[sflag:s0] =	ssyncadd.remote.s32 $0x1  }
0xc5: {  	_ =	sfence.sel $0xFFFF  }
0xc6: {  	[dreg:$0x0] =	wrdreg $0xFFFFFFFF;
	(pc) =	sbr.abs _section_cstart, $3  }
0xc7: {  	[dreg:$0x1] =	wrdreg $0xFFFFFFFF  }
0xc8: {  	_ =	task.clear_ibuf [dreg:s7], $0x2FFFF;
	_ =	strace $0x9FFFFFFF  }
0xc9: {  	(tm) =	ssettm $0x7FFFFFFF  }
tec
execute0_lowered:
.L_overlay_start_1:
0x0: {  	(tag) =	ssettag $0x1  }
0x1: {  	s1 =	rddreg [dreg:$0x0];
	s2 =	srdreg.scid  }
0x2: {  	s0 =	stileid.u32;
	s5 =	rddreg [dreg:$0x1]  }
0x3: {  	s3 =	rddreg [dreg:$0x2];
	s4 =	simm.s32 $0x0;
	s13 =	simm.s32 $0x80  }
0x4: {  	s14 =	simm.s32 $0x2A00;
	s15 =	simm.s32 $0x2900;
	s16 =	simm.s32 $0x6A00  }
0x5: {  	s17 =	simm.s32 $0x1;
	s18 =	simm.s32 $0x2880;
	s7 =	smul.u32 $0x1400, s0  }
0x6: {  	s19 =	simm.s32 $0x2;
	s20 =	simm.s32 $0x2980;
	s9 =	smul.u32 $0x2800, s0  }
0x7: {  	s6 =	sand.u32 $0x1, s2;
	s2 =	rddreg [dreg:$0x3];
	s28 =	smul.u32 $0xA000, s0  }
0x8: {  	s21 =	simm.s32 $0x0;
	[smem:$0x7FF] =	sst s4;
	s8 =	smul.u32 $0xA00, s6  }
0x9: {  	s31 =	sshll.u32 s0, $0x6;
	s25 =	smul.u32 $0x28000, s6;
	s6 =	ssub.s32 $0x2, s6  }
0xa: {  	_ =	strace $0x80000056;
	s26 =	sshrl.u32 s9, $0x3;
	s29 =	sshrl.u32 s6, $0x1  }
0xb: {  	s30 =	sshrl.u32 s28, $0x2;
	s7 =	sadd.s32 s8, s7;
	s8 =	sadd.s32 s9, s25  }
0xc: {  	s11 =	ssub.s32 s6, s29;
	s12 =	sadd.s32 s30, s3;
	s7 =	sshrl.u32 s7, $0x3  }
0xd: {  	s8 =	sshrl.u32 s8, $0x3;
	s10 =	sadd.s32 s7, s5;
	s7 =	sadd.s32 s26, s5  }
0xe: {  	s6 =	sor.u32 $0x1C03, s31;
	s8 =	sadd.s32 s8, s5;
	s5 =	sadd.s32 $0xAA00, s7  }
0xf: {  	s7 =	sadd.s32 $0x45400, s8;
	s8 =	smax.u32 s11, $0x1;
	s9 =	sadd.s32 $0xFE00, s10  }
0x10: {  	s10 =	sshrl.u32 s12, $0x3;
	s11 =	simm.s32 $0x3;
	s12 =	simm.s32 $0x2800  }
.LBB2_1:
0x11: {  	[spmem:s10], [sflag:s6] =	dma.local [hbm:s5], $0x500  }
0x12: {  	_ =	swait.ge [sflag:s11], $0x500  }
0x13: {  	[sflag:s11] =	ssyncset.done $0x0  }
0x14: {  	[sflag:s11] =	ssyncadd.s32 $0xFFFFFB00  }
0x15: {  	s22 =	sadd.s32 $0x0, s9;
	[bflag:$0x0] =	sbarrier.arrive $0xFFFF  }
0x16: {  	[tilespmem:s12], [sflag:$0x3] =	stream.linear.gather [hbm4b:s22+s4], $0x100, $0x38;
	[tilespmem:$0xAA00] =	vst v63  }
0x17: {  	_ =	swait.ge [sflag:s11], $0x100  }
0x18: {  	[sflag:s11] =	ssyncset.done $0x0  }
0x19: {  	[sflag:s11] =	ssyncadd.s32 $0xFFFFFF00  }
0x1a: {  	[tilespmem:s14], [sflag:$0x1] =	stream.indirect.gather [hbm4b:s1+s13], $0x80, s12, s13, $0xb8;
	[tilespmem:$0xAA00] =	vst v63  }
0x1b: {  	s22 =	sadd.s32 $0x20, s22  }
0x1c: {  	[tilespmem:s15], [sflag:$0x3] =	stream.linear.gather [hbm4b:s22+s4], $0x100, $0x38;
	[tilespmem:$0xAA00] =	vst v63  }
0x1d: {  	_ =	swait.ge [sflag:s11], $0x100  }
0x1e: {  	[sflag:s11] =	ssyncset.done $0x0  }
0x1f: {  	[sflag:s11] =	ssyncadd.s32 $0xFFFFFF00  }
0x20: {  	[tilespmem:s16], [sflag:$0x2] =	stream.indirect.gather [hbm4b:s1+s13], $0x80, s15, s13, $0xb8;
	[tilespmem:$0xAA00] =	vst v63  }
0x21: {  	_ =	swait.ge [sflag:s17], $0x4000  }
0x22: {  	[sflag:s17] =	ssyncset.done $0x0  }
0x23: {  	[sflag:s17] =	ssyncadd.s32 $0xFFFFC000  }
0x24: {  	[spmem:s3] =	stream.indirect.scatter.add.f32 [tilespmem:s14], [sflag:$0x3], $0x80, s18, s13, $0xb8;
	[tilespmem:$0xAA00] =	vst v63  }
0x25: {  	_ =	swait.ge [sflag:s11], $0x4000  }
0x26: {  	[sflag:s11] =	ssyncset.done $0x0  }
0x27: {  	[sflag:s11] =	ssyncadd.s32 $0xFFFFC000  }
0x28: {  	_ =	swait.ge [sflag:s19], $0x4000  }
0x29: {  	[sflag:s19] =	ssyncset.done $0x0  }
0x2a: {  	[sflag:s19] =	ssyncadd.s32 $0xFFFFC000  }
0x2b: {  	[spmem:s3] =	stream.indirect.scatter.add.f32 [tilespmem:s16], [sflag:$0x3], $0x80, s20, s13, $0xb8;
	[tilespmem:$0xAA00] =	vst v63  }
0x2c: {  	_ =	swait.ge [sflag:s11], $0x4000  }
0x2d: {  	s23 =	simm.s32 $0x80;
	s22 =	simm.s32 $0x40;
	[sflag:s11] =	ssyncset.done $0x0  }
.LBB2_2:
0x2e: {  	s24 =	sadd.s32 s22, s9  }
0x2f: {  	[sflag:s11] =	ssyncadd.s32 $0xFFFFC000;
	s22 =	smov.u32 s23;
	s25 =	sadd.s32 $0x40, s23  }
0x30: {  	[tilespmem:s12], [sflag:$0x3] =	stream.linear.gather [hbm4b:s24+s4], $0x100, $0x38;
	[tilespmem:$0xAA00] =	vst v63  }
0x31: {  	p0 =	sne.s32 s23, $0x100;
	_ =	swait.ge [sflag:s11], $0x100  }
0x32: {  	[sflag:s11] =	ssyncset.done $0x0  }
0x33: {  	[sflag:s11] =	ssyncadd.s32 $0xFFFFFF00  }
0x34: {  	[tilespmem:s14], [sflag:$0x1] =	stream.indirect.gather [hbm4b:s1+s13], $0x80, s12, s13, $0xb8;
	[tilespmem:$0xAA00] =	vst v63  }
0x35: {  	s23 =	sadd.s32 $0x20, s24  }
0x36: {  	[tilespmem:s15], [sflag:$0x3] =	stream.linear.gather [hbm4b:s23+s4], $0x100, $0x38;
	[tilespmem:$0xAA00] =	vst v63  }
0x37: {  	_ =	swait.ge [sflag:s11], $0x100  }
0x38: {  	[sflag:s11] =	ssyncset.done $0x0  }
0x39: {  	[sflag:s11] =	ssyncadd.s32 $0xFFFFFF00  }
0x3a: {  	[tilespmem:s16], [sflag:$0x2] =	stream.indirect.gather [hbm4b:s1+s13], $0x80, s15, s13, $0xb8;
	[tilespmem:$0xAA00] =	vst v63  }
0x3b: {  	_ =	swait.ge [sflag:s17], $0x4000  }
0x3c: {  	[sflag:s17] =	ssyncset.done $0x0  }
0x3d: {  	[sflag:s17] =	ssyncadd.s32 $0xFFFFC000  }
0x3e: {  	[spmem:s3] =	stream.indirect.scatter.add.f32 [tilespmem:s14], [sflag:$0x3], $0x80, s18, s13, $0xb8;
	[tilespmem:$0xAA00] =	vst v63  }
0x3f: {  	_ =	swait.ge [sflag:s11], $0x4000  }
0x40: {  	[sflag:s11] =	ssyncset.done $0x0  }
0x41: {  	[sflag:s11] =	ssyncadd.s32 $0xFFFFC000  }
0x42: {  	_ =	swait.ge [sflag:s19], $0x4000  }
.Ltmp0:
0x43: {  	[sflag:s19] =	ssyncset.done $0x0;
	(pc) =	sbr.rel @p0 .LBB2_2-.Ltmp0, $4  }
0x44: {  	[sflag:s19] =	ssyncadd.s32 $0xFFFFC000  }
0x45: {  	[spmem:s3] =	stream.indirect.scatter.add.f32 [tilespmem:s16], [sflag:$0x3], $0x80, s20, s13, $0xb8;
	[tilespmem:$0xAA00] =	vst v63  }
0x46: {  	_ =	swait.ge [sflag:s11], $0x4000  }
0x47: {  	s23 =	smov.u32 s25;
	[sflag:s11] =	ssyncset.done $0x0  }
0x48: {  	s22 =	sadd.s32 s22, s9;
	[sflag:s11] =	ssyncadd.s32 $0xFFFFC000  }
0x49: {  	[tilespmem:s12], [sflag:$0x3] =	stream.linear.gather [hbm4b:s22+s4], $0x100, $0x38;
	[tilespmem:$0xAA00] =	vst v63  }
0x4a: {  	_ =	swait.ge [sflag:s11], $0x100  }
0x4b: {  	[sflag:s11] =	ssyncset.done $0x0  }
0x4c: {  	[sflag:s11] =	ssyncadd.s32 $0xFFFFFF00  }
0x4d: {  	[tilespmem:s14], [sflag:$0x1] =	stream.indirect.gather [hbm4b:s1+s13], $0x80, s12, s13, $0xb8;
	[tilespmem:$0xAA00] =	vst v63  }
0x4e: {  	s22 =	sadd.s32 $0x20, s22  }
0x4f: {  	[tilespmem:s15], [sflag:$0x3] =	stream.linear.gather [hbm4b:s22+s4], $0x100, $0x38;
	[tilespmem:$0xAA00] =	vst v63  }
0x50: {  	_ =	swait.ge [sflag:s11], $0x100  }
0x51: {  	[sflag:s11] =	ssyncset.done $0x0  }
0x52: {  	[sflag:s11] =	ssyncadd.s32 $0xFFFFFF00  }
0x53: {  	[tilespmem:s16], [sflag:$0x2] =	stream.indirect.gather [hbm4b:s1+s13], $0x80, s15, s13, $0xb8;
	[tilespmem:$0xAA00] =	vst v63  }
0x54: {  	_ =	swait.ge [sflag:s17], $0x4000  }
0x55: {  	[sflag:s17] =	ssyncset.done $0x0  }
0x56: {  	[sflag:s17] =	ssyncadd.s32 $0xFFFFC000  }
0x57: {  	[spmem:s3] =	stream.indirect.scatter.add.f32 [tilespmem:s14], [sflag:$0x3], $0x80, s18, s13, $0xb8;
	[tilespmem:$0xAA00] =	vst v63  }
0x58: {  	_ =	swait.ge [sflag:s11], $0x4000  }
0x59: {  	[sflag:s11] =	ssyncset.done $0x0  }
0x5a: {  	[sflag:s11] =	ssyncadd.s32 $0xFFFFC000  }
0x5b: {  	_ =	swait.ge [sflag:s19], $0x4000  }
0x5c: {  	[sflag:s19] =	ssyncset.done $0x0  }
0x5d: {  	[sflag:s19] =	ssyncadd.s32 $0xFFFFC000  }
0x5e: {  	[spmem:s3] =	stream.indirect.scatter.add.f32 [tilespmem:s16], [sflag:$0x3], $0x80, s20, s13, $0xb8;
	[tilespmem:$0xAA00] =	vst v63  }
0x5f: {  	_ =	swait.ge [sflag:s11], $0x4000  }
0x60: {  	s21 =	sadd.s32 $0x1, s21;
	[sflag:s11] =	ssyncset.done $0x0  }
0x61: {  	p0 =	sne.s32 s21, s8;
	[sflag:s11] =	ssyncadd.s32 $0xFFFFC000  }
.Ltmp1:
0x62: {  	[bflag:$0x0] =	sbarrier.arrive $0xFFFF;
	(pc) =	sbr.rel @p0 .LBB2_1-.Ltmp1, $4  }
0x63: {  	[hbm:s7], [sflag:s6] =	dma.local [spmem:s10], $0x500  }
0x64: {  	_ =	swait.ge [sflag:s11], $0x500  }
0x65: {  	[sflag:s11] =	ssyncset.done $0x0  }
0x66: {  	[sflag:s11] =	ssyncadd.s32 $0xFFFFFB00  }
0x67: {  	_ =	sfence.sel $0x180000  }
0x68: {  	[bflag:$0x0] =	sbarrier.arrive $0xFFFF  }
0x69: {  	p0 =	sne.s32 s0, $0x0;
	_ =	strace $0x90000056  }
0x6a: {  	s0 =	sadd.s32 @!p0 $0x100000, s2;
	[bflag:$0x2] =	sbarrier.arrive $0xFFFF  }
0x6b: {  	[sflag:s0] =	ssyncadd.tile.s32 @!p0 $0x1;
	_ =	shalt  }
.Lfunc_end2:
_tile_overlayer_lowered:
.L_overlay_start_2:
0x6c: {  	(tag) =	ssettag $0x2  }
0x6d: {  	s0 =	rddreg [dreg:$0x0];
	s2 =	stileid.u32  }
0x6e: {  	s1 =	rddreg [dreg:$0x1];
	p0 =	sne.s32 s2, $0x0  }
0x6f: {  	s3 =	rddreg [dreg:$0x2];
	[bflag:$0x3] =	sbarrier.arrive $0xFFFF;
	s2 =	simm.s32 @!p0 $0x1C03  }
0x70: {  	[timem:s3], [sflag:s2] =	dma.local @!p0 [hbm:s0], s1  }
0x71: {  	s0 =	simm.s32 @!p0 $0x3  }
0x72: {  	_ =	swait.ge @!p0 [sflag:s0], s1  }
0x73: {  	s1 =	ssub.s32 @!p0 $0x0, s1;
	[sflag:s0] =	ssyncset.done @!p0 $0x0  }
0x74: {  	[sflag:s0] =	ssyncadd.s32 @!p0 s1  }
0x75: {  	[bflag:$0x3] =	sbarrier.arrive $0xFFFF  }
0x76: {  	_ =	shalt  }

// kernel: kernel.42.cloned.1.call-start
scs
__scs_entry_jumppad:
0x0: {  	(pc) =	sbr.rel $0x88, $3  }
0x1: {  	(tag) =	ssettag $0x0;
	lr =	simm.s32 $0x1  }
0x2: {  	[smem:$0x3F93] =	sst lr;
	_ =	strace $0xD0000000  }
0x3: {  	_ = 	snop  }
0x4: {  	_ = 	snop  }
0x5: {  	_ = 	snop  }
0x6: {  	_ = 	snop  }
0x7: {  	_ = 	snop  }
__scs_overlays_trampoline_lowered:
0x8: {  	[smem:$0x3FA2] =	sst s0  }
0x9: {  	[smem:$0x3FA3] =	sst s1  }
0xa: {  	[smem:$0x3FA4] =	sst s2  }
0xb: {  	[smem:$0x3FA5] =	sst s3  }
0xc: {  	[smem:$0x3FA6] =	sst s4  }
0xd: {  	[smem:$0x3FA7] =	sst s5  }
0xe: {  	[smem:$0x3FA8] =	sst s6  }
0xf: {  	[smem:$0x3FA9] =	sst s7  }
0x10: {  	[smem:$0x3FAA] =	sst s8  }
0x11: {  	[smem:$0x3FAB] =	sst s9;
	s0 =	simm.s32 @!p0 $0x0  }
0x12: {  	s1 =	sld [smem:$0x3F91];
	s0 =	simm.s32 @p0 $0x1  }
0x13: {  	[smem:$0x3FAC] =	sst s0;
	s0 =	simm.s32 @!p1 $0x0  }
0x14: {  	s2 =	sld [smem:$0x3F90];
	s0 =	simm.s32 @p1 $0x1  }
0x15: {  	[smem:$0x3FAD] =	sst s0;
	s0 =	simm.s32 @!p2 $0x0  }
0x16: {  	s3 =	sld [smem:$0x3FDB];
	s0 =	simm.s32 @p2 $0x1  }
0x17: {  	s4 =	simm.s32 $0x1BF5;
	[smem:$0x3FAF] =	sst s0  }
0x18: {  	s0 =	sld [smem:$0x3F92];
	_ =	swait.ge [sflag:s4], $0x0  }
0x19: {  	s7 =	sld [smem:$0x3F93]  }
0x1a: {  	s8 =	sadd.s32 $0xFFFFE003, lr  }
0x1b: {  	s9 =	sadd.s32 $0xFFFFFEF7, lr;
	s5 =	simm.s32 $0xFFFFFFFF;
	p2 =	slt.u32 s8, $0xFFFFF086  }
0x1c: {  	p1 =	slt.u32 s9, $0xF7A;
	s5 =	simm.s32 @!p2 $0x0  }
0x1d: {  	s5 =	simm.s32 @p1 $0x1;
	p0 =	seq.s32 s7, s2  }
0x1e: {  	s7 =	smul.u32 @!p0 $0xF7A, s2;
	p2 =	seq.s32 @!p0 s5, $0x0  }
0x1f: {  	s9 =	smul.u32 $0xF7A, s1;
	s8 =	simm.s32 @!p0 $0x1BF5;
	p2 =	por !p2, p0  }
0x20: {  	[sflag:s8] =	ssyncset.s32 @!p0 $0xFFFFF086;
	s6 =	sadd.s32 @!p0 s3, s7;
	s7 =	simm.s32 @!p0 $0x108  }
0x21: {  	s3 =	sadd.s32 s3, s9;
	s6 =	sadd.s32 @!p0 $0x88, s6;
	s7 =	simm.s32 @p2 $0x1082  }
0x22: {  	[simem:s7], [sflag:s8] =	dma.local @!p0 [hbm:s6], $0xF7A  }
0x23: {  	s9 =	sor.u32 $0xD0000000, s2;
	s6 =	simm.s32 $0x108;
	_ =	swait.ge @!p0 [sflag:s8], $0x0  }
0x24: {  	s3 =	sadd.s32 $0x88, s3;
	s6 =	simm.s32 @!p1 $0x1082;
	[sflag:s4] =	ssyncset.s32 $0xFFFFF086  }
0x25: {  	[simem:s6], [sflag:s4] =	dma.local [hbm:s3], $0xF7A  }
0x26: {  	[smem:$0x3F93] =	sst s1;
	(tag) =	ssettag s2;
	_ =	strace s9  }
0x27: {  	s1 =	sld [smem:$0x3FA3]  }
0x28: {  	s2 =	sld [smem:$0x3FA4]  }
0x29: {  	s4 =	sld [smem:$0x3FA6]  }
0x2a: {  	p0 =	seq.s32 s5, $0x0;
	s5 =	sld [smem:$0x3FA7]  }
0x2b: {  	s6 =	sld [smem:$0x3FA8]  }
0x2c: {  	s7 =	sld [smem:$0x3FA9]  }
0x2d: {  	s3 =	simm.s32 $0x108;
	s8 =	sld [smem:$0x3FAA]  }
0x2e: {  	s3 =	simm.s32 @!p0 $0x1082;
	s9 =	sld [smem:$0x3FAB]  }
0x2f: {  	lr =	sadd.s32 s0, s3;
	s0 =	sld [smem:$0x3FA2]  }
0x30: {  	s3 =	sld [smem:$0x3FA5]  }
0x31: {  	[smem:$0x3FAE] =	sst s10  }
0x32: {  	s10 =	sld [smem:$0x3FAC];
	_ =	sdelay $0x3  }
0x33: {  	p0 =	seq.s32 s10, $0x1;
	s10 =	sld [smem:$0x3FAE];
	_ =	sdelay $0x3  }
0x34: {  	[smem:$0x3FAE] =	sst s10  }
0x35: {  	s10 =	sld [smem:$0x3FAD];
	_ =	sdelay $0x3  }
0x36: {  	p1 =	seq.s32 s10, $0x1;
	s10 =	sld [smem:$0x3FAE];
	_ =	sdelay $0x3  }
0x37: {  	[smem:$0x3FAE] =	sst s10  }
0x38: {  	s10 =	sld [smem:$0x3FAF]  }
0x39: {  	_ = 	snop;
	(pc) =	sbr.ind lr, $3  }
0x3a: {  	_ = 	snop  }
0x3b: {  	_ = 	snop  }
0x3c: {  	p2 =	seq.s32 s10, $0x1;
	s10 =	sld [smem:$0x3FAE]  }
0x3d: {  	_ =	shalt  }
0x3e: {  	_ =	shalt  }
0x3f: {  	_ =	shalt  }
0x40: {  	_ =	shalt  }
0x41: {  	_ =	shalt  }
0x42: {  	_ =	shalt  }
0x43: {  	_ =	shalt  }
0x44: {  	_ =	shalt  }
0x45: {  	_ =	shalt  }
0x46: {  	_ =	shalt  }
0x47: {  	_ =	shalt  }
0x48: {  	_ =	shalt  }
0x49: {  	_ =	shalt  }
0x4a: {  	_ =	shalt  }
0x4b: {  	_ =	shalt  }
0x4c: {  	_ =	shalt  }
0x4d: {  	_ =	shalt  }
0x4e: {  	_ =	shalt  }
0x4f: {  	_ =	shalt  }
0x50: {  	_ =	shalt  }
0x51: {  	_ =	shalt  }
0x52: {  	_ =	shalt  }
0x53: {  	_ =	shalt  }
0x54: {  	_ =	shalt  }
0x55: {  	_ =	shalt  }
0x56: {  	_ =	shalt  }
0x57: {  	_ =	shalt  }
0x58: {  	_ =	shalt  }
0x59: {  	_ =	shalt  }
0x5a: {  	_ =	shalt  }
0x5b: {  	_ =	shalt  }
0x5c: {  	_ =	shalt  }
0x5d: {  	_ =	shalt  }
0x5e: {  	_ =	shalt  }
0x5f: {  	_ =	shalt  }
0x60: {  	_ =	shalt  }
0x61: {  	_ =	shalt  }
0x62: {  	_ =	shalt  }
0x63: {  	_ =	shalt  }
0x64: {  	_ =	shalt  }
0x65: {  	_ =	shalt  }
0x66: {  	_ =	shalt  }
0x67: {  	_ =	shalt  }
0x68: {  	_ =	shalt  }
0x69: {  	_ =	shalt  }
0x6a: {  	_ =	shalt  }
0x6b: {  	_ =	shalt  }
0x6c: {  	_ =	shalt  }
0x6d: {  	_ =	shalt  }
0x6e: {  	_ =	shalt  }
0x6f: {  	_ =	shalt  }
0x70: {  	_ =	shalt  }
0x71: {  	_ =	shalt  }
0x72: {  	_ =	shalt  }
0x73: {  	_ =	shalt  }
0x74: {  	_ =	shalt  }
0x75: {  	_ =	shalt  }
0x76: {  	_ =	shalt  }
0x77: {  	_ =	shalt  }
0x78: {  	_ =	shalt  }
0x79: {  	_ =	shalt  }
0x7a: {  	_ =	shalt  }
0x7b: {  	_ =	shalt  }
0x7c: {  	_ =	shalt  }
0x7d: {  	_ =	shalt  }
0x7e: {  	_ =	shalt  }
0x7f: {  	_ =	shalt  }
0x80: {  	_ =	shalt  }
0x81: {  	_ =	shalt  }
0x82: {  	_ =	shalt  }
0x83: {  	_ =	shalt  }
0x84: {  	_ =	shalt  }
0x85: {  	_ =	shalt  }
0x86: {  	_ =	shalt  }
0x87: {  	_ =	shalt  }
.Lfunc_end0:
.L_simem_size_0:
called_computation.6_lowered:
.L_overlay_start_0:
0x88: {  	s2 =	sld [smem:$0x3FD9]  }
0x89: {  	s3 =	sld [smem:$0x3FFE];
	_ =	sdelay $0x1  }
0x8a: {  	s1 =	srdreg.scid  }
0x8b: {  	s0 =	sand.u32 $0x1, s1  }
0x8c: {  	s14 =	sshll.u32 s0, $0xA;
	s2 =	sadd.s32 s3, s2  }
0x8d: {  	s2 =	sadd.s32 s2, s14  }
0x8e: {  	[smem:$0x3FBA] =	sst s2  }
0x8f: {  	_ = 	snop  }
0x90: {  	s2 =	sld [smem:$0x3FD0];
	_ =	sdelay $0x2  }
0x91: {  	s15 =	simm.s32 $0xA;
	s4 =	simm.s32 $0x10  }
0x92: {  	[smem:s4], [sflag:s15] =	dma.local [hbm:s2], $0x1  }
0x93: {  	_ =	swait.eq [sflag:s15], $0x1  }
0x94: {  	[sflag:s15] =	ssyncset.done $0x0  }
0x95: {  	[sflag:s15] =	ssyncadd.s32 $0xFFFFFFFF  }
0x96: {  	s16 =	sld [smem:$0x10];
	(tm) =	ssettm $0x1  }
0x97: {  	s17 =	sld [smem:$0x3FFB];
	_ =	sdelay $0x3  }
0x98: {  	_ =	strace s17  }
0x99: {  	s3 =	sld [smem:$0x3FFC];
	_ =	sdelay $0x3  }
0x9a: {  	_ =	strace s3  }
0x9b: {  	s3 =	sld [smem:$0x3FFD];
	_ =	sdelay $0x3  }
0x9c: {  	_ =	strace s3  }
0x9d: {  	_ =	strace $0x8FFFFFFF  }
0x9e: {  	s18 =	sld [smem:$0x3FDB];
	_ =	sdelay $0x1  }
0x9f: {  	s19 =	simm.s32 $_scs_section_size  }
0xa0: {  	s5 =	simm.s32 $_size__tile_overlayer_lowered;
	s6 =	simm.s32 $_tile_overlayer_lowered  }
0xa1: {  	s22 =	simm.s32 $0x1BFF;
	s21 =	sshll.u32 s6, $0x1;
	s3 =	sadd.s32 s19, s18  }
0xa2: {  	s7 =	simm.s32 $0x0;
	s20 =	sshll.u32 s5, $0x1;
	s5 =	sadd.s32 s21, s3  }
0xa3: {  	[timem:s7], [sflag:s22] =	dma.local [hbm:s5], s20  }
0xa4: {  	_ =	swait.ge [sflag:s22], s20  }
0xa5: {  	s4 =	ssub.s32 $0x0, s20;
	[sflag:s22] =	ssyncset.done $0x0  }
0xa6: {  	[sflag:s22] =	ssyncadd.s32 s4;
	_ =	sdelay $0x1  }
0xa7: {  	s23 =	simm.s32 $0x1B8B  }
0xa8: {  	_ =	swait.ge [sflag:s23], $0x1  }
0xa9: {  	[sflag:s23] =	ssyncset.done $0x0  }
0xaa: {  	s25 =	simm.s32 $0x1B8E;
	s24 =	sld [smem:$0x3FFE];
	[sflag:s23] =	ssyncadd.s32 $0xFFFFFFFF  }
0xab: {  	s26 =	simm.s32 $execute0_lowered;
	[smem:$0x3FD2] =	sst s25  }
0xac: {  	s5 =	sshll.u32 s26, $0x1;
	_ =	strace $0x80000058;
	[dreg:$0x1] =	wrdreg $0xFFFFFFFF  }
0xad: {  	s28 =	simm.s32 $_size_execute0_lowered;
	s3 =	sadd.s32 s3, s5;
	[dreg:$0x0] =	wrdreg $0x0  }
0xae: {  	s5 =	sshll.u32 s28, $0x1;
	[dreg:$0x2] =	wrdreg s3  }
0xaf: {  	[dreg:$0x3] =	wrdreg s5  }
0xb0: {  	[dreg:$0x4] =	wrdreg $0xC0  }
0xb1: {  	_ =	task [dreg:s7], $0x5FFFF  }
0xb2: {  	[dreg:$0x1] =	wrdreg $0xFFFFFFFF  }
0xb3: {  	[dreg:$0x0] =	wrdreg $0x60  }
0xb4: {  	[dreg:$0x2] =	wrdreg s16  }
0xb5: {  	[dreg:$0x3] =	wrdreg s24  }
0xb6: {  	[dreg:$0x4] =	wrdreg $0x0  }
0xb7: {  	[dreg:$0x5] =	wrdreg $0x9  }
0xb8: {  	_ =	task.clear_ibuf [dreg:s7], $0x6FFFF;
	_ =	strace $0x90000058  }
0xb9: {  	s29 =	simm.s32 $0x9;
	_ =	strace $0x8000005A  }
0xba: {  	_ =	swait.ge [sflag:s29], $0x1  }
0xbb: {  	[sflag:s29] =	ssyncadd.s32 $0xFFFFFFFF  }
0xbc: {  	_ =	strace $0x9000005A  }
0xbd: {  	_ =	sfence  }
0xbe: {  	s30 =	sld [smem:$0x0];
	_ =	sdelay $0x2  }
0xbf: {  	s31 =	sshll.u32 s1, $0xD;
	s1 =	sshrl.u32 s1, $0x2  }
0xc0: {  	s3 =	sand.u32 $0x4000, s31;
	s1 =	sadd.s32 s1, s30  }
0xc1: {  	s0 =	sor.u32 s3, s0;
	s1 =	sshll.u32 s1, $0x11  }
0xc2: {  	s0 =	sor.u32 s1, s0  }
0xc3: {  	s0 =	sadd.s32 $0x8F2B, s0  }
0xc4: {  	[sflag:s0] =	ssyncadd.remote.s32 $0x1  }
0xc5: {  	_ =	sfence.sel $0xFFFF  }
0xc6: {  	[dreg:$0x0] =	wrdreg $0xFFFFFFFF;
	(pc) =	sbr.abs _section_cstart, $3  }
0xc7: {  	[dreg:$0x1] =	wrdreg $0xFFFFFFFF  }
0xc8: {  	_ =	task.clear_ibuf [dreg:s7], $0x2FFFF;
	_ =	strace $0x9FFFFFFF  }
0xc9: {  	(tm) =	ssettm $0x7FFFFFFF  }
tec
execute0_lowered:
.L_overlay_start_1:
0x0: {  	(tag) =	ssettag $0x1  }
0x1: {  	s1 =	rddreg [dreg:$0x0];
	s2 =	srdreg.scid  }
0x2: {  	s0 =	stileid.u32;
	s5 =	rddreg [dreg:$0x1]  }
0x3: {  	s3 =	rddreg [dreg:$0x2];
	s4 =	simm.s32 $0x0;
	s13 =	simm.s32 $0x80  }
0x4: {  	s14 =	simm.s32 $0x2A00;
	s15 =	simm.s32 $0x2900;
	s16 =	simm.s32 $0x6A00  }
0x5: {  	s17 =	simm.s32 $0x1;
	s18 =	simm.s32 $0x2880;
	s7 =	smul.u32 $0x1400, s0  }
0x6: {  	s19 =	simm.s32 $0x2;
	s20 =	simm.s32 $0x2980;
	s9 =	smul.u32 $0x2800, s0  }
0x7: {  	s6 =	sand.u32 $0x1, s2;
	s2 =	rddreg [dreg:$0x3];
	s28 =	smul.u32 $0xA000, s0  }
0x8: {  	s21 =	simm.s32 $0x0;
	[smem:$0x7FF] =	sst s4;
	s8 =	smul.u32 $0xA00, s6  }
0x9: {  	s31 =	sshll.u32 s0, $0x6;
	s25 =	smul.u32 $0x28000, s6;
	s6 =	ssub.s32 $0x2, s6  }
0xa: {  	_ =	strace $0x80000059;
	s26 =	sshrl.u32 s9, $0x3;
	s29 =	sshrl.u32 s6, $0x1  }
0xb: {  	s30 =	sshrl.u32 s28, $0x2;
	s7 =	sadd.s32 s8, s7;
	s8 =	sadd.s32 s9, s25  }
0xc: {  	s11 =	ssub.s32 s6, s29;
	s12 =	sadd.s32 s30, s3;
	s7 =	sshrl.u32 s7, $0x3  }
0xd: {  	s8 =	sshrl.u32 s8, $0x3;
	s10 =	sadd.s32 s7, s5;
	s7 =	sadd.s32 s26, s5  }
0xe: {  	s6 =	sor.u32 $0x1C03, s31;
	s8 =	sadd.s32 s8, s5;
	s5 =	sadd.s32 $0xAA00, s7  }
0xf: {  	s7 =	sadd.s32 $0x45400, s8;
	s8 =	smax.u32 s11, $0x1;
	s9 =	sadd.s32 $0xFE00, s10  }
0x10: {  	s10 =	sshrl.u32 s12, $0x3;
	s11 =	simm.s32 $0x3;
	s12 =	simm.s32 $0x2800  }
.LBB2_1:
0x11: {  	[spmem:s10], [sflag:s6] =	dma.local [hbm:s5], $0x500  }
0x12: {  	_ =	swait.ge [sflag:s11], $0x500  }
0x13: {  	[sflag:s11] =	ssyncset.done $0x0  }
0x14: {  	[sflag:s11] =	ssyncadd.s32 $0xFFFFFB00  }
0x15: {  	s22 =	sadd.s32 $0x0, s9;
	[bflag:$0x0] =	sbarrier.arrive $0xFFFF  }
0x16: {  	[tilespmem:s12], [sflag:$0x3] =	stream.linear.gather [hbm4b:s22+s4], $0x100, $0x38;
	[tilespmem:$0xAA00] =	vst v63  }
0x17: {  	_ =	swait.ge [sflag:s11], $0x100  }
0x18: {  	[sflag:s11] =	ssyncset.done $0x0  }
0x19: {  	[sflag:s11] =	ssyncadd.s32 $0xFFFFFF00  }
0x1a: {  	[tilespmem:s14], [sflag:$0x1] =	stream.indirect.gather [hbm4b:s1+s13], $0x80, s12, s13, $0xb8;
	[tilespmem:$0xAA00] =	vst v63  }
0x1b: {  	s22 =	sadd.s32 $0x20, s22  }
0x1c: {  	[tilespmem:s15], [sflag:$0x3] =	stream.linear.gather [hbm4b:s22+s4], $0x100, $0x38;
	[tilespmem:$0xAA00] =	vst v63  }
0x1d: {  	_ =	swait.ge [sflag:s11], $0x100  }
0x1e: {  	[sflag:s11] =	ssyncset.done $0x0  }
0x1f: {  	[sflag:s11] =	ssyncadd.s32 $0xFFFFFF00  }
0x20: {  	[tilespmem:s16], [sflag:$0x2] =	stream.indirect.gather [hbm4b:s1+s13], $0x80, s15, s13, $0xb8;
	[tilespmem:$0xAA00] =	vst v63  }
0x21: {  	_ =	swait.ge [sflag:s17], $0x4000  }
0x22: {  	[sflag:s17] =	ssyncset.done $0x0  }
0x23: {  	[sflag:s17] =	ssyncadd.s32 $0xFFFFC000  }
0x24: {  	[spmem:s3] =	stream.indirect.scatter.add.f32 [tilespmem:s14], [sflag:$0x3], $0x80, s18, s13, $0xb8;
	[tilespmem:$0xAA00] =	vst v63  }
0x25: {  	_ =	swait.ge [sflag:s11], $0x4000  }
0x26: {  	[sflag:s11] =	ssyncset.done $0x0  }
0x27: {  	[sflag:s11] =	ssyncadd.s32 $0xFFFFC000  }
0x28: {  	_ =	swait.ge [sflag:s19], $0x4000  }
0x29: {  	[sflag:s19] =	ssyncset.done $0x0  }
0x2a: {  	[sflag:s19] =	ssyncadd.s32 $0xFFFFC000  }
0x2b: {  	[spmem:s3] =	stream.indirect.scatter.add.f32 [tilespmem:s16], [sflag:$0x3], $0x80, s20, s13, $0xb8;
	[tilespmem:$0xAA00] =	vst v63  }
0x2c: {  	_ =	swait.ge [sflag:s11], $0x4000  }
0x2d: {  	s23 =	simm.s32 $0x80;
	s22 =	simm.s32 $0x40;
	[sflag:s11] =	ssyncset.done $0x0  }
.LBB2_2:
0x2e: {  	s24 =	sadd.s32 s22, s9  }
0x2f: {  	[sflag:s11] =	ssyncadd.s32 $0xFFFFC000;
	s22 =	smov.u32 s23;
	s25 =	sadd.s32 $0x40, s23  }
0x30: {  	[tilespmem:s12], [sflag:$0x3] =	stream.linear.gather [hbm4b:s24+s4], $0x100, $0x38;
	[tilespmem:$0xAA00] =	vst v63  }
0x31: {  	p0 =	sne.s32 s23, $0x100;
	_ =	swait.ge [sflag:s11], $0x100  }
0x32: {  	[sflag:s11] =	ssyncset.done $0x0  }
0x33: {  	[sflag:s11] =	ssyncadd.s32 $0xFFFFFF00  }
0x34: {  	[tilespmem:s14], [sflag:$0x1] =	stream.indirect.gather [hbm4b:s1+s13], $0x80, s12, s13, $0xb8;
	[tilespmem:$0xAA00] =	vst v63  }
0x35: {  	s23 =	sadd.s32 $0x20, s24  }
0x36: {  	[tilespmem:s15], [sflag:$0x3] =	stream.linear.gather [hbm4b:s23+s4], $0x100, $0x38;
	[tilespmem:$0xAA00] =	vst v63  }
0x37: {  	_ =	swait.ge [sflag:s11], $0x100  }
0x38: {  	[sflag:s11] =	ssyncset.done $0x0  }
0x39: {  	[sflag:s11] =	ssyncadd.s32 $0xFFFFFF00  }
0x3a: {  	[tilespmem:s16], [sflag:$0x2] =	stream.indirect.gather [hbm4b:s1+s13], $0x80, s15, s13, $0xb8;
	[tilespmem:$0xAA00] =	vst v63  }
0x3b: {  	_ =	swait.ge [sflag:s17], $0x4000  }
0x3c: {  	[sflag:s17] =	ssyncset.done $0x0  }
0x3d: {  	[sflag:s17] =	ssyncadd.s32 $0xFFFFC000  }
0x3e: {  	[spmem:s3] =	stream.indirect.scatter.add.f32 [tilespmem:s14], [sflag:$0x3], $0x80, s18, s13, $0xb8;
	[tilespmem:$0xAA00] =	vst v63  }
0x3f: {  	_ =	swait.ge [sflag:s11], $0x4000  }
0x40: {  	[sflag:s11] =	ssyncset.done $0x0  }
0x41: {  	[sflag:s11] =	ssyncadd.s32 $0xFFFFC000  }
0x42: {  	_ =	swait.ge [sflag:s19], $0x4000  }
.Ltmp0:
0x43: {  	[sflag:s19] =	ssyncset.done $0x0;
	(pc) =	sbr.rel @p0 .LBB2_2-.Ltmp0, $4  }
0x44: {  	[sflag:s19] =	ssyncadd.s32 $0xFFFFC000  }
0x45: {  	[spmem:s3] =	stream.indirect.scatter.add.f32 [tilespmem:s16], [sflag:$0x3], $0x80, s20, s13, $0xb8;
	[tilespmem:$0xAA00] =	vst v63  }
0x46: {  	_ =	swait.ge [sflag:s11], $0x4000  }
0x47: {  	s23 =	smov.u32 s25;
	[sflag:s11] =	ssyncset.done $0x0  }
0x48: {  	s22 =	sadd.s32 s22, s9;
	[sflag:s11] =	ssyncadd.s32 $0xFFFFC000  }
0x49: {  	[tilespmem:s12], [sflag:$0x3] =	stream.linear.gather [hbm4b:s22+s4], $0x100, $0x38;
	[tilespmem:$0xAA00] =	vst v63  }
0x4a: {  	_ =	swait.ge [sflag:s11], $0x100  }
0x4b: {  	[sflag:s11] =	ssyncset.done $0x0  }
0x4c: {  	[sflag:s11] =	ssyncadd.s32 $0xFFFFFF00  }
0x4d: {  	[tilespmem:s14], [sflag:$0x1] =	stream.indirect.gather [hbm4b:s1+s13], $0x80, s12, s13, $0xb8;
	[tilespmem:$0xAA00] =	vst v63  }
0x4e: {  	s22 =	sadd.s32 $0x20, s22  }
0x4f: {  	[tilespmem:s15], [sflag:$0x3] =	stream.linear.gather [hbm4b:s22+s4], $0x100, $0x38;
	[tilespmem:$0xAA00] =	vst v63  }
0x50: {  	_ =	swait.ge [sflag:s11], $0x100  }
0x51: {  	[sflag:s11] =	ssyncset.done $0x0  }
0x52: {  	[sflag:s11] =	ssyncadd.s32 $0xFFFFFF00  }
0x53: {  	[tilespmem:s16], [sflag:$0x2] =	stream.indirect.gather [hbm4b:s1+s13], $0x80, s15, s13, $0xb8;
	[tilespmem:$0xAA00] =	vst v63  }
0x54: {  	_ =	swait.ge [sflag:s17], $0x4000  }
0x55: {  	[sflag:s17] =	ssyncset.done $0x0  }
0x56: {  	[sflag:s17] =	ssyncadd.s32 $0xFFFFC000  }
0x57: {  	[spmem:s3] =	stream.indirect.scatter.add.f32 [tilespmem:s14], [sflag:$0x3], $0x80, s18, s13, $0xb8;
	[tilespmem:$0xAA00] =	vst v63  }
0x58: {  	_ =	swait.ge [sflag:s11], $0x4000  }
0x59: {  	[sflag:s11] =	ssyncset.done $0x0  }
0x5a: {  	[sflag:s11] =	ssyncadd.s32 $0xFFFFC000  }
0x5b: {  	_ =	swait.ge [sflag:s19], $0x4000  }
0x5c: {  	[sflag:s19] =	ssyncset.done $0x0  }
0x5d: {  	[sflag:s19] =	ssyncadd.s32 $0xFFFFC000  }
0x5e: {  	[spmem:s3] =	stream.indirect.scatter.add.f32 [tilespmem:s16], [sflag:$0x3], $0x80, s20, s13, $0xb8;
	[tilespmem:$0xAA00] =	vst v63  }
0x5f: {  	_ =	swait.ge [sflag:s11], $0x4000  }
0x60: {  	s21 =	sadd.s32 $0x1, s21;
	[sflag:s11] =	ssyncset.done $0x0  }
0x61: {  	p0 =	sne.s32 s21, s8;
	[sflag:s11] =	ssyncadd.s32 $0xFFFFC000  }
.Ltmp1:
0x62: {  	[bflag:$0x0] =	sbarrier.arrive $0xFFFF;
	(pc) =	sbr.rel @p0 .LBB2_1-.Ltmp1, $4  }
0x63: {  	[hbm:s7], [sflag:s6] =	dma.local [spmem:s10], $0x500  }
0x64: {  	_ =	swait.ge [sflag:s11], $0x500  }
0x65: {  	[sflag:s11] =	ssyncset.done $0x0  }
0x66: {  	[sflag:s11] =	ssyncadd.s32 $0xFFFFFB00  }
0x67: {  	_ =	sfence.sel $0x180000  }
0x68: {  	[bflag:$0x0] =	sbarrier.arrive $0xFFFF  }
0x69: {  	p0 =	sne.s32 s0, $0x0;
	_ =	strace $0x90000059  }
0x6a: {  	s0 =	sadd.s32 @!p0 $0x100000, s2;
	[bflag:$0x2] =	sbarrier.arrive $0xFFFF  }
0x6b: {  	[sflag:s0] =	ssyncadd.tile.s32 @!p0 $0x1;
	_ =	shalt  }
.Lfunc_end2:
_tile_overlayer_lowered:
.L_overlay_start_2:
0x6c: {  	(tag) =	ssettag $0x2  }
0x6d: {  	s0 =	rddreg [dreg:$0x0];
	s2 =	stileid.u32  }
0x6e: {  	s1 =	rddreg [dreg:$0x1];
	p0 =	sne.s32 s2, $0x0  }
0x6f: {  	s3 =	rddreg [dreg:$0x2];
	[bflag:$0x3] =	sbarrier.arrive $0xFFFF;
	s2 =	simm.s32 @!p0 $0x1C03  }
0x70: {  	[timem:s3], [sflag:s2] =	dma.local @!p0 [hbm:s0], s1  }
0x71: {  	s0 =	simm.s32 @!p0 $0x3  }
0x72: {  	_ =	swait.ge @!p0 [sflag:s0], s1  }
0x73: {  	s1 =	ssub.s32 @!p0 $0x0, s1;
	[sflag:s0] =	ssyncset.done @!p0 $0x0  }
0x74: {  	[sflag:s0] =	ssyncadd.s32 @!p0 s1  }
0x75: {  	[bflag:$0x3] =	sbarrier.arrive $0xFFFF  }
0x76: {  	_ =	shalt  }

// kernel: kernel.45.cloned.1.call-start
scs
__scs_entry_jumppad:
0x0: {  	(pc) =	sbr.rel $0x88, $3  }
0x1: {  	(tag) =	ssettag $0x0;
	lr =	simm.s32 $0x1  }
0x2: {  	[smem:$0x3F93] =	sst lr;
	_ =	strace $0xD0000000  }
0x3: {  	_ = 	snop  }
0x4: {  	_ = 	snop  }
0x5: {  	_ = 	snop  }
0x6: {  	_ = 	snop  }
0x7: {  	_ = 	snop  }
__scs_overlays_trampoline_lowered:
0x8: {  	[smem:$0x3FA2] =	sst s0  }
0x9: {  	[smem:$0x3FA3] =	sst s1  }
0xa: {  	[smem:$0x3FA4] =	sst s2  }
0xb: {  	[smem:$0x3FA5] =	sst s3  }
0xc: {  	[smem:$0x3FA6] =	sst s4  }
0xd: {  	[smem:$0x3FA7] =	sst s5  }
0xe: {  	[smem:$0x3FA8] =	sst s6  }
0xf: {  	[smem:$0x3FA9] =	sst s7  }
0x10: {  	[smem:$0x3FAA] =	sst s8  }
0x11: {  	[smem:$0x3FAB] =	sst s9;
	s0 =	simm.s32 @!p0 $0x0  }
0x12: {  	s1 =	sld [smem:$0x3F91];
	s0 =	simm.s32 @p0 $0x1  }
0x13: {  	[smem:$0x3FAC] =	sst s0;
	s0 =	simm.s32 @!p1 $0x0  }
0x14: {  	s2 =	sld [smem:$0x3F90];
	s0 =	simm.s32 @p1 $0x1  }
0x15: {  	[smem:$0x3FAD] =	sst s0;
	s0 =	simm.s32 @!p2 $0x0  }
0x16: {  	s3 =	sld [smem:$0x3FDB];
	s0 =	simm.s32 @p2 $0x1  }
0x17: {  	s4 =	simm.s32 $0x1BF5;
	[smem:$0x3FAF] =	sst s0  }
0x18: {  	s0 =	sld [smem:$0x3F92];
	_ =	swait.ge [sflag:s4], $0x0  }
0x19: {  	s7 =	sld [smem:$0x3F93]  }
0x1a: {  	s8 =	sadd.s32 $0xFFFFE003, lr  }
0x1b: {  	s9 =	sadd.s32 $0xFFFFFEF7, lr;
	s5 =	simm.s32 $0xFFFFFFFF;
	p2 =	slt.u32 s8, $0xFFFFF086  }
0x1c: {  	p1 =	slt.u32 s9, $0xF7A;
	s5 =	simm.s32 @!p2 $0x0  }
0x1d: {  	s5 =	simm.s32 @p1 $0x1;
	p0 =	seq.s32 s7, s2  }
0x1e: {  	s7 =	smul.u32 @!p0 $0xF7A, s2;
	p2 =	seq.s32 @!p0 s5, $0x0  }
0x1f: {  	s9 =	smul.u32 $0xF7A, s1;
	s8 =	simm.s32 @!p0 $0x1BF5;
	p2 =	por !p2, p0  }
0x20: {  	[sflag:s8] =	ssyncset.s32 @!p0 $0xFFFFF086;
	s6 =	sadd.s32 @!p0 s3, s7;
	s7 =	simm.s32 @!p0 $0x108  }
0x21: {  	s3 =	sadd.s32 s3, s9;
	s6 =	sadd.s32 @!p0 $0x88, s6;
	s7 =	simm.s32 @p2 $0x1082  }
0x22: {  	[simem:s7], [sflag:s8] =	dma.local @!p0 [hbm:s6], $0xF7A  }
0x23: {  	s9 =	sor.u32 $0xD0000000, s2;
	s6 =	simm.s32 $0x108;
	_ =	swait.ge @!p0 [sflag:s8], $0x0  }
0x24: {  	s3 =	sadd.s32 $0x88, s3;
	s6 =	simm.s32 @!p1 $0x1082;
	[sflag:s4] =	ssyncset.s32 $0xFFFFF086  }
0x25: {  	[simem:s6], [sflag:s4] =	dma.local [hbm:s3], $0xF7A  }
0x26: {  	[smem:$0x3F93] =	sst s1;
	(tag) =	ssettag s2;
	_ =	strace s9  }
0x27: {  	s1 =	sld [smem:$0x3FA3]  }
0x28: {  	s2 =	sld [smem:$0x3FA4]  }
0x29: {  	s4 =	sld [smem:$0x3FA6]  }
0x2a: {  	p0 =	seq.s32 s5, $0x0;
	s5 =	sld [smem:$0x3FA7]  }
0x2b: {  	s6 =	sld [smem:$0x3FA8]  }
0x2c: {  	s7 =	sld [smem:$0x3FA9]  }
0x2d: {  	s3 =	simm.s32 $0x108;
	s8 =	sld [smem:$0x3FAA]  }
0x2e: {  	s3 =	simm.s32 @!p0 $0x1082;
	s9 =	sld [smem:$0x3FAB]  }
0x2f: {  	lr =	sadd.s32 s0, s3;
	s0 =	sld [smem:$0x3FA2]  }
0x30: {  	s3 =	sld [smem:$0x3FA5]  }
0x31: {  	[smem:$0x3FAE] =	sst s10  }
0x32: {  	s10 =	sld [smem:$0x3FAC];
	_ =	sdelay $0x3  }
0x33: {  	p0 =	seq.s32 s10, $0x1;
	s10 =	sld [smem:$0x3FAE];
	_ =	sdelay $0x3  }
0x34: {  	[smem:$0x3FAE] =	sst s10  }
0x35: {  	s10 =	sld [smem:$0x3FAD];
	_ =	sdelay $0x3  }
0x36: {  	p1 =	seq.s32 s10, $0x1;
	s10 =	sld [smem:$0x3FAE];
	_ =	sdelay $0x3  }
0x37: {  	[smem:$0x3FAE] =	sst s10  }
0x38: {  	s10 =	sld [smem:$0x3FAF]  }
0x39: {  	_ = 	snop;
	(pc) =	sbr.ind lr, $3  }
0x3a: {  	_ = 	snop  }
0x3b: {  	_ = 	snop  }
0x3c: {  	p2 =	seq.s32 s10, $0x1;
	s10 =	sld [smem:$0x3FAE]  }
0x3d: {  	_ =	shalt  }
0x3e: {  	_ =	shalt  }
0x3f: {  	_ =	shalt  }
0x40: {  	_ =	shalt  }
0x41: {  	_ =	shalt  }
0x42: {  	_ =	shalt  }
0x43: {  	_ =	shalt  }
0x44: {  	_ =	shalt  }
0x45: {  	_ =	shalt  }
0x46: {  	_ =	shalt  }
0x47: {  	_ =	shalt  }
0x48: {  	_ =	shalt  }
0x49: {  	_ =	shalt  }
0x4a: {  	_ =	shalt  }
0x4b: {  	_ =	shalt  }
0x4c: {  	_ =	shalt  }
0x4d: {  	_ =	shalt  }
0x4e: {  	_ =	shalt  }
0x4f: {  	_ =	shalt  }
0x50: {  	_ =	shalt  }
0x51: {  	_ =	shalt  }
0x52: {  	_ =	shalt  }
0x53: {  	_ =	shalt  }
0x54: {  	_ =	shalt  }
0x55: {  	_ =	shalt  }
0x56: {  	_ =	shalt  }
0x57: {  	_ =	shalt  }
0x58: {  	_ =	shalt  }
0x59: {  	_ =	shalt  }
0x5a: {  	_ =	shalt  }
0x5b: {  	_ =	shalt  }
0x5c: {  	_ =	shalt  }
0x5d: {  	_ =	shalt  }
0x5e: {  	_ =	shalt  }
0x5f: {  	_ =	shalt  }
0x60: {  	_ =	shalt  }
0x61: {  	_ =	shalt  }
0x62: {  	_ =	shalt  }
0x63: {  	_ =	shalt  }
0x64: {  	_ =	shalt  }
0x65: {  	_ =	shalt  }
0x66: {  	_ =	shalt  }
0x67: {  	_ =	shalt  }
0x68: {  	_ =	shalt  }
0x69: {  	_ =	shalt  }
0x6a: {  	_ =	shalt  }
0x6b: {  	_ =	shalt  }
0x6c: {  	_ =	shalt  }
0x6d: {  	_ =	shalt  }
0x6e: {  	_ =	shalt  }
0x6f: {  	_ =	shalt  }
0x70: {  	_ =	shalt  }
0x71: {  	_ =	shalt  }
0x72: {  	_ =	shalt  }
0x73: {  	_ =	shalt  }
0x74: {  	_ =	shalt  }
0x75: {  	_ =	shalt  }
0x76: {  	_ =	shalt  }
0x77: {  	_ =	shalt  }
0x78: {  	_ =	shalt  }
0x79: {  	_ =	shalt  }
0x7a: {  	_ =	shalt  }
0x7b: {  	_ =	shalt  }
0x7c: {  	_ =	shalt  }
0x7d: {  	_ =	shalt  }
0x7e: {  	_ =	shalt  }
0x7f: {  	_ =	shalt  }
0x80: {  	_ =	shalt  }
0x81: {  	_ =	shalt  }
0x82: {  	_ =	shalt  }
0x83: {  	_ =	shalt  }
0x84: {  	_ =	shalt  }
0x85: {  	_ =	shalt  }
0x86: {  	_ =	shalt  }
0x87: {  	_ =	shalt  }
.Lfunc_end0:
.L_simem_size_0:
called_computation.7_lowered:
.L_overlay_start_0:
0x88: {  	s2 =	sld [smem:$0x3FD9]  }
0x89: {  	s3 =	sld [smem:$0x3FFE];
	_ =	sdelay $0x1  }
0x8a: {  	s1 =	srdreg.scid  }
0x8b: {  	s0 =	sand.u32 $0x1, s1  }
0x8c: {  	s14 =	sshll.u32 s0, $0xA;
	s2 =	sadd.s32 s3, s2  }
0x8d: {  	s2 =	sadd.s32 s2, s14  }
0x8e: {  	[smem:$0x3FBA] =	sst s2  }
0x8f: {  	_ = 	snop  }
0x90: {  	s2 =	sld [smem:$0x3FD0];
	_ =	sdelay $0x2  }
0x91: {  	s15 =	simm.s32 $0xA;
	s4 =	simm.s32 $0x10  }
0x92: {  	[smem:s4], [sflag:s15] =	dma.local [hbm:s2], $0x1  }
0x93: {  	_ =	swait.eq [sflag:s15], $0x1  }
0x94: {  	[sflag:s15] =	ssyncset.done $0x0  }
0x95: {  	[sflag:s15] =	ssyncadd.s32 $0xFFFFFFFF  }
0x96: {  	s16 =	sld [smem:$0x10];
	(tm) =	ssettm $0x1  }
0x97: {  	s17 =	sld [smem:$0x3FFB];
	_ =	sdelay $0x3  }
0x98: {  	_ =	strace s17  }
0x99: {  	s3 =	sld [smem:$0x3FFC];
	_ =	sdelay $0x3  }
0x9a: {  	_ =	strace s3  }
0x9b: {  	s3 =	sld [smem:$0x3FFD];
	_ =	sdelay $0x3  }
0x9c: {  	_ =	strace s3  }
0x9d: {  	_ =	strace $0x8FFFFFFF  }
0x9e: {  	s18 =	sld [smem:$0x3FDB];
	_ =	sdelay $0x1  }
0x9f: {  	s19 =	simm.s32 $_scs_section_size  }
0xa0: {  	s5 =	simm.s32 $_size__tile_overlayer_lowered;
	s6 =	simm.s32 $_tile_overlayer_lowered  }
0xa1: {  	s22 =	simm.s32 $0x1BFF;
	s21 =	sshll.u32 s6, $0x1;
	s3 =	sadd.s32 s19, s18  }
0xa2: {  	s7 =	simm.s32 $0x0;
	s20 =	sshll.u32 s5, $0x1;
	s5 =	sadd.s32 s21, s3  }
0xa3: {  	[timem:s7], [sflag:s22] =	dma.local [hbm:s5], s20  }
0xa4: {  	_ =	swait.ge [sflag:s22], s20  }
0xa5: {  	s4 =	ssub.s32 $0x0, s20;
	[sflag:s22] =	ssyncset.done $0x0  }
0xa6: {  	[sflag:s22] =	ssyncadd.s32 s4;
	_ =	sdelay $0x1  }
0xa7: {  	s23 =	simm.s32 $0x1B8B  }
0xa8: {  	_ =	swait.ge [sflag:s23], $0x1  }
0xa9: {  	[sflag:s23] =	ssyncset.done $0x0  }
0xaa: {  	s25 =	simm.s32 $0x1B8E;
	s24 =	sld [smem:$0x3FFE];
	[sflag:s23] =	ssyncadd.s32 $0xFFFFFFFF  }
0xab: {  	s26 =	simm.s32 $execute0_lowered;
	[smem:$0x3FD2] =	sst s25  }
0xac: {  	s5 =	sshll.u32 s26, $0x1;
	_ =	strace $0x8000005B;
	[dreg:$0x1] =	wrdreg $0xFFFFFFFF  }
0xad: {  	s28 =	simm.s32 $_size_execute0_lowered;
	s3 =	sadd.s32 s3, s5;
	[dreg:$0x0] =	wrdreg $0x0  }
0xae: {  	s5 =	sshll.u32 s28, $0x1;
	[dreg:$0x2] =	wrdreg s3  }
0xaf: {  	[dreg:$0x3] =	wrdreg s5  }
0xb0: {  	[dreg:$0x4] =	wrdreg $0xC0  }
0xb1: {  	_ =	task [dreg:s7], $0x5FFFF  }
0xb2: {  	[dreg:$0x1] =	wrdreg $0xFFFFFFFF  }
0xb3: {  	[dreg:$0x0] =	wrdreg $0x60  }
0xb4: {  	[dreg:$0x2] =	wrdreg s16  }
0xb5: {  	[dreg:$0x3] =	wrdreg s24  }
0xb6: {  	[dreg:$0x4] =	wrdreg $0x0  }
0xb7: {  	[dreg:$0x5] =	wrdreg $0x9  }
0xb8: {  	_ =	task.clear_ibuf [dreg:s7], $0x6FFFF;
	_ =	strace $0x9000005B  }
0xb9: {  	s29 =	simm.s32 $0x9;
	_ =	strace $0x8000005D  }
0xba: {  	_ =	swait.ge [sflag:s29], $0x1  }
0xbb: {  	[sflag:s29] =	ssyncadd.s32 $0xFFFFFFFF  }
0xbc: {  	_ =	strace $0x9000005D  }
0xbd: {  	_ =	sfence  }
0xbe: {  	s30 =	sld [smem:$0x0];
	_ =	sdelay $0x2  }
0xbf: {  	s31 =	sshll.u32 s1, $0xD;
	s1 =	sshrl.u32 s1, $0x2  }
0xc0: {  	s3 =	sand.u32 $0x4000, s31;
	s1 =	sadd.s32 s1, s30  }
0xc1: {  	s0 =	sor.u32 s3, s0;
	s1 =	sshll.u32 s1, $0x11  }
0xc2: {  	s0 =	sor.u32 s1, s0  }
0xc3: {  	s0 =	sadd.s32 $0x8F2B, s0  }
0xc4: {  	[sflag:s0] =	ssyncadd.remote.s32 $0x1  }
0xc5: {  	_ =	sfence.sel $0xFFFF  }
0xc6: {  	[dreg:$0x0] =	wrdreg $0xFFFFFFFF;
	(pc) =	sbr.abs _section_cstart, $3  }
0xc7: {  	[dreg:$0x1] =	wrdreg $0xFFFFFFFF  }
0xc8: {  	_ =	task.clear_ibuf [dreg:s7], $0x2FFFF;
	_ =	strace $0x9FFFFFFF  }
0xc9: {  	(tm) =	ssettm $0x7FFFFFFF  }
tec
execute0_lowered:
.L_overlay_start_1:
0x0: {  	(tag) =	ssettag $0x1  }
0x1: {  	s1 =	rddreg [dreg:$0x0];
	s2 =	srdreg.scid  }
0x2: {  	s0 =	stileid.u32;
	s5 =	rddreg [dreg:$0x1]  }
0x3: {  	s3 =	rddreg [dreg:$0x2];
	s4 =	simm.s32 $0x0;
	s13 =	simm.s32 $0x80  }
0x4: {  	s14 =	simm.s32 $0x2A00;
	s15 =	simm.s32 $0x2900;
	s16 =	simm.s32 $0x6A00  }
0x5: {  	s17 =	simm.s32 $0x1;
	s18 =	simm.s32 $0x2880;
	s7 =	smul.u32 $0x1400, s0  }
0x6: {  	s19 =	simm.s32 $0x2;
	s20 =	simm.s32 $0x2980;
	s9 =	smul.u32 $0x2800, s0  }
0x7: {  	s6 =	sand.u32 $0x1, s2;
	s2 =	rddreg [dreg:$0x3];
	s28 =	smul.u32 $0xA000, s0  }
0x8: {  	s21 =	simm.s32 $0x0;
	[smem:$0x7FF] =	sst s4;
	s8 =	smul.u32 $0xA00, s6  }
0x9: {  	s31 =	sshll.u32 s0, $0x6;
	s25 =	smul.u32 $0x28000, s6;
	s6 =	ssub.s32 $0x2, s6  }
0xa: {  	_ =	strace $0x8000005C;
	s26 =	sshrl.u32 s9, $0x3;
	s29 =	sshrl.u32 s6, $0x1  }
0xb: {  	s30 =	sshrl.u32 s28, $0x2;
	s7 =	sadd.s32 s8, s7;
	s8 =	sadd.s32 s9, s25  }
0xc: {  	s11 =	ssub.s32 s6, s29;
	s12 =	sadd.s32 s30, s3;
	s7 =	sshrl.u32 s7, $0x3  }
0xd: {  	s8 =	sshrl.u32 s8, $0x3;
	s10 =	sadd.s32 s7, s5;
	s7 =	sadd.s32 s26, s5  }
0xe: {  	s6 =	sor.u32 $0x1C03, s31;
	s8 =	sadd.s32 s8, s5;
	s5 =	sadd.s32 $0xAA00, s7  }
0xf: {  	s7 =	sadd.s32 $0x45400, s8;
	s8 =	smax.u32 s11, $0x1;
	s9 =	sadd.s32 $0xFE00, s10  }
0x10: {  	s10 =	sshrl.u32 s12, $0x3;
	s11 =	simm.s32 $0x3;
	s12 =	simm.s32 $0x2800  }
.LBB2_1:
0x11: {  	[spmem:s10], [sflag:s6] =	dma.local [hbm:s5], $0x500  }
0x12: {  	_ =	swait.ge [sflag:s11], $0x500  }
0x13: {  	[sflag:s11] =	ssyncset.done $0x0  }
0x14: {  	[sflag:s11] =	ssyncadd.s32 $0xFFFFFB00  }
0x15: {  	s22 =	sadd.s32 $0x0, s9;
	[bflag:$0x0] =	sbarrier.arrive $0xFFFF  }
0x16: {  	[tilespmem:s12], [sflag:$0x3] =	stream.linear.gather [hbm4b:s22+s4], $0x100, $0x38;
	[tilespmem:$0xAA00] =	vst v63  }
0x17: {  	_ =	swait.ge [sflag:s11], $0x100  }
0x18: {  	[sflag:s11] =	ssyncset.done $0x0  }
0x19: {  	[sflag:s11] =	ssyncadd.s32 $0xFFFFFF00  }
0x1a: {  	[tilespmem:s14], [sflag:$0x1] =	stream.indirect.gather [hbm4b:s1+s13], $0x80, s12, s13, $0xb8;
	[tilespmem:$0xAA00] =	vst v63  }
0x1b: {  	s22 =	sadd.s32 $0x20, s22  }
0x1c: {  	[tilespmem:s15], [sflag:$0x3] =	stream.linear.gather [hbm4b:s22+s4], $0x100, $0x38;
	[tilespmem:$0xAA00] =	vst v63  }
0x1d: {  	_ =	swait.ge [sflag:s11], $0x100  }
0x1e: {  	[sflag:s11] =	ssyncset.done $0x0  }
0x1f: {  	[sflag:s11] =	ssyncadd.s32 $0xFFFFFF00  }
0x20: {  	[tilespmem:s16], [sflag:$0x2] =	stream.indirect.gather [hbm4b:s1+s13], $0x80, s15, s13, $0xb8;
	[tilespmem:$0xAA00] =	vst v63  }
0x21: {  	_ =	swait.ge [sflag:s17], $0x4000  }
0x22: {  	[sflag:s17] =	ssyncset.done $0x0  }
0x23: {  	[sflag:s17] =	ssyncadd.s32 $0xFFFFC000  }
0x24: {  	[spmem:s3] =	stream.indirect.scatter.add.f32 [tilespmem:s14], [sflag:$0x3], $0x80, s18, s13, $0xb8;
	[tilespmem:$0xAA00] =	vst v63  }
0x25: {  	_ =	swait.ge [sflag:s11], $0x4000  }
0x26: {  	[sflag:s11] =	ssyncset.done $0x0  }
0x27: {  	[sflag:s11] =	ssyncadd.s32 $0xFFFFC000  }
0x28: {  	_ =	swait.ge [sflag:s19], $0x4000  }
0x29: {  	[sflag:s19] =	ssyncset.done $0x0  }
0x2a: {  	[sflag:s19] =	ssyncadd.s32 $0xFFFFC000  }
0x2b: {  	[spmem:s3] =	stream.indirect.scatter.add.f32 [tilespmem:s16], [sflag:$0x3], $0x80, s20, s13, $0xb8;
	[tilespmem:$0xAA00] =	vst v63  }
0x2c: {  	_ =	swait.ge [sflag:s11], $0x4000  }
0x2d: {  	s23 =	simm.s32 $0x80;
	s22 =	simm.s32 $0x40;
	[sflag:s11] =	ssyncset.done $0x0  }
.LBB2_2:
0x2e: {  	s24 =	sadd.s32 s22, s9  }
0x2f: {  	[sflag:s11] =	ssyncadd.s32 $0xFFFFC000;
	s22 =	smov.u32 s23;
	s25 =	sadd.s32 $0x40, s23  }
0x30: {  	[tilespmem:s12], [sflag:$0x3] =	stream.linear.gather [hbm4b:s24+s4], $0x100, $0x38;
	[tilespmem:$0xAA00] =	vst v63  }
0x31: {  	p0 =	sne.s32 s23, $0x100;
	_ =	swait.ge [sflag:s11], $0x100  }
0x32: {  	[sflag:s11] =	ssyncset.done $0x0  }
0x33: {  	[sflag:s11] =	ssyncadd.s32 $0xFFFFFF00  }
0x34: {  	[tilespmem:s14], [sflag:$0x1] =	stream.indirect.gather [hbm4b:s1+s13], $0x80, s12, s13, $0xb8;
	[tilespmem:$0xAA00] =	vst v63  }
0x35: {  	s23 =	sadd.s32 $0x20, s24  }
0x36: {  	[tilespmem:s15], [sflag:$0x3] =	stream.linear.gather [hbm4b:s23+s4], $0x100, $0x38;
	[tilespmem:$0xAA00] =	vst v63  }
0x37: {  	_ =	swait.ge [sflag:s11], $0x100  }
0x38: {  	[sflag:s11] =	ssyncset.done $0x0  }
0x39: {  	[sflag:s11] =	ssyncadd.s32 $0xFFFFFF00  }
0x3a: {  	[tilespmem:s16], [sflag:$0x2] =	stream.indirect.gather [hbm4b:s1+s13], $0x80, s15, s13, $0xb8;
	[tilespmem:$0xAA00] =	vst v63  }
0x3b: {  	_ =	swait.ge [sflag:s17], $0x4000  }
0x3c: {  	[sflag:s17] =	ssyncset.done $0x0  }
0x3d: {  	[sflag:s17] =	ssyncadd.s32 $0xFFFFC000  }
0x3e: {  	[spmem:s3] =	stream.indirect.scatter.add.f32 [tilespmem:s14], [sflag:$0x3], $0x80, s18, s13, $0xb8;
	[tilespmem:$0xAA00] =	vst v63  }
0x3f: {  	_ =	swait.ge [sflag:s11], $0x4000  }
0x40: {  	[sflag:s11] =	ssyncset.done $0x0  }
0x41: {  	[sflag:s11] =	ssyncadd.s32 $0xFFFFC000  }
0x42: {  	_ =	swait.ge [sflag:s19], $0x4000  }
.Ltmp0:
0x43: {  	[sflag:s19] =	ssyncset.done $0x0;
	(pc) =	sbr.rel @p0 .LBB2_2-.Ltmp0, $4  }
0x44: {  	[sflag:s19] =	ssyncadd.s32 $0xFFFFC000  }
0x45: {  	[spmem:s3] =	stream.indirect.scatter.add.f32 [tilespmem:s16], [sflag:$0x3], $0x80, s20, s13, $0xb8;
	[tilespmem:$0xAA00] =	vst v63  }
0x46: {  	_ =	swait.ge [sflag:s11], $0x4000  }
0x47: {  	s23 =	smov.u32 s25;
	[sflag:s11] =	ssyncset.done $0x0  }
0x48: {  	s22 =	sadd.s32 s22, s9;
	[sflag:s11] =	ssyncadd.s32 $0xFFFFC000  }
0x49: {  	[tilespmem:s12], [sflag:$0x3] =	stream.linear.gather [hbm4b:s22+s4], $0x100, $0x38;
	[tilespmem:$0xAA00] =	vst v63  }
0x4a: {  	_ =	swait.ge [sflag:s11], $0x100  }
0x4b: {  	[sflag:s11] =	ssyncset.done $0x0  }
0x4c: {  	[sflag:s11] =	ssyncadd.s32 $0xFFFFFF00  }
0x4d: {  	[tilespmem:s14], [sflag:$0x1] =	stream.indirect.gather [hbm4b:s1+s13], $0x80, s12, s13, $0xb8;
	[tilespmem:$0xAA00] =	vst v63  }
0x4e: {  	s22 =	sadd.s32 $0x20, s22  }
0x4f: {  	[tilespmem:s15], [sflag:$0x3] =	stream.linear.gather [hbm4b:s22+s4], $0x100, $0x38;
	[tilespmem:$0xAA00] =	vst v63  }
0x50: {  	_ =	swait.ge [sflag:s11], $0x100  }
0x51: {  	[sflag:s11] =	ssyncset.done $0x0  }
0x52: {  	[sflag:s11] =	ssyncadd.s32 $0xFFFFFF00  }
0x53: {  	[tilespmem:s16], [sflag:$0x2] =	stream.indirect.gather [hbm4b:s1+s13], $0x80, s15, s13, $0xb8;
	[tilespmem:$0xAA00] =	vst v63  }
0x54: {  	_ =	swait.ge [sflag:s17], $0x4000  }
0x55: {  	[sflag:s17] =	ssyncset.done $0x0  }
0x56: {  	[sflag:s17] =	ssyncadd.s32 $0xFFFFC000  }
0x57: {  	[spmem:s3] =	stream.indirect.scatter.add.f32 [tilespmem:s14], [sflag:$0x3], $0x80, s18, s13, $0xb8;
	[tilespmem:$0xAA00] =	vst v63  }
0x58: {  	_ =	swait.ge [sflag:s11], $0x4000  }
0x59: {  	[sflag:s11] =	ssyncset.done $0x0  }
0x5a: {  	[sflag:s11] =	ssyncadd.s32 $0xFFFFC000  }
0x5b: {  	_ =	swait.ge [sflag:s19], $0x4000  }
0x5c: {  	[sflag:s19] =	ssyncset.done $0x0  }
0x5d: {  	[sflag:s19] =	ssyncadd.s32 $0xFFFFC000  }
0x5e: {  	[spmem:s3] =	stream.indirect.scatter.add.f32 [tilespmem:s16], [sflag:$0x3], $0x80, s20, s13, $0xb8;
	[tilespmem:$0xAA00] =	vst v63  }
0x5f: {  	_ =	swait.ge [sflag:s11], $0x4000  }
0x60: {  	s21 =	sadd.s32 $0x1, s21;
	[sflag:s11] =	ssyncset.done $0x0  }
0x61: {  	p0 =	sne.s32 s21, s8;
	[sflag:s11] =	ssyncadd.s32 $0xFFFFC000  }
.Ltmp1:
0x62: {  	[bflag:$0x0] =	sbarrier.arrive $0xFFFF;
	(pc) =	sbr.rel @p0 .LBB2_1-.Ltmp1, $4  }
0x63: {  	[hbm:s7], [sflag:s6] =	dma.local [spmem:s10], $0x500  }
0x64: {  	_ =	swait.ge [sflag:s11], $0x500  }
0x65: {  	[sflag:s11] =	ssyncset.done $0x0  }
0x66: {  	[sflag:s11] =	ssyncadd.s32 $0xFFFFFB00  }
0x67: {  	_ =	sfence.sel $0x180000  }
0x68: {  	[bflag:$0x0] =	sbarrier.arrive $0xFFFF  }
0x69: {  	p0 =	sne.s32 s0, $0x0;
	_ =	strace $0x9000005C  }
0x6a: {  	s0 =	sadd.s32 @!p0 $0x100000, s2;
	[bflag:$0x2] =	sbarrier.arrive $0xFFFF  }
0x6b: {  	[sflag:s0] =	ssyncadd.tile.s32 @!p0 $0x1;
	_ =	shalt  }
.Lfunc_end2:
_tile_overlayer_lowered:
.L_overlay_start_2:
0x6c: {  	(tag) =	ssettag $0x2  }
0x6d: {  	s0 =	rddreg [dreg:$0x0];
	s2 =	stileid.u32  }
0x6e: {  	s1 =	rddreg [dreg:$0x1];
	p0 =	sne.s32 s2, $0x0  }
0x6f: {  	s3 =	rddreg [dreg:$0x2];
	[bflag:$0x3] =	sbarrier.arrive $0xFFFF;
	s2 =	simm.s32 @!p0 $0x1C03  }
0x70: {  	[timem:s3], [sflag:s2] =	dma.local @!p0 [hbm:s0], s1  }
0x71: {  	s0 =	simm.s32 @!p0 $0x3  }
0x72: {  	_ =	swait.ge @!p0 [sflag:s0], s1  }
0x73: {  	s1 =	ssub.s32 @!p0 $0x0, s1;
	[sflag:s0] =	ssyncset.done @!p0 $0x0  }
0x74: {  	[sflag:s0] =	ssyncadd.s32 @!p0 s1  }
0x75: {  	[bflag:$0x3] =	sbarrier.arrive $0xFFFF  }
0x76: {  	_ =	shalt  }

// kernel: kernel.48.cloned.1.call-start
scs
__scs_entry_jumppad:
0x0: {  	(pc) =	sbr.rel $0x88, $3  }
0x1: {  	(tag) =	ssettag $0x0;
	lr =	simm.s32 $0x1  }
0x2: {  	[smem:$0x3F93] =	sst lr;
	_ =	strace $0xD0000000  }
0x3: {  	_ = 	snop  }
0x4: {  	_ = 	snop  }
0x5: {  	_ = 	snop  }
0x6: {  	_ = 	snop  }
0x7: {  	_ = 	snop  }
__scs_overlays_trampoline_lowered:
0x8: {  	[smem:$0x3FA2] =	sst s0  }
0x9: {  	[smem:$0x3FA3] =	sst s1  }
0xa: {  	[smem:$0x3FA4] =	sst s2  }
0xb: {  	[smem:$0x3FA5] =	sst s3  }
0xc: {  	[smem:$0x3FA6] =	sst s4  }
0xd: {  	[smem:$0x3FA7] =	sst s5  }
0xe: {  	[smem:$0x3FA8] =	sst s6  }
0xf: {  	[smem:$0x3FA9] =	sst s7  }
0x10: {  	[smem:$0x3FAA] =	sst s8  }
0x11: {  	[smem:$0x3FAB] =	sst s9;
	s0 =	simm.s32 @!p0 $0x0  }
0x12: {  	s1 =	sld [smem:$0x3F91];
	s0 =	simm.s32 @p0 $0x1  }
0x13: {  	[smem:$0x3FAC] =	sst s0;
	s0 =	simm.s32 @!p1 $0x0  }
0x14: {  	s2 =	sld [smem:$0x3F90];
	s0 =	simm.s32 @p1 $0x1  }
0x15: {  	[smem:$0x3FAD] =	sst s0;
	s0 =	simm.s32 @!p2 $0x0  }
0x16: {  	s3 =	sld [smem:$0x3FDB];
	s0 =	simm.s32 @p2 $0x1  }
0x17: {  	s4 =	simm.s32 $0x1BF5;
	[smem:$0x3FAF] =	sst s0  }
0x18: {  	s0 =	sld [smem:$0x3F92];
	_ =	swait.ge [sflag:s4], $0x0  }
0x19: {  	s7 =	sld [smem:$0x3F93]  }
0x1a: {  	s8 =	sadd.s32 $0xFFFFE003, lr  }
0x1b: {  	s9 =	sadd.s32 $0xFFFFFEF7, lr;
	s5 =	simm.s32 $0xFFFFFFFF;
	p2 =	slt.u32 s8, $0xFFFFF086  }
0x1c: {  	p1 =	slt.u32 s9, $0xF7A;
	s5 =	simm.s32 @!p2 $0x0  }
0x1d: {  	s5 =	simm.s32 @p1 $0x1;
	p0 =	seq.s32 s7, s2  }
0x1e: {  	s7 =	smul.u32 @!p0 $0xF7A, s2;
	p2 =	seq.s32 @!p0 s5, $0x0  }
0x1f: {  	s9 =	smul.u32 $0xF7A, s1;
	s8 =	simm.s32 @!p0 $0x1BF5;
	p2 =	por !p2, p0  }
0x20: {  	[sflag:s8] =	ssyncset.s32 @!p0 $0xFFFFF086;
	s6 =	sadd.s32 @!p0 s3, s7;
	s7 =	simm.s32 @!p0 $0x108  }
0x21: {  	s3 =	sadd.s32 s3, s9;
	s6 =	sadd.s32 @!p0 $0x88, s6;
	s7 =	simm.s32 @p2 $0x1082  }
0x22: {  	[simem:s7], [sflag:s8] =	dma.local @!p0 [hbm:s6], $0xF7A  }
0x23: {  	s9 =	sor.u32 $0xD0000000, s2;
	s6 =	simm.s32 $0x108;
	_ =	swait.ge @!p0 [sflag:s8], $0x0  }
0x24: {  	s3 =	sadd.s32 $0x88, s3;
	s6 =	simm.s32 @!p1 $0x1082;
	[sflag:s4] =	ssyncset.s32 $0xFFFFF086  }
0x25: {  	[simem:s6], [sflag:s4] =	dma.local [hbm:s3], $0xF7A  }
0x26: {  	[smem:$0x3F93] =	sst s1;
	(tag) =	ssettag s2;
	_ =	strace s9  }
0x27: {  	s1 =	sld [smem:$0x3FA3]  }
0x28: {  	s2 =	sld [smem:$0x3FA4]  }
0x29: {  	s4 =	sld [smem:$0x3FA6]  }
0x2a: {  	p0 =	seq.s32 s5, $0x0;
	s5 =	sld [smem:$0x3FA7]  }
0x2b: {  	s6 =	sld [smem:$0x3FA8]  }
0x2c: {  	s7 =	sld [smem:$0x3FA9]  }
0x2d: {  	s3 =	simm.s32 $0x108;
	s8 =	sld [smem:$0x3FAA]  }
0x2e: {  	s3 =	simm.s32 @!p0 $0x1082;
	s9 =	sld [smem:$0x3FAB]  }
0x2f: {  	lr =	sadd.s32 s0, s3;
	s0 =	sld [smem:$0x3FA2]  }
0x30: {  	s3 =	sld [smem:$0x3FA5]  }
0x31: {  	[smem:$0x3FAE] =	sst s10  }
0x32: {  	s10 =	sld [smem:$0x3FAC];
	_ =	sdelay $0x3  }
0x33: {  	p0 =	seq.s32 s10, $0x1;
	s10 =	sld [smem:$0x3FAE];
	_ =	sdelay $0x3  }
0x34: {  	[smem:$0x3FAE] =	sst s10  }
0x35: {  	s10 =	sld [smem:$0x3FAD];
	_ =	sdelay $0x3  }
0x36: {  	p1 =	seq.s32 s10, $0x1;
	s10 =	sld [smem:$0x3FAE];
	_ =	sdelay $0x3  }
0x37: {  	[smem:$0x3FAE] =	sst s10  }
0x38: {  	s10 =	sld [smem:$0x3FAF]  }
0x39: {  	_ = 	snop;
	(pc) =	sbr.ind lr, $3  }
0x3a: {  	_ = 	snop  }
0x3b: {  	_ = 	snop  }
0x3c: {  	p2 =	seq.s32 s10, $0x1;
	s10 =	sld [smem:$0x3FAE]  }
0x3d: {  	_ =	shalt  }
0x3e: {  	_ =	shalt  }
0x3f: {  	_ =	shalt  }
0x40: {  	_ =	shalt  }
0x41: {  	_ =	shalt  }
0x42: {  	_ =	shalt  }
0x43: {  	_ =	shalt  }
0x44: {  	_ =	shalt  }
0x45: {  	_ =	shalt  }
0x46: {  	_ =	shalt  }
0x47: {  	_ =	shalt  }
0x48: {  	_ =	shalt  }
0x49: {  	_ =	shalt  }
0x4a: {  	_ =	shalt  }
0x4b: {  	_ =	shalt  }
0x4c: {  	_ =	shalt  }
0x4d: {  	_ =	shalt  }
0x4e: {  	_ =	shalt  }
0x4f: {  	_ =	shalt  }
0x50: {  	_ =	shalt  }
0x51: {  	_ =	shalt  }
0x52: {  	_ =	shalt  }
0x53: {  	_ =	shalt  }
0x54: {  	_ =	shalt  }
0x55: {  	_ =	shalt  }
0x56: {  	_ =	shalt  }
0x57: {  	_ =	shalt  }
0x58: {  	_ =	shalt  }
0x59: {  	_ =	shalt  }
0x5a: {  	_ =	shalt  }
0x5b: {  	_ =	shalt  }
0x5c: {  	_ =	shalt  }
0x5d: {  	_ =	shalt  }
0x5e: {  	_ =	shalt  }
0x5f: {  	_ =	shalt  }
0x60: {  	_ =	shalt  }
0x61: {  	_ =	shalt  }
0x62: {  	_ =	shalt  }
0x63: {  	_ =	shalt  }
0x64: {  	_ =	shalt  }
0x65: {  	_ =	shalt  }
0x66: {  	_ =	shalt  }
0x67: {  	_ =	shalt  }
0x68: {  	_ =	shalt  }
0x69: {  	_ =	shalt  }
0x6a: {  	_ =	shalt  }
0x6b: {  	_ =	shalt  }
0x6c: {  	_ =	shalt  }
0x6d: {  	_ =	shalt  }
0x6e: {  	_ =	shalt  }
0x6f: {  	_ =	shalt  }
0x70: {  	_ =	shalt  }
0x71: {  	_ =	shalt  }
0x72: {  	_ =	shalt  }
0x73: {  	_ =	shalt  }
0x74: {  	_ =	shalt  }
0x75: {  	_ =	shalt  }
0x76: {  	_ =	shalt  }
0x77: {  	_ =	shalt  }
0x78: {  	_ =	shalt  }
0x79: {  	_ =	shalt  }
0x7a: {  	_ =	shalt  }
0x7b: {  	_ =	shalt  }
0x7c: {  	_ =	shalt  }
0x7d: {  	_ =	shalt  }
0x7e: {  	_ =	shalt  }
0x7f: {  	_ =	shalt  }
0x80: {  	_ =	shalt  }
0x81: {  	_ =	shalt  }
0x82: {  	_ =	shalt  }
0x83: {  	_ =	shalt  }
0x84: {  	_ =	shalt  }
0x85: {  	_ =	shalt  }
0x86: {  	_ =	shalt  }
0x87: {  	_ =	shalt  }
.Lfunc_end0:
.L_simem_size_0:
called_computation.8_lowered:
.L_overlay_start_0:
0x88: {  	s2 =	sld [smem:$0x3FD9]  }
0x89: {  	s3 =	sld [smem:$0x3FFE];
	_ =	sdelay $0x1  }
0x8a: {  	s1 =	srdreg.scid  }
0x8b: {  	s0 =	sand.u32 $0x1, s1  }
0x8c: {  	s16 =	sshll.u32 s0, $0xA;
	s2 =	sadd.s32 s3, s2  }
0x8d: {  	s2 =	sadd.s32 s2, s16  }
0x8e: {  	[smem:$0x3FBA] =	sst s2  }
0x8f: {  	_ = 	snop  }
0x90: {  	(tm) =	ssettm $0x1  }
0x91: {  	s17 =	sld [smem:$0x3FFB];
	_ =	sdelay $0x3  }
0x92: {  	_ =	strace s17  }
0x93: {  	s2 =	sld [smem:$0x3FFC];
	_ =	sdelay $0x3  }
0x94: {  	_ =	strace s2  }
0x95: {  	s2 =	sld [smem:$0x3FFD];
	_ =	sdelay $0x3  }
0x96: {  	_ =	strace s2  }
0x97: {  	_ =	strace $0x8FFFFFFF  }
0x98: {  	s18 =	sld [smem:$0x3FDB];
	_ =	sdelay $0x1  }
0x99: {  	s19 =	simm.s32 $_scs_section_size  }
0x9a: {  	s4 =	simm.s32 $_size__tile_overlayer_lowered;
	s5 =	simm.s32 $_tile_overlayer_lowered  }
0x9b: {  	s22 =	simm.s32 $0x1BFF;
	s21 =	sshll.u32 s5, $0x1;
	s2 =	sadd.s32 s19, s18  }
0x9c: {  	s6 =	simm.s32 $0x0;
	s20 =	sshll.u32 s4, $0x1;
	s4 =	sadd.s32 s21, s2  }
0x9d: {  	[timem:s6], [sflag:s22] =	dma.local [hbm:s4], s20  }
0x9e: {  	_ =	swait.ge [sflag:s22], s20  }
0x9f: {  	s3 =	ssub.s32 $0x0, s20;
	[sflag:s22] =	ssyncset.done $0x0  }
0xa0: {  	[sflag:s22] =	ssyncadd.s32 s3;
	_ =	sdelay $0x1  }
0xa1: {  	s23 =	simm.s32 $0x1B8B  }
0xa2: {  	_ =	swait.ge [sflag:s23], $0x1  }
0xa3: {  	[sflag:s23] =	ssyncset.done $0x0  }
0xa4: {  	s25 =	simm.s32 $0x1B8E;
	s24 =	sld [smem:$0x3FFE];
	[sflag:s23] =	ssyncadd.s32 $0xFFFFFFFF  }
0xa5: {  	s26 =	simm.s32 $execute0_lowered;
	[smem:$0x3FD2] =	sst s25  }
0xa6: {  	s4 =	sshll.u32 s26, $0x1;
	_ =	strace $0x8000005E;
	[dreg:$0x1] =	wrdreg $0xFFFFFFFF  }
0xa7: {  	s28 =	simm.s32 $_size_execute0_lowered;
	s2 =	sadd.s32 s2, s4;
	[dreg:$0x0] =	wrdreg $0x0  }
0xa8: {  	s4 =	sshll.u32 s28, $0x1;
	[dreg:$0x2] =	wrdreg s2  }
0xa9: {  	[dreg:$0x3] =	wrdreg s4  }
0xaa: {  	[dreg:$0x4] =	wrdreg $0xC0  }
0xab: {  	_ =	task [dreg:s6], $0x5FFFF  }
0xac: {  	[dreg:$0x1] =	wrdreg $0xFFFFFFFF  }
0xad: {  	[dreg:$0x0] =	wrdreg $0x60  }
0xae: {  	[dreg:$0x2] =	wrdreg s24  }
0xaf: {  	[dreg:$0x3] =	wrdreg $0x0  }
0xb0: {  	[dreg:$0x4] =	wrdreg $0x9  }
0xb1: {  	_ =	task.clear_ibuf [dreg:s6], $0x5FFFF;
	_ =	strace $0x9000005E  }
0xb2: {  	s29 =	simm.s32 $0x9;
	_ =	strace $0x80000060  }
0xb3: {  	_ =	swait.ge [sflag:s29], $0x1  }
0xb4: {  	[sflag:s29] =	ssyncadd.s32 $0xFFFFFFFF  }
0xb5: {  	_ =	strace $0x90000060  }
0xb6: {  	_ =	sfence  }
0xb7: {  	s30 =	sld [smem:$0x0];
	_ =	sdelay $0x2  }
0xb8: {  	s31 =	sshll.u32 s1, $0xD;
	s1 =	sshrl.u32 s1, $0x2  }
0xb9: {  	s3 =	sand.u32 $0x4000, s31;
	s1 =	sadd.s32 s1, s30  }
0xba: {  	s0 =	sor.u32 s3, s0;
	s1 =	sshll.u32 s1, $0x11  }
0xbb: {  	s0 =	sor.u32 s1, s0  }
0xbc: {  	s0 =	sadd.s32 $0x8F2B, s0  }
0xbd: {  	[sflag:s0] =	ssyncadd.remote.s32 $0x1  }
0xbe: {  	_ =	sfence.sel $0xFFFF  }
0xbf: {  	[dreg:$0x0] =	wrdreg $0xFFFFFFFF;
	(pc) =	sbr.abs _section_cstart, $3  }
0xc0: {  	[dreg:$0x1] =	wrdreg $0xFFFFFFFF  }
0xc1: {  	_ =	task.clear_ibuf [dreg:s6], $0x2FFFF;
	_ =	strace $0x9FFFFFFF  }
0xc2: {  	(tm) =	ssettm $0x7FFFFFFF  }
0xc3: {  	_ =	shalt  }
tec
execute0_lowered:
.L_overlay_start_1:
0x0: {  	(tag) =	ssettag $0x1  }
0x1: {  	s1 =	srdreg.scid;
	s5 =	rddreg [dreg:$0x0]  }
0x2: {  	s0 =	stileid.u32;
	s2 =	rddreg [dreg:$0x1]  }
0x3: {  	s3 =	simm.s32 $0x0;
	s13 =	simm.s32 $0x80;
	s14 =	simm.s32 $0x2A00  }
0x4: {  	s15 =	simm.s32 $0x2900;
	s16 =	simm.s32 $0x6A00;
	s17 =	simm.s32 $0x1  }
0x5: {  	s18 =	simm.s32 $0x2880;
	s19 =	simm.s32 $0x2;
	s4 =	smul.u32 $0x1400, s0  }
0x6: {  	s20 =	simm.s32 $0x2980;
	s21 =	simm.s32 $0x0;
	s8 =	smul.u32 $0x2800, s0  }
0x7: {  	s6 =	sand.u32 $0x1, s1;
	s1 =	rddreg [dreg:$0x2];
	s28 =	smul.u32 $0xA000, s0  }
0x8: {  	[smem:$0x7FF] =	sst s3;
	s31 =	sshll.u32 s0, $0x6;
	s7 =	smul.u32 $0xA00, s6  }
0x9: {  	s9 =	smul.u32 $0x28000, s6;
	_ =	strace $0x8000005F;
	s6 =	ssub.s32 $0x2, s6  }
0xa: {  	s26 =	sshrl.u32 s8, $0x3;
	s29 =	sshrl.u32 s6, $0x1;
	s30 =	sshrl.u32 s28, $0x2  }
0xb: {  	s7 =	sadd.s32 s7, s4;
	s4 =	sadd.s32 $0x45400, s5;
	s8 =	sadd.s32 s8, s9  }
0xc: {  	s11 =	ssub.s32 s6, s29;
	s12 =	sadd.s32 s30, s2;
	s7 =	sshrl.u32 s7, $0x3  }
0xd: {  	s8 =	sshrl.u32 s8, $0x3;
	s10 =	sadd.s32 s7, s5;
	s7 =	sadd.s32 s26, s5  }
0xe: {  	s6 =	sor.u32 $0x1C03, s31;
	s8 =	sadd.s32 s8, s5;
	s5 =	sadd.s32 $0xAA00, s7  }
0xf: {  	s7 =	sadd.s32 $0x12600, s8;
	s8 =	smax.u32 s11, $0x1;
	s9 =	sadd.s32 $0xFE00, s10  }
0x10: {  	s10 =	sshrl.u32 s12, $0x3;
	s11 =	simm.s32 $0x3;
	s12 =	simm.s32 $0x2800  }
.LBB2_1:
0x11: {  	[spmem:s10], [sflag:s6] =	dma.local [hbm:s5], $0x500  }
0x12: {  	_ =	swait.ge [sflag:s11], $0x500  }
0x13: {  	[sflag:s11] =	ssyncset.done $0x0  }
0x14: {  	[sflag:s11] =	ssyncadd.s32 $0xFFFFFB00  }
0x15: {  	s22 =	sadd.s32 $0x0, s9;
	[bflag:$0x0] =	sbarrier.arrive $0xFFFF  }
0x16: {  	[tilespmem:s12], [sflag:$0x3] =	stream.linear.gather [hbm4b:s22+s3], $0x100, $0x38;
	[tilespmem:$0xAA00] =	vst v63  }
0x17: {  	_ =	swait.ge [sflag:s11], $0x100  }
0x18: {  	[sflag:s11] =	ssyncset.done $0x0  }
0x19: {  	[sflag:s11] =	ssyncadd.s32 $0xFFFFFF00  }
0x1a: {  	[tilespmem:s14], [sflag:$0x1] =	stream.indirect.gather [hbm4b:s4+s13], $0x80, s12, s13, $0xb8;
	[tilespmem:$0xAA00] =	vst v63  }
0x1b: {  	s22 =	sadd.s32 $0x20, s22  }
0x1c: {  	[tilespmem:s15], [sflag:$0x3] =	stream.linear.gather [hbm4b:s22+s3], $0x100, $0x38;
	[tilespmem:$0xAA00] =	vst v63  }
0x1d: {  	_ =	swait.ge [sflag:s11], $0x100  }
0x1e: {  	[sflag:s11] =	ssyncset.done $0x0  }
0x1f: {  	[sflag:s11] =	ssyncadd.s32 $0xFFFFFF00  }
0x20: {  	[tilespmem:s16], [sflag:$0x2] =	stream.indirect.gather [hbm4b:s4+s13], $0x80, s15, s13, $0xb8;
	[tilespmem:$0xAA00] =	vst v63  }
0x21: {  	_ =	swait.ge [sflag:s17], $0x4000  }
0x22: {  	[sflag:s17] =	ssyncset.done $0x0  }
0x23: {  	[sflag:s17] =	ssyncadd.s32 $0xFFFFC000  }
0x24: {  	[spmem:s2] =	stream.indirect.scatter.add.f32 [tilespmem:s14], [sflag:$0x3], $0x80, s18, s13, $0xb8;
	[tilespmem:$0xAA00] =	vst v63  }
0x25: {  	_ =	swait.ge [sflag:s11], $0x4000  }
0x26: {  	[sflag:s11] =	ssyncset.done $0x0  }
0x27: {  	[sflag:s11] =	ssyncadd.s32 $0xFFFFC000  }
0x28: {  	_ =	swait.ge [sflag:s19], $0x4000  }
0x29: {  	[sflag:s19] =	ssyncset.done $0x0  }
0x2a: {  	[sflag:s19] =	ssyncadd.s32 $0xFFFFC000  }
0x2b: {  	[spmem:s2] =	stream.indirect.scatter.add.f32 [tilespmem:s16], [sflag:$0x3], $0x80, s20, s13, $0xb8;
	[tilespmem:$0xAA00] =	vst v63  }
0x2c: {  	_ =	swait.ge [sflag:s11], $0x4000  }
0x2d: {  	s23 =	simm.s32 $0x80;
	s22 =	simm.s32 $0x40;
	[sflag:s11] =	ssyncset.done $0x0  }
.LBB2_2:
0x2e: {  	s24 =	sadd.s32 s22, s9  }
0x2f: {  	[sflag:s11] =	ssyncadd.s32 $0xFFFFC000;
	s22 =	smov.u32 s23;
	s25 =	sadd.s32 $0x40, s23  }
0x30: {  	[tilespmem:s12], [sflag:$0x3] =	stream.linear.gather [hbm4b:s24+s3], $0x100, $0x38;
	[tilespmem:$0xAA00] =	vst v63  }
0x31: {  	p0 =	sne.s32 s23, $0x100;
	_ =	swait.ge [sflag:s11], $0x100  }
0x32: {  	[sflag:s11] =	ssyncset.done $0x0  }
0x33: {  	[sflag:s11] =	ssyncadd.s32 $0xFFFFFF00  }
0x34: {  	[tilespmem:s14], [sflag:$0x1] =	stream.indirect.gather [hbm4b:s4+s13], $0x80, s12, s13, $0xb8;
	[tilespmem:$0xAA00] =	vst v63  }
0x35: {  	s23 =	sadd.s32 $0x20, s24  }
0x36: {  	[tilespmem:s15], [sflag:$0x3] =	stream.linear.gather [hbm4b:s23+s3], $0x100, $0x38;
	[tilespmem:$0xAA00] =	vst v63  }
0x37: {  	_ =	swait.ge [sflag:s11], $0x100  }
0x38: {  	[sflag:s11] =	ssyncset.done $0x0  }
0x39: {  	[sflag:s11] =	ssyncadd.s32 $0xFFFFFF00  }
0x3a: {  	[tilespmem:s16], [sflag:$0x2] =	stream.indirect.gather [hbm4b:s4+s13], $0x80, s15, s13, $0xb8;
	[tilespmem:$0xAA00] =	vst v63  }
0x3b: {  	_ =	swait.ge [sflag:s17], $0x4000  }
0x3c: {  	[sflag:s17] =	ssyncset.done $0x0  }
0x3d: {  	[sflag:s17] =	ssyncadd.s32 $0xFFFFC000  }
0x3e: {  	[spmem:s2] =	stream.indirect.scatter.add.f32 [tilespmem:s14], [sflag:$0x3], $0x80, s18, s13, $0xb8;
	[tilespmem:$0xAA00] =	vst v63  }
0x3f: {  	_ =	swait.ge [sflag:s11], $0x4000  }
0x40: {  	[sflag:s11] =	ssyncset.done $0x0  }
0x41: {  	[sflag:s11] =	ssyncadd.s32 $0xFFFFC000  }
0x42: {  	_ =	swait.ge [sflag:s19], $0x4000  }
.Ltmp0:
0x43: {  	[sflag:s19] =	ssyncset.done $0x0;
	(pc) =	sbr.rel @p0 .LBB2_2-.Ltmp0, $4  }
0x44: {  	[sflag:s19] =	ssyncadd.s32 $0xFFFFC000  }
0x45: {  	[spmem:s2] =	stream.indirect.scatter.add.f32 [tilespmem:s16], [sflag:$0x3], $0x80, s20, s13, $0xb8;
	[tilespmem:$0xAA00] =	vst v63  }
0x46: {  	_ =	swait.ge [sflag:s11], $0x4000  }
0x47: {  	s23 =	smov.u32 s25;
	[sflag:s11] =	ssyncset.done $0x0  }
0x48: {  	s22 =	sadd.s32 s22, s9;
	[sflag:s11] =	ssyncadd.s32 $0xFFFFC000  }
0x49: {  	[tilespmem:s12], [sflag:$0x3] =	stream.linear.gather [hbm4b:s22+s3], $0x100, $0x38;
	[tilespmem:$0xAA00] =	vst v63  }
0x4a: {  	_ =	swait.ge [sflag:s11], $0x100  }
0x4b: {  	[sflag:s11] =	ssyncset.done $0x0  }
0x4c: {  	[sflag:s11] =	ssyncadd.s32 $0xFFFFFF00  }
0x4d: {  	[tilespmem:s14], [sflag:$0x1] =	stream.indirect.gather [hbm4b:s4+s13], $0x80, s12, s13, $0xb8;
	[tilespmem:$0xAA00] =	vst v63  }
0x4e: {  	s22 =	sadd.s32 $0x20, s22  }
0x4f: {  	[tilespmem:s15], [sflag:$0x3] =	stream.linear.gather [hbm4b:s22+s3], $0x100, $0x38;
	[tilespmem:$0xAA00] =	vst v63  }
0x50: {  	_ =	swait.ge [sflag:s11], $0x100  }
0x51: {  	[sflag:s11] =	ssyncset.done $0x0  }
0x52: {  	[sflag:s11] =	ssyncadd.s32 $0xFFFFFF00  }
0x53: {  	[tilespmem:s16], [sflag:$0x2] =	stream.indirect.gather [hbm4b:s4+s13], $0x80, s15, s13, $0xb8;
	[tilespmem:$0xAA00] =	vst v63  }
0x54: {  	_ =	swait.ge [sflag:s17], $0x4000  }
0x55: {  	[sflag:s17] =	ssyncset.done $0x0  }
0x56: {  	[sflag:s17] =	ssyncadd.s32 $0xFFFFC000  }
0x57: {  	[spmem:s2] =	stream.indirect.scatter.add.f32 [tilespmem:s14], [sflag:$0x3], $0x80, s18, s13, $0xb8;
	[tilespmem:$0xAA00] =	vst v63  }
0x58: {  	_ =	swait.ge [sflag:s11], $0x4000  }
0x59: {  	[sflag:s11] =	ssyncset.done $0x0  }
0x5a: {  	[sflag:s11] =	ssyncadd.s32 $0xFFFFC000  }
0x5b: {  	_ =	swait.ge [sflag:s19], $0x4000  }
0x5c: {  	[sflag:s19] =	ssyncset.done $0x0  }
0x5d: {  	[sflag:s19] =	ssyncadd.s32 $0xFFFFC000  }
0x5e: {  	[spmem:s2] =	stream.indirect.scatter.add.f32 [tilespmem:s16], [sflag:$0x3], $0x80, s20, s13, $0xb8;
	[tilespmem:$0xAA00] =	vst v63  }
0x5f: {  	_ =	swait.ge [sflag:s11], $0x4000  }
0x60: {  	s21 =	sadd.s32 $0x1, s21;
	[sflag:s11] =	ssyncset.done $0x0  }
0x61: {  	p0 =	sne.s32 s21, s8;
	[sflag:s11] =	ssyncadd.s32 $0xFFFFC000  }
.Ltmp1:
0x62: {  	[bflag:$0x0] =	sbarrier.arrive $0xFFFF;
	(pc) =	sbr.rel @p0 .LBB2_1-.Ltmp1, $4  }
0x63: {  	[hbm:s7], [sflag:s6] =	dma.local [spmem:s10], $0x500  }
0x64: {  	_ =	swait.ge [sflag:s11], $0x500  }
0x65: {  	[sflag:s11] =	ssyncset.done $0x0  }
0x66: {  	[sflag:s11] =	ssyncadd.s32 $0xFFFFFB00  }
0x67: {  	_ =	sfence.sel $0x180000  }
0x68: {  	[bflag:$0x0] =	sbarrier.arrive $0xFFFF  }
0x69: {  	p0 =	sne.s32 s0, $0x0;
	_ =	strace $0x9000005F  }
0x6a: {  	s0 =	sadd.s32 @!p0 $0x100000, s1;
	[bflag:$0x2] =	sbarrier.arrive $0xFFFF  }
0x6b: {  	[sflag:s0] =	ssyncadd.tile.s32 @!p0 $0x1;
	_ =	shalt  }
.Lfunc_end2:
_tile_overlayer_lowered:
.L_overlay_start_2:
0x6c: {  	(tag) =	ssettag $0x2  }
0x6d: {  	s0 =	rddreg [dreg:$0x0];
	s2 =	stileid.u32  }
0x6e: {  	s1 =	rddreg [dreg:$0x1];
	p0 =	sne.s32 s2, $0x0  }
0x6f: {  	s3 =	rddreg [dreg:$0x2];
	[bflag:$0x3] =	sbarrier.arrive $0xFFFF;
	s2 =	simm.s32 @!p0 $0x1C03  }
0x70: {  	[timem:s3], [sflag:s2] =	dma.local @!p0 [hbm:s0], s1  }
0x71: {  	s0 =	simm.s32 @!p0 $0x3  }
0x72: {  	_ =	swait.ge @!p0 [sflag:s0], s1  }
0x73: {  	s1 =	ssub.s32 @!p0 $0x0, s1;
	[sflag:s0] =	ssyncset.done @!p0 $0x0  }
0x74: {  	[sflag:s0] =	ssyncadd.s32 @!p0 s1  }
0x75: {  	[bflag:$0x3] =	sbarrier.arrive $0xFFFF  }
0x76: {  	_ =	shalt  }

</sc_bundles>
